<compile_context>
chip_gen: v7x
topology: tpu7x:2x2x1
jax: 0.10.2.dev20260603
libtpu: 0.0.44.dev20260713+nightly
codegen_flags: <defaults>
</compile_context>

<pallas_src>
import functools

import jax
import jax.numpy as jnp
from jax import lax
from jax.experimental import pallas as pl
from jax.experimental.pallas import tpu as pltpu
from jax.experimental.pallas import tpu_sc as plsc

N = 10000
E = 320000
R = 4
CH = 128
OUT = 2
CNTP = 40960

NC = 2
NS = 16
NW = NC * NS
EPW = E // NW
CHUNK = 80
NCHUNK = EPW // CHUNK
EPC = E // NS
NCCHUNK = EPC // CHUNK
NP = 10240
RPT = NP // NS
CSTRIPE = CNTP // NS

_MESH = dict(core_axis_name="c", subcore_axis_name="s")

BLK = 400
NBLK = N // BLK



@functools.partial(
    pl.kernel,
    out_type=jax.ShapeDtypeStruct((E,), jnp.float32),
    mesh=plsc.VectorSubcoreMesh(**_MESH),
    scratch_types=[
        pltpu.VMEM((CHUNK + 16,), jnp.int32),
        pltpu.VMEM((CHUNK,), jnp.float32),
        pltpu.VMEM((CHUNK,), jnp.float32),
        pltpu.VMEM((CSTRIPE,), jnp.float32),
        pltpu.VMEM((CNTP + 16,), jnp.float32),
        pltpu.VMEM_SHARED((CNTP,), jnp.float32),
    ],
)
def _sc_scales(sidx_hbm, scl_hbm, six_v, ones_v, s_v, stripe_v, inv_v, cnt_sh):
    c = lax.axis_index("c")
    s = lax.axis_index("s")
    wid = s * NC + c

    def _fill_ones(i, _):
        ones_v[pl.ds(i * 16, 16)] = jnp.full((16,), 1.0, jnp.float32)
        return 0
    lax.fori_loop(0, CHUNK // 16, _fill_ones, 0)

    def _fill_zeros(i, _):
        stripe_v[pl.ds(i * 16, 16)] = jnp.zeros((16,), jnp.float32)
        return 0
    lax.fori_loop(0, CSTRIPE // 16, _fill_zeros, 0)

    pltpu.sync_copy(stripe_v, cnt_sh.at[pl.ds(s * CSTRIPE, CSTRIPE)])
    plsc.subcore_barrier()

    cbase = s * EPC

    def _count(k, _):
        pltpu.sync_copy(sidx_hbm.at[pl.ds(cbase + k * CHUNK, CHUNK)],
                        six_v.at[pl.ds(0, CHUNK)])
        pltpu.sync_copy(ones_v, cnt_sh.at[six_v.at[pl.ds(0, CHUNK)]],
                        add=True)
        return 0
    lax.fori_loop(0, NCCHUNK, _count, 0)
    plsc.subcore_barrier()

    pltpu.sync_copy(cnt_sh.at[pl.ds(s * CSTRIPE, CSTRIPE)], stripe_v)

    def _invb(i, _):
        v = stripe_v[pl.ds(i * 16, 16)]
        stripe_v[pl.ds(i * 16, 16)] = 1.0 / jnp.maximum(v, 1.0)
        return 0
    lax.fori_loop(0, CSTRIPE // 16, _invb, 0)
    pltpu.sync_copy(stripe_v, cnt_sh.at[pl.ds(s * CSTRIPE, CSTRIPE)])
    plsc.subcore_barrier()

    pltpu.sync_copy(cnt_sh, inv_v.at[pl.ds(0, CNTP)])
    lanes = lax.iota(jnp.int32, 16)
    base = wid * EPW

    def _extract(k, _):
        off = base + k * CHUNK
        pltpu.sync_copy(sidx_hbm.at[pl.ds(off, CHUNK)],
                        six_v.at[pl.ds(0, CHUNK)])
        for g in range(CHUNK // 16):
            def _lane(i, acc):
                sc_idx = six_v[pl.ds(g * 16 + i, 16)][0]
                sc = inv_v[pl.ds(sc_idx, 16)][0]
                return jnp.where(lanes == i, sc, acc)
            s_v[pl.ds(g * 16, 16)] = lax.fori_loop(
                0, 16, _lane, jnp.zeros((16,), jnp.float32))
        pltpu.sync_copy(s_v, scl_hbm.at[pl.ds(off, CHUNK)])
        return 0
    lax.fori_loop(0, NCHUNK, _extract, 0)


def _make_agg(weighted):
    ncopies = RPT // CHUNK

    @functools.partial(
        pl.kernel,
        out_type=jax.ShapeDtypeStruct((NC, NP, CH), jnp.float32),
        mesh=plsc.VectorSubcoreMesh(**_MESH),
        scratch_types=[
            pltpu.VMEM((CHUNK,), jnp.int32),
            pltpu.VMEM((CHUNK,), jnp.int32),
            pltpu.VMEM((CHUNK + 16,), jnp.int32),
            pltpu.VMEM((CHUNK + 16,), jnp.float32),
            pltpu.VMEM((CHUNK, CH), jnp.float32),
            pltpu.VMEM_SHARED((NP, CH), jnp.float32),
            pltpu.SemaphoreType.DMA,
        ],
    )
    def _agg(h_hbm, gidx_hbm, dst_hbm, et_hbm, scl_hbm, acc_hbm,
             gix_v, dst_v, et_v, s_v, rows_v, acc_sh, sem):
        c = lax.axis_index("c")
        s = lax.axis_index("s")
        wid = s * NC + c

        def _z(i, _):
            for cc in range(CH // 16):
                rows_v[i, pl.ds(cc * 16, 16)] = jnp.zeros((16,), jnp.float32)
            return 0
        lax.fori_loop(0, CHUNK, _z, 0)
        for k in range(ncopies):
            pltpu.sync_copy(rows_v,
                            acc_sh.at[pl.ds(s * RPT + k * CHUNK, CHUNK)])
        plsc.subcore_barrier()

        base = wid * EPW

        def _chunk(k, _):
            off = base + k * CHUNK
            pltpu.sync_copy(gidx_hbm.at[pl.ds(off, CHUNK)], gix_v)
            pltpu.sync_copy(dst_hbm.at[pl.ds(off, CHUNK)], dst_v)
            pltpu.sync_copy(scl_hbm.at[pl.ds(off, CHUNK)],
                            s_v.at[pl.ds(0, CHUNK)])
            if weighted:
                pltpu.sync_copy(et_hbm.at[pl.ds(off, CHUNK)],
                                et_v.at[pl.ds(0, CHUNK)])
            pltpu.async_copy(h_hbm.at[gix_v], rows_v, sem).wait()

            @plsc.parallel_loop(0, CHUNK, unroll=8)
            def _scale(e):
                sc = s_v[pl.ds(e, 16)][0]
                if weighted:
                    ete = et_v[pl.ds(e, 16)][0]
                for cc in range(CH // 16):
                    if weighted:
                        w = jnp.where(ete == cc, sc, 0.0)
                    else:
                        w = sc
                    rows_v[e, pl.ds(cc * 16, 16)] = (
                        rows_v[e, pl.ds(cc * 16, 16)] * w)

            pltpu.sync_copy(rows_v, acc_sh.at[dst_v], add=True)
            return 0
        lax.fori_loop(0, NCHUNK, _chunk, 0)

        plsc.subcore_barrier()
        for k in range(ncopies):
            pltpu.sync_copy(acc_sh.at[pl.ds(s * RPT + k * CHUNK, CHUNK)],
                            acc_hbm.at[c, pl.ds(s * RPT + k * CHUNK, CHUNK)])

    return _agg


_agg_l1 = _make_agg(False)
_agg_l2 = _make_agg(True)



def _mm_stacked_body(x_ref, w_ref, o_ref):
    o_ref[0] = jnp.dot(x_ref[...], w_ref[0],
                       preferred_element_type=jnp.float32)


def _combine1_body(x_ref, acc_ref, r1_ref, b1_ref, w2_ref, p2_ref):
    h = jnp.dot(x_ref[...], r1_ref[...], preferred_element_type=jnp.float32)
    h = h + b1_ref[...] + acc_ref[0] + acc_ref[1]
    h = jnp.maximum(h, 0.0)
    p2_ref[...] = jnp.dot(h, w2_ref[...], preferred_element_type=jnp.float32)



def kernel(x, edge_index, edge_type, W1, root1, b1, W2, root2, b2):
    f32 = jnp.float32
    src = edge_index[0].astype(jnp.int32)
    dst = edge_index[1].astype(jnp.int32)
    et = edge_type.astype(jnp.int32)
    gidx = et * N + src
    sidx = et * N + dst

    scl = _sc_scales(sidx)

    h = pl.pallas_call(
        _mm_stacked_body,
        grid=(R, NBLK),
        in_specs=[
            pl.BlockSpec((BLK, CH), lambda r, i: (i, 0)),
            pl.BlockSpec((1, CH, CH), lambda r, i: (r, 0, 0)),
        ],
        out_specs=pl.BlockSpec((1, BLK, CH), lambda r, i: (r, i, 0)),
        out_shape=jax.ShapeDtypeStruct((R, N, CH), f32),
    )(x.astype(f32), W1.astype(f32)).reshape(R * N, CH)
    acc1 = _agg_l1(h, gidx, dst, et, scl)

    w2 = W2.astype(f32)
    cols = [jnp.pad(w2[r], ((0, 0), (0, 16 - OUT))) for r in range(R)]
    cols.append(jnp.pad(root2.astype(f32), ((0, 0), (0, 16 - OUT))))
    w2cat = jnp.concatenate(
        cols + [jnp.zeros((CH, CH - 16 * (R + 1)), f32)], axis=1)

    p2 = pl.pallas_call(
        _combine1_body,
        grid=(NBLK,),
        in_specs=[
            pl.BlockSpec((BLK, CH), lambda i: (i, 0)),
            pl.BlockSpec((NC, BLK, CH), lambda i: (0, i, 0)),
            pl.BlockSpec((CH, CH), lambda i: (0, 0)),
            pl.BlockSpec((1, CH), lambda i: (0, 0)),
            pl.BlockSpec((CH, CH), lambda i: (0, 0)),
        ],
        out_specs=pl.BlockSpec((BLK, CH), lambda i: (i, 0)),
        out_shape=jax.ShapeDtypeStruct((N, CH), f32),
    )(x.astype(f32), acc1, root1.astype(f32),
      b1.astype(f32).reshape(1, CH), w2cat)

    acc2 = _agg_l2(p2, src, dst, et, scl)

    agg = acc2[0, :N] + acc2[1, :N]
    out = p2[:, 16 * R:16 * R + OUT] + b2.astype(f32)
    for r in range(R):
        out = out + agg[:, 16 * r:16 * r + OUT]
    return out

# --- scband reference (transcript-rebuilt; emitter-appended) ---
"""Pipeline reference for scband-fraud-rgcn-13108240187667 (READ-ONLY COPY).

The authoritative reference and input builder live on the scoring server;
editing this copy changes nothing except your own understanding.
"""

import jax, jax.numpy as jnp
import numpy as np

N_NODES = 10000
N_EDGES = 320000
IN_CH = 128
HID_CH = 128
OUT_CH = 2
N_REL = 4


def setup_inputs(seed: int = 0) -> dict:
    key = jax.random.key(seed)
    ks = jax.random.split(key, 10)
    x = jax.random.normal(ks[0], (N_NODES, IN_CH), dtype=jnp.float32)
    edge_index = jax.random.randint(ks[1], (2, N_EDGES), 0, N_NODES, dtype=jnp.int64)
    edge_type = jax.random.randint(ks[2], (N_EDGES,), 0, N_REL, dtype=jnp.int64)
    # RGCNConv layer 1 params
    W1 = jax.random.normal(ks[3], (N_REL, IN_CH, HID_CH), dtype=jnp.float32) * (1.0 / np.sqrt(IN_CH))
    root1 = jax.random.normal(ks[4], (IN_CH, HID_CH), dtype=jnp.float32) * (1.0 / np.sqrt(IN_CH))
    b1 = jnp.zeros((HID_CH,), dtype=jnp.float32)
    # RGCNConv layer 2 params
    W2 = jax.random.normal(ks[5], (N_REL, HID_CH, OUT_CH), dtype=jnp.float32) * (1.0 / np.sqrt(HID_CH))
    root2 = jax.random.normal(ks[6], (HID_CH, OUT_CH), dtype=jnp.float32) * (1.0 / np.sqrt(HID_CH))
    b2 = jnp.zeros((OUT_CH,), dtype=jnp.float32)
    return {"x": x, "edge_index": edge_index, "edge_type": edge_type,
            "W1": W1, "root1": root1, "b1": b1,
            "W2": W2, "root2": root2, "b2": b2}


def _rgcn_conv(x, edge_index, edge_type, W, root, b):
    # PyG RGCNConv semantics: out_i = x_i @ root + b + sum_r mean_{j in N_r(i)} x_j @ W_r
    src = edge_index[0]
    dst = edge_index[1]
    out = x @ root + b
    num_relations = W.shape[0]
    for r in range(num_relations):
        h = x @ W[r]                      # transform all nodes under relation r
        msg = jnp.take(h, src, axis=0)    # gather messages along edges
        w = (edge_type == r).astype(x.dtype)
        agg = jax.ops.segment_sum(msg * w[:, None], dst, num_segments=x.shape[0])
        cnt = jax.ops.segment_sum(w, dst, num_segments=x.shape[0])
        out = out + agg / jnp.clip(cnt, 1.0)[:, None]
    return out


def reference(x, edge_index, edge_type, W1, root1, b1, W2, root2, b2):
    h = _rgcn_conv(x, edge_index, edge_type, W1, root1, b1)
    h = jax.nn.relu(h)
    # dropout is identity in eval mode
    out = _rgcn_conv(h, edge_index, edge_type, W2, root2, b2)
    return out

if __name__ == "__main__":
    import jax
    _d = setup_inputs()
    print(jax.jit(kernel)(*tuple(_d.values())))

</pallas_src>

<mosaic_0001>
#map = affine_map<(d0, d1) -> (0)>
module attributes {stable_mosaic.version = 14 : i64} {
  func.func @_sc_scales(%arg0: i32, %arg1: i32, %arg2: memref<320000xi32, #tpu.memory_space<hbm>>, %arg3: memref<320000xf32, #tpu.memory_space<hbm>>, %arg4: memref<96xi32, #tpu.memory_space<vmem>>, %arg5: memref<80xf32, #tpu.memory_space<vmem>>, %arg6: memref<80xf32, #tpu.memory_space<vmem>>, %arg7: memref<2560xf32, #tpu.memory_space<vmem>>, %arg8: memref<40976xf32, #tpu.memory_space<vmem>>, %arg9: memref<40960xf32, #tpu.memory_space<vmem_shared>>) attributes {dimension_semantics = [#tpu.dimension_semantics<core_parallel>, #tpu.dimension_semantics<subcore_parallel>], iteration_bounds = array<i64: 2, 16>, scalar_prefetch = 0 : i64, scratch_operands = 6 : i64, tpu.core_type = #tpu.core_type<sc_vector_subcore>, window_params = [{transform_indices = #map}, {transform_indices = #map}]} {
    %mul3A = arith.constant 2 : i32
    %mul3A_0 = arith.muli %arg1, %mul3A : i32
    %add3A = arith.addi %mul3A_0, %arg0 : i32
    %scan3A = arith.constant 0 : i32
    %scan3A_1 = arith.constant 0 : i32
    %scan3A_2 = arith.constant 5 : i32
    %scan3A_3 = arith.addi %scan3A_1, %scan3A_2 : i32
    %scan3A_4 = arith.constant 1 : i32
    %scan3A_5 = scf.for %scan3A_47 = %scan3A_1 to %scan3A_3 step %scan3A_4 iter_args(%scan3A_48 = %scan3A) -> (i32)  : i32 {
      %broadcast_in_dim3A = arith.constant 1.000000e+00 : f32
      %broadcast_in_dim3A_49 = vector.broadcast %broadcast_in_dim3A : f32 to vector<16xf32>
      %mul3A_50 = arith.constant 16 : i32
      %mul3A_51 = arith.muli %scan3A_47, %mul3A_50 : i32
      %swap3A = arith.index_cast %mul3A_51 : i32 to index
      %swap3A_52 = tpu.vector_load %arg5[%swap3A] {strides = array<i32>} : memref<80xf32, #tpu.memory_space<vmem>>, vector<16xf32>,
      %swap3A_53 = vector.shape_cast %swap3A_52 : vector<16xf32> to vector<16xf32>
      %swap3A_54 = vector.shape_cast %broadcast_in_dim3A_49 : vector<16xf32> to vector<16xf32>
      tpu.vector_store %arg5[%swap3A], %swap3A_54 {strides = array<i32>} : memref<80xf32, #tpu.memory_space<vmem>>, vector<16xf32>,
      %scan3A_55 = arith.constant 0 : i32
      scf.yield %scan3A_55 : i32
    }
    %scan3A_6 = arith.constant 5 : i32
    %scan3A_7 = arith.constant 0 : i32
    %scan3A_8 = arith.constant 0 : i32
    %scan3A_9 = arith.constant 160 : i32
    %scan3A_10 = arith.addi %scan3A_8, %scan3A_9 : i32
    %scan3A_11 = arith.constant 1 : i32
    %scan3A_12 = scf.for %scan3A_47 = %scan3A_8 to %scan3A_10 step %scan3A_11 iter_args(%scan3A_48 = %scan3A_7) -> (i32)  : i32 {
      %broadcast_in_dim3A = arith.constant 0.000000e+00 : f32
      %broadcast_in_dim3A_49 = vector.broadcast %broadcast_in_dim3A : f32 to vector<16xf32>
      %mul3A_50 = arith.constant 16 : i32
      %mul3A_51 = arith.muli %scan3A_47, %mul3A_50 : i32
      %swap3A = arith.index_cast %mul3A_51 : i32 to index
      %swap3A_52 = tpu.vector_load %arg7[%swap3A] {strides = array<i32>} : memref<2560xf32, #tpu.memory_space<vmem>>, vector<16xf32>,
      %swap3A_53 = vector.shape_cast %swap3A_52 : vector<16xf32> to vector<16xf32>
      %swap3A_54 = vector.shape_cast %broadcast_in_dim3A_49 : vector<16xf32> to vector<16xf32>
      tpu.vector_store %arg7[%swap3A], %swap3A_54 {strides = array<i32>} : memref<2560xf32, #tpu.memory_space<vmem>>, vector<16xf32>,
      %scan3A_55 = arith.constant 0 : i32
      scf.yield %scan3A_55 : i32
    }
    %scan3A_13 = arith.constant 160 : i32
    %mul3A_14 = arith.constant 2560 : i32
    %mul3A_15 = arith.muli %arg1, %mul3A_14 : i32
    "tpu.region"() ({
      %run_scoped3A = tpu.sem_alloc : memref<!tpu.dma_semaphore, #tpu.memory_space<semaphore_mem>>
      %dma_start3A = tpu.memref_slice %arg9[%mul3A_15] : memref<40960xf32, #tpu.memory_space<vmem_shared>> -> memref<2560xf32, #tpu.memory_space<vmem_shared>>
      %dma_start3A_47 = tpu.memref_slice %arg9[%mul3A_15] : memref<40960xf32, #tpu.memory_space<vmem_shared>> -> memref<2560xf32, #tpu.memory_space<vmem_shared>>
      tpu.enqueue_dma source(%arg7 : memref<2560xf32, #tpu.memory_space<vmem>>) target(%dma_start3A_47 : memref<2560xf32, #tpu.memory_space<vmem_shared>>) target_semaphore(%run_scoped3A : memref<!tpu.dma_semaphore, #tpu.memory_space<semaphore_mem>>)
      %dma_wait3A = tpu.memref_slice %arg9[%mul3A_15] : memref<40960xf32, #tpu.memory_space<vmem_shared>> -> memref<2560xf32, #tpu.memory_space<vmem_shared>>
      %dma_wait3A_48 = tpu.memref_slice %arg9[%mul3A_15] : memref<40960xf32, #tpu.memory_space<vmem_shared>> -> memref<2560xf32, #tpu.memory_space<vmem_shared>>
      tpu.wait_dma2 semaphore(%run_scoped3A : memref<!tpu.dma_semaphore, #tpu.memory_space<semaphore_mem>>) src(%arg7 : memref<2560xf32, #tpu.memory_space<vmem>>) dst(%dma_wait3A_48 : memref<2560xf32, #tpu.memory_space<vmem_shared>>)
      tpu.yield
    }) : () -> ()
    %barrier3A = arith.constant 0 : index
    tpu.barrier barrier_id(%barrier3A)
    %mul3A_16 = arith.constant 20000 : i32
    %mul3A_17 = arith.muli %arg1, %mul3A_16 : i32
    %scan3A_18 = arith.constant 0 : i32
    %scan3A_19 = arith.constant 0 : i32
    %scan3A_20 = arith.constant 250 : i32
    %scan3A_21 = arith.addi %scan3A_19, %scan3A_20 : i32
    %scan3A_22 = arith.constant 1 : i32
    %scan3A_23 = scf.for %scan3A_47 = %scan3A_19 to %scan3A_21 step %scan3A_22 iter_args(%scan3A_48 = %scan3A_18) -> (i32)  : i32 {
      %mul3A_49 = arith.constant 80 : i32
      %mul3A_50 = arith.muli %scan3A_47, %mul3A_49 : i32
      %add3A_51 = arith.addi %mul3A_17, %mul3A_50 : i32
      "tpu.region"() ({
        %run_scoped3A = tpu.sem_alloc : memref<!tpu.dma_semaphore, #tpu.memory_space<semaphore_mem>>
        %dma_start3A = arith.constant 0 : i32
        %dma_start3A_53 = tpu.memref_slice %arg4[%dma_start3A] : memref<96xi32, #tpu.memory_space<vmem>> -> memref<80xi32, #tpu.memory_space<vmem>>
        %dma_start3A_54 = tpu.memref_slice %arg2[%add3A_51] : memref<320000xi32, #tpu.memory_space<hbm>> -> memref<80xi32, #tpu.memory_space<hbm>>
        %dma_start3A_55 = arith.constant 0 : i32
        %dma_start3A_56 = tpu.memref_slice %arg4[%dma_start3A_55] : memref<96xi32, #tpu.memory_space<vmem>> -> memref<80xi32, #tpu.memory_space<vmem>>
        %dma_start3A_57 = tpu.memref_slice %arg2[%add3A_51] : memref<320000xi32, #tpu.memory_space<hbm>> -> memref<80xi32, #tpu.memory_space<hbm>>
        tpu.enqueue_dma source(%dma_start3A_57 : memref<80xi32, #tpu.memory_space<hbm>>) target(%dma_start3A_56 : memref<80xi32, #tpu.memory_space<vmem>>) target_semaphore(%run_scoped3A : memref<!tpu.dma_semaphore, #tpu.memory_space<semaphore_mem>>)
        %dma_wait3A = arith.constant 0 : i32
        %dma_wait3A_58 = tpu.memref_slice %arg4[%dma_wait3A] : memref<96xi32, #tpu.memory_space<vmem>> -> memref<80xi32, #tpu.memory_space<vmem>>
        %dma_wait3A_59 = tpu.memref_slice %arg2[%add3A_51] : memref<320000xi32, #tpu.memory_space<hbm>> -> memref<80xi32, #tpu.memory_space<hbm>>
        %dma_wait3A_60 = arith.constant 0 : i32
        %dma_wait3A_61 = tpu.memref_slice %arg4[%dma_wait3A_60] : memref<96xi32, #tpu.memory_space<vmem>> -> memref<80xi32, #tpu.memory_space<vmem>>
        %dma_wait3A_62 = tpu.memref_slice %arg2[%add3A_51] : memref<320000xi32, #tpu.memory_space<hbm>> -> memref<80xi32, #tpu.memory_space<hbm>>
        tpu.wait_dma2 semaphore(%run_scoped3A : memref<!tpu.dma_semaphore, #tpu.memory_space<semaphore_mem>>) src(%dma_wait3A_62 : memref<80xi32, #tpu.memory_space<hbm>>) dst(%dma_wait3A_61 : memref<80xi32, #tpu.memory_space<vmem>>)
        tpu.yield
      }) : () -> ()
      "tpu.region"() ({
        %run_scoped3A = tpu.sem_alloc : memref<!tpu.dma_semaphore, #tpu.memory_space<semaphore_mem>>
        %dma_start3A = arith.constant 0 : i32
        %dma_start3A_53 = tpu.memref_slice %arg4[%dma_start3A] : memref<96xi32, #tpu.memory_space<vmem>> -> memref<80xi32, #tpu.memory_space<vmem>>
        %dma_start3A_54 = arith.constant 0 : i32
        %dma_start3A_55 = tpu.memref_slice %arg9[%dma_start3A_54] : memref<40960xf32, #tpu.memory_space<vmem_shared>> -> memref<40960xf32, #tpu.memory_space<vmem_shared>>
        tpu.enqueue_indirect_dma source(%arg5 : memref<80xf32, #tpu.memory_space<vmem>>) target(%dma_start3A_55 : memref<40960xf32, #tpu.memory_space<vmem_shared>>) offsets(%dma_start3A_53 : memref<80xi32, #tpu.memory_space<vmem>>) semaphore(%run_scoped3A : memref<!tpu.dma_semaphore, #tpu.memory_space<semaphore_mem>>) {add = true}
        %dma_wait3A = arith.constant 0 : i32
        %dma_wait3A_56 = tpu.memref_slice %arg4[%dma_wait3A] : memref<96xi32, #tpu.memory_space<vmem>> -> memref<80xi32, #tpu.memory_space<vmem>>
        %dma_wait3A_57 = arith.constant 0 : i32
        %dma_wait3A_58 = tpu.memref_slice %arg9[%dma_wait3A_57] : memref<40960xf32, #tpu.memory_space<vmem_shared>> -> memref<40960xf32, #tpu.memory_space<vmem_shared>>
        tpu.wait_indirect_dma semaphore(%run_scoped3A : memref<!tpu.dma_semaphore, #tpu.memory_space<semaphore_mem>>) src(%arg5 : memref<80xf32, #tpu.memory_space<vmem>>) dst(%dma_wait3A_58 : memref<40960xf32, #tpu.memory_space<vmem_shared>>)
        tpu.yield
      }) : () -> ()
      %scan3A_52 = arith.constant 0 : i32
      scf.yield %scan3A_52 : i32
    }
    %scan3A_24 = arith.constant 250 : i32
    %barrier3A_25 = arith.constant 0 : index
    tpu.barrier barrier_id(%barrier3A_25)
    %mul3A_26 = arith.constant 2560 : i32
    %mul3A_27 = arith.muli %arg1, %mul3A_26 : i32
    "tpu.region"() ({
      %run_scoped3A = tpu.sem_alloc : memref<!tpu.dma_semaphore, #tpu.memory_space<semaphore_mem>>
      %dma_start3A = tpu.memref_slice %arg9[%mul3A_27] : memref<40960xf32, #tpu.memory_space<vmem_shared>> -> memref<2560xf32, #tpu.memory_space<vmem_shared>>
      %dma_start3A_47 = tpu.memref_slice %arg9[%mul3A_27] : memref<40960xf32, #tpu.memory_space<vmem_shared>> -> memref<2560xf32, #tpu.memory_space<vmem_shared>>
      tpu.enqueue_dma source(%dma_start3A_47 : memref<2560xf32, #tpu.memory_space<vmem_shared>>) target(%arg7 : memref<2560xf32, #tpu.memory_space<vmem>>) target_semaphore(%run_scoped3A : memref<!tpu.dma_semaphore, #tpu.memory_space<semaphore_mem>>)
      %dma_wait3A = tpu.memref_slice %arg9[%mul3A_27] : memref<40960xf32, #tpu.memory_space<vmem_shared>> -> memref<2560xf32, #tpu.memory_space<vmem_shared>>
      %dma_wait3A_48 = tpu.memref_slice %arg9[%mul3A_27] : memref<40960xf32, #tpu.memory_space<vmem_shared>> -> memref<2560xf32, #tpu.memory_space<vmem_shared>>
      tpu.wait_dma2 semaphore(%run_scoped3A : memref<!tpu.dma_semaphore, #tpu.memory_space<semaphore_mem>>) src(%dma_wait3A_48 : memref<2560xf32, #tpu.memory_space<vmem_shared>>) dst(%arg7 : memref<2560xf32, #tpu.memory_space<vmem>>)
      tpu.yield
    }) : () -> ()
    %scan3A_28 = arith.constant 0 : i32
    %scan3A_29 = arith.constant 0 : i32
    %scan3A_30 = arith.constant 160 : i32
    %scan3A_31 = arith.addi %scan3A_29, %scan3A_30 : i32
    %scan3A_32 = arith.constant 1 : i32
    %scan3A_33 = scf.for %scan3A_47 = %scan3A_29 to %scan3A_31 step %scan3A_32 iter_args(%scan3A_48 = %scan3A_28) -> (i32)  : i32 {
      %mul3A_49 = arith.constant 16 : i32
      %mul3A_50 = arith.muli %scan3A_47, %mul3A_49 : i32
      %get3A = arith.index_cast %mul3A_50 : i32 to index
      %get3A_51 = tpu.vector_load %arg7[%get3A] {strides = array<i32>} : memref<2560xf32, #tpu.memory_space<vmem>>, vector<16xf32>,
      %get3A_52 = vector.shape_cast %get3A_51 : vector<16xf32> to vector<16xf32>
      %max3A = arith.constant 1.000000e+00 : f32
      %max3A_53 = vector.broadcast %max3A : f32 to vector<16xf32>
      %max3A_54 = arith.maximumf %get3A_52, %max3A_53 : vector<16xf32>
      %div3A = arith.constant 1.000000e+00 : f32
      %div3A_55 = vector.broadcast %div3A : f32 to vector<16xf32>
      %div3A_56 = arith.divf %div3A_55, %max3A_54 : vector<16xf32>
      %mul3A_57 = arith.constant 16 : i32
      %mul3A_58 = arith.muli %scan3A_47, %mul3A_57 : i32
      %swap3A = arith.index_cast %mul3A_58 : i32 to index
      %swap3A_59 = tpu.vector_load %arg7[%swap3A] {strides = array<i32>} : memref<2560xf32, #tpu.memory_space<vmem>>, vector<16xf32>,
      %swap3A_60 = vector.shape_cast %swap3A_59 : vector<16xf32> to vector<16xf32>
      %swap3A_61 = vector.shape_cast %div3A_56 : vector<16xf32> to vector<16xf32>
      tpu.vector_store %arg7[%swap3A], %swap3A_61 {strides = array<i32>} : memref<2560xf32, #tpu.memory_space<vmem>>, vector<16xf32>,
      %scan3A_62 = arith.constant 0 : i32
      scf.yield %scan3A_62 : i32
    }
    %scan3A_34 = arith.constant 160 : i32
    %mul3A_35 = arith.constant 2560 : i32
    %mul3A_36 = arith.muli %arg1, %mul3A_35 : i32
    "tpu.region"() ({
      %run_scoped3A = tpu.sem_alloc : memref<!tpu.dma_semaphore, #tpu.memory_space<semaphore_mem>>
      %dma_start3A = tpu.memref_slice %arg9[%mul3A_36] : memref<40960xf32, #tpu.memory_space<vmem_shared>> -> memref<2560xf32, #tpu.memory_space<vmem_shared>>
      %dma_start3A_47 = tpu.memref_slice %arg9[%mul3A_36] : memref<40960xf32, #tpu.memory_space<vmem_shared>> -> memref<2560xf32, #tpu.memory_space<vmem_shared>>
      tpu.enqueue_dma source(%arg7 : memref<2560xf32, #tpu.memory_space<vmem>>) target(%dma_start3A_47 : memref<2560xf32, #tpu.memory_space<vmem_shared>>) target_semaphore(%run_scoped3A : memref<!tpu.dma_semaphore, #tpu.memory_space<semaphore_mem>>)
      %dma_wait3A = tpu.memref_slice %arg9[%mul3A_36] : memref<40960xf32, #tpu.memory_space<vmem_shared>> -> memref<2560xf32, #tpu.memory_space<vmem_shared>>
      %dma_wait3A_48 = tpu.memref_slice %arg9[%mul3A_36] : memref<40960xf32, #tpu.memory_space<vmem_shared>> -> memref<2560xf32, #tpu.memory_space<vmem_shared>>
      tpu.wait_dma2 semaphore(%run_scoped3A : memref<!tpu.dma_semaphore, #tpu.memory_space<semaphore_mem>>) src(%arg7 : memref<2560xf32, #tpu.memory_space<vmem>>) dst(%dma_wait3A_48 : memref<2560xf32, #tpu.memory_space<vmem_shared>>)
      tpu.yield
    }) : () -> ()
    %barrier3A_37 = arith.constant 0 : index
    tpu.barrier barrier_id(%barrier3A_37)
    "tpu.region"() ({
      %run_scoped3A = tpu.sem_alloc : memref<!tpu.dma_semaphore, #tpu.memory_space<semaphore_mem>>
      %dma_start3A = arith.constant 0 : i32
      %dma_start3A_47 = tpu.memref_slice %arg8[%dma_start3A] : memref<40976xf32, #tpu.memory_space<vmem>> -> memref<40960xf32, #tpu.memory_space<vmem>>
      %dma_start3A_48 = arith.constant 0 : i32
      %dma_start3A_49 = tpu.memref_slice %arg8[%dma_start3A_48] : memref<40976xf32, #tpu.memory_space<vmem>> -> memref<40960xf32, #tpu.memory_space<vmem>>
      tpu.enqueue_dma source(%arg9 : memref<40960xf32, #tpu.memory_space<vmem_shared>>) target(%dma_start3A_49 : memref<40960xf32, #tpu.memory_space<vmem>>) target_semaphore(%run_scoped3A : memref<!tpu.dma_semaphore, #tpu.memory_space<semaphore_mem>>)
      %dma_wait3A = arith.constant 0 : i32
      %dma_wait3A_50 = tpu.memref_slice %arg8[%dma_wait3A] : memref<40976xf32, #tpu.memory_space<vmem>> -> memref<40960xf32, #tpu.memory_space<vmem>>
      %dma_wait3A_51 = arith.constant 0 : i32
      %dma_wait3A_52 = tpu.memref_slice %arg8[%dma_wait3A_51] : memref<40976xf32, #tpu.memory_space<vmem>> -> memref<40960xf32, #tpu.memory_space<vmem>>
      tpu.wait_dma2 semaphore(%run_scoped3A : memref<!tpu.dma_semaphore, #tpu.memory_space<semaphore_mem>>) src(%arg9 : memref<40960xf32, #tpu.memory_space<vmem_shared>>) dst(%dma_wait3A_52 : memref<40960xf32, #tpu.memory_space<vmem>>)
      tpu.yield
    }) : () -> ()
    %iota3A = tpu.iota {dimensions = array<i32: 0>} : vector<16xi32>
    %mul3A_38 = arith.constant 10000 : i32
    %mul3A_39 = arith.muli %add3A, %mul3A_38 : i32
    %scan3A_40 = arith.constant 0 : i32
    %scan3A_41 = arith.constant 0 : i32
    %scan3A_42 = arith.constant 125 : i32
    %scan3A_43 = arith.addi %scan3A_41, %scan3A_42 : i32
    %scan3A_44 = arith.constant 1 : i32
    %scan3A_45 = scf.for %scan3A_47 = %scan3A_41 to %scan3A_43 step %scan3A_44 iter_args(%scan3A_48 = %scan3A_40) -> (i32)  : i32 {
      %mul3A_49 = arith.constant 80 : i32
      %mul3A_50 = arith.muli %scan3A_47, %mul3A_49 : i32
      %add3A_51 = arith.addi %mul3A_39, %mul3A_50 : i32
      "tpu.region"() ({
        %run_scoped3A = tpu.sem_alloc : memref<!tpu.dma_semaphore, #tpu.memory_space<semaphore_mem>>
        %dma_start3A = arith.constant 0 : i32
        %dma_start3A_111 = tpu.memref_slice %arg4[%dma_start3A] : memref<96xi32, #tpu.memory_space<vmem>> -> memref<80xi32, #tpu.memory_space<vmem>>
        %dma_start3A_112 = tpu.memref_slice %arg2[%add3A_51] : memref<320000xi32, #tpu.memory_space<hbm>> -> memref<80xi32, #tpu.memory_space<hbm>>
        %dma_start3A_113 = arith.constant 0 : i32
        %dma_start3A_114 = tpu.memref_slice %arg4[%dma_start3A_113] : memref<96xi32, #tpu.memory_space<vmem>> -> memref<80xi32, #tpu.memory_space<vmem>>
        %dma_start3A_115 = tpu.memref_slice %arg2[%add3A_51] : memref<320000xi32, #tpu.memory_space<hbm>> -> memref<80xi32, #tpu.memory_space<hbm>>
        tpu.enqueue_dma source(%dma_start3A_115 : memref<80xi32, #tpu.memory_space<hbm>>) target(%dma_start3A_114 : memref<80xi32, #tpu.memory_space<vmem>>) target_semaphore(%run_scoped3A : memref<!tpu.dma_semaphore, #tpu.memory_space<semaphore_mem>>)
        %dma_wait3A = arith.constant 0 : i32
        %dma_wait3A_116 = tpu.memref_slice %arg4[%dma_wait3A] : memref<96xi32, #tpu.memory_space<vmem>> -> memref<80xi32, #tpu.memory_space<vmem>>
        %dma_wait3A_117 = tpu.memref_slice %arg2[%add3A_51] : memref<320000xi32, #tpu.memory_space<hbm>> -> memref<80xi32, #tpu.memory_space<hbm>>
        %dma_wait3A_118 = arith.constant 0 : i32
        %dma_wait3A_119 = tpu.memref_slice %arg4[%dma_wait3A_118] : memref<96xi32, #tpu.memory_space<vmem>> -> memref<80xi32, #tpu.memory_space<vmem>>
        %dma_wait3A_120 = tpu.memref_slice %arg2[%add3A_51] : memref<320000xi32, #tpu.memory_space<hbm>> -> memref<80xi32, #tpu.memory_space<hbm>>
        tpu.wait_dma2 semaphore(%run_scoped3A : memref<!tpu.dma_semaphore, #tpu.memory_space<semaphore_mem>>) src(%dma_wait3A_120 : memref<80xi32, #tpu.memory_space<hbm>>) dst(%dma_wait3A_119 : memref<80xi32, #tpu.memory_space<vmem>>)
        tpu.yield
      }) : () -> ()
      %broadcast_in_dim3A = arith.constant 0.000000e+00 : f32
      %broadcast_in_dim3A_52 = vector.broadcast %broadcast_in_dim3A : f32 to vector<16xf32>
      %scan3A_53 = arith.constant 0 : i32
      %scan3A_54 = arith.constant 16 : i32
      %scan3A_55 = arith.addi %scan3A_53, %scan3A_54 : i32
      %scan3A_56 = arith.constant 1 : i32
      %scan3A_57 = scf.for %scan3A_111 = %scan3A_53 to %scan3A_55 step %scan3A_56 iter_args(%scan3A_112 = %broadcast_in_dim3A_52) -> (vector<16xf32>)  : i32 {
        %add3A_113 = arith.constant 0 : i32
        %add3A_114 = arith.addi %add3A_113, %scan3A_111 : i32
        %get3A = arith.index_cast %add3A_114 : i32 to index
        %get3A_115 = tpu.vector_load %arg4[%get3A] {strides = array<i32>} : memref<96xi32, #tpu.memory_space<vmem>>, vector<16xi32>,
        %get3A_116 = vector.shape_cast %get3A_115 : vector<16xi32> to vector<16xi32>
        %slice3A = vector.extract_strided_slice %get3A_116 {offsets = [0], sizes = [1], strides = [1]} : vector<16xi32> to vector<1xi32>
        %squeeze3A = vector.extract %slice3A[0] : i32 from vector<1xi32>
        %get3A_117 = arith.index_cast %squeeze3A : i32 to index
        %get3A_118 = tpu.vector_load %arg8[%get3A_117] {strides = array<i32>} : memref<40976xf32, #tpu.memory_space<vmem>>, vector<16xf32>,
        %get3A_119 = vector.shape_cast %get3A_118 : vector<16xf32> to vector<16xf32>
        %slice3A_120 = vector.extract_strided_slice %get3A_119 {offsets = [0], sizes = [1], strides = [1]} : vector<16xf32> to vector<1xf32>
        %squeeze3A_121 = vector.extract %slice3A_120[0] : f32 from vector<1xf32>
        %eq3A = vector.broadcast %scan3A_111 : i32 to vector<16xi32>
        %eq3A_122 = arith.cmpi eq, %iota3A, %eq3A : vector<16xi32>
        %broadcast_in_dim3A_123 = vector.broadcast %squeeze3A_121 : f32 to vector<16xf32>
        %select_n3A = arith.select %eq3A_122, %broadcast_in_dim3A_123, %scan3A_112 : vector<16xi1>, vector<16xf32>
        scf.yield %select_n3A : vector<16xf32>
      }
      %scan3A_58 = arith.constant 16 : i32
      %swap3A = arith.constant 0 : index
      %swap3A_59 = tpu.vector_load %arg6[%swap3A] {strides = array<i32>} : memref<80xf32, #tpu.memory_space<vmem>>, vector<16xf32>,
      %swap3A_60 = vector.shape_cast %swap3A_59 : vector<16xf32> to vector<16xf32>
      %swap3A_61 = vector.shape_cast %scan3A_57 : vector<16xf32> to vector<16xf32>
      tpu.vector_store %arg6[%swap3A], %swap3A_61 {strides = array<i32>} : memref<80xf32, #tpu.memory_space<vmem>>, vector<16xf32>,
      %broadcast_in_dim3A_62 = arith.constant 0.000000e+00 : f32
      %broadcast_in_dim3A_63 = vector.broadcast %broadcast_in_dim3A_62 : f32 to vector<16xf32>
      %scan3A_64 = arith.constant 0 : i32
      %scan3A_65 = arith.constant 16 : i32
      %scan3A_66 = arith.addi %scan3A_64, %scan3A_65 : i32
      %scan3A_67 = arith.constant 1 : i32
      %scan3A_68 = scf.for %scan3A_111 = %scan3A_64 to %scan3A_66 step %scan3A_67 iter_args(%scan3A_112 = %broadcast_in_dim3A_63) -> (vector<16xf32>)  : i32 {
        %add3A_113 = arith.constant 16 : i32
        %add3A_114 = arith.addi %add3A_113, %scan3A_111 : i32
        %get3A = arith.index_cast %add3A_114 : i32 to index
        %get3A_115 = tpu.vector_load %arg4[%get3A] {strides = array<i32>} : memref<96xi32, #tpu.memory_space<vmem>>, vector<16xi32>,
        %get3A_116 = vector.shape_cast %get3A_115 : vector<16xi32> to vector<16xi32>
        %slice3A = vector.extract_strided_slice %get3A_116 {offsets = [0], sizes = [1], strides = [1]} : vector<16xi32> to vector<1xi32>
        %squeeze3A = vector.extract %slice3A[0] : i32 from vector<1xi32>
        %get3A_117 = arith.index_cast %squeeze3A : i32 to index
        %get3A_118 = tpu.vector_load %arg8[%get3A_117] {strides = array<i32>} : memref<40976xf32, #tpu.memory_space<vmem>>, vector<16xf32>,
        %get3A_119 = vector.shape_cast %get3A_118 : vector<16xf32> to vector<16xf32>
        %slice3A_120 = vector.extract_strided_slice %get3A_119 {offsets = [0], sizes = [1], strides = [1]} : vector<16xf32> to vector<1xf32>
        %squeeze3A_121 = vector.extract %slice3A_120[0] : f32 from vector<1xf32>
        %eq3A = vector.broadcast %scan3A_111 : i32 to vector<16xi32>
        %eq3A_122 = arith.cmpi eq, %iota3A, %eq3A : vector<16xi32>
        %broadcast_in_dim3A_123 = vector.broadcast %squeeze3A_121 : f32 to vector<16xf32>
        %select_n3A = arith.select %eq3A_122, %broadcast_in_dim3A_123, %scan3A_112 : vector<16xi1>, vector<16xf32>
        scf.yield %select_n3A : vector<16xf32>
      }
      %scan3A_69 = arith.constant 16 : i32
      %swap3A_70 = arith.constant 16 : index
      %swap3A_71 = tpu.vector_load %arg6[%swap3A_70] {strides = array<i32>} : memref<80xf32, #tpu.memory_space<vmem>>, vector<16xf32>,
      %swap3A_72 = vector.shape_cast %swap3A_71 : vector<16xf32> to vector<16xf32>
      %swap3A_73 = vector.shape_cast %scan3A_68 : vector<16xf32> to vector<16xf32>
      tpu.vector_store %arg6[%swap3A_70], %swap3A_73 {strides = array<i32>} : memref<80xf32, #tpu.memory_space<vmem>>, vector<16xf32>,
      %broadcast_in_dim3A_74 = arith.constant 0.000000e+00 : f32
      %broadcast_in_dim3A_75 = vector.broadcast %broadcast_in_dim3A_74 : f32 to vector<16xf32>
      %scan3A_76 = arith.constant 0 : i32
      %scan3A_77 = arith.constant 16 : i32
      %scan3A_78 = arith.addi %scan3A_76, %scan3A_77 : i32
      %scan3A_79 = arith.constant 1 : i32
      %scan3A_80 = scf.for %scan3A_111 = %scan3A_76 to %scan3A_78 step %scan3A_79 iter_args(%scan3A_112 = %broadcast_in_dim3A_75) -> (vector<16xf32>)  : i32 {
        %add3A_113 = arith.constant 32 : i32
        %add3A_114 = arith.addi %add3A_113, %scan3A_111 : i32
        %get3A = arith.index_cast %add3A_114 : i32 to index
        %get3A_115 = tpu.vector_load %arg4[%get3A] {strides = array<i32>} : memref<96xi32, #tpu.memory_space<vmem>>, vector<16xi32>,
        %get3A_116 = vector.shape_cast %get3A_115 : vector<16xi32> to vector<16xi32>
        %slice3A = vector.extract_strided_slice %get3A_116 {offsets = [0], sizes = [1], strides = [1]} : vector<16xi32> to vector<1xi32>
        %squeeze3A = vector.extract %slice3A[0] : i32 from vector<1xi32>
        %get3A_117 = arith.index_cast %squeeze3A : i32 to index
        %get3A_118 = tpu.vector_load %arg8[%get3A_117] {strides = array<i32>} : memref<40976xf32, #tpu.memory_space<vmem>>, vector<16xf32>,
        %get3A_119 = vector.shape_cast %get3A_118 : vector<16xf32> to vector<16xf32>
        %slice3A_120 = vector.extract_strided_slice %get3A_119 {offsets = [0], sizes = [1], strides = [1]} : vector<16xf32> to vector<1xf32>
        %squeeze3A_121 = vector.extract %slice3A_120[0] : f32 from vector<1xf32>
        %eq3A = vector.broadcast %scan3A_111 : i32 to vector<16xi32>
        %eq3A_122 = arith.cmpi eq, %iota3A, %eq3A : vector<16xi32>
        %broadcast_in_dim3A_123 = vector.broadcast %squeeze3A_121 : f32 to vector<16xf32>
        %select_n3A = arith.select %eq3A_122, %broadcast_in_dim3A_123, %scan3A_112 : vector<16xi1>, vector<16xf32>
        scf.yield %select_n3A : vector<16xf32>
      }
      %scan3A_81 = arith.constant 16 : i32
      %swap3A_82 = arith.constant 32 : index
      %swap3A_83 = tpu.vector_load %arg6[%swap3A_82] {strides = array<i32>} : memref<80xf32, #tpu.memory_space<vmem>>, vector<16xf32>,
      %swap3A_84 = vector.shape_cast %swap3A_83 : vector<16xf32> to vector<16xf32>
      %swap3A_85 = vector.shape_cast %scan3A_80 : vector<16xf32> to vector<16xf32>
      tpu.vector_store %arg6[%swap3A_82], %swap3A_85 {strides = array<i32>} : memref<80xf32, #tpu.memory_space<vmem>>, vector<16xf32>,
      %broadcast_in_dim3A_86 = arith.constant 0.000000e+00 : f32
      %broadcast_in_dim3A_87 = vector.broadcast %broadcast_in_dim3A_86 : f32 to vector<16xf32>
      %scan3A_88 = arith.constant 0 : i32
      %scan3A_89 = arith.constant 16 : i32
      %scan3A_90 = arith.addi %scan3A_88, %scan3A_89 : i32
      %scan3A_91 = arith.constant 1 : i32
      %scan3A_92 = scf.for %scan3A_111 = %scan3A_88 to %scan3A_90 step %scan3A_91 iter_args(%scan3A_112 = %broadcast_in_dim3A_87) -> (vector<16xf32>)  : i32 {
        %add3A_113 = arith.constant 48 : i32
        %add3A_114 = arith.addi %add3A_113, %scan3A_111 : i32
        %get3A = arith.index_cast %add3A_114 : i32 to index
        %get3A_115 = tpu.vector_load %arg4[%get3A] {strides = array<i32>} : memref<96xi32, #tpu.memory_space<vmem>>, vector<16xi32>,
        %get3A_116 = vector.shape_cast %get3A_115 : vector<16xi32> to vector<16xi32>
        %slice3A = vector.extract_strided_slice %get3A_116 {offsets = [0], sizes = [1], strides = [1]} : vector<16xi32> to vector<1xi32>
        %squeeze3A = vector.extract %slice3A[0] : i32 from vector<1xi32>
        %get3A_117 = arith.index_cast %squeeze3A : i32 to index
        %get3A_118 = tpu.vector_load %arg8[%get3A_117] {strides = array<i32>} : memref<40976xf32, #tpu.memory_space<vmem>>, vector<16xf32>,
        %get3A_119 = vector.shape_cast %get3A_118 : vector<16xf32> to vector<16xf32>
        %slice3A_120 = vector.extract_strided_slice %get3A_119 {offsets = [0], sizes = [1], strides = [1]} : vector<16xf32> to vector<1xf32>
        %squeeze3A_121 = vector.extract %slice3A_120[0] : f32 from vector<1xf32>
        %eq3A = vector.broadcast %scan3A_111 : i32 to vector<16xi32>
        %eq3A_122 = arith.cmpi eq, %iota3A, %eq3A : vector<16xi32>
        %broadcast_in_dim3A_123 = vector.broadcast %squeeze3A_121 : f32 to vector<16xf32>
        %select_n3A = arith.select %eq3A_122, %broadcast_in_dim3A_123, %scan3A_112 : vector<16xi1>, vector<16xf32>
        scf.yield %select_n3A : vector<16xf32>
      }
      %scan3A_93 = arith.constant 16 : i32
      %swap3A_94 = arith.constant 48 : index
      %swap3A_95 = tpu.vector_load %arg6[%swap3A_94] {strides = array<i32>} : memref<80xf32, #tpu.memory_space<vmem>>, vector<16xf32>,
      %swap3A_96 = vector.shape_cast %swap3A_95 : vector<16xf32> to vector<16xf32>
      %swap3A_97 = vector.shape_cast %scan3A_92 : vector<16xf32> to vector<16xf32>
      tpu.vector_store %arg6[%swap3A_94], %swap3A_97 {strides = array<i32>} : memref<80xf32, #tpu.memory_space<vmem>>, vector<16xf32>,
      %broadcast_in_dim3A_98 = arith.constant 0.000000e+00 : f32
      %broadcast_in_dim3A_99 = vector.broadcast %broadcast_in_dim3A_98 : f32 to vector<16xf32>
      %scan3A_100 = arith.constant 0 : i32
      %scan3A_101 = arith.constant 16 : i32
      %scan3A_102 = arith.addi %scan3A_100, %scan3A_101 : i32
      %scan3A_103 = arith.constant 1 : i32
      %scan3A_104 = scf.for %scan3A_111 = %scan3A_100 to %scan3A_102 step %scan3A_103 iter_args(%scan3A_112 = %broadcast_in_dim3A_99) -> (vector<16xf32>)  : i32 {
        %add3A_113 = arith.constant 64 : i32
        %add3A_114 = arith.addi %add3A_113, %scan3A_111 : i32
        %get3A = arith.index_cast %add3A_114 : i32 to index
        %get3A_115 = tpu.vector_load %arg4[%get3A] {strides = array<i32>} : memref<96xi32, #tpu.memory_space<vmem>>, vector<16xi32>,
        %get3A_116 = vector.shape_cast %get3A_115 : vector<16xi32> to vector<16xi32>
        %slice3A = vector.extract_strided_slice %get3A_116 {offsets = [0], sizes = [1], strides = [1]} : vector<16xi32> to vector<1xi32>
        %squeeze3A = vector.extract %slice3A[0] : i32 from vector<1xi32>
        %get3A_117 = arith.index_cast %squeeze3A : i32 to index
        %get3A_118 = tpu.vector_load %arg8[%get3A_117] {strides = array<i32>} : memref<40976xf32, #tpu.memory_space<vmem>>, vector<16xf32>,
        %get3A_119 = vector.shape_cast %get3A_118 : vector<16xf32> to vector<16xf32>
        %slice3A_120 = vector.extract_strided_slice %get3A_119 {offsets = [0], sizes = [1], strides = [1]} : vector<16xf32> to vector<1xf32>
        %squeeze3A_121 = vector.extract %slice3A_120[0] : f32 from vector<1xf32>
        %eq3A = vector.broadcast %scan3A_111 : i32 to vector<16xi32>
        %eq3A_122 = arith.cmpi eq, %iota3A, %eq3A : vector<16xi32>
        %broadcast_in_dim3A_123 = vector.broadcast %squeeze3A_121 : f32 to vector<16xf32>
        %select_n3A = arith.select %eq3A_122, %broadcast_in_dim3A_123, %scan3A_112 : vector<16xi1>, vector<16xf32>
        scf.yield %select_n3A : vector<16xf32>
      }
      %scan3A_105 = arith.constant 16 : i32
      %swap3A_106 = arith.constant 64 : index
      %swap3A_107 = tpu.vector_load %arg6[%swap3A_106] {strides = array<i32>} : memref<80xf32, #tpu.memory_space<vmem>>, vector<16xf32>,
      %swap3A_108 = vector.shape_cast %swap3A_107 : vector<16xf32> to vector<16xf32>
      %swap3A_109 = vector.shape_cast %scan3A_104 : vector<16xf32> to vector<16xf32>
      tpu.vector_store %arg6[%swap3A_106], %swap3A_109 {strides = array<i32>} : memref<80xf32, #tpu.memory_space<vmem>>, vector<16xf32>,
      "tpu.region"() ({
        %run_scoped3A = tpu.sem_alloc : memref<!tpu.dma_semaphore, #tpu.memory_space<semaphore_mem>>
        %dma_start3A = tpu.memref_slice %arg3[%add3A_51] : memref<320000xf32, #tpu.memory_space<hbm>> -> memref<80xf32, #tpu.memory_space<hbm>>
        %dma_start3A_111 = tpu.memref_slice %arg3[%add3A_51] : memref<320000xf32, #tpu.memory_space<hbm>> -> memref<80xf32, #tpu.memory_space<hbm>>
        tpu.enqueue_dma source(%arg6 : memref<80xf32, #tpu.memory_space<vmem>>) target(%dma_start3A_111 : memref<80xf32, #tpu.memory_space<hbm>>) target_semaphore(%run_scoped3A : memref<!tpu.dma_semaphore, #tpu.memory_space<semaphore_mem>>)
        %dma_wait3A = tpu.memref_slice %arg3[%add3A_51] : memref<320000xf32, #tpu.memory_space<hbm>> -> memref<80xf32, #tpu.memory_space<hbm>>
        %dma_wait3A_112 = tpu.memref_slice %arg3[%add3A_51] : memref<320000xf32, #tpu.memory_space<hbm>> -> memref<80xf32, #tpu.memory_space<hbm>>
        tpu.wait_dma2 semaphore(%run_scoped3A : memref<!tpu.dma_semaphore, #tpu.memory_space<semaphore_mem>>) src(%arg6 : memref<80xf32, #tpu.memory_space<vmem>>) dst(%dma_wait3A_112 : memref<80xf32, #tpu.memory_space<hbm>>)
        tpu.yield
      }) : () -> ()
      %scan3A_110 = arith.constant 0 : i32
      scf.yield %scan3A_110 : i32
    }
    %scan3A_46 = arith.constant 125 : i32
    return
  }
}

#map = affine_map<(d0, d1) -> (0, 0)>
#map1 = affine_map<(d0, d1) -> (0)>
#map2 = affine_map<(d0, d1) -> (0, 0, 0)>
module attributes {stable_mosaic.version = 14 : i64} {
  func.func @_agg(%arg0: i32, %arg1: i32, %arg2: memref<10000x128xf32, #tpu.memory_space<hbm>>, %arg3: memref<320000xi32, #tpu.memory_space<hbm>>, %arg4: memref<320000xi32, #tpu.memory_space<hbm>>, %arg5: memref<320000xi32, #tpu.memory_space<hbm>>, %arg6: memref<320000xf32, #tpu.memory_space<hbm>>, %arg7: memref<2x10240x128xf32, #tpu.memory_space<hbm>>, %arg8: memref<80xi32, #tpu.memory_space<vmem>>, %arg9: memref<80xi32, #tpu.memory_space<vmem>>, %arg10: memref<96xi32, #tpu.memory_space<vmem>>, %arg11: memref<96xf32, #tpu.memory_space<vmem>>, %arg12: memref<80x128xf32, #tpu.memory_space<vmem>>, %arg13: memref<10240x128xf32, #tpu.memory_space<vmem_shared>>, %arg14: memref<!tpu.dma_semaphore, #tpu.memory_space<semaphore_mem>>) attributes {dimension_semantics = [#tpu.dimension_semantics<core_parallel>, #tpu.dimension_semantics<subcore_parallel>], iteration_bounds = array<i64: 2, 16>, scalar_prefetch = 0 : i64, scratch_operands = 7 : i64, tpu.core_type = #tpu.core_type<sc_vector_subcore>, window_params = [{transform_indices = #map}, {transform_indices = #map1}, {transform_indices = #map1}, {transform_indices = #map1}, {transform_indices = #map1}, {transform_indices = #map2}]} {
    %mul3A = arith.constant 2 : i32
    %mul3A_0 = arith.muli %arg1, %mul3A : i32
    %add3A = arith.addi %mul3A_0, %arg0 : i32
    %scan3A = arith.constant 0 : i32
    %scan3A_1 = arith.constant 0 : i32
    %scan3A_2 = arith.constant 80 : i32
    %scan3A_3 = arith.addi %scan3A_1, %scan3A_2 : i32
    %scan3A_4 = arith.constant 1 : i32
    %scan3A_5 = scf.for %scan3A_113 = %scan3A_1 to %scan3A_3 step %scan3A_4 iter_args(%scan3A_114 = %scan3A) -> (i32)  : i32 {
      %broadcast_in_dim3A = arith.constant 0.000000e+00 : f32
      %broadcast_in_dim3A_115 = vector.broadcast %broadcast_in_dim3A : f32 to vector<16xf32>
      %swap3A = arith.index_cast %scan3A_113 : i32 to index
      %swap3A_116 = arith.constant 0 : index
      %swap3A_117 = tpu.vector_load %arg12[%swap3A, %swap3A_116] {strides = array<i32>} : memref<80x128xf32, #tpu.memory_space<vmem>>, vector<1x16xf32>,
      %swap3A_118 = vector.shape_cast %swap3A_117 : vector<1x16xf32> to vector<16xf32>
      %swap3A_119 = vector.shape_cast %broadcast_in_dim3A_115 : vector<16xf32> to vector<1x16xf32>
      tpu.vector_store %arg12[%swap3A, %swap3A_116], %swap3A_119 {strides = array<i32>} : memref<80x128xf32, #tpu.memory_space<vmem>>, vector<1x16xf32>,
      %broadcast_in_dim3A_120 = arith.constant 0.000000e+00 : f32
      %broadcast_in_dim3A_121 = vector.broadcast %broadcast_in_dim3A_120 : f32 to vector<16xf32>
      %swap3A_122 = arith.index_cast %scan3A_113 : i32 to index
      %swap3A_123 = arith.constant 16 : index
      %swap3A_124 = tpu.vector_load %arg12[%swap3A_122, %swap3A_123] {strides = array<i32>} : memref<80x128xf32, #tpu.memory_space<vmem>>, vector<1x16xf32>,
      %swap3A_125 = vector.shape_cast %swap3A_124 : vector<1x16xf32> to vector<16xf32>
      %swap3A_126 = vector.shape_cast %broadcast_in_dim3A_121 : vector<16xf32> to vector<1x16xf32>
      tpu.vector_store %arg12[%swap3A_122, %swap3A_123], %swap3A_126 {strides = array<i32>} : memref<80x128xf32, #tpu.memory_space<vmem>>, vector<1x16xf32>,
      %broadcast_in_dim3A_127 = arith.constant 0.000000e+00 : f32
      %broadcast_in_dim3A_128 = vector.broadcast %broadcast_in_dim3A_127 : f32 to vector<16xf32>
      %swap3A_129 = arith.index_cast %scan3A_113 : i32 to index
      %swap3A_130 = arith.constant 32 : index
      %swap3A_131 = tpu.vector_load %arg12[%swap3A_129, %swap3A_130] {strides = array<i32>} : memref<80x128xf32, #tpu.memory_space<vmem>>, vector<1x16xf32>,
      %swap3A_132 = vector.shape_cast %swap3A_131 : vector<1x16xf32> to vector<16xf32>
      %swap3A_133 = vector.shape_cast %broadcast_in_dim3A_128 : vector<16xf32> to vector<1x16xf32>
      tpu.vector_store %arg12[%swap3A_129, %swap3A_130], %swap3A_133 {strides = array<i32>} : memref<80x128xf32, #tpu.memory_space<vmem>>, vector<1x16xf32>,
      %broadcast_in_dim3A_134 = arith.constant 0.000000e+00 : f32
      %broadcast_in_dim3A_135 = vector.broadcast %broadcast_in_dim3A_134 : f32 to vector<16xf32>
      %swap3A_136 = arith.index_cast %scan3A_113 : i32 to index
      %swap3A_137 = arith.constant 48 : index
      %swap3A_138 = tpu.vector_load %arg12[%swap3A_136, %swap3A_137] {strides = array<i32>} : memref<80x128xf32, #tpu.memory_space<vmem>>, vector<1x16xf32>,
      %swap3A_139 = vector.shape_cast %swap3A_138 : vector<1x16xf32> to vector<16xf32>
      %swap3A_140 = vector.shape_cast %broadcast_in_dim3A_135 : vector<16xf32> to vector<1x16xf32>
      tpu.vector_store %arg12[%swap3A_136, %swap3A_137], %swap3A_140 {strides = array<i32>} : memref<80x128xf32, #tpu.memory_space<vmem>>, vector<1x16xf32>,
      %broadcast_in_dim3A_141 = arith.constant 0.000000e+00 : f32
      %broadcast_in_dim3A_142 = vector.broadcast %broadcast_in_dim3A_141 : f32 to vector<16xf32>
      %swap3A_143 = arith.index_cast %scan3A_113 : i32 to index
      %swap3A_144 = arith.constant 64 : index
      %swap3A_145 = tpu.vector_load %arg12[%swap3A_143, %swap3A_144] {strides = array<i32>} : memref<80x128xf32, #tpu.memory_space<vmem>>, vector<1x16xf32>,
      %swap3A_146 = vector.shape_cast %swap3A_145 : vector<1x16xf32> to vector<16xf32>
      %swap3A_147 = vector.shape_cast %broadcast_in_dim3A_142 : vector<16xf32> to vector<1x16xf32>
      tpu.vector_store %arg12[%swap3A_143, %swap3A_144], %swap3A_147 {strides = array<i32>} : memref<80x128xf32, #tpu.memory_space<vmem>>, vector<1x16xf32>,
      %broadcast_in_dim3A_148 = arith.constant 0.000000e+00 : f32
      %broadcast_in_dim3A_149 = vector.broadcast %broadcast_in_dim3A_148 : f32 to vector<16xf32>
      %swap3A_150 = arith.index_cast %scan3A_113 : i32 to index
      %swap3A_151 = arith.constant 80 : index
      %swap3A_152 = tpu.vector_load %arg12[%swap3A_150, %swap3A_151] {strides = array<i32>} : memref<80x128xf32, #tpu.memory_space<vmem>>, vector<1x16xf32>,
      %swap3A_153 = vector.shape_cast %swap3A_152 : vector<1x16xf32> to vector<16xf32>
      %swap3A_154 = vector.shape_cast %broadcast_in_dim3A_149 : vector<16xf32> to vector<1x16xf32>
      tpu.vector_store %arg12[%swap3A_150, %swap3A_151], %swap3A_154 {strides = array<i32>} : memref<80x128xf32, #tpu.memory_space<vmem>>, vector<1x16xf32>,
      %broadcast_in_dim3A_155 = arith.constant 0.000000e+00 : f32
      %broadcast_in_dim3A_156 = vector.broadcast %broadcast_in_dim3A_155 : f32 to vector<16xf32>
      %swap3A_157 = arith.index_cast %scan3A_113 : i32 to index
      %swap3A_158 = arith.constant 96 : index
      %swap3A_159 = tpu.vector_load %arg12[%swap3A_157, %swap3A_158] {strides = array<i32>} : memref<80x128xf32, #tpu.memory_space<vmem>>, vector<1x16xf32>,
      %swap3A_160 = vector.shape_cast %swap3A_159 : vector<1x16xf32> to vector<16xf32>
      %swap3A_161 = vector.shape_cast %broadcast_in_dim3A_156 : vector<16xf32> to vector<1x16xf32>
      tpu.vector_store %arg12[%swap3A_157, %swap3A_158], %swap3A_161 {strides = array<i32>} : memref<80x128xf32, #tpu.memory_space<vmem>>, vector<1x16xf32>,
      %broadcast_in_dim3A_162 = arith.constant 0.000000e+00 : f32
      %broadcast_in_dim3A_163 = vector.broadcast %broadcast_in_dim3A_162 : f32 to vector<16xf32>
      %swap3A_164 = arith.index_cast %scan3A_113 : i32 to index
      %swap3A_165 = arith.constant 112 : index
      %swap3A_166 = tpu.vector_load %arg12[%swap3A_164, %swap3A_165] {strides = array<i32>} : memref<80x128xf32, #tpu.memory_space<vmem>>, vector<1x16xf32>,
      %swap3A_167 = vector.shape_cast %swap3A_166 : vector<1x16xf32> to vector<16xf32>
      %swap3A_168 = vector.shape_cast %broadcast_in_dim3A_163 : vector<16xf32> to vector<1x16xf32>
      tpu.vector_store %arg12[%swap3A_164, %swap3A_165], %swap3A_168 {strides = array<i32>} : memref<80x128xf32, #tpu.memory_space<vmem>>, vector<1x16xf32>,
      %scan3A_169 = arith.constant 0 : i32
      scf.yield %scan3A_169 : i32
    }
    %scan3A_6 = arith.constant 80 : i32
    %mul3A_7 = arith.constant 640 : i32
    %mul3A_8 = arith.muli %arg1, %mul3A_7 : i32
    %add3A_9 = arith.constant 0 : i32
    %add3A_10 = arith.addi %mul3A_8, %add3A_9 : i32
    "tpu.region"() ({
      %run_scoped3A = tpu.sem_alloc : memref<!tpu.dma_semaphore, #tpu.memory_space<semaphore_mem>>
      %dma_start3A = arith.constant 0 : i32
      %dma_start3A_113 = tpu.memref_slice %arg13[%add3A_10, %dma_start3A] : memref<10240x128xf32, #tpu.memory_space<vmem_shared>> -> memref<80x128xf32, #tpu.memory_space<vmem_shared>>
      %dma_start3A_114 = arith.constant 0 : i32
      %dma_start3A_115 = tpu.memref_slice %arg13[%add3A_10, %dma_start3A_114] : memref<10240x128xf32, #tpu.memory_space<vmem_shared>> -> memref<80x128xf32, #tpu.memory_space<vmem_shared>>
      tpu.enqueue_dma source(%arg12 : memref<80x128xf32, #tpu.memory_space<vmem>>) target(%dma_start3A_115 : memref<80x128xf32, #tpu.memory_space<vmem_shared>>) target_semaphore(%run_scoped3A : memref<!tpu.dma_semaphore, #tpu.memory_space<semaphore_mem>>)
      %dma_wait3A = arith.constant 0 : i32
      %dma_wait3A_116 = tpu.memref_slice %arg13[%add3A_10, %dma_wait3A] : memref<10240x128xf32, #tpu.memory_space<vmem_shared>> -> memref<80x128xf32, #tpu.memory_space<vmem_shared>>
      %dma_wait3A_117 = arith.constant 0 : i32
      %dma_wait3A_118 = tpu.memref_slice %arg13[%add3A_10, %dma_wait3A_117] : memref<10240x128xf32, #tpu.memory_space<vmem_shared>> -> memref<80x128xf32, #tpu.memory_space<vmem_shared>>
      tpu.wait_dma2 semaphore(%run_scoped3A : memref<!tpu.dma_semaphore, #tpu.memory_space<semaphore_mem>>) src(%arg12 : memref<80x128xf32, #tpu.memory_space<vmem>>) dst(%dma_wait3A_118 : memref<80x128xf32, #tpu.memory_space<vmem_shared>>)
      tpu.yield
    }) : () -> ()
    %mul3A_11 = arith.constant 640 : i32
    %mul3A_12 = arith.muli %arg1, %mul3A_11 : i32
    %add3A_13 = arith.constant 80 : i32
    %add3A_14 = arith.addi %mul3A_12, %add3A_13 : i32
    "tpu.region"() ({
      %run_scoped3A = tpu.sem_alloc : memref<!tpu.dma_semaphore, #tpu.memory_space<semaphore_mem>>
      %dma_start3A = arith.constant 0 : i32
      %dma_start3A_113 = tpu.memref_slice %arg13[%add3A_14, %dma_start3A] : memref<10240x128xf32, #tpu.memory_space<vmem_shared>> -> memref<80x128xf32, #tpu.memory_space<vmem_shared>>
      %dma_start3A_114 = arith.constant 0 : i32
      %dma_start3A_115 = tpu.memref_slice %arg13[%add3A_14, %dma_start3A_114] : memref<10240x128xf32, #tpu.memory_space<vmem_shared>> -> memref<80x128xf32, #tpu.memory_space<vmem_shared>>
      tpu.enqueue_dma source(%arg12 : memref<80x128xf32, #tpu.memory_space<vmem>>) target(%dma_start3A_115 : memref<80x128xf32, #tpu.memory_space<vmem_shared>>) target_semaphore(%run_scoped3A : memref<!tpu.dma_semaphore, #tpu.memory_space<semaphore_mem>>)
      %dma_wait3A = arith.constant 0 : i32
      %dma_wait3A_116 = tpu.memref_slice %arg13[%add3A_14, %dma_wait3A] : memref<10240x128xf32, #tpu.memory_space<vmem_shared>> -> memref<80x128xf32, #tpu.memory_space<vmem_shared>>
      %dma_wait3A_117 = arith.constant 0 : i32
      %dma_wait3A_118 = tpu.memref_slice %arg13[%add3A_14, %dma_wait3A_117] : memref<10240x128xf32, #tpu.memory_space<vmem_shared>> -> memref<80x128xf32, #tpu.memory_space<vmem_shared>>
      tpu.wait_dma2 semaphore(%run_scoped3A : memref<!tpu.dma_semaphore, #tpu.memory_space<semaphore_mem>>) src(%arg12 : memref<80x128xf32, #tpu.memory_space<vmem>>) dst(%dma_wait3A_118 : memref<80x128xf32, #tpu.memory_space<vmem_shared>>)
      tpu.yield
    }) : () -> ()
    %mul3A_15 = arith.constant 640 : i32
    %mul3A_16 = arith.muli %arg1, %mul3A_15 : i32
    %add3A_17 = arith.constant 160 : i32
    %add3A_18 = arith.addi %mul3A_16, %add3A_17 : i32
    "tpu.region"() ({
      %run_scoped3A = tpu.sem_alloc : memref<!tpu.dma_semaphore, #tpu.memory_space<semaphore_mem>>
      %dma_start3A = arith.constant 0 : i32
      %dma_start3A_113 = tpu.memref_slice %arg13[%add3A_18, %dma_start3A] : memref<10240x128xf32, #tpu.memory_space<vmem_shared>> -> memref<80x128xf32, #tpu.memory_space<vmem_shared>>
      %dma_start3A_114 = arith.constant 0 : i32
      %dma_start3A_115 = tpu.memref_slice %arg13[%add3A_18, %dma_start3A_114] : memref<10240x128xf32, #tpu.memory_space<vmem_shared>> -> memref<80x128xf32, #tpu.memory_space<vmem_shared>>
      tpu.enqueue_dma source(%arg12 : memref<80x128xf32, #tpu.memory_space<vmem>>) target(%dma_start3A_115 : memref<80x128xf32, #tpu.memory_space<vmem_shared>>) target_semaphore(%run_scoped3A : memref<!tpu.dma_semaphore, #tpu.memory_space<semaphore_mem>>)
      %dma_wait3A = arith.constant 0 : i32
      %dma_wait3A_116 = tpu.memref_slice %arg13[%add3A_18, %dma_wait3A] : memref<10240x128xf32, #tpu.memory_space<vmem_shared>> -> memref<80x128xf32, #tpu.memory_space<vmem_shared>>
      %dma_wait3A_117 = arith.constant 0 : i32
      %dma_wait3A_118 = tpu.memref_slice %arg13[%add3A_18, %dma_wait3A_117] : memref<10240x128xf32, #tpu.memory_space<vmem_shared>> -> memref<80x128xf32, #tpu.memory_space<vmem_shared>>
      tpu.wait_dma2 semaphore(%run_scoped3A : memref<!tpu.dma_semaphore, #tpu.memory_space<semaphore_mem>>) src(%arg12 : memref<80x128xf32, #tpu.memory_space<vmem>>) dst(%dma_wait3A_118 : memref<80x128xf32, #tpu.memory_space<vmem_shared>>)
      tpu.yield
    }) : () -> ()
    %mul3A_19 = arith.constant 640 : i32
    %mul3A_20 = arith.muli %arg1, %mul3A_19 : i32
    %add3A_21 = arith.constant 240 : i32
    %add3A_22 = arith.addi %mul3A_20, %add3A_21 : i32
    "tpu.region"() ({
      %run_scoped3A = tpu.sem_alloc : memref<!tpu.dma_semaphore, #tpu.memory_space<semaphore_mem>>
      %dma_start3A = arith.constant 0 : i32
      %dma_start3A_113 = tpu.memref_slice %arg13[%add3A_22, %dma_start3A] : memref<10240x128xf32, #tpu.memory_space<vmem_shared>> -> memref<80x128xf32, #tpu.memory_space<vmem_shared>>
      %dma_start3A_114 = arith.constant 0 : i32
      %dma_start3A_115 = tpu.memref_slice %arg13[%add3A_22, %dma_start3A_114] : memref<10240x128xf32, #tpu.memory_space<vmem_shared>> -> memref<80x128xf32, #tpu.memory_space<vmem_shared>>
      tpu.enqueue_dma source(%arg12 : memref<80x128xf32, #tpu.memory_space<vmem>>) target(%dma_start3A_115 : memref<80x128xf32, #tpu.memory_space<vmem_shared>>) target_semaphore(%run_scoped3A : memref<!tpu.dma_semaphore, #tpu.memory_space<semaphore_mem>>)
      %dma_wait3A = arith.constant 0 : i32
      %dma_wait3A_116 = tpu.memref_slice %arg13[%add3A_22, %dma_wait3A] : memref<10240x128xf32, #tpu.memory_space<vmem_shared>> -> memref<80x128xf32, #tpu.memory_space<vmem_shared>>
      %dma_wait3A_117 = arith.constant 0 : i32
      %dma_wait3A_118 = tpu.memref_slice %arg13[%add3A_22, %dma_wait3A_117] : memref<10240x128xf32, #tpu.memory_space<vmem_shared>> -> memref<80x128xf32, #tpu.memory_space<vmem_shared>>
      tpu.wait_dma2 semaphore(%run_scoped3A : memref<!tpu.dma_semaphore, #tpu.memory_space<semaphore_mem>>) src(%arg12 : memref<80x128xf32, #tpu.memory_space<vmem>>) dst(%dma_wait3A_118 : memref<80x128xf32, #tpu.memory_space<vmem_shared>>)
      tpu.yield
    }) : () -> ()
    %mul3A_23 = arith.constant 640 : i32
    %mul3A_24 = arith.muli %arg1, %mul3A_23 : i32
    %add3A_25 = arith.constant 320 : i32
    %add3A_26 = arith.addi %mul3A_24, %add3A_25 : i32
    "tpu.region"() ({
      %run_scoped3A = tpu.sem_alloc : memref<!tpu.dma_semaphore, #tpu.memory_space<semaphore_mem>>
      %dma_start3A = arith.constant 0 : i32
      %dma_start3A_113 = tpu.memref_slice %arg13[%add3A_26, %dma_start3A] : memref<10240x128xf32, #tpu.memory_space<vmem_shared>> -> memref<80x128xf32, #tpu.memory_space<vmem_shared>>
      %dma_start3A_114 = arith.constant 0 : i32
      %dma_start3A_115 = tpu.memref_slice %arg13[%add3A_26, %dma_start3A_114] : memref<10240x128xf32, #tpu.memory_space<vmem_shared>> -> memref<80x128xf32, #tpu.memory_space<vmem_shared>>
      tpu.enqueue_dma source(%arg12 : memref<80x128xf32, #tpu.memory_space<vmem>>) target(%dma_start3A_115 : memref<80x128xf32, #tpu.memory_space<vmem_shared>>) target_semaphore(%run_scoped3A : memref<!tpu.dma_semaphore, #tpu.memory_space<semaphore_mem>>)
      %dma_wait3A = arith.constant 0 : i32
      %dma_wait3A_116 = tpu.memref_slice %arg13[%add3A_26, %dma_wait3A] : memref<10240x128xf32, #tpu.memory_space<vmem_shared>> -> memref<80x128xf32, #tpu.memory_space<vmem_shared>>
      %dma_wait3A_117 = arith.constant 0 : i32
      %dma_wait3A_118 = tpu.memref_slice %arg13[%add3A_26, %dma_wait3A_117] : memref<10240x128xf32, #tpu.memory_space<vmem_shared>> -> memref<80x128xf32, #tpu.memory_space<vmem_shared>>
      tpu.wait_dma2 semaphore(%run_scoped3A : memref<!tpu.dma_semaphore, #tpu.memory_space<semaphore_mem>>) src(%arg12 : memref<80x128xf32, #tpu.memory_space<vmem>>) dst(%dma_wait3A_118 : memref<80x128xf32, #tpu.memory_space<vmem_shared>>)
      tpu.yield
    }) : () -> ()
    %mul3A_27 = arith.constant 640 : i32
    %mul3A_28 = arith.muli %arg1, %mul3A_27 : i32
    %add3A_29 = arith.constant 400 : i32
    %add3A_30 = arith.addi %mul3A_28, %add3A_29 : i32
    "tpu.region"() ({
      %run_scoped3A = tpu.sem_alloc : memref<!tpu.dma_semaphore, #tpu.memory_space<semaphore_mem>>
      %dma_start3A = arith.constant 0 : i32
      %dma_start3A_113 = tpu.memref_slice %arg13[%add3A_30, %dma_start3A] : memref<10240x128xf32, #tpu.memory_space<vmem_shared>> -> memref<80x128xf32, #tpu.memory_space<vmem_shared>>
      %dma_start3A_114 = arith.constant 0 : i32
      %dma_start3A_115 = tpu.memref_slice %arg13[%add3A_30, %dma_start3A_114] : memref<10240x128xf32, #tpu.memory_space<vmem_shared>> -> memref<80x128xf32, #tpu.memory_space<vmem_shared>>
      tpu.enqueue_dma source(%arg12 : memref<80x128xf32, #tpu.memory_space<vmem>>) target(%dma_start3A_115 : memref<80x128xf32, #tpu.memory_space<vmem_shared>>) target_semaphore(%run_scoped3A : memref<!tpu.dma_semaphore, #tpu.memory_space<semaphore_mem>>)
      %dma_wait3A = arith.constant 0 : i32
      %dma_wait3A_116 = tpu.memref_slice %arg13[%add3A_30, %dma_wait3A] : memref<10240x128xf32, #tpu.memory_space<vmem_shared>> -> memref<80x128xf32, #tpu.memory_space<vmem_shared>>
      %dma_wait3A_117 = arith.constant 0 : i32
      %dma_wait3A_118 = tpu.memref_slice %arg13[%add3A_30, %dma_wait3A_117] : memref<10240x128xf32, #tpu.memory_space<vmem_shared>> -> memref<80x128xf32, #tpu.memory_space<vmem_shared>>
      tpu.wait_dma2 semaphore(%run_scoped3A : memref<!tpu.dma_semaphore, #tpu.memory_space<semaphore_mem>>) src(%arg12 : memref<80x128xf32, #tpu.memory_space<vmem>>) dst(%dma_wait3A_118 : memref<80x128xf32, #tpu.memory_space<vmem_shared>>)
      tpu.yield
    }) : () -> ()
    %mul3A_31 = arith.constant 640 : i32
    %mul3A_32 = arith.muli %arg1, %mul3A_31 : i32
    %add3A_33 = arith.constant 480 : i32
    %add3A_34 = arith.addi %mul3A_32, %add3A_33 : i32
    "tpu.region"() ({
      %run_scoped3A = tpu.sem_alloc : memref<!tpu.dma_semaphore, #tpu.memory_space<semaphore_mem>>
      %dma_start3A = arith.constant 0 : i32
      %dma_start3A_113 = tpu.memref_slice %arg13[%add3A_34, %dma_start3A] : memref<10240x128xf32, #tpu.memory_space<vmem_shared>> -> memref<80x128xf32, #tpu.memory_space<vmem_shared>>
      %dma_start3A_114 = arith.constant 0 : i32
      %dma_start3A_115 = tpu.memref_slice %arg13[%add3A_34, %dma_start3A_114] : memref<10240x128xf32, #tpu.memory_space<vmem_shared>> -> memref<80x128xf32, #tpu.memory_space<vmem_shared>>
      tpu.enqueue_dma source(%arg12 : memref<80x128xf32, #tpu.memory_space<vmem>>) target(%dma_start3A_115 : memref<80x128xf32, #tpu.memory_space<vmem_shared>>) target_semaphore(%run_scoped3A : memref<!tpu.dma_semaphore, #tpu.memory_space<semaphore_mem>>)
      %dma_wait3A = arith.constant 0 : i32
      %dma_wait3A_116 = tpu.memref_slice %arg13[%add3A_34, %dma_wait3A] : memref<10240x128xf32, #tpu.memory_space<vmem_shared>> -> memref<80x128xf32, #tpu.memory_space<vmem_shared>>
      %dma_wait3A_117 = arith.constant 0 : i32
      %dma_wait3A_118 = tpu.memref_slice %arg13[%add3A_34, %dma_wait3A_117] : memref<10240x128xf32, #tpu.memory_space<vmem_shared>> -> memref<80x128xf32, #tpu.memory_space<vmem_shared>>
      tpu.wait_dma2 semaphore(%run_scoped3A : memref<!tpu.dma_semaphore, #tpu.memory_space<semaphore_mem>>) src(%arg12 : memref<80x128xf32, #tpu.memory_space<vmem>>) dst(%dma_wait3A_118 : memref<80x128xf32, #tpu.memory_space<vmem_shared>>)
      tpu.yield
    }) : () -> ()
    %mul3A_35 = arith.constant 640 : i32
    %mul3A_36 = arith.muli %arg1, %mul3A_35 : i32
    %add3A_37 = arith.constant 560 : i32
    %add3A_38 = arith.addi %mul3A_36, %add3A_37 : i32
    "tpu.region"() ({
      %run_scoped3A = tpu.sem_alloc : memref<!tpu.dma_semaphore, #tpu.memory_space<semaphore_mem>>
      %dma_start3A = arith.constant 0 : i32
      %dma_start3A_113 = tpu.memref_slice %arg13[%add3A_38, %dma_start3A] : memref<10240x128xf32, #tpu.memory_space<vmem_shared>> -> memref<80x128xf32, #tpu.memory_space<vmem_shared>>
      %dma_start3A_114 = arith.constant 0 : i32
      %dma_start3A_115 = tpu.memref_slice %arg13[%add3A_38, %dma_start3A_114] : memref<10240x128xf32, #tpu.memory_space<vmem_shared>> -> memref<80x128xf32, #tpu.memory_space<vmem_shared>>
      tpu.enqueue_dma source(%arg12 : memref<80x128xf32, #tpu.memory_space<vmem>>) target(%dma_start3A_115 : memref<80x128xf32, #tpu.memory_space<vmem_shared>>) target_semaphore(%run_scoped3A : memref<!tpu.dma_semaphore, #tpu.memory_space<semaphore_mem>>)
      %dma_wait3A = arith.constant 0 : i32
      %dma_wait3A_116 = tpu.memref_slice %arg13[%add3A_38, %dma_wait3A] : memref<10240x128xf32, #tpu.memory_space<vmem_shared>> -> memref<80x128xf32, #tpu.memory_space<vmem_shared>>
      %dma_wait3A_117 = arith.constant 0 : i32
      %dma_wait3A_118 = tpu.memref_slice %arg13[%add3A_38, %dma_wait3A_117] : memref<10240x128xf32, #tpu.memory_space<vmem_shared>> -> memref<80x128xf32, #tpu.memory_space<vmem_shared>>
      tpu.wait_dma2 semaphore(%run_scoped3A : memref<!tpu.dma_semaphore, #tpu.memory_space<semaphore_mem>>) src(%arg12 : memref<80x128xf32, #tpu.memory_space<vmem>>) dst(%dma_wait3A_118 : memref<80x128xf32, #tpu.memory_space<vmem_shared>>)
      tpu.yield
    }) : () -> ()
    %barrier3A = arith.constant 0 : index
    tpu.barrier barrier_id(%barrier3A)
    %mul3A_39 = arith.constant 10000 : i32
    %mul3A_40 = arith.muli %add3A, %mul3A_39 : i32
    %scan3A_41 = arith.constant 0 : i32
    %scan3A_42 = arith.constant 0 : i32
    %scan3A_43 = arith.constant 125 : i32
    %scan3A_44 = arith.addi %scan3A_42, %scan3A_43 : i32
    %scan3A_45 = arith.constant 1 : i32
    %scan3A_46 = scf.for %scan3A_113 = %scan3A_42 to %scan3A_44 step %scan3A_45 iter_args(%scan3A_114 = %scan3A_41) -> (i32)  : i32 {
      %mul3A_115 = arith.constant 80 : i32
      %mul3A_116 = arith.muli %scan3A_113, %mul3A_115 : i32
      %add3A_117 = arith.addi %mul3A_40, %mul3A_116 : i32
      "tpu.region"() ({
        %run_scoped3A = tpu.sem_alloc : memref<!tpu.dma_semaphore, #tpu.memory_space<semaphore_mem>>
        %dma_start3A_125 = tpu.memref_slice %arg3[%add3A_117] : memref<320000xi32, #tpu.memory_space<hbm>> -> memref<80xi32, #tpu.memory_space<hbm>>
        %dma_start3A_126 = tpu.memref_slice %arg3[%add3A_117] : memref<320000xi32, #tpu.memory_space<hbm>> -> memref<80xi32, #tpu.memory_space<hbm>>
        tpu.enqueue_dma source(%dma_start3A_126 : memref<80xi32, #tpu.memory_space<hbm>>) target(%arg8 : memref<80xi32, #tpu.memory_space<vmem>>) target_semaphore(%run_scoped3A : memref<!tpu.dma_semaphore, #tpu.memory_space<semaphore_mem>>)
        %dma_wait3A_127 = tpu.memref_slice %arg3[%add3A_117] : memref<320000xi32, #tpu.memory_space<hbm>> -> memref<80xi32, #tpu.memory_space<hbm>>
        %dma_wait3A_128 = tpu.memref_slice %arg3[%add3A_117] : memref<320000xi32, #tpu.memory_space<hbm>> -> memref<80xi32, #tpu.memory_space<hbm>>
        tpu.wait_dma2 semaphore(%run_scoped3A : memref<!tpu.dma_semaphore, #tpu.memory_space<semaphore_mem>>) src(%dma_wait3A_128 : memref<80xi32, #tpu.memory_space<hbm>>) dst(%arg8 : memref<80xi32, #tpu.memory_space<vmem>>)
        tpu.yield
      }) : () -> ()
      "tpu.region"() ({
        %run_scoped3A = tpu.sem_alloc : memref<!tpu.dma_semaphore, #tpu.memory_space<semaphore_mem>>
        %dma_start3A_125 = tpu.memref_slice %arg4[%add3A_117] : memref<320000xi32, #tpu.memory_space<hbm>> -> memref<80xi32, #tpu.memory_space<hbm>>
        %dma_start3A_126 = tpu.memref_slice %arg4[%add3A_117] : memref<320000xi32, #tpu.memory_space<hbm>> -> memref<80xi32, #tpu.memory_space<hbm>>
        tpu.enqueue_dma source(%dma_start3A_126 : memref<80xi32, #tpu.memory_space<hbm>>) target(%arg9 : memref<80xi32, #tpu.memory_space<vmem>>) target_semaphore(%run_scoped3A : memref<!tpu.dma_semaphore, #tpu.memory_space<semaphore_mem>>)
        %dma_wait3A_127 = tpu.memref_slice %arg4[%add3A_117] : memref<320000xi32, #tpu.memory_space<hbm>> -> memref<80xi32, #tpu.memory_space<hbm>>
        %dma_wait3A_128 = tpu.memref_slice %arg4[%add3A_117] : memref<320000xi32, #tpu.memory_space<hbm>> -> memref<80xi32, #tpu.memory_space<hbm>>
        tpu.wait_dma2 semaphore(%run_scoped3A : memref<!tpu.dma_semaphore, #tpu.memory_space<semaphore_mem>>) src(%dma_wait3A_128 : memref<80xi32, #tpu.memory_space<hbm>>) dst(%arg9 : memref<80xi32, #tpu.memory_space<vmem>>)
        tpu.yield
      }) : () -> ()
      "tpu.region"() ({
        %run_scoped3A = tpu.sem_alloc : memref<!tpu.dma_semaphore, #tpu.memory_space<semaphore_mem>>
        %dma_start3A_125 = arith.constant 0 : i32
        %dma_start3A_126 = tpu.memref_slice %arg11[%dma_start3A_125] : memref<96xf32, #tpu.memory_space<vmem>> -> memref<80xf32, #tpu.memory_space<vmem>>
        %dma_start3A_127 = tpu.memref_slice %arg6[%add3A_117] : memref<320000xf32, #tpu.memory_space<hbm>> -> memref<80xf32, #tpu.memory_space<hbm>>
        %dma_start3A_128 = arith.constant 0 : i32
        %dma_start3A_129 = tpu.memref_slice %arg11[%dma_start3A_128] : memref<96xf32, #tpu.memory_space<vmem>> -> memref<80xf32, #tpu.memory_space<vmem>>
        %dma_start3A_130 = tpu.memref_slice %arg6[%add3A_117] : memref<320000xf32, #tpu.memory_space<hbm>> -> memref<80xf32, #tpu.memory_space<hbm>>
        tpu.enqueue_dma source(%dma_start3A_130 : memref<80xf32, #tpu.memory_space<hbm>>) target(%dma_start3A_129 : memref<80xf32, #tpu.memory_space<vmem>>) target_semaphore(%run_scoped3A : memref<!tpu.dma_semaphore, #tpu.memory_space<semaphore_mem>>)
        %dma_wait3A_131 = arith.constant 0 : i32
        %dma_wait3A_132 = tpu.memref_slice %arg11[%dma_wait3A_131] : memref<96xf32, #tpu.memory_space<vmem>> -> memref<80xf32, #tpu.memory_space<vmem>>
        %dma_wait3A_133 = tpu.memref_slice %arg6[%add3A_117] : memref<320000xf32, #tpu.memory_space<hbm>> -> memref<80xf32, #tpu.memory_space<hbm>>
        %dma_wait3A_134 = arith.constant 0 : i32
        %dma_wait3A_135 = tpu.memref_slice %arg11[%dma_wait3A_134] : memref<96xf32, #tpu.memory_space<vmem>> -> memref<80xf32, #tpu.memory_space<vmem>>
        %dma_wait3A_136 = tpu.memref_slice %arg6[%add3A_117] : memref<320000xf32, #tpu.memory_space<hbm>> -> memref<80xf32, #tpu.memory_space<hbm>>
        tpu.wait_dma2 semaphore(%run_scoped3A : memref<!tpu.dma_semaphore, #tpu.memory_space<semaphore_mem>>) src(%dma_wait3A_136 : memref<80xf32, #tpu.memory_space<hbm>>) dst(%dma_wait3A_135 : memref<80xf32, #tpu.memory_space<vmem>>)
        tpu.yield
      }) : () -> ()
      "tpu.region"() ({
        %run_scoped3A = tpu.sem_alloc : memref<!tpu.dma_semaphore, #tpu.memory_space<semaphore_mem>>
        %dma_start3A_125 = arith.constant 0 : i32
        %dma_start3A_126 = tpu.memref_slice %arg10[%dma_start3A_125] : memref<96xi32, #tpu.memory_space<vmem>> -> memref<80xi32, #tpu.memory_space<vmem>>
        %dma_start3A_127 = tpu.memref_slice %arg5[%add3A_117] : memref<320000xi32, #tpu.memory_space<hbm>> -> memref<80xi32, #tpu.memory_space<hbm>>
        %dma_start3A_128 = arith.constant 0 : i32
        %dma_start3A_129 = tpu.memref_slice %arg10[%dma_start3A_128] : memref<96xi32, #tpu.memory_space<vmem>> -> memref<80xi32, #tpu.memory_space<vmem>>
        %dma_start3A_130 = tpu.memref_slice %arg5[%add3A_117] : memref<320000xi32, #tpu.memory_space<hbm>> -> memref<80xi32, #tpu.memory_space<hbm>>
        tpu.enqueue_dma source(%dma_start3A_130 : memref<80xi32, #tpu.memory_space<hbm>>) target(%dma_start3A_129 : memref<80xi32, #tpu.memory_space<vmem>>) target_semaphore(%run_scoped3A : memref<!tpu.dma_semaphore, #tpu.memory_space<semaphore_mem>>)
        %dma_wait3A_131 = arith.constant 0 : i32
        %dma_wait3A_132 = tpu.memref_slice %arg10[%dma_wait3A_131] : memref<96xi32, #tpu.memory_space<vmem>> -> memref<80xi32, #tpu.memory_space<vmem>>
        %dma_wait3A_133 = tpu.memref_slice %arg5[%add3A_117] : memref<320000xi32, #tpu.memory_space<hbm>> -> memref<80xi32, #tpu.memory_space<hbm>>
        %dma_wait3A_134 = arith.constant 0 : i32
        %dma_wait3A_135 = tpu.memref_slice %arg10[%dma_wait3A_134] : memref<96xi32, #tpu.memory_space<vmem>> -> memref<80xi32, #tpu.memory_space<vmem>>
        %dma_wait3A_136 = tpu.memref_slice %arg5[%add3A_117] : memref<320000xi32, #tpu.memory_space<hbm>> -> memref<80xi32, #tpu.memory_space<hbm>>
        tpu.wait_dma2 semaphore(%run_scoped3A : memref<!tpu.dma_semaphore, #tpu.memory_space<semaphore_mem>>) src(%dma_wait3A_136 : memref<80xi32, #tpu.memory_space<hbm>>) dst(%dma_wait3A_135 : memref<80xi32, #tpu.memory_space<vmem>>)
        tpu.yield
      }) : () -> ()
      %dma_start3A = arith.constant 0 : i32
      %dma_start3A_118 = arith.constant 0 : i32
      %dma_start3A_119 = tpu.memref_slice %arg2[%dma_start3A, %dma_start3A_118] : memref<10000x128xf32, #tpu.memory_space<hbm>> -> memref<10000x128xf32, #tpu.memory_space<hbm>>
      tpu.enqueue_indirect_dma source(%dma_start3A_119 : memref<10000x128xf32, #tpu.memory_space<hbm>>) target(%arg12 : memref<80x128xf32, #tpu.memory_space<vmem>>) offsets(%arg8 : memref<80xi32, #tpu.memory_space<vmem>>) semaphore(%arg14 : memref<!tpu.dma_semaphore, #tpu.memory_space<semaphore_mem>>)
      %dma_wait3A = arith.constant 0 : i32
      %dma_wait3A_120 = arith.constant 0 : i32
      %dma_wait3A_121 = tpu.memref_slice %arg2[%dma_wait3A, %dma_wait3A_120] : memref<10000x128xf32, #tpu.memory_space<hbm>> -> memref<10000x128xf32, #tpu.memory_space<hbm>>
      tpu.wait_indirect_dma semaphore(%arg14 : memref<!tpu.dma_semaphore, #tpu.memory_space<semaphore_mem>>) src(%dma_wait3A_121 : memref<10000x128xf32, #tpu.memory_space<hbm>>) dst(%arg12 : memref<80x128xf32, #tpu.memory_space<vmem>>)
      %parallel_loop3A = arith.constant 0 : i32
      %parallel_loop3A_122 = arith.constant 80 : i32
      %parallel_loop3A_123 = arith.constant 1 : i32
      scf.for %parallel_loop3A_125 = %parallel_loop3A to %parallel_loop3A_122 step %parallel_loop3A_123  : i32 {
        %parallel_loop3A_126 = arith.index_cast %parallel_loop3A_125 : i32 to index
        %parallel_loop3A_127 = tpu.vector_load %arg11[%parallel_loop3A_126] {strides = array<i32>} : memref<96xf32, #tpu.memory_space<vmem>>, vector<16xf32>,
        %parallel_loop3A_128 = vector.shape_cast %parallel_loop3A_127 : vector<16xf32> to vector<16xf32>
        %parallel_loop3A_129 = vector.extract_strided_slice %parallel_loop3A_128 {offsets = [0], sizes = [1], strides = [1]} : vector<16xf32> to vector<1xf32>
        %parallel_loop3A_130 = vector.extract %parallel_loop3A_129[0] : f32 from vector<1xf32>
        %parallel_loop3A_131 = arith.index_cast %parallel_loop3A_125 : i32 to index
        %parallel_loop3A_132 = tpu.vector_load %arg10[%parallel_loop3A_131] {strides = array<i32>} : memref<96xi32, #tpu.memory_space<vmem>>, vector<16xi32>,
        %parallel_loop3A_133 = vector.shape_cast %parallel_loop3A_132 : vector<16xi32> to vector<16xi32>
        %parallel_loop3A_134 = vector.extract_strided_slice %parallel_loop3A_133 {offsets = [0], sizes = [1], strides = [1]} : vector<16xi32> to vector<1xi32>
        %parallel_loop3A_135 = vector.extract %parallel_loop3A_134[0] : i32 from vector<1xi32>
        %parallel_loop3A_136 = arith.constant 0 : i32
        %parallel_loop3A_137 = arith.cmpi eq, %parallel_loop3A_135, %parallel_loop3A_136 : i32
        %parallel_loop3A_138 = arith.constant 0.000000e+00 : f32
        %parallel_loop3A_139 = arith.select %parallel_loop3A_137, %parallel_loop3A_130, %parallel_loop3A_138 : f32
        %parallel_loop3A_140 = arith.index_cast %parallel_loop3A_125 : i32 to index
        %parallel_loop3A_141 = arith.constant 0 : index
        %parallel_loop3A_142 = tpu.vector_load %arg12[%parallel_loop3A_140, %parallel_loop3A_141] {strides = array<i32>} : memref<80x128xf32, #tpu.memory_space<vmem>>, vector<1x16xf32>,
        %parallel_loop3A_143 = vector.shape_cast %parallel_loop3A_142 : vector<1x16xf32> to vector<16xf32>
        %parallel_loop3A_144 = vector.broadcast %parallel_loop3A_139 : f32 to vector<16xf32>
        %parallel_loop3A_145 = arith.mulf %parallel_loop3A_143, %parallel_loop3A_144 : vector<16xf32>
        %parallel_loop3A_146 = arith.index_cast %parallel_loop3A_125 : i32 to index
        %parallel_loop3A_147 = arith.constant 0 : index
        %parallel_loop3A_148 = tpu.vector_load %arg12[%parallel_loop3A_146, %parallel_loop3A_147] {strides = array<i32>} : memref<80x128xf32, #tpu.memory_space<vmem>>, vector<1x16xf32>,
        %parallel_loop3A_149 = vector.shape_cast %parallel_loop3A_148 : vector<1x16xf32> to vector<16xf32>
        %parallel_loop3A_150 = vector.shape_cast %parallel_loop3A_145 : vector<16xf32> to vector<1x16xf32>
        tpu.vector_store %arg12[%parallel_loop3A_146, %parallel_loop3A_147], %parallel_loop3A_150 {strides = array<i32>} : memref<80x128xf32, #tpu.memory_space<vmem>>, vector<1x16xf32>,
        %parallel_loop3A_151 = arith.constant 1 : i32
        %parallel_loop3A_152 = arith.cmpi eq, %parallel_loop3A_135, %parallel_loop3A_151 : i32
        %parallel_loop3A_153 = arith.constant 0.000000e+00 : f32
        %parallel_loop3A_154 = arith.select %parallel_loop3A_152, %parallel_loop3A_130, %parallel_loop3A_153 : f32
        %parallel_loop3A_155 = arith.index_cast %parallel_loop3A_125 : i32 to index
        %parallel_loop3A_156 = arith.constant 16 : index
        %parallel_loop3A_157 = tpu.vector_load %arg12[%parallel_loop3A_155, %parallel_loop3A_156] {strides = array<i32>} : memref<80x128xf32, #tpu.memory_space<vmem>>, vector<1x16xf32>,
        %parallel_loop3A_158 = vector.shape_cast %parallel_loop3A_157 : vector<1x16xf32> to vector<16xf32>
        %parallel_loop3A_159 = vector.broadcast %parallel_loop3A_154 : f32 to vector<16xf32>
        %parallel_loop3A_160 = arith.mulf %parallel_loop3A_158, %parallel_loop3A_159 : vector<16xf32>
        %parallel_loop3A_161 = arith.index_cast %parallel_loop3A_125 : i32 to index
        %parallel_loop3A_162 = arith.constant 16 : index
        %parallel_loop3A_163 = tpu.vector_load %arg12[%parallel_loop3A_161, %parallel_loop3A_162] {strides = array<i32>} : memref<80x128xf32, #tpu.memory_space<vmem>>, vector<1x16xf32>,
        %parallel_loop3A_164 = vector.shape_cast %parallel_loop3A_163 : vector<1x16xf32> to vector<16xf32>
        %parallel_loop3A_165 = vector.shape_cast %parallel_loop3A_160 : vector<16xf32> to vector<1x16xf32>
        tpu.vector_store %arg12[%parallel_loop3A_161, %parallel_loop3A_162], %parallel_loop3A_165 {strides = array<i32>} : memref<80x128xf32, #tpu.memory_space<vmem>>, vector<1x16xf32>,
        %parallel_loop3A_166 = arith.constant 2 : i32
        %parallel_loop3A_167 = arith.cmpi eq, %parallel_loop3A_135, %parallel_loop3A_166 : i32
        %parallel_loop3A_168 = arith.constant 0.000000e+00 : f32
        %parallel_loop3A_169 = arith.select %parallel_loop3A_167, %parallel_loop3A_130, %parallel_loop3A_168 : f32
        %parallel_loop3A_170 = arith.index_cast %parallel_loop3A_125 : i32 to index
        %parallel_loop3A_171 = arith.constant 32 : index
        %parallel_loop3A_172 = tpu.vector_load %arg12[%parallel_loop3A_170, %parallel_loop3A_171] {strides = array<i32>} : memref<80x128xf32, #tpu.memory_space<vmem>>, vector<1x16xf32>,
        %parallel_loop3A_173 = vector.shape_cast %parallel_loop3A_172 : vector<1x16xf32> to vector<16xf32>
        %parallel_loop3A_174 = vector.broadcast %parallel_loop3A_169 : f32 to vector<16xf32>
        %parallel_loop3A_175 = arith.mulf %parallel_loop3A_173, %parallel_loop3A_174 : vector<16xf32>
        %parallel_loop3A_176 = arith.index_cast %parallel_loop3A_125 : i32 to index
        %parallel_loop3A_177 = arith.constant 32 : index
        %parallel_loop3A_178 = tpu.vector_load %arg12[%parallel_loop3A_176, %parallel_loop3A_177] {strides = array<i32>} : memref<80x128xf32, #tpu.memory_space<vmem>>, vector<1x16xf32>,
        %parallel_loop3A_179 = vector.shape_cast %parallel_loop3A_178 : vector<1x16xf32> to vector<16xf32>
        %parallel_loop3A_180 = vector.shape_cast %parallel_loop3A_175 : vector<16xf32> to vector<1x16xf32>
        tpu.vector_store %arg12[%parallel_loop3A_176, %parallel_loop3A_177], %parallel_loop3A_180 {strides = array<i32>} : memref<80x128xf32, #tpu.memory_space<vmem>>, vector<1x16xf32>,
        %parallel_loop3A_181 = arith.constant 3 : i32
        %parallel_loop3A_182 = arith.cmpi eq, %parallel_loop3A_135, %parallel_loop3A_181 : i32
        %parallel_loop3A_183 = arith.constant 0.000000e+00 : f32
        %parallel_loop3A_184 = arith.select %parallel_loop3A_182, %parallel_loop3A_130, %parallel_loop3A_183 : f32
        %parallel_loop3A_185 = arith.index_cast %parallel_loop3A_125 : i32 to index
        %parallel_loop3A_186 = arith.constant 48 : index
        %parallel_loop3A_187 = tpu.vector_load %arg12[%parallel_loop3A_185, %parallel_loop3A_186] {strides = array<i32>} : memref<80x128xf32, #tpu.memory_space<vmem>>, vector<1x16xf32>,
        %parallel_loop3A_188 = vector.shape_cast %parallel_loop3A_187 : vector<1x16xf32> to vector<16xf32>
        %parallel_loop3A_189 = vector.broadcast %parallel_loop3A_184 : f32 to vector<16xf32>
        %parallel_loop3A_190 = arith.mulf %parallel_loop3A_188, %parallel_loop3A_189 : vector<16xf32>
        %parallel_loop3A_191 = arith.index_cast %parallel_loop3A_125 : i32 to index
        %parallel_loop3A_192 = arith.constant 48 : index
        %parallel_loop3A_193 = tpu.vector_load %arg12[%parallel_loop3A_191, %parallel_loop3A_192] {strides = array<i32>} : memref<80x128xf32, #tpu.memory_space<vmem>>, vector<1x16xf32>,
        %parallel_loop3A_194 = vector.shape_cast %parallel_loop3A_193 : vector<1x16xf32> to vector<16xf32>
        %parallel_loop3A_195 = vector.shape_cast %parallel_loop3A_190 : vector<16xf32> to vector<1x16xf32>
        tpu.vector_store %arg12[%parallel_loop3A_191, %parallel_loop3A_192], %parallel_loop3A_195 {strides = array<i32>} : memref<80x128xf32, #tpu.memory_space<vmem>>, vector<1x16xf32>,
        %parallel_loop3A_196 = arith.constant 4 : i32
        %parallel_loop3A_197 = arith.cmpi eq, %parallel_loop3A_135, %parallel_loop3A_196 : i32
        %parallel_loop3A_198 = arith.constant 0.000000e+00 : f32
        %parallel_loop3A_199 = arith.select %parallel_loop3A_197, %parallel_loop3A_130, %parallel_loop3A_198 : f32
        %parallel_loop3A_200 = arith.index_cast %parallel_loop3A_125 : i32 to index
        %parallel_loop3A_201 = arith.constant 64 : index
        %parallel_loop3A_202 = tpu.vector_load %arg12[%parallel_loop3A_200, %parallel_loop3A_201] {strides = array<i32>} : memref<80x128xf32, #tpu.memory_space<vmem>>, vector<1x16xf32>,
        %parallel_loop3A_203 = vector.shape_cast %parallel_loop3A_202 : vector<1x16xf32> to vector<16xf32>
        %parallel_loop3A_204 = vector.broadcast %parallel_loop3A_199 : f32 to vector<16xf32>
        %parallel_loop3A_205 = arith.mulf %parallel_loop3A_203, %parallel_loop3A_204 : vector<16xf32>
        %parallel_loop3A_206 = arith.index_cast %parallel_loop3A_125 : i32 to index
        %parallel_loop3A_207 = arith.constant 64 : index
        %parallel_loop3A_208 = tpu.vector_load %arg12[%parallel_loop3A_206, %parallel_loop3A_207] {strides = array<i32>} : memref<80x128xf32, #tpu.memory_space<vmem>>, vector<1x16xf32>,
        %parallel_loop3A_209 = vector.shape_cast %parallel_loop3A_208 : vector<1x16xf32> to vector<16xf32>
        %parallel_loop3A_210 = vector.shape_cast %parallel_loop3A_205 : vector<16xf32> to vector<1x16xf32>
        tpu.vector_store %arg12[%parallel_loop3A_206, %parallel_loop3A_207], %parallel_loop3A_210 {strides = array<i32>} : memref<80x128xf32, #tpu.memory_space<vmem>>, vector<1x16xf32>,
        %parallel_loop3A_211 = arith.constant 5 : i32
        %parallel_loop3A_212 = arith.cmpi eq, %parallel_loop3A_135, %parallel_loop3A_211 : i32
        %parallel_loop3A_213 = arith.constant 0.000000e+00 : f32
        %parallel_loop3A_214 = arith.select %parallel_loop3A_212, %parallel_loop3A_130, %parallel_loop3A_213 : f32
        %parallel_loop3A_215 = arith.index_cast %parallel_loop3A_125 : i32 to index
        %parallel_loop3A_216 = arith.constant 80 : index
        %parallel_loop3A_217 = tpu.vector_load %arg12[%parallel_loop3A_215, %parallel_loop3A_216] {strides = array<i32>} : memref<80x128xf32, #tpu.memory_space<vmem>>, vector<1x16xf32>,
        %parallel_loop3A_218 = vector.shape_cast %parallel_loop3A_217 : vector<1x16xf32> to vector<16xf32>
        %parallel_loop3A_219 = vector.broadcast %parallel_loop3A_214 : f32 to vector<16xf32>
        %parallel_loop3A_220 = arith.mulf %parallel_loop3A_218, %parallel_loop3A_219 : vector<16xf32>
        %parallel_loop3A_221 = arith.index_cast %parallel_loop3A_125 : i32 to index
        %parallel_loop3A_222 = arith.constant 80 : index
        %parallel_loop3A_223 = tpu.vector_load %arg12[%parallel_loop3A_221, %parallel_loop3A_222] {strides = array<i32>} : memref<80x128xf32, #tpu.memory_space<vmem>>, vector<1x16xf32>,
        %parallel_loop3A_224 = vector.shape_cast %parallel_loop3A_223 : vector<1x16xf32> to vector<16xf32>
        %parallel_loop3A_225 = vector.shape_cast %parallel_loop3A_220 : vector<16xf32> to vector<1x16xf32>
        tpu.vector_store %arg12[%parallel_loop3A_221, %parallel_loop3A_222], %parallel_loop3A_225 {strides = array<i32>} : memref<80x128xf32, #tpu.memory_space<vmem>>, vector<1x16xf32>,
        %parallel_loop3A_226 = arith.constant 6 : i32
        %parallel_loop3A_227 = arith.cmpi eq, %parallel_loop3A_135, %parallel_loop3A_226 : i32
        %parallel_loop3A_228 = arith.constant 0.000000e+00 : f32
        %parallel_loop3A_229 = arith.select %parallel_loop3A_227, %parallel_loop3A_130, %parallel_loop3A_228 : f32
        %parallel_loop3A_230 = arith.index_cast %parallel_loop3A_125 : i32 to index
        %parallel_loop3A_231 = arith.constant 96 : index
        %parallel_loop3A_232 = tpu.vector_load %arg12[%parallel_loop3A_230, %parallel_loop3A_231] {strides = array<i32>} : memref<80x128xf32, #tpu.memory_space<vmem>>, vector<1x16xf32>,
        %parallel_loop3A_233 = vector.shape_cast %parallel_loop3A_232 : vector<1x16xf32> to vector<16xf32>
        %parallel_loop3A_234 = vector.broadcast %parallel_loop3A_229 : f32 to vector<16xf32>
        %parallel_loop3A_235 = arith.mulf %parallel_loop3A_233, %parallel_loop3A_234 : vector<16xf32>
        %parallel_loop3A_236 = arith.index_cast %parallel_loop3A_125 : i32 to index
        %parallel_loop3A_237 = arith.constant 96 : index
        %parallel_loop3A_238 = tpu.vector_load %arg12[%parallel_loop3A_236, %parallel_loop3A_237] {strides = array<i32>} : memref<80x128xf32, #tpu.memory_space<vmem>>, vector<1x16xf32>,
        %parallel_loop3A_239 = vector.shape_cast %parallel_loop3A_238 : vector<1x16xf32> to vector<16xf32>
        %parallel_loop3A_240 = vector.shape_cast %parallel_loop3A_235 : vector<16xf32> to vector<1x16xf32>
        tpu.vector_store %arg12[%parallel_loop3A_236, %parallel_loop3A_237], %parallel_loop3A_240 {strides = array<i32>} : memref<80x128xf32, #tpu.memory_space<vmem>>, vector<1x16xf32>,
        %parallel_loop3A_241 = arith.constant 7 : i32
        %parallel_loop3A_242 = arith.cmpi eq, %parallel_loop3A_135, %parallel_loop3A_241 : i32
        %parallel_loop3A_243 = arith.constant 0.000000e+00 : f32
        %parallel_loop3A_244 = arith.select %parallel_loop3A_242, %parallel_loop3A_130, %parallel_loop3A_243 : f32
        %parallel_loop3A_245 = arith.index_cast %parallel_loop3A_125 : i32 to index
        %parallel_loop3A_246 = arith.constant 112 : index
        %parallel_loop3A_247 = tpu.vector_load %arg12[%parallel_loop3A_245, %parallel_loop3A_246] {strides = array<i32>} : memref<80x128xf32, #tpu.memory_space<vmem>>, vector<1x16xf32>,
        %parallel_loop3A_248 = vector.shape_cast %parallel_loop3A_247 : vector<1x16xf32> to vector<16xf32>
        %parallel_loop3A_249 = vector.broadcast %parallel_loop3A_244 : f32 to vector<16xf32>
        %parallel_loop3A_250 = arith.mulf %parallel_loop3A_248, %parallel_loop3A_249 : vector<16xf32>
        %parallel_loop3A_251 = arith.index_cast %parallel_loop3A_125 : i32 to index
        %parallel_loop3A_252 = arith.constant 112 : index
        %parallel_loop3A_253 = tpu.vector_load %arg12[%parallel_loop3A_251, %parallel_loop3A_252] {strides = array<i32>} : memref<80x128xf32, #tpu.memory_space<vmem>>, vector<1x16xf32>,
        %parallel_loop3A_254 = vector.shape_cast %parallel_loop3A_253 : vector<1x16xf32> to vector<16xf32>
        %parallel_loop3A_255 = vector.shape_cast %parallel_loop3A_250 : vector<16xf32> to vector<1x16xf32>
        tpu.vector_store %arg12[%parallel_loop3A_251, %parallel_loop3A_252], %parallel_loop3A_255 {strides = array<i32>} : memref<80x128xf32, #tpu.memory_space<vmem>>, vector<1x16xf32>,
      } {sc.loop_unroll_factor = 8 : i64, sc.parallel_access}
      "tpu.region"() ({
        %run_scoped3A = tpu.sem_alloc : memref<!tpu.dma_semaphore, #tpu.memory_space<semaphore_mem>>
        %dma_start3A_125 = arith.constant 0 : i32
        %dma_start3A_126 = arith.constant 0 : i32
        %dma_start3A_127 = tpu.memref_slice %arg13[%dma_start3A_125, %dma_start3A_126] : memref<10240x128xf32, #tpu.memory_space<vmem_shared>> -> memref<10240x128xf32, #tpu.memory_space<vmem_shared>>
        tpu.enqueue_indirect_dma source(%arg12 : memref<80x128xf32, #tpu.memory_space<vmem>>) target(%dma_start3A_127 : memref<10240x128xf32, #tpu.memory_space<vmem_shared>>) offsets(%arg9 : memref<80xi32, #tpu.memory_space<vmem>>) semaphore(%run_scoped3A : memref<!tpu.dma_semaphore, #tpu.memory_space<semaphore_mem>>) {add = true}
        %dma_wait3A_128 = arith.constant 0 : i32
        %dma_wait3A_129 = arith.constant 0 : i32
        %dma_wait3A_130 = tpu.memref_slice %arg13[%dma_wait3A_128, %dma_wait3A_129] : memref<10240x128xf32, #tpu.memory_space<vmem_shared>> -> memref<10240x128xf32, #tpu.memory_space<vmem_shared>>
        tpu.wait_indirect_dma semaphore(%run_scoped3A : memref<!tpu.dma_semaphore, #tpu.memory_space<semaphore_mem>>) src(%arg12 : memref<80x128xf32, #tpu.memory_space<vmem>>) dst(%dma_wait3A_130 : memref<10240x128xf32, #tpu.memory_space<vmem_shared>>)
        tpu.yield
      }) : () -> ()
      %scan3A_124 = arith.constant 0 : i32
      scf.yield %scan3A_124 : i32
    }
    %scan3A_47 = arith.constant 125 : i32
    %barrier3A_48 = arith.constant 0 : index
    tpu.barrier barrier_id(%barrier3A_48)
    %mul3A_49 = arith.constant 640 : i32
    %mul3A_50 = arith.muli %arg1, %mul3A_49 : i32
    %add3A_51 = arith.constant 0 : i32
    %add3A_52 = arith.addi %mul3A_50, %add3A_51 : i32
    %mul3A_53 = arith.constant 640 : i32
    %mul3A_54 = arith.muli %arg1, %mul3A_53 : i32
    %add3A_55 = arith.constant 0 : i32
    %add3A_56 = arith.addi %mul3A_54, %add3A_55 : i32
    "tpu.region"() ({
      %run_scoped3A = tpu.sem_alloc : memref<!tpu.dma_semaphore, #tpu.memory_space<semaphore_mem>>
      %dma_start3A = arith.constant 0 : i32
      %dma_start3A_113 = tpu.memref_slice %arg7[%arg0, %add3A_56, %dma_start3A] : memref<2x10240x128xf32, #tpu.memory_space<hbm>> -> memref<1x80x128xf32, #tpu.memory_space<hbm>>
      %dma_start3A_114 = tpu.memref_squeeze %dma_start3A_113 : memref<1x80x128xf32, #tpu.memory_space<hbm>> -> memref<80x128xf32, #tpu.memory_space<hbm>>
      %dma_start3A_115 = arith.constant 0 : i32
      %dma_start3A_116 = tpu.memref_slice %arg13[%add3A_52, %dma_start3A_115] : memref<10240x128xf32, #tpu.memory_space<vmem_shared>> -> memref<80x128xf32, #tpu.memory_space<vmem_shared>>
      tpu.enqueue_dma source(%dma_start3A_116 : memref<80x128xf32, #tpu.memory_space<vmem_shared>>) target(%dma_start3A_114 : memref<80x128xf32, #tpu.memory_space<hbm>>) target_semaphore(%run_scoped3A : memref<!tpu.dma_semaphore, #tpu.memory_space<semaphore_mem>>)
      %dma_wait3A = arith.constant 0 : i32
      %dma_wait3A_117 = tpu.memref_slice %arg7[%arg0, %add3A_56, %dma_wait3A] : memref<2x10240x128xf32, #tpu.memory_space<hbm>> -> memref<1x80x128xf32, #tpu.memory_space<hbm>>
      %dma_wait3A_118 = tpu.memref_squeeze %dma_wait3A_117 : memref<1x80x128xf32, #tpu.memory_space<hbm>> -> memref<80x128xf32, #tpu.memory_space<hbm>>
      %dma_wait3A_119 = arith.constant 0 : i32
      %dma_wait3A_120 = tpu.memref_slice %arg13[%add3A_52, %dma_wait3A_119] : memref<10240x128xf32, #tpu.memory_space<vmem_shared>> -> memref<80x128xf32, #tpu.memory_space<vmem_shared>>
      tpu.wait_dma2 semaphore(%run_scoped3A : memref<!tpu.dma_semaphore, #tpu.memory_space<semaphore_mem>>) src(%dma_wait3A_120 : memref<80x128xf32, #tpu.memory_space<vmem_shared>>) dst(%dma_wait3A_118 : memref<80x128xf32, #tpu.memory_space<hbm>>)
      tpu.yield
    }) : () -> ()
    %mul3A_57 = arith.constant 640 : i32
    %mul3A_58 = arith.muli %arg1, %mul3A_57 : i32
    %add3A_59 = arith.constant 80 : i32
    %add3A_60 = arith.addi %mul3A_58, %add3A_59 : i32
    %mul3A_61 = arith.constant 640 : i32
    %mul3A_62 = arith.muli %arg1, %mul3A_61 : i32
    %add3A_63 = arith.constant 80 : i32
    %add3A_64 = arith.addi %mul3A_62, %add3A_63 : i32
    "tpu.region"() ({
      %run_scoped3A = tpu.sem_alloc : memref<!tpu.dma_semaphore, #tpu.memory_space<semaphore_mem>>
      %dma_start3A = arith.constant 0 : i32
      %dma_start3A_113 = tpu.memref_slice %arg7[%arg0, %add3A_64, %dma_start3A] : memref<2x10240x128xf32, #tpu.memory_space<hbm>> -> memref<1x80x128xf32, #tpu.memory_space<hbm>>
      %dma_start3A_114 = tpu.memref_squeeze %dma_start3A_113 : memref<1x80x128xf32, #tpu.memory_space<hbm>> -> memref<80x128xf32, #tpu.memory_space<hbm>>
      %dma_start3A_115 = arith.constant 0 : i32
      %dma_start3A_116 = tpu.memref_slice %arg13[%add3A_60, %dma_start3A_115] : memref<10240x128xf32, #tpu.memory_space<vmem_shared>> -> memref<80x128xf32, #tpu.memory_space<vmem_shared>>
      tpu.enqueue_dma source(%dma_start3A_116 : memref<80x128xf32, #tpu.memory_space<vmem_shared>>) target(%dma_start3A_114 : memref<80x128xf32, #tpu.memory_space<hbm>>) target_semaphore(%run_scoped3A : memref<!tpu.dma_semaphore, #tpu.memory_space<semaphore_mem>>)
      %dma_wait3A = arith.constant 0 : i32
      %dma_wait3A_117 = tpu.memref_slice %arg7[%arg0, %add3A_64, %dma_wait3A] : memref<2x10240x128xf32, #tpu.memory_space<hbm>> -> memref<1x80x128xf32, #tpu.memory_space<hbm>>
      %dma_wait3A_118 = tpu.memref_squeeze %dma_wait3A_117 : memref<1x80x128xf32, #tpu.memory_space<hbm>> -> memref<80x128xf32, #tpu.memory_space<hbm>>
      %dma_wait3A_119 = arith.constant 0 : i32
      %dma_wait3A_120 = tpu.memref_slice %arg13[%add3A_60, %dma_wait3A_119] : memref<10240x128xf32, #tpu.memory_space<vmem_shared>> -> memref<80x128xf32, #tpu.memory_space<vmem_shared>>
      tpu.wait_dma2 semaphore(%run_scoped3A : memref<!tpu.dma_semaphore, #tpu.memory_space<semaphore_mem>>) src(%dma_wait3A_120 : memref<80x128xf32, #tpu.memory_space<vmem_shared>>) dst(%dma_wait3A_118 : memref<80x128xf32, #tpu.memory_space<hbm>>)
      tpu.yield
    }) : () -> ()
    %mul3A_65 = arith.constant 640 : i32
    %mul3A_66 = arith.muli %arg1, %mul3A_65 : i32
    %add3A_67 = arith.constant 160 : i32
    %add3A_68 = arith.addi %mul3A_66, %add3A_67 : i32
    %mul3A_69 = arith.constant 640 : i32
    %mul3A_70 = arith.muli %arg1, %mul3A_69 : i32
    %add3A_71 = arith.constant 160 : i32
    %add3A_72 = arith.addi %mul3A_70, %add3A_71 : i32
    "tpu.region"() ({
      %run_scoped3A = tpu.sem_alloc : memref<!tpu.dma_semaphore, #tpu.memory_space<semaphore_mem>>
      %dma_start3A = arith.constant 0 : i32
      %dma_start3A_113 = tpu.memref_slice %arg7[%arg0, %add3A_72, %dma_start3A] : memref<2x10240x128xf32, #tpu.memory_space<hbm>> -> memref<1x80x128xf32, #tpu.memory_space<hbm>>
      %dma_start3A_114 = tpu.memref_squeeze %dma_start3A_113 : memref<1x80x128xf32, #tpu.memory_space<hbm>> -> memref<80x128xf32, #tpu.memory_space<hbm>>
      %dma_start3A_115 = arith.constant 0 : i32
      %dma_start3A_116 = tpu.memref_slice %arg13[%add3A_68, %dma_start3A_115] : memref<10240x128xf32, #tpu.memory_space<vmem_shared>> -> memref<80x128xf32, #tpu.memory_space<vmem_shared>>
      tpu.enqueue_dma source(%dma_start3A_116 : memref<80x128xf32, #tpu.memory_space<vmem_shared>>) target(%dma_start3A_114 : memref<80x128xf32, #tpu.memory_space<hbm>>) target_semaphore(%run_scoped3A : memref<!tpu.dma_semaphore, #tpu.memory_space<semaphore_mem>>)
      %dma_wait3A = arith.constant 0 : i32
      %dma_wait3A_117 = tpu.memref_slice %arg7[%arg0, %add3A_72, %dma_wait3A] : memref<2x10240x128xf32, #tpu.memory_space<hbm>> -> memref<1x80x128xf32, #tpu.memory_space<hbm>>
      %dma_wait3A_118 = tpu.memref_squeeze %dma_wait3A_117 : memref<1x80x128xf32, #tpu.memory_space<hbm>> -> memref<80x128xf32, #tpu.memory_space<hbm>>
      %dma_wait3A_119 = arith.constant 0 : i32
      %dma_wait3A_120 = tpu.memref_slice %arg13[%add3A_68, %dma_wait3A_119] : memref<10240x128xf32, #tpu.memory_space<vmem_shared>> -> memref<80x128xf32, #tpu.memory_space<vmem_shared>>
      tpu.wait_dma2 semaphore(%run_scoped3A : memref<!tpu.dma_semaphore, #tpu.memory_space<semaphore_mem>>) src(%dma_wait3A_120 : memref<80x128xf32, #tpu.memory_space<vmem_shared>>) dst(%dma_wait3A_118 : memref<80x128xf32, #tpu.memory_space<hbm>>)
      tpu.yield
    }) : () -> ()
    %mul3A_73 = arith.constant 640 : i32
    %mul3A_74 = arith.muli %arg1, %mul3A_73 : i32
    %add3A_75 = arith.constant 240 : i32
    %add3A_76 = arith.addi %mul3A_74, %add3A_75 : i32
    %mul3A_77 = arith.constant 640 : i32
    %mul3A_78 = arith.muli %arg1, %mul3A_77 : i32
    %add3A_79 = arith.constant 240 : i32
    %add3A_80 = arith.addi %mul3A_78, %add3A_79 : i32
    "tpu.region"() ({
      %run_scoped3A = tpu.sem_alloc : memref<!tpu.dma_semaphore, #tpu.memory_space<semaphore_mem>>
      %dma_start3A = arith.constant 0 : i32
      %dma_start3A_113 = tpu.memref_slice %arg7[%arg0, %add3A_80, %dma_start3A] : memref<2x10240x128xf32, #tpu.memory_space<hbm>> -> memref<1x80x128xf32, #tpu.memory_space<hbm>>
      %dma_start3A_114 = tpu.memref_squeeze %dma_start3A_113 : memref<1x80x128xf32, #tpu.memory_space<hbm>> -> memref<80x128xf32, #tpu.memory_space<hbm>>
      %dma_start3A_115 = arith.constant 0 : i32
      %dma_start3A_116 = tpu.memref_slice %arg13[%add3A_76, %dma_start3A_115] : memref<10240x128xf32, #tpu.memory_space<vmem_shared>> -> memref<80x128xf32, #tpu.memory_space<vmem_shared>>
      tpu.enqueue_dma source(%dma_start3A_116 : memref<80x128xf32, #tpu.memory_space<vmem_shared>>) target(%dma_start3A_114 : memref<80x128xf32, #tpu.memory_space<hbm>>) target_semaphore(%run_scoped3A : memref<!tpu.dma_semaphore, #tpu.memory_space<semaphore_mem>>)
      %dma_wait3A = arith.constant 0 : i32
      %dma_wait3A_117 = tpu.memref_slice %arg7[%arg0, %add3A_80, %dma_wait3A] : memref<2x10240x128xf32, #tpu.memory_space<hbm>> -> memref<1x80x128xf32, #tpu.memory_space<hbm>>
      %dma_wait3A_118 = tpu.memref_squeeze %dma_wait3A_117 : memref<1x80x128xf32, #tpu.memory_space<hbm>> -> memref<80x128xf32, #tpu.memory_space<hbm>>
      %dma_wait3A_119 = arith.constant 0 : i32
      %dma_wait3A_120 = tpu.memref_slice %arg13[%add3A_76, %dma_wait3A_119] : memref<10240x128xf32, #tpu.memory_space<vmem_shared>> -> memref<80x128xf32, #tpu.memory_space<vmem_shared>>
      tpu.wait_dma2 semaphore(%run_scoped3A : memref<!tpu.dma_semaphore, #tpu.memory_space<semaphore_mem>>) src(%dma_wait3A_120 : memref<80x128xf32, #tpu.memory_space<vmem_shared>>) dst(%dma_wait3A_118 : memref<80x128xf32, #tpu.memory_space<hbm>>)
      tpu.yield
    }) : () -> ()
    %mul3A_81 = arith.constant 640 : i32
    %mul3A_82 = arith.muli %arg1, %mul3A_81 : i32
    %add3A_83 = arith.constant 320 : i32
    %add3A_84 = arith.addi %mul3A_82, %add3A_83 : i32
    %mul3A_85 = arith.constant 640 : i32
    %mul3A_86 = arith.muli %arg1, %mul3A_85 : i32
    %add3A_87 = arith.constant 320 : i32
    %add3A_88 = arith.addi %mul3A_86, %add3A_87 : i32
    "tpu.region"() ({
      %run_scoped3A = tpu.sem_alloc : memref<!tpu.dma_semaphore, #tpu.memory_space<semaphore_mem>>
      %dma_start3A = arith.constant 0 : i32
      %dma_start3A_113 = tpu.memref_slice %arg7[%arg0, %add3A_88, %dma_start3A] : memref<2x10240x128xf32, #tpu.memory_space<hbm>> -> memref<1x80x128xf32, #tpu.memory_space<hbm>>
      %dma_start3A_114 = tpu.memref_squeeze %dma_start3A_113 : memref<1x80x128xf32, #tpu.memory_space<hbm>> -> memref<80x128xf32, #tpu.memory_space<hbm>>
      %dma_start3A_115 = arith.constant 0 : i32
      %dma_start3A_116 = tpu.memref_slice %arg13[%add3A_84, %dma_start3A_115] : memref<10240x128xf32, #tpu.memory_space<vmem_shared>> -> memref<80x128xf32, #tpu.memory_space<vmem_shared>>
      tpu.enqueue_dma source(%dma_start3A_116 : memref<80x128xf32, #tpu.memory_space<vmem_shared>>) target(%dma_start3A_114 : memref<80x128xf32, #tpu.memory_space<hbm>>) target_semaphore(%run_scoped3A : memref<!tpu.dma_semaphore, #tpu.memory_space<semaphore_mem>>)
      %dma_wait3A = arith.constant 0 : i32
      %dma_wait3A_117 = tpu.memref_slice %arg7[%arg0, %add3A_88, %dma_wait3A] : memref<2x10240x128xf32, #tpu.memory_space<hbm>> -> memref<1x80x128xf32, #tpu.memory_space<hbm>>
      %dma_wait3A_118 = tpu.memref_squeeze %dma_wait3A_117 : memref<1x80x128xf32, #tpu.memory_space<hbm>> -> memref<80x128xf32, #tpu.memory_space<hbm>>
      %dma_wait3A_119 = arith.constant 0 : i32
      %dma_wait3A_120 = tpu.memref_slice %arg13[%add3A_84, %dma_wait3A_119] : memref<10240x128xf32, #tpu.memory_space<vmem_shared>> -> memref<80x128xf32, #tpu.memory_space<vmem_shared>>
      tpu.wait_dma2 semaphore(%run_scoped3A : memref<!tpu.dma_semaphore, #tpu.memory_space<semaphore_mem>>) src(%dma_wait3A_120 : memref<80x128xf32, #tpu.memory_space<vmem_shared>>) dst(%dma_wait3A_118 : memref<80x128xf32, #tpu.memory_space<hbm>>)
      tpu.yield
    }) : () -> ()
    %mul3A_89 = arith.constant 640 : i32
    %mul3A_90 = arith.muli %arg1, %mul3A_89 : i32
    %add3A_91 = arith.constant 400 : i32
    %add3A_92 = arith.addi %mul3A_90, %add3A_91 : i32
    %mul3A_93 = arith.constant 640 : i32
    %mul3A_94 = arith.muli %arg1, %mul3A_93 : i32
    %add3A_95 = arith.constant 400 : i32
    %add3A_96 = arith.addi %mul3A_94, %add3A_95 : i32
    "tpu.region"() ({
      %run_scoped3A = tpu.sem_alloc : memref<!tpu.dma_semaphore, #tpu.memory_space<semaphore_mem>>
      %dma_start3A = arith.constant 0 : i32
      %dma_start3A_113 = tpu.memref_slice %arg7[%arg0, %add3A_96, %dma_start3A] : memref<2x10240x128xf32, #tpu.memory_space<hbm>> -> memref<1x80x128xf32, #tpu.memory_space<hbm>>
      %dma_start3A_114 = tpu.memref_squeeze %dma_start3A_113 : memref<1x80x128xf32, #tpu.memory_space<hbm>> -> memref<80x128xf32, #tpu.memory_space<hbm>>
      %dma_start3A_115 = arith.constant 0 : i32
      %dma_start3A_116 = tpu.memref_slice %arg13[%add3A_92, %dma_start3A_115] : memref<10240x128xf32, #tpu.memory_space<vmem_shared>> -> memref<80x128xf32, #tpu.memory_space<vmem_shared>>
      tpu.enqueue_dma source(%dma_start3A_116 : memref<80x128xf32, #tpu.memory_space<vmem_shared>>) target(%dma_start3A_114 : memref<80x128xf32, #tpu.memory_space<hbm>>) target_semaphore(%run_scoped3A : memref<!tpu.dma_semaphore, #tpu.memory_space<semaphore_mem>>)
      %dma_wait3A = arith.constant 0 : i32
      %dma_wait3A_117 = tpu.memref_slice %arg7[%arg0, %add3A_96, %dma_wait3A] : memref<2x10240x128xf32, #tpu.memory_space<hbm>> -> memref<1x80x128xf32, #tpu.memory_space<hbm>>
      %dma_wait3A_118 = tpu.memref_squeeze %dma_wait3A_117 : memref<1x80x128xf32, #tpu.memory_space<hbm>> -> memref<80x128xf32, #tpu.memory_space<hbm>>
      %dma_wait3A_119 = arith.constant 0 : i32
      %dma_wait3A_120 = tpu.memref_slice %arg13[%add3A_92, %dma_wait3A_119] : memref<10240x128xf32, #tpu.memory_space<vmem_shared>> -> memref<80x128xf32, #tpu.memory_space<vmem_shared>>
      tpu.wait_dma2 semaphore(%run_scoped3A : memref<!tpu.dma_semaphore, #tpu.memory_space<semaphore_mem>>) src(%dma_wait3A_120 : memref<80x128xf32, #tpu.memory_space<vmem_shared>>) dst(%dma_wait3A_118 : memref<80x128xf32, #tpu.memory_space<hbm>>)
      tpu.yield
    }) : () -> ()
    %mul3A_97 = arith.constant 640 : i32
    %mul3A_98 = arith.muli %arg1, %mul3A_97 : i32
    %add3A_99 = arith.constant 480 : i32
    %add3A_100 = arith.addi %mul3A_98, %add3A_99 : i32
    %mul3A_101 = arith.constant 640 : i32
    %mul3A_102 = arith.muli %arg1, %mul3A_101 : i32
    %add3A_103 = arith.constant 480 : i32
    %add3A_104 = arith.addi %mul3A_102, %add3A_103 : i32
    "tpu.region"() ({
      %run_scoped3A = tpu.sem_alloc : memref<!tpu.dma_semaphore, #tpu.memory_space<semaphore_mem>>
      %dma_start3A = arith.constant 0 : i32
      %dma_start3A_113 = tpu.memref_slice %arg7[%arg0, %add3A_104, %dma_start3A] : memref<2x10240x128xf32, #tpu.memory_space<hbm>> -> memref<1x80x128xf32, #tpu.memory_space<hbm>>
      %dma_start3A_114 = tpu.memref_squeeze %dma_start3A_113 : memref<1x80x128xf32, #tpu.memory_space<hbm>> -> memref<80x128xf32, #tpu.memory_space<hbm>>
      %dma_start3A_115 = arith.constant 0 : i32
      %dma_start3A_116 = tpu.memref_slice %arg13[%add3A_100, %dma_start3A_115] : memref<10240x128xf32, #tpu.memory_space<vmem_shared>> -> memref<80x128xf32, #tpu.memory_space<vmem_shared>>
      tpu.enqueue_dma source(%dma_start3A_116 : memref<80x128xf32, #tpu.memory_space<vmem_shared>>) target(%dma_start3A_114 : memref<80x128xf32, #tpu.memory_space<hbm>>) target_semaphore(%run_scoped3A : memref<!tpu.dma_semaphore, #tpu.memory_space<semaphore_mem>>)
      %dma_wait3A = arith.constant 0 : i32
      %dma_wait3A_117 = tpu.memref_slice %arg7[%arg0, %add3A_104, %dma_wait3A] : memref<2x10240x128xf32, #tpu.memory_space<hbm>> -> memref<1x80x128xf32, #tpu.memory_space<hbm>>
      %dma_wait3A_118 = tpu.memref_squeeze %dma_wait3A_117 : memref<1x80x128xf32, #tpu.memory_space<hbm>> -> memref<80x128xf32, #tpu.memory_space<hbm>>
      %dma_wait3A_119 = arith.constant 0 : i32
      %dma_wait3A_120 = tpu.memref_slice %arg13[%add3A_100, %dma_wait3A_119] : memref<10240x128xf32, #tpu.memory_space<vmem_shared>> -> memref<80x128xf32, #tpu.memory_space<vmem_shared>>
      tpu.wait_dma2 semaphore(%run_scoped3A : memref<!tpu.dma_semaphore, #tpu.memory_space<semaphore_mem>>) src(%dma_wait3A_120 : memref<80x128xf32, #tpu.memory_space<vmem_shared>>) dst(%dma_wait3A_118 : memref<80x128xf32, #tpu.memory_space<hbm>>)
      tpu.yield
    }) : () -> ()
    %mul3A_105 = arith.constant 640 : i32
    %mul3A_106 = arith.muli %arg1, %mul3A_105 : i32
    %add3A_107 = arith.constant 560 : i32
    %add3A_108 = arith.addi %mul3A_106, %add3A_107 : i32
    %mul3A_109 = arith.constant 640 : i32
    %mul3A_110 = arith.muli %arg1, %mul3A_109 : i32
    %add3A_111 = arith.constant 560 : i32
    %add3A_112 = arith.addi %mul3A_110, %add3A_111 : i32
    "tpu.region"() ({
      %run_scoped3A = tpu.sem_alloc : memref<!tpu.dma_semaphore, #tpu.memory_space<semaphore_mem>>
      %dma_start3A = arith.constant 0 : i32
      %dma_start3A_113 = tpu.memref_slice %arg7[%arg0, %add3A_112, %dma_start3A] : memref<2x10240x128xf32, #tpu.memory_space<hbm>> -> memref<1x80x128xf32, #tpu.memory_space<hbm>>
      %dma_start3A_114 = tpu.memref_squeeze %dma_start3A_113 : memref<1x80x128xf32, #tpu.memory_space<hbm>> -> memref<80x128xf32, #tpu.memory_space<hbm>>
      %dma_start3A_115 = arith.constant 0 : i32
      %dma_start3A_116 = tpu.memref_slice %arg13[%add3A_108, %dma_start3A_115] : memref<10240x128xf32, #tpu.memory_space<vmem_shared>> -> memref<80x128xf32, #tpu.memory_space<vmem_shared>>
      tpu.enqueue_dma source(%dma_start3A_116 : memref<80x128xf32, #tpu.memory_space<vmem_shared>>) target(%dma_start3A_114 : memref<80x128xf32, #tpu.memory_space<hbm>>) target_semaphore(%run_scoped3A : memref<!tpu.dma_semaphore, #tpu.memory_space<semaphore_mem>>)
      %dma_wait3A = arith.constant 0 : i32
      %dma_wait3A_117 = tpu.memref_slice %arg7[%arg0, %add3A_112, %dma_wait3A] : memref<2x10240x128xf32, #tpu.memory_space<hbm>> -> memref<1x80x128xf32, #tpu.memory_space<hbm>>
      %dma_wait3A_118 = tpu.memref_squeeze %dma_wait3A_117 : memref<1x80x128xf32, #tpu.memory_space<hbm>> -> memref<80x128xf32, #tpu.memory_space<hbm>>
      %dma_wait3A_119 = arith.constant 0 : i32
      %dma_wait3A_120 = tpu.memref_slice %arg13[%add3A_108, %dma_wait3A_119] : memref<10240x128xf32, #tpu.memory_space<vmem_shared>> -> memref<80x128xf32, #tpu.memory_space<vmem_shared>>
      tpu.wait_dma2 semaphore(%run_scoped3A : memref<!tpu.dma_semaphore, #tpu.memory_space<semaphore_mem>>) src(%dma_wait3A_120 : memref<80x128xf32, #tpu.memory_space<vmem_shared>>) dst(%dma_wait3A_118 : memref<80x128xf32, #tpu.memory_space<hbm>>)
      tpu.yield
    }) : () -> ()
    return
  }
}

#map = affine_map<(d0, d1) -> (0, 0)>
#map1 = affine_map<(d0, d1) -> (0)>
#map2 = affine_map<(d0, d1) -> (0, 0, 0)>
module attributes {stable_mosaic.version = 14 : i64} {
  func.func @_agg(%arg0: i32, %arg1: i32, %arg2: memref<40000x128xf32, #tpu.memory_space<hbm>>, %arg3: memref<320000xi32, #tpu.memory_space<hbm>>, %arg4: memref<320000xi32, #tpu.memory_space<hbm>>, %arg5: memref<320000xi32, #tpu.memory_space<hbm>>, %arg6: memref<320000xf32, #tpu.memory_space<hbm>>, %arg7: memref<2x10240x128xf32, #tpu.memory_space<hbm>>, %arg8: memref<80xi32, #tpu.memory_space<vmem>>, %arg9: memref<80xi32, #tpu.memory_space<vmem>>, %arg10: memref<96xi32, #tpu.memory_space<vmem>>, %arg11: memref<96xf32, #tpu.memory_space<vmem>>, %arg12: memref<80x128xf32, #tpu.memory_space<vmem>>, %arg13: memref<10240x128xf32, #tpu.memory_space<vmem_shared>>, %arg14: memref<!tpu.dma_semaphore, #tpu.memory_space<semaphore_mem>>) attributes {dimension_semantics = [#tpu.dimension_semantics<core_parallel>, #tpu.dimension_semantics<subcore_parallel>], iteration_bounds = array<i64: 2, 16>, scalar_prefetch = 0 : i64, scratch_operands = 7 : i64, tpu.core_type = #tpu.core_type<sc_vector_subcore>, window_params = [{transform_indices = #map}, {transform_indices = #map1}, {transform_indices = #map1}, {transform_indices = #map1}, {transform_indices = #map1}, {transform_indices = #map2}]} {
    %mul3A = arith.constant 2 : i32
    %mul3A_0 = arith.muli %arg1, %mul3A : i32
    %add3A = arith.addi %mul3A_0, %arg0 : i32
    %scan3A = arith.constant 0 : i32
    %scan3A_1 = arith.constant 0 : i32
    %scan3A_2 = arith.constant 80 : i32
    %scan3A_3 = arith.addi %scan3A_1, %scan3A_2 : i32
    %scan3A_4 = arith.constant 1 : i32
    %scan3A_5 = scf.for %scan3A_113 = %scan3A_1 to %scan3A_3 step %scan3A_4 iter_args(%scan3A_114 = %scan3A) -> (i32)  : i32 {
      %broadcast_in_dim3A = arith.constant 0.000000e+00 : f32
      %broadcast_in_dim3A_115 = vector.broadcast %broadcast_in_dim3A : f32 to vector<16xf32>
      %swap3A = arith.index_cast %scan3A_113 : i32 to index
      %swap3A_116 = arith.constant 0 : index
      %swap3A_117 = tpu.vector_load %arg12[%swap3A, %swap3A_116] {strides = array<i32>} : memref<80x128xf32, #tpu.memory_space<vmem>>, vector<1x16xf32>,
      %swap3A_118 = vector.shape_cast %swap3A_117 : vector<1x16xf32> to vector<16xf32>
      %swap3A_119 = vector.shape_cast %broadcast_in_dim3A_115 : vector<16xf32> to vector<1x16xf32>
      tpu.vector_store %arg12[%swap3A, %swap3A_116], %swap3A_119 {strides = array<i32>} : memref<80x128xf32, #tpu.memory_space<vmem>>, vector<1x16xf32>,
      %broadcast_in_dim3A_120 = arith.constant 0.000000e+00 : f32
      %broadcast_in_dim3A_121 = vector.broadcast %broadcast_in_dim3A_120 : f32 to vector<16xf32>
      %swap3A_122 = arith.index_cast %scan3A_113 : i32 to index
      %swap3A_123 = arith.constant 16 : index
      %swap3A_124 = tpu.vector_load %arg12[%swap3A_122, %swap3A_123] {strides = array<i32>} : memref<80x128xf32, #tpu.memory_space<vmem>>, vector<1x16xf32>,
      %swap3A_125 = vector.shape_cast %swap3A_124 : vector<1x16xf32> to vector<16xf32>
      %swap3A_126 = vector.shape_cast %broadcast_in_dim3A_121 : vector<16xf32> to vector<1x16xf32>
      tpu.vector_store %arg12[%swap3A_122, %swap3A_123], %swap3A_126 {strides = array<i32>} : memref<80x128xf32, #tpu.memory_space<vmem>>, vector<1x16xf32>,
      %broadcast_in_dim3A_127 = arith.constant 0.000000e+00 : f32
      %broadcast_in_dim3A_128 = vector.broadcast %broadcast_in_dim3A_127 : f32 to vector<16xf32>
      %swap3A_129 = arith.index_cast %scan3A_113 : i32 to index
      %swap3A_130 = arith.constant 32 : index
      %swap3A_131 = tpu.vector_load %arg12[%swap3A_129, %swap3A_130] {strides = array<i32>} : memref<80x128xf32, #tpu.memory_space<vmem>>, vector<1x16xf32>,
      %swap3A_132 = vector.shape_cast %swap3A_131 : vector<1x16xf32> to vector<16xf32>
      %swap3A_133 = vector.shape_cast %broadcast_in_dim3A_128 : vector<16xf32> to vector<1x16xf32>
      tpu.vector_store %arg12[%swap3A_129, %swap3A_130], %swap3A_133 {strides = array<i32>} : memref<80x128xf32, #tpu.memory_space<vmem>>, vector<1x16xf32>,
      %broadcast_in_dim3A_134 = arith.constant 0.000000e+00 : f32
      %broadcast_in_dim3A_135 = vector.broadcast %broadcast_in_dim3A_134 : f32 to vector<16xf32>
      %swap3A_136 = arith.index_cast %scan3A_113 : i32 to index
      %swap3A_137 = arith.constant 48 : index
      %swap3A_138 = tpu.vector_load %arg12[%swap3A_136, %swap3A_137] {strides = array<i32>} : memref<80x128xf32, #tpu.memory_space<vmem>>, vector<1x16xf32>,
      %swap3A_139 = vector.shape_cast %swap3A_138 : vector<1x16xf32> to vector<16xf32>
      %swap3A_140 = vector.shape_cast %broadcast_in_dim3A_135 : vector<16xf32> to vector<1x16xf32>
      tpu.vector_store %arg12[%swap3A_136, %swap3A_137], %swap3A_140 {strides = array<i32>} : memref<80x128xf32, #tpu.memory_space<vmem>>, vector<1x16xf32>,
      %broadcast_in_dim3A_141 = arith.constant 0.000000e+00 : f32
      %broadcast_in_dim3A_142 = vector.broadcast %broadcast_in_dim3A_141 : f32 to vector<16xf32>
      %swap3A_143 = arith.index_cast %scan3A_113 : i32 to index
      %swap3A_144 = arith.constant 64 : index
      %swap3A_145 = tpu.vector_load %arg12[%swap3A_143, %swap3A_144] {strides = array<i32>} : memref<80x128xf32, #tpu.memory_space<vmem>>, vector<1x16xf32>,
      %swap3A_146 = vector.shape_cast %swap3A_145 : vector<1x16xf32> to vector<16xf32>
      %swap3A_147 = vector.shape_cast %broadcast_in_dim3A_142 : vector<16xf32> to vector<1x16xf32>
      tpu.vector_store %arg12[%swap3A_143, %swap3A_144], %swap3A_147 {strides = array<i32>} : memref<80x128xf32, #tpu.memory_space<vmem>>, vector<1x16xf32>,
      %broadcast_in_dim3A_148 = arith.constant 0.000000e+00 : f32
      %broadcast_in_dim3A_149 = vector.broadcast %broadcast_in_dim3A_148 : f32 to vector<16xf32>
      %swap3A_150 = arith.index_cast %scan3A_113 : i32 to index
      %swap3A_151 = arith.constant 80 : index
      %swap3A_152 = tpu.vector_load %arg12[%swap3A_150, %swap3A_151] {strides = array<i32>} : memref<80x128xf32, #tpu.memory_space<vmem>>, vector<1x16xf32>,
      %swap3A_153 = vector.shape_cast %swap3A_152 : vector<1x16xf32> to vector<16xf32>
      %swap3A_154 = vector.shape_cast %broadcast_in_dim3A_149 : vector<16xf32> to vector<1x16xf32>
      tpu.vector_store %arg12[%swap3A_150, %swap3A_151], %swap3A_154 {strides = array<i32>} : memref<80x128xf32, #tpu.memory_space<vmem>>, vector<1x16xf32>,
      %broadcast_in_dim3A_155 = arith.constant 0.000000e+00 : f32
      %broadcast_in_dim3A_156 = vector.broadcast %broadcast_in_dim3A_155 : f32 to vector<16xf32>
      %swap3A_157 = arith.index_cast %scan3A_113 : i32 to index
      %swap3A_158 = arith.constant 96 : index
      %swap3A_159 = tpu.vector_load %arg12[%swap3A_157, %swap3A_158] {strides = array<i32>} : memref<80x128xf32, #tpu.memory_space<vmem>>, vector<1x16xf32>,
      %swap3A_160 = vector.shape_cast %swap3A_159 : vector<1x16xf32> to vector<16xf32>
      %swap3A_161 = vector.shape_cast %broadcast_in_dim3A_156 : vector<16xf32> to vector<1x16xf32>
      tpu.vector_store %arg12[%swap3A_157, %swap3A_158], %swap3A_161 {strides = array<i32>} : memref<80x128xf32, #tpu.memory_space<vmem>>, vector<1x16xf32>,
      %broadcast_in_dim3A_162 = arith.constant 0.000000e+00 : f32
      %broadcast_in_dim3A_163 = vector.broadcast %broadcast_in_dim3A_162 : f32 to vector<16xf32>
      %swap3A_164 = arith.index_cast %scan3A_113 : i32 to index
      %swap3A_165 = arith.constant 112 : index
      %swap3A_166 = tpu.vector_load %arg12[%swap3A_164, %swap3A_165] {strides = array<i32>} : memref<80x128xf32, #tpu.memory_space<vmem>>, vector<1x16xf32>,
      %swap3A_167 = vector.shape_cast %swap3A_166 : vector<1x16xf32> to vector<16xf32>
      %swap3A_168 = vector.shape_cast %broadcast_in_dim3A_163 : vector<16xf32> to vector<1x16xf32>
      tpu.vector_store %arg12[%swap3A_164, %swap3A_165], %swap3A_168 {strides = array<i32>} : memref<80x128xf32, #tpu.memory_space<vmem>>, vector<1x16xf32>,
      %scan3A_169 = arith.constant 0 : i32
      scf.yield %scan3A_169 : i32
    }
    %scan3A_6 = arith.constant 80 : i32
    %mul3A_7 = arith.constant 640 : i32
    %mul3A_8 = arith.muli %arg1, %mul3A_7 : i32
    %add3A_9 = arith.constant 0 : i32
    %add3A_10 = arith.addi %mul3A_8, %add3A_9 : i32
    "tpu.region"() ({
      %run_scoped3A = tpu.sem_alloc : memref<!tpu.dma_semaphore, #tpu.memory_space<semaphore_mem>>
      %dma_start3A = arith.constant 0 : i32
      %dma_start3A_113 = tpu.memref_slice %arg13[%add3A_10, %dma_start3A] : memref<10240x128xf32, #tpu.memory_space<vmem_shared>> -> memref<80x128xf32, #tpu.memory_space<vmem_shared>>
      %dma_start3A_114 = arith.constant 0 : i32
      %dma_start3A_115 = tpu.memref_slice %arg13[%add3A_10, %dma_start3A_114] : memref<10240x128xf32, #tpu.memory_space<vmem_shared>> -> memref<80x128xf32, #tpu.memory_space<vmem_shared>>
      tpu.enqueue_dma source(%arg12 : memref<80x128xf32, #tpu.memory_space<vmem>>) target(%dma_start3A_115 : memref<80x128xf32, #tpu.memory_space<vmem_shared>>) target_semaphore(%run_scoped3A : memref<!tpu.dma_semaphore, #tpu.memory_space<semaphore_mem>>)
      %dma_wait3A = arith.constant 0 : i32
      %dma_wait3A_116 = tpu.memref_slice %arg13[%add3A_10, %dma_wait3A] : memref<10240x128xf32, #tpu.memory_space<vmem_shared>> -> memref<80x128xf32, #tpu.memory_space<vmem_shared>>
      %dma_wait3A_117 = arith.constant 0 : i32
      %dma_wait3A_118 = tpu.memref_slice %arg13[%add3A_10, %dma_wait3A_117] : memref<10240x128xf32, #tpu.memory_space<vmem_shared>> -> memref<80x128xf32, #tpu.memory_space<vmem_shared>>
      tpu.wait_dma2 semaphore(%run_scoped3A : memref<!tpu.dma_semaphore, #tpu.memory_space<semaphore_mem>>) src(%arg12 : memref<80x128xf32, #tpu.memory_space<vmem>>) dst(%dma_wait3A_118 : memref<80x128xf32, #tpu.memory_space<vmem_shared>>)
      tpu.yield
    }) : () -> ()
    %mul3A_11 = arith.constant 640 : i32
    %mul3A_12 = arith.muli %arg1, %mul3A_11 : i32
    %add3A_13 = arith.constant 80 : i32
    %add3A_14 = arith.addi %mul3A_12, %add3A_13 : i32
    "tpu.region"() ({
      %run_scoped3A = tpu.sem_alloc : memref<!tpu.dma_semaphore, #tpu.memory_space<semaphore_mem>>
      %dma_start3A = arith.constant 0 : i32
      %dma_start3A_113 = tpu.memref_slice %arg13[%add3A_14, %dma_start3A] : memref<10240x128xf32, #tpu.memory_space<vmem_shared>> -> memref<80x128xf32, #tpu.memory_space<vmem_shared>>
      %dma_start3A_114 = arith.constant 0 : i32
      %dma_start3A_115 = tpu.memref_slice %arg13[%add3A_14, %dma_start3A_114] : memref<10240x128xf32, #tpu.memory_space<vmem_shared>> -> memref<80x128xf32, #tpu.memory_space<vmem_shared>>
      tpu.enqueue_dma source(%arg12 : memref<80x128xf32, #tpu.memory_space<vmem>>) target(%dma_start3A_115 : memref<80x128xf32, #tpu.memory_space<vmem_shared>>) target_semaphore(%run_scoped3A : memref<!tpu.dma_semaphore, #tpu.memory_space<semaphore_mem>>)
      %dma_wait3A = arith.constant 0 : i32
      %dma_wait3A_116 = tpu.memref_slice %arg13[%add3A_14, %dma_wait3A] : memref<10240x128xf32, #tpu.memory_space<vmem_shared>> -> memref<80x128xf32, #tpu.memory_space<vmem_shared>>
      %dma_wait3A_117 = arith.constant 0 : i32
      %dma_wait3A_118 = tpu.memref_slice %arg13[%add3A_14, %dma_wait3A_117] : memref<10240x128xf32, #tpu.memory_space<vmem_shared>> -> memref<80x128xf32, #tpu.memory_space<vmem_shared>>
      tpu.wait_dma2 semaphore(%run_scoped3A : memref<!tpu.dma_semaphore, #tpu.memory_space<semaphore_mem>>) src(%arg12 : memref<80x128xf32, #tpu.memory_space<vmem>>) dst(%dma_wait3A_118 : memref<80x128xf32, #tpu.memory_space<vmem_shared>>)
      tpu.yield
    }) : () -> ()
    %mul3A_15 = arith.constant 640 : i32
    %mul3A_16 = arith.muli %arg1, %mul3A_15 : i32
    %add3A_17 = arith.constant 160 : i32
    %add3A_18 = arith.addi %mul3A_16, %add3A_17 : i32
    "tpu.region"() ({
      %run_scoped3A = tpu.sem_alloc : memref<!tpu.dma_semaphore, #tpu.memory_space<semaphore_mem>>
      %dma_start3A = arith.constant 0 : i32
      %dma_start3A_113 = tpu.memref_slice %arg13[%add3A_18, %dma_start3A] : memref<10240x128xf32, #tpu.memory_space<vmem_shared>> -> memref<80x128xf32, #tpu.memory_space<vmem_shared>>
      %dma_start3A_114 = arith.constant 0 : i32
      %dma_start3A_115 = tpu.memref_slice %arg13[%add3A_18, %dma_start3A_114] : memref<10240x128xf32, #tpu.memory_space<vmem_shared>> -> memref<80x128xf32, #tpu.memory_space<vmem_shared>>
      tpu.enqueue_dma source(%arg12 : memref<80x128xf32, #tpu.memory_space<vmem>>) target(%dma_start3A_115 : memref<80x128xf32, #tpu.memory_space<vmem_shared>>) target_semaphore(%run_scoped3A : memref<!tpu.dma_semaphore, #tpu.memory_space<semaphore_mem>>)
      %dma_wait3A = arith.constant 0 : i32
      %dma_wait3A_116 = tpu.memref_slice %arg13[%add3A_18, %dma_wait3A] : memref<10240x128xf32, #tpu.memory_space<vmem_shared>> -> memref<80x128xf32, #tpu.memory_space<vmem_shared>>
      %dma_wait3A_117 = arith.constant 0 : i32
      %dma_wait3A_118 = tpu.memref_slice %arg13[%add3A_18, %dma_wait3A_117] : memref<10240x128xf32, #tpu.memory_space<vmem_shared>> -> memref<80x128xf32, #tpu.memory_space<vmem_shared>>
      tpu.wait_dma2 semaphore(%run_scoped3A : memref<!tpu.dma_semaphore, #tpu.memory_space<semaphore_mem>>) src(%arg12 : memref<80x128xf32, #tpu.memory_space<vmem>>) dst(%dma_wait3A_118 : memref<80x128xf32, #tpu.memory_space<vmem_shared>>)
      tpu.yield
    }) : () -> ()
    %mul3A_19 = arith.constant 640 : i32
    %mul3A_20 = arith.muli %arg1, %mul3A_19 : i32
    %add3A_21 = arith.constant 240 : i32
    %add3A_22 = arith.addi %mul3A_20, %add3A_21 : i32
    "tpu.region"() ({
      %run_scoped3A = tpu.sem_alloc : memref<!tpu.dma_semaphore, #tpu.memory_space<semaphore_mem>>
      %dma_start3A = arith.constant 0 : i32
      %dma_start3A_113 = tpu.memref_slice %arg13[%add3A_22, %dma_start3A] : memref<10240x128xf32, #tpu.memory_space<vmem_shared>> -> memref<80x128xf32, #tpu.memory_space<vmem_shared>>
      %dma_start3A_114 = arith.constant 0 : i32
      %dma_start3A_115 = tpu.memref_slice %arg13[%add3A_22, %dma_start3A_114] : memref<10240x128xf32, #tpu.memory_space<vmem_shared>> -> memref<80x128xf32, #tpu.memory_space<vmem_shared>>
      tpu.enqueue_dma source(%arg12 : memref<80x128xf32, #tpu.memory_space<vmem>>) target(%dma_start3A_115 : memref<80x128xf32, #tpu.memory_space<vmem_shared>>) target_semaphore(%run_scoped3A : memref<!tpu.dma_semaphore, #tpu.memory_space<semaphore_mem>>)
      %dma_wait3A = arith.constant 0 : i32
      %dma_wait3A_116 = tpu.memref_slice %arg13[%add3A_22, %dma_wait3A] : memref<10240x128xf32, #tpu.memory_space<vmem_shared>> -> memref<80x128xf32, #tpu.memory_space<vmem_shared>>
      %dma_wait3A_117 = arith.constant 0 : i32
      %dma_wait3A_118 = tpu.memref_slice %arg13[%add3A_22, %dma_wait3A_117] : memref<10240x128xf32, #tpu.memory_space<vmem_shared>> -> memref<80x128xf32, #tpu.memory_space<vmem_shared>>
      tpu.wait_dma2 semaphore(%run_scoped3A : memref<!tpu.dma_semaphore, #tpu.memory_space<semaphore_mem>>) src(%arg12 : memref<80x128xf32, #tpu.memory_space<vmem>>) dst(%dma_wait3A_118 : memref<80x128xf32, #tpu.memory_space<vmem_shared>>)
      tpu.yield
    }) : () -> ()
    %mul3A_23 = arith.constant 640 : i32
    %mul3A_24 = arith.muli %arg1, %mul3A_23 : i32
    %add3A_25 = arith.constant 320 : i32
    %add3A_26 = arith.addi %mul3A_24, %add3A_25 : i32
    "tpu.region"() ({
      %run_scoped3A = tpu.sem_alloc : memref<!tpu.dma_semaphore, #tpu.memory_space<semaphore_mem>>
      %dma_start3A = arith.constant 0 : i32
      %dma_start3A_113 = tpu.memref_slice %arg13[%add3A_26, %dma_start3A] : memref<10240x128xf32, #tpu.memory_space<vmem_shared>> -> memref<80x128xf32, #tpu.memory_space<vmem_shared>>
      %dma_start3A_114 = arith.constant 0 : i32
      %dma_start3A_115 = tpu.memref_slice %arg13[%add3A_26, %dma_start3A_114] : memref<10240x128xf32, #tpu.memory_space<vmem_shared>> -> memref<80x128xf32, #tpu.memory_space<vmem_shared>>
      tpu.enqueue_dma source(%arg12 : memref<80x128xf32, #tpu.memory_space<vmem>>) target(%dma_start3A_115 : memref<80x128xf32, #tpu.memory_space<vmem_shared>>) target_semaphore(%run_scoped3A : memref<!tpu.dma_semaphore, #tpu.memory_space<semaphore_mem>>)
      %dma_wait3A = arith.constant 0 : i32
      %dma_wait3A_116 = tpu.memref_slice %arg13[%add3A_26, %dma_wait3A] : memref<10240x128xf32, #tpu.memory_space<vmem_shared>> -> memref<80x128xf32, #tpu.memory_space<vmem_shared>>
      %dma_wait3A_117 = arith.constant 0 : i32
      %dma_wait3A_118 = tpu.memref_slice %arg13[%add3A_26, %dma_wait3A_117] : memref<10240x128xf32, #tpu.memory_space<vmem_shared>> -> memref<80x128xf32, #tpu.memory_space<vmem_shared>>
      tpu.wait_dma2 semaphore(%run_scoped3A : memref<!tpu.dma_semaphore, #tpu.memory_space<semaphore_mem>>) src(%arg12 : memref<80x128xf32, #tpu.memory_space<vmem>>) dst(%dma_wait3A_118 : memref<80x128xf32, #tpu.memory_space<vmem_shared>>)
      tpu.yield
    }) : () -> ()
    %mul3A_27 = arith.constant 640 : i32
    %mul3A_28 = arith.muli %arg1, %mul3A_27 : i32
    %add3A_29 = arith.constant 400 : i32
    %add3A_30 = arith.addi %mul3A_28, %add3A_29 : i32
    "tpu.region"() ({
      %run_scoped3A = tpu.sem_alloc : memref<!tpu.dma_semaphore, #tpu.memory_space<semaphore_mem>>
      %dma_start3A = arith.constant 0 : i32
      %dma_start3A_113 = tpu.memref_slice %arg13[%add3A_30, %dma_start3A] : memref<10240x128xf32, #tpu.memory_space<vmem_shared>> -> memref<80x128xf32, #tpu.memory_space<vmem_shared>>
      %dma_start3A_114 = arith.constant 0 : i32
      %dma_start3A_115 = tpu.memref_slice %arg13[%add3A_30, %dma_start3A_114] : memref<10240x128xf32, #tpu.memory_space<vmem_shared>> -> memref<80x128xf32, #tpu.memory_space<vmem_shared>>
      tpu.enqueue_dma source(%arg12 : memref<80x128xf32, #tpu.memory_space<vmem>>) target(%dma_start3A_115 : memref<80x128xf32, #tpu.memory_space<vmem_shared>>) target_semaphore(%run_scoped3A : memref<!tpu.dma_semaphore, #tpu.memory_space<semaphore_mem>>)
      %dma_wait3A = arith.constant 0 : i32
      %dma_wait3A_116 = tpu.memref_slice %arg13[%add3A_30, %dma_wait3A] : memref<10240x128xf32, #tpu.memory_space<vmem_shared>> -> memref<80x128xf32, #tpu.memory_space<vmem_shared>>
      %dma_wait3A_117 = arith.constant 0 : i32
      %dma_wait3A_118 = tpu.memref_slice %arg13[%add3A_30, %dma_wait3A_117] : memref<10240x128xf32, #tpu.memory_space<vmem_shared>> -> memref<80x128xf32, #tpu.memory_space<vmem_shared>>
      tpu.wait_dma2 semaphore(%run_scoped3A : memref<!tpu.dma_semaphore, #tpu.memory_space<semaphore_mem>>) src(%arg12 : memref<80x128xf32, #tpu.memory_space<vmem>>) dst(%dma_wait3A_118 : memref<80x128xf32, #tpu.memory_space<vmem_shared>>)
      tpu.yield
    }) : () -> ()
    %mul3A_31 = arith.constant 640 : i32
    %mul3A_32 = arith.muli %arg1, %mul3A_31 : i32
    %add3A_33 = arith.constant 480 : i32
    %add3A_34 = arith.addi %mul3A_32, %add3A_33 : i32
    "tpu.region"() ({
      %run_scoped3A = tpu.sem_alloc : memref<!tpu.dma_semaphore, #tpu.memory_space<semaphore_mem>>
      %dma_start3A = arith.constant 0 : i32
      %dma_start3A_113 = tpu.memref_slice %arg13[%add3A_34, %dma_start3A] : memref<10240x128xf32, #tpu.memory_space<vmem_shared>> -> memref<80x128xf32, #tpu.memory_space<vmem_shared>>
      %dma_start3A_114 = arith.constant 0 : i32
      %dma_start3A_115 = tpu.memref_slice %arg13[%add3A_34, %dma_start3A_114] : memref<10240x128xf32, #tpu.memory_space<vmem_shared>> -> memref<80x128xf32, #tpu.memory_space<vmem_shared>>
      tpu.enqueue_dma source(%arg12 : memref<80x128xf32, #tpu.memory_space<vmem>>) target(%dma_start3A_115 : memref<80x128xf32, #tpu.memory_space<vmem_shared>>) target_semaphore(%run_scoped3A : memref<!tpu.dma_semaphore, #tpu.memory_space<semaphore_mem>>)
      %dma_wait3A = arith.constant 0 : i32
      %dma_wait3A_116 = tpu.memref_slice %arg13[%add3A_34, %dma_wait3A] : memref<10240x128xf32, #tpu.memory_space<vmem_shared>> -> memref<80x128xf32, #tpu.memory_space<vmem_shared>>
      %dma_wait3A_117 = arith.constant 0 : i32
      %dma_wait3A_118 = tpu.memref_slice %arg13[%add3A_34, %dma_wait3A_117] : memref<10240x128xf32, #tpu.memory_space<vmem_shared>> -> memref<80x128xf32, #tpu.memory_space<vmem_shared>>
      tpu.wait_dma2 semaphore(%run_scoped3A : memref<!tpu.dma_semaphore, #tpu.memory_space<semaphore_mem>>) src(%arg12 : memref<80x128xf32, #tpu.memory_space<vmem>>) dst(%dma_wait3A_118 : memref<80x128xf32, #tpu.memory_space<vmem_shared>>)
      tpu.yield
    }) : () -> ()
    %mul3A_35 = arith.constant 640 : i32
    %mul3A_36 = arith.muli %arg1, %mul3A_35 : i32
    %add3A_37 = arith.constant 560 : i32
    %add3A_38 = arith.addi %mul3A_36, %add3A_37 : i32
    "tpu.region"() ({
      %run_scoped3A = tpu.sem_alloc : memref<!tpu.dma_semaphore, #tpu.memory_space<semaphore_mem>>
      %dma_start3A = arith.constant 0 : i32
      %dma_start3A_113 = tpu.memref_slice %arg13[%add3A_38, %dma_start3A] : memref<10240x128xf32, #tpu.memory_space<vmem_shared>> -> memref<80x128xf32, #tpu.memory_space<vmem_shared>>
      %dma_start3A_114 = arith.constant 0 : i32
      %dma_start3A_115 = tpu.memref_slice %arg13[%add3A_38, %dma_start3A_114] : memref<10240x128xf32, #tpu.memory_space<vmem_shared>> -> memref<80x128xf32, #tpu.memory_space<vmem_shared>>
      tpu.enqueue_dma source(%arg12 : memref<80x128xf32, #tpu.memory_space<vmem>>) target(%dma_start3A_115 : memref<80x128xf32, #tpu.memory_space<vmem_shared>>) target_semaphore(%run_scoped3A : memref<!tpu.dma_semaphore, #tpu.memory_space<semaphore_mem>>)
      %dma_wait3A = arith.constant 0 : i32
      %dma_wait3A_116 = tpu.memref_slice %arg13[%add3A_38, %dma_wait3A] : memref<10240x128xf32, #tpu.memory_space<vmem_shared>> -> memref<80x128xf32, #tpu.memory_space<vmem_shared>>
      %dma_wait3A_117 = arith.constant 0 : i32
      %dma_wait3A_118 = tpu.memref_slice %arg13[%add3A_38, %dma_wait3A_117] : memref<10240x128xf32, #tpu.memory_space<vmem_shared>> -> memref<80x128xf32, #tpu.memory_space<vmem_shared>>
      tpu.wait_dma2 semaphore(%run_scoped3A : memref<!tpu.dma_semaphore, #tpu.memory_space<semaphore_mem>>) src(%arg12 : memref<80x128xf32, #tpu.memory_space<vmem>>) dst(%dma_wait3A_118 : memref<80x128xf32, #tpu.memory_space<vmem_shared>>)
      tpu.yield
    }) : () -> ()
    %barrier3A = arith.constant 0 : index
    tpu.barrier barrier_id(%barrier3A)
    %mul3A_39 = arith.constant 10000 : i32
    %mul3A_40 = arith.muli %add3A, %mul3A_39 : i32
    %scan3A_41 = arith.constant 0 : i32
    %scan3A_42 = arith.constant 0 : i32
    %scan3A_43 = arith.constant 125 : i32
    %scan3A_44 = arith.addi %scan3A_42, %scan3A_43 : i32
    %scan3A_45 = arith.constant 1 : i32
    %scan3A_46 = scf.for %scan3A_113 = %scan3A_42 to %scan3A_44 step %scan3A_45 iter_args(%scan3A_114 = %scan3A_41) -> (i32)  : i32 {
      %mul3A_115 = arith.constant 80 : i32
      %mul3A_116 = arith.muli %scan3A_113, %mul3A_115 : i32
      %add3A_117 = arith.addi %mul3A_40, %mul3A_116 : i32
      "tpu.region"() ({
        %run_scoped3A = tpu.sem_alloc : memref<!tpu.dma_semaphore, #tpu.memory_space<semaphore_mem>>
        %dma_start3A_125 = tpu.memref_slice %arg3[%add3A_117] : memref<320000xi32, #tpu.memory_space<hbm>> -> memref<80xi32, #tpu.memory_space<hbm>>
        %dma_start3A_126 = tpu.memref_slice %arg3[%add3A_117] : memref<320000xi32, #tpu.memory_space<hbm>> -> memref<80xi32, #tpu.memory_space<hbm>>
        tpu.enqueue_dma source(%dma_start3A_126 : memref<80xi32, #tpu.memory_space<hbm>>) target(%arg8 : memref<80xi32, #tpu.memory_space<vmem>>) target_semaphore(%run_scoped3A : memref<!tpu.dma_semaphore, #tpu.memory_space<semaphore_mem>>)
        %dma_wait3A_127 = tpu.memref_slice %arg3[%add3A_117] : memref<320000xi32, #tpu.memory_space<hbm>> -> memref<80xi32, #tpu.memory_space<hbm>>
        %dma_wait3A_128 = tpu.memref_slice %arg3[%add3A_117] : memref<320000xi32, #tpu.memory_space<hbm>> -> memref<80xi32, #tpu.memory_space<hbm>>
        tpu.wait_dma2 semaphore(%run_scoped3A : memref<!tpu.dma_semaphore, #tpu.memory_space<semaphore_mem>>) src(%dma_wait3A_128 : memref<80xi32, #tpu.memory_space<hbm>>) dst(%arg8 : memref<80xi32, #tpu.memory_space<vmem>>)
        tpu.yield
      }) : () -> ()
      "tpu.region"() ({
        %run_scoped3A = tpu.sem_alloc : memref<!tpu.dma_semaphore, #tpu.memory_space<semaphore_mem>>
        %dma_start3A_125 = tpu.memref_slice %arg4[%add3A_117] : memref<320000xi32, #tpu.memory_space<hbm>> -> memref<80xi32, #tpu.memory_space<hbm>>
        %dma_start3A_126 = tpu.memref_slice %arg4[%add3A_117] : memref<320000xi32, #tpu.memory_space<hbm>> -> memref<80xi32, #tpu.memory_space<hbm>>
        tpu.enqueue_dma source(%dma_start3A_126 : memref<80xi32, #tpu.memory_space<hbm>>) target(%arg9 : memref<80xi32, #tpu.memory_space<vmem>>) target_semaphore(%run_scoped3A : memref<!tpu.dma_semaphore, #tpu.memory_space<semaphore_mem>>)
        %dma_wait3A_127 = tpu.memref_slice %arg4[%add3A_117] : memref<320000xi32, #tpu.memory_space<hbm>> -> memref<80xi32, #tpu.memory_space<hbm>>
        %dma_wait3A_128 = tpu.memref_slice %arg4[%add3A_117] : memref<320000xi32, #tpu.memory_space<hbm>> -> memref<80xi32, #tpu.memory_space<hbm>>
        tpu.wait_dma2 semaphore(%run_scoped3A : memref<!tpu.dma_semaphore, #tpu.memory_space<semaphore_mem>>) src(%dma_wait3A_128 : memref<80xi32, #tpu.memory_space<hbm>>) dst(%arg9 : memref<80xi32, #tpu.memory_space<vmem>>)
        tpu.yield
      }) : () -> ()
      "tpu.region"() ({
        %run_scoped3A = tpu.sem_alloc : memref<!tpu.dma_semaphore, #tpu.memory_space<semaphore_mem>>
        %dma_start3A_125 = arith.constant 0 : i32
        %dma_start3A_126 = tpu.memref_slice %arg11[%dma_start3A_125] : memref<96xf32, #tpu.memory_space<vmem>> -> memref<80xf32, #tpu.memory_space<vmem>>
        %dma_start3A_127 = tpu.memref_slice %arg6[%add3A_117] : memref<320000xf32, #tpu.memory_space<hbm>> -> memref<80xf32, #tpu.memory_space<hbm>>
        %dma_start3A_128 = arith.constant 0 : i32
        %dma_start3A_129 = tpu.memref_slice %arg11[%dma_start3A_128] : memref<96xf32, #tpu.memory_space<vmem>> -> memref<80xf32, #tpu.memory_space<vmem>>
        %dma_start3A_130 = tpu.memref_slice %arg6[%add3A_117] : memref<320000xf32, #tpu.memory_space<hbm>> -> memref<80xf32, #tpu.memory_space<hbm>>
        tpu.enqueue_dma source(%dma_start3A_130 : memref<80xf32, #tpu.memory_space<hbm>>) target(%dma_start3A_129 : memref<80xf32, #tpu.memory_space<vmem>>) target_semaphore(%run_scoped3A : memref<!tpu.dma_semaphore, #tpu.memory_space<semaphore_mem>>)
        %dma_wait3A_131 = arith.constant 0 : i32
        %dma_wait3A_132 = tpu.memref_slice %arg11[%dma_wait3A_131] : memref<96xf32, #tpu.memory_space<vmem>> -> memref<80xf32, #tpu.memory_space<vmem>>
        %dma_wait3A_133 = tpu.memref_slice %arg6[%add3A_117] : memref<320000xf32, #tpu.memory_space<hbm>> -> memref<80xf32, #tpu.memory_space<hbm>>
        %dma_wait3A_134 = arith.constant 0 : i32
        %dma_wait3A_135 = tpu.memref_slice %arg11[%dma_wait3A_134] : memref<96xf32, #tpu.memory_space<vmem>> -> memref<80xf32, #tpu.memory_space<vmem>>
        %dma_wait3A_136 = tpu.memref_slice %arg6[%add3A_117] : memref<320000xf32, #tpu.memory_space<hbm>> -> memref<80xf32, #tpu.memory_space<hbm>>
        tpu.wait_dma2 semaphore(%run_scoped3A : memref<!tpu.dma_semaphore, #tpu.memory_space<semaphore_mem>>) src(%dma_wait3A_136 : memref<80xf32, #tpu.memory_space<hbm>>) dst(%dma_wait3A_135 : memref<80xf32, #tpu.memory_space<vmem>>)
        tpu.yield
      }) : () -> ()
      %dma_start3A = arith.constant 0 : i32
      %dma_start3A_118 = arith.constant 0 : i32
      %dma_start3A_119 = tpu.memref_slice %arg2[%dma_start3A, %dma_start3A_118] : memref<40000x128xf32, #tpu.memory_space<hbm>> -> memref<40000x128xf32, #tpu.memory_space<hbm>>
      tpu.enqueue_indirect_dma source(%dma_start3A_119 : memref<40000x128xf32, #tpu.memory_space<hbm>>) target(%arg12 : memref<80x128xf32, #tpu.memory_space<vmem>>) offsets(%arg8 : memref<80xi32, #tpu.memory_space<vmem>>) semaphore(%arg14 : memref<!tpu.dma_semaphore, #tpu.memory_space<semaphore_mem>>)
      %dma_wait3A = arith.constant 0 : i32
      %dma_wait3A_120 = arith.constant 0 : i32
      %dma_wait3A_121 = tpu.memref_slice %arg2[%dma_wait3A, %dma_wait3A_120] : memref<40000x128xf32, #tpu.memory_space<hbm>> -> memref<40000x128xf32, #tpu.memory_space<hbm>>
      tpu.wait_indirect_dma semaphore(%arg14 : memref<!tpu.dma_semaphore, #tpu.memory_space<semaphore_mem>>) src(%dma_wait3A_121 : memref<40000x128xf32, #tpu.memory_space<hbm>>) dst(%arg12 : memref<80x128xf32, #tpu.memory_space<vmem>>)
      %parallel_loop3A = arith.constant 0 : i32
      %parallel_loop3A_122 = arith.constant 80 : i32
      %parallel_loop3A_123 = arith.constant 1 : i32
      scf.for %parallel_loop3A_125 = %parallel_loop3A to %parallel_loop3A_122 step %parallel_loop3A_123  : i32 {
        %parallel_loop3A_126 = arith.index_cast %parallel_loop3A_125 : i32 to index
        %parallel_loop3A_127 = tpu.vector_load %arg11[%parallel_loop3A_126] {strides = array<i32>} : memref<96xf32, #tpu.memory_space<vmem>>, vector<16xf32>,
        %parallel_loop3A_128 = vector.shape_cast %parallel_loop3A_127 : vector<16xf32> to vector<16xf32>
        %parallel_loop3A_129 = vector.extract_strided_slice %parallel_loop3A_128 {offsets = [0], sizes = [1], strides = [1]} : vector<16xf32> to vector<1xf32>
        %parallel_loop3A_130 = vector.extract %parallel_loop3A_129[0] : f32 from vector<1xf32>
        %parallel_loop3A_131 = arith.index_cast %parallel_loop3A_125 : i32 to index
        %parallel_loop3A_132 = arith.constant 0 : index
        %parallel_loop3A_133 = tpu.vector_load %arg12[%parallel_loop3A_131, %parallel_loop3A_132] {strides = array<i32>} : memref<80x128xf32, #tpu.memory_space<vmem>>, vector<1x16xf32>,
        %parallel_loop3A_134 = vector.shape_cast %parallel_loop3A_133 : vector<1x16xf32> to vector<16xf32>
        %parallel_loop3A_135 = vector.broadcast %parallel_loop3A_130 : f32 to vector<16xf32>
        %parallel_loop3A_136 = arith.mulf %parallel_loop3A_134, %parallel_loop3A_135 : vector<16xf32>
        %parallel_loop3A_137 = arith.index_cast %parallel_loop3A_125 : i32 to index
        %parallel_loop3A_138 = arith.constant 0 : index
        %parallel_loop3A_139 = tpu.vector_load %arg12[%parallel_loop3A_137, %parallel_loop3A_138] {strides = array<i32>} : memref<80x128xf32, #tpu.memory_space<vmem>>, vector<1x16xf32>,
        %parallel_loop3A_140 = vector.shape_cast %parallel_loop3A_139 : vector<1x16xf32> to vector<16xf32>
        %parallel_loop3A_141 = vector.shape_cast %parallel_loop3A_136 : vector<16xf32> to vector<1x16xf32>
        tpu.vector_store %arg12[%parallel_loop3A_137, %parallel_loop3A_138], %parallel_loop3A_141 {strides = array<i32>} : memref<80x128xf32, #tpu.memory_space<vmem>>, vector<1x16xf32>,
        %parallel_loop3A_142 = arith.index_cast %parallel_loop3A_125 : i32 to index
        %parallel_loop3A_143 = arith.constant 16 : index
        %parallel_loop3A_144 = tpu.vector_load %arg12[%parallel_loop3A_142, %parallel_loop3A_143] {strides = array<i32>} : memref<80x128xf32, #tpu.memory_space<vmem>>, vector<1x16xf32>,
        %parallel_loop3A_145 = vector.shape_cast %parallel_loop3A_144 : vector<1x16xf32> to vector<16xf32>
        %parallel_loop3A_146 = vector.broadcast %parallel_loop3A_130 : f32 to vector<16xf32>
        %parallel_loop3A_147 = arith.mulf %parallel_loop3A_145, %parallel_loop3A_146 : vector<16xf32>
        %parallel_loop3A_148 = arith.index_cast %parallel_loop3A_125 : i32 to index
        %parallel_loop3A_149 = arith.constant 16 : index
        %parallel_loop3A_150 = tpu.vector_load %arg12[%parallel_loop3A_148, %parallel_loop3A_149] {strides = array<i32>} : memref<80x128xf32, #tpu.memory_space<vmem>>, vector<1x16xf32>,
        %parallel_loop3A_151 = vector.shape_cast %parallel_loop3A_150 : vector<1x16xf32> to vector<16xf32>
        %parallel_loop3A_152 = vector.shape_cast %parallel_loop3A_147 : vector<16xf32> to vector<1x16xf32>
        tpu.vector_store %arg12[%parallel_loop3A_148, %parallel_loop3A_149], %parallel_loop3A_152 {strides = array<i32>} : memref<80x128xf32, #tpu.memory_space<vmem>>, vector<1x16xf32>,
        %parallel_loop3A_153 = arith.index_cast %parallel_loop3A_125 : i32 to index
        %parallel_loop3A_154 = arith.constant 32 : index
        %parallel_loop3A_155 = tpu.vector_load %arg12[%parallel_loop3A_153, %parallel_loop3A_154] {strides = array<i32>} : memref<80x128xf32, #tpu.memory_space<vmem>>, vector<1x16xf32>,
        %parallel_loop3A_156 = vector.shape_cast %parallel_loop3A_155 : vector<1x16xf32> to vector<16xf32>
        %parallel_loop3A_157 = vector.broadcast %parallel_loop3A_130 : f32 to vector<16xf32>
        %parallel_loop3A_158 = arith.mulf %parallel_loop3A_156, %parallel_loop3A_157 : vector<16xf32>
        %parallel_loop3A_159 = arith.index_cast %parallel_loop3A_125 : i32 to index
        %parallel_loop3A_160 = arith.constant 32 : index
        %parallel_loop3A_161 = tpu.vector_load %arg12[%parallel_loop3A_159, %parallel_loop3A_160] {strides = array<i32>} : memref<80x128xf32, #tpu.memory_space<vmem>>, vector<1x16xf32>,
        %parallel_loop3A_162 = vector.shape_cast %parallel_loop3A_161 : vector<1x16xf32> to vector<16xf32>
        %parallel_loop3A_163 = vector.shape_cast %parallel_loop3A_158 : vector<16xf32> to vector<1x16xf32>
        tpu.vector_store %arg12[%parallel_loop3A_159, %parallel_loop3A_160], %parallel_loop3A_163 {strides = array<i32>} : memref<80x128xf32, #tpu.memory_space<vmem>>, vector<1x16xf32>,
        %parallel_loop3A_164 = arith.index_cast %parallel_loop3A_125 : i32 to index
        %parallel_loop3A_165 = arith.constant 48 : index
        %parallel_loop3A_166 = tpu.vector_load %arg12[%parallel_loop3A_164, %parallel_loop3A_165] {strides = array<i32>} : memref<80x128xf32, #tpu.memory_space<vmem>>, vector<1x16xf32>,
        %parallel_loop3A_167 = vector.shape_cast %parallel_loop3A_166 : vector<1x16xf32> to vector<16xf32>
        %parallel_loop3A_168 = vector.broadcast %parallel_loop3A_130 : f32 to vector<16xf32>
        %parallel_loop3A_169 = arith.mulf %parallel_loop3A_167, %parallel_loop3A_168 : vector<16xf32>
        %parallel_loop3A_170 = arith.index_cast %parallel_loop3A_125 : i32 to index
        %parallel_loop3A_171 = arith.constant 48 : index
        %parallel_loop3A_172 = tpu.vector_load %arg12[%parallel_loop3A_170, %parallel_loop3A_171] {strides = array<i32>} : memref<80x128xf32, #tpu.memory_space<vmem>>, vector<1x16xf32>,
        %parallel_loop3A_173 = vector.shape_cast %parallel_loop3A_172 : vector<1x16xf32> to vector<16xf32>
        %parallel_loop3A_174 = vector.shape_cast %parallel_loop3A_169 : vector<16xf32> to vector<1x16xf32>
        tpu.vector_store %arg12[%parallel_loop3A_170, %parallel_loop3A_171], %parallel_loop3A_174 {strides = array<i32>} : memref<80x128xf32, #tpu.memory_space<vmem>>, vector<1x16xf32>,
        %parallel_loop3A_175 = arith.index_cast %parallel_loop3A_125 : i32 to index
        %parallel_loop3A_176 = arith.constant 64 : index
        %parallel_loop3A_177 = tpu.vector_load %arg12[%parallel_loop3A_175, %parallel_loop3A_176] {strides = array<i32>} : memref<80x128xf32, #tpu.memory_space<vmem>>, vector<1x16xf32>,
        %parallel_loop3A_178 = vector.shape_cast %parallel_loop3A_177 : vector<1x16xf32> to vector<16xf32>
        %parallel_loop3A_179 = vector.broadcast %parallel_loop3A_130 : f32 to vector<16xf32>
        %parallel_loop3A_180 = arith.mulf %parallel_loop3A_178, %parallel_loop3A_179 : vector<16xf32>
        %parallel_loop3A_181 = arith.index_cast %parallel_loop3A_125 : i32 to index
        %parallel_loop3A_182 = arith.constant 64 : index
        %parallel_loop3A_183 = tpu.vector_load %arg12[%parallel_loop3A_181, %parallel_loop3A_182] {strides = array<i32>} : memref<80x128xf32, #tpu.memory_space<vmem>>, vector<1x16xf32>,
        %parallel_loop3A_184 = vector.shape_cast %parallel_loop3A_183 : vector<1x16xf32> to vector<16xf32>
        %parallel_loop3A_185 = vector.shape_cast %parallel_loop3A_180 : vector<16xf32> to vector<1x16xf32>
        tpu.vector_store %arg12[%parallel_loop3A_181, %parallel_loop3A_182], %parallel_loop3A_185 {strides = array<i32>} : memref<80x128xf32, #tpu.memory_space<vmem>>, vector<1x16xf32>,
        %parallel_loop3A_186 = arith.index_cast %parallel_loop3A_125 : i32 to index
        %parallel_loop3A_187 = arith.constant 80 : index
        %parallel_loop3A_188 = tpu.vector_load %arg12[%parallel_loop3A_186, %parallel_loop3A_187] {strides = array<i32>} : memref<80x128xf32, #tpu.memory_space<vmem>>, vector<1x16xf32>,
        %parallel_loop3A_189 = vector.shape_cast %parallel_loop3A_188 : vector<1x16xf32> to vector<16xf32>
        %parallel_loop3A_190 = vector.broadcast %parallel_loop3A_130 : f32 to vector<16xf32>
        %parallel_loop3A_191 = arith.mulf %parallel_loop3A_189, %parallel_loop3A_190 : vector<16xf32>
        %parallel_loop3A_192 = arith.index_cast %parallel_loop3A_125 : i32 to index
        %parallel_loop3A_193 = arith.constant 80 : index
        %parallel_loop3A_194 = tpu.vector_load %arg12[%parallel_loop3A_192, %parallel_loop3A_193] {strides = array<i32>} : memref<80x128xf32, #tpu.memory_space<vmem>>, vector<1x16xf32>,
        %parallel_loop3A_195 = vector.shape_cast %parallel_loop3A_194 : vector<1x16xf32> to vector<16xf32>
        %parallel_loop3A_196 = vector.shape_cast %parallel_loop3A_191 : vector<16xf32> to vector<1x16xf32>
        tpu.vector_store %arg12[%parallel_loop3A_192, %parallel_loop3A_193], %parallel_loop3A_196 {strides = array<i32>} : memref<80x128xf32, #tpu.memory_space<vmem>>, vector<1x16xf32>,
        %parallel_loop3A_197 = arith.index_cast %parallel_loop3A_125 : i32 to index
        %parallel_loop3A_198 = arith.constant 96 : index
        %parallel_loop3A_199 = tpu.vector_load %arg12[%parallel_loop3A_197, %parallel_loop3A_198] {strides = array<i32>} : memref<80x128xf32, #tpu.memory_space<vmem>>, vector<1x16xf32>,
        %parallel_loop3A_200 = vector.shape_cast %parallel_loop3A_199 : vector<1x16xf32> to vector<16xf32>
        %parallel_loop3A_201 = vector.broadcast %parallel_loop3A_130 : f32 to vector<16xf32>
        %parallel_loop3A_202 = arith.mulf %parallel_loop3A_200, %parallel_loop3A_201 : vector<16xf32>
        %parallel_loop3A_203 = arith.index_cast %parallel_loop3A_125 : i32 to index
        %parallel_loop3A_204 = arith.constant 96 : index
        %parallel_loop3A_205 = tpu.vector_load %arg12[%parallel_loop3A_203, %parallel_loop3A_204] {strides = array<i32>} : memref<80x128xf32, #tpu.memory_space<vmem>>, vector<1x16xf32>,
        %parallel_loop3A_206 = vector.shape_cast %parallel_loop3A_205 : vector<1x16xf32> to vector<16xf32>
        %parallel_loop3A_207 = vector.shape_cast %parallel_loop3A_202 : vector<16xf32> to vector<1x16xf32>
        tpu.vector_store %arg12[%parallel_loop3A_203, %parallel_loop3A_204], %parallel_loop3A_207 {strides = array<i32>} : memref<80x128xf32, #tpu.memory_space<vmem>>, vector<1x16xf32>,
        %parallel_loop3A_208 = arith.index_cast %parallel_loop3A_125 : i32 to index
        %parallel_loop3A_209 = arith.constant 112 : index
        %parallel_loop3A_210 = tpu.vector_load %arg12[%parallel_loop3A_208, %parallel_loop3A_209] {strides = array<i32>} : memref<80x128xf32, #tpu.memory_space<vmem>>, vector<1x16xf32>,
        %parallel_loop3A_211 = vector.shape_cast %parallel_loop3A_210 : vector<1x16xf32> to vector<16xf32>
        %parallel_loop3A_212 = vector.broadcast %parallel_loop3A_130 : f32 to vector<16xf32>
        %parallel_loop3A_213 = arith.mulf %parallel_loop3A_211, %parallel_loop3A_212 : vector<16xf32>
        %parallel_loop3A_214 = arith.index_cast %parallel_loop3A_125 : i32 to index
        %parallel_loop3A_215 = arith.constant 112 : index
        %parallel_loop3A_216 = tpu.vector_load %arg12[%parallel_loop3A_214, %parallel_loop3A_215] {strides = array<i32>} : memref<80x128xf32, #tpu.memory_space<vmem>>, vector<1x16xf32>,
        %parallel_loop3A_217 = vector.shape_cast %parallel_loop3A_216 : vector<1x16xf32> to vector<16xf32>
        %parallel_loop3A_218 = vector.shape_cast %parallel_loop3A_213 : vector<16xf32> to vector<1x16xf32>
        tpu.vector_store %arg12[%parallel_loop3A_214, %parallel_loop3A_215], %parallel_loop3A_218 {strides = array<i32>} : memref<80x128xf32, #tpu.memory_space<vmem>>, vector<1x16xf32>,
      } {sc.loop_unroll_factor = 8 : i64, sc.parallel_access}
      "tpu.region"() ({
        %run_scoped3A = tpu.sem_alloc : memref<!tpu.dma_semaphore, #tpu.memory_space<semaphore_mem>>
        %dma_start3A_125 = arith.constant 0 : i32
        %dma_start3A_126 = arith.constant 0 : i32
        %dma_start3A_127 = tpu.memref_slice %arg13[%dma_start3A_125, %dma_start3A_126] : memref<10240x128xf32, #tpu.memory_space<vmem_shared>> -> memref<10240x128xf32, #tpu.memory_space<vmem_shared>>
        tpu.enqueue_indirect_dma source(%arg12 : memref<80x128xf32, #tpu.memory_space<vmem>>) target(%dma_start3A_127 : memref<10240x128xf32, #tpu.memory_space<vmem_shared>>) offsets(%arg9 : memref<80xi32, #tpu.memory_space<vmem>>) semaphore(%run_scoped3A : memref<!tpu.dma_semaphore, #tpu.memory_space<semaphore_mem>>) {add = true}
        %dma_wait3A_128 = arith.constant 0 : i32
        %dma_wait3A_129 = arith.constant 0 : i32
        %dma_wait3A_130 = tpu.memref_slice %arg13[%dma_wait3A_128, %dma_wait3A_129] : memref<10240x128xf32, #tpu.memory_space<vmem_shared>> -> memref<10240x128xf32, #tpu.memory_space<vmem_shared>>
        tpu.wait_indirect_dma semaphore(%run_scoped3A : memref<!tpu.dma_semaphore, #tpu.memory_space<semaphore_mem>>) src(%arg12 : memref<80x128xf32, #tpu.memory_space<vmem>>) dst(%dma_wait3A_130 : memref<10240x128xf32, #tpu.memory_space<vmem_shared>>)
        tpu.yield
      }) : () -> ()
      %scan3A_124 = arith.constant 0 : i32
      scf.yield %scan3A_124 : i32
    }
    %scan3A_47 = arith.constant 125 : i32
    %barrier3A_48 = arith.constant 0 : index
    tpu.barrier barrier_id(%barrier3A_48)
    %mul3A_49 = arith.constant 640 : i32
    %mul3A_50 = arith.muli %arg1, %mul3A_49 : i32
    %add3A_51 = arith.constant 0 : i32
    %add3A_52 = arith.addi %mul3A_50, %add3A_51 : i32
    %mul3A_53 = arith.constant 640 : i32
    %mul3A_54 = arith.muli %arg1, %mul3A_53 : i32
    %add3A_55 = arith.constant 0 : i32
    %add3A_56 = arith.addi %mul3A_54, %add3A_55 : i32
    "tpu.region"() ({
      %run_scoped3A = tpu.sem_alloc : memref<!tpu.dma_semaphore, #tpu.memory_space<semaphore_mem>>
      %dma_start3A = arith.constant 0 : i32
      %dma_start3A_113 = tpu.memref_slice %arg7[%arg0, %add3A_56, %dma_start3A] : memref<2x10240x128xf32, #tpu.memory_space<hbm>> -> memref<1x80x128xf32, #tpu.memory_space<hbm>>
      %dma_start3A_114 = tpu.memref_squeeze %dma_start3A_113 : memref<1x80x128xf32, #tpu.memory_space<hbm>> -> memref<80x128xf32, #tpu.memory_space<hbm>>
      %dma_start3A_115 = arith.constant 0 : i32
      %dma_start3A_116 = tpu.memref_slice %arg13[%add3A_52, %dma_start3A_115] : memref<10240x128xf32, #tpu.memory_space<vmem_shared>> -> memref<80x128xf32, #tpu.memory_space<vmem_shared>>
      tpu.enqueue_dma source(%dma_start3A_116 : memref<80x128xf32, #tpu.memory_space<vmem_shared>>) target(%dma_start3A_114 : memref<80x128xf32, #tpu.memory_space<hbm>>) target_semaphore(%run_scoped3A : memref<!tpu.dma_semaphore, #tpu.memory_space<semaphore_mem>>)
      %dma_wait3A = arith.constant 0 : i32
      %dma_wait3A_117 = tpu.memref_slice %arg7[%arg0, %add3A_56, %dma_wait3A] : memref<2x10240x128xf32, #tpu.memory_space<hbm>> -> memref<1x80x128xf32, #tpu.memory_space<hbm>>
      %dma_wait3A_118 = tpu.memref_squeeze %dma_wait3A_117 : memref<1x80x128xf32, #tpu.memory_space<hbm>> -> memref<80x128xf32, #tpu.memory_space<hbm>>
      %dma_wait3A_119 = arith.constant 0 : i32
      %dma_wait3A_120 = tpu.memref_slice %arg13[%add3A_52, %dma_wait3A_119] : memref<10240x128xf32, #tpu.memory_space<vmem_shared>> -> memref<80x128xf32, #tpu.memory_space<vmem_shared>>
      tpu.wait_dma2 semaphore(%run_scoped3A : memref<!tpu.dma_semaphore, #tpu.memory_space<semaphore_mem>>) src(%dma_wait3A_120 : memref<80x128xf32, #tpu.memory_space<vmem_shared>>) dst(%dma_wait3A_118 : memref<80x128xf32, #tpu.memory_space<hbm>>)
      tpu.yield
    }) : () -> ()
    %mul3A_57 = arith.constant 640 : i32
    %mul3A_58 = arith.muli %arg1, %mul3A_57 : i32
    %add3A_59 = arith.constant 80 : i32
    %add3A_60 = arith.addi %mul3A_58, %add3A_59 : i32
    %mul3A_61 = arith.constant 640 : i32
    %mul3A_62 = arith.muli %arg1, %mul3A_61 : i32
    %add3A_63 = arith.constant 80 : i32
    %add3A_64 = arith.addi %mul3A_62, %add3A_63 : i32
    "tpu.region"() ({
      %run_scoped3A = tpu.sem_alloc : memref<!tpu.dma_semaphore, #tpu.memory_space<semaphore_mem>>
      %dma_start3A = arith.constant 0 : i32
      %dma_start3A_113 = tpu.memref_slice %arg7[%arg0, %add3A_64, %dma_start3A] : memref<2x10240x128xf32, #tpu.memory_space<hbm>> -> memref<1x80x128xf32, #tpu.memory_space<hbm>>
      %dma_start3A_114 = tpu.memref_squeeze %dma_start3A_113 : memref<1x80x128xf32, #tpu.memory_space<hbm>> -> memref<80x128xf32, #tpu.memory_space<hbm>>
      %dma_start3A_115 = arith.constant 0 : i32
      %dma_start3A_116 = tpu.memref_slice %arg13[%add3A_60, %dma_start3A_115] : memref<10240x128xf32, #tpu.memory_space<vmem_shared>> -> memref<80x128xf32, #tpu.memory_space<vmem_shared>>
      tpu.enqueue_dma source(%dma_start3A_116 : memref<80x128xf32, #tpu.memory_space<vmem_shared>>) target(%dma_start3A_114 : memref<80x128xf32, #tpu.memory_space<hbm>>) target_semaphore(%run_scoped3A : memref<!tpu.dma_semaphore, #tpu.memory_space<semaphore_mem>>)
      %dma_wait3A = arith.constant 0 : i32
      %dma_wait3A_117 = tpu.memref_slice %arg7[%arg0, %add3A_64, %dma_wait3A] : memref<2x10240x128xf32, #tpu.memory_space<hbm>> -> memref<1x80x128xf32, #tpu.memory_space<hbm>>
      %dma_wait3A_118 = tpu.memref_squeeze %dma_wait3A_117 : memref<1x80x128xf32, #tpu.memory_space<hbm>> -> memref<80x128xf32, #tpu.memory_space<hbm>>
      %dma_wait3A_119 = arith.constant 0 : i32
      %dma_wait3A_120 = tpu.memref_slice %arg13[%add3A_60, %dma_wait3A_119] : memref<10240x128xf32, #tpu.memory_space<vmem_shared>> -> memref<80x128xf32, #tpu.memory_space<vmem_shared>>
      tpu.wait_dma2 semaphore(%run_scoped3A : memref<!tpu.dma_semaphore, #tpu.memory_space<semaphore_mem>>) src(%dma_wait3A_120 : memref<80x128xf32, #tpu.memory_space<vmem_shared>>) dst(%dma_wait3A_118 : memref<80x128xf32, #tpu.memory_space<hbm>>)
      tpu.yield
    }) : () -> ()
    %mul3A_65 = arith.constant 640 : i32
    %mul3A_66 = arith.muli %arg1, %mul3A_65 : i32
    %add3A_67 = arith.constant 160 : i32
    %add3A_68 = arith.addi %mul3A_66, %add3A_67 : i32
    %mul3A_69 = arith.constant 640 : i32
    %mul3A_70 = arith.muli %arg1, %mul3A_69 : i32
    %add3A_71 = arith.constant 160 : i32
    %add3A_72 = arith.addi %mul3A_70, %add3A_71 : i32
    "tpu.region"() ({
      %run_scoped3A = tpu.sem_alloc : memref<!tpu.dma_semaphore, #tpu.memory_space<semaphore_mem>>
      %dma_start3A = arith.constant 0 : i32
      %dma_start3A_113 = tpu.memref_slice %arg7[%arg0, %add3A_72, %dma_start3A] : memref<2x10240x128xf32, #tpu.memory_space<hbm>> -> memref<1x80x128xf32, #tpu.memory_space<hbm>>
      %dma_start3A_114 = tpu.memref_squeeze %dma_start3A_113 : memref<1x80x128xf32, #tpu.memory_space<hbm>> -> memref<80x128xf32, #tpu.memory_space<hbm>>
      %dma_start3A_115 = arith.constant 0 : i32
      %dma_start3A_116 = tpu.memref_slice %arg13[%add3A_68, %dma_start3A_115] : memref<10240x128xf32, #tpu.memory_space<vmem_shared>> -> memref<80x128xf32, #tpu.memory_space<vmem_shared>>
      tpu.enqueue_dma source(%dma_start3A_116 : memref<80x128xf32, #tpu.memory_space<vmem_shared>>) target(%dma_start3A_114 : memref<80x128xf32, #tpu.memory_space<hbm>>) target_semaphore(%run_scoped3A : memref<!tpu.dma_semaphore, #tpu.memory_space<semaphore_mem>>)
      %dma_wait3A = arith.constant 0 : i32
      %dma_wait3A_117 = tpu.memref_slice %arg7[%arg0, %add3A_72, %dma_wait3A] : memref<2x10240x128xf32, #tpu.memory_space<hbm>> -> memref<1x80x128xf32, #tpu.memory_space<hbm>>
      %dma_wait3A_118 = tpu.memref_squeeze %dma_wait3A_117 : memref<1x80x128xf32, #tpu.memory_space<hbm>> -> memref<80x128xf32, #tpu.memory_space<hbm>>
      %dma_wait3A_119 = arith.constant 0 : i32
      %dma_wait3A_120 = tpu.memref_slice %arg13[%add3A_68, %dma_wait3A_119] : memref<10240x128xf32, #tpu.memory_space<vmem_shared>> -> memref<80x128xf32, #tpu.memory_space<vmem_shared>>
      tpu.wait_dma2 semaphore(%run_scoped3A : memref<!tpu.dma_semaphore, #tpu.memory_space<semaphore_mem>>) src(%dma_wait3A_120 : memref<80x128xf32, #tpu.memory_space<vmem_shared>>) dst(%dma_wait3A_118 : memref<80x128xf32, #tpu.memory_space<hbm>>)
      tpu.yield
    }) : () -> ()
    %mul3A_73 = arith.constant 640 : i32
    %mul3A_74 = arith.muli %arg1, %mul3A_73 : i32
    %add3A_75 = arith.constant 240 : i32
    %add3A_76 = arith.addi %mul3A_74, %add3A_75 : i32
    %mul3A_77 = arith.constant 640 : i32
    %mul3A_78 = arith.muli %arg1, %mul3A_77 : i32
    %add3A_79 = arith.constant 240 : i32
    %add3A_80 = arith.addi %mul3A_78, %add3A_79 : i32
    "tpu.region"() ({
      %run_scoped3A = tpu.sem_alloc : memref<!tpu.dma_semaphore, #tpu.memory_space<semaphore_mem>>
      %dma_start3A = arith.constant 0 : i32
      %dma_start3A_113 = tpu.memref_slice %arg7[%arg0, %add3A_80, %dma_start3A] : memref<2x10240x128xf32, #tpu.memory_space<hbm>> -> memref<1x80x128xf32, #tpu.memory_space<hbm>>
      %dma_start3A_114 = tpu.memref_squeeze %dma_start3A_113 : memref<1x80x128xf32, #tpu.memory_space<hbm>> -> memref<80x128xf32, #tpu.memory_space<hbm>>
      %dma_start3A_115 = arith.constant 0 : i32
      %dma_start3A_116 = tpu.memref_slice %arg13[%add3A_76, %dma_start3A_115] : memref<10240x128xf32, #tpu.memory_space<vmem_shared>> -> memref<80x128xf32, #tpu.memory_space<vmem_shared>>
      tpu.enqueue_dma source(%dma_start3A_116 : memref<80x128xf32, #tpu.memory_space<vmem_shared>>) target(%dma_start3A_114 : memref<80x128xf32, #tpu.memory_space<hbm>>) target_semaphore(%run_scoped3A : memref<!tpu.dma_semaphore, #tpu.memory_space<semaphore_mem>>)
      %dma_wait3A = arith.constant 0 : i32
      %dma_wait3A_117 = tpu.memref_slice %arg7[%arg0, %add3A_80, %dma_wait3A] : memref<2x10240x128xf32, #tpu.memory_space<hbm>> -> memref<1x80x128xf32, #tpu.memory_space<hbm>>
      %dma_wait3A_118 = tpu.memref_squeeze %dma_wait3A_117 : memref<1x80x128xf32, #tpu.memory_space<hbm>> -> memref<80x128xf32, #tpu.memory_space<hbm>>
      %dma_wait3A_119 = arith.constant 0 : i32
      %dma_wait3A_120 = tpu.memref_slice %arg13[%add3A_76, %dma_wait3A_119] : memref<10240x128xf32, #tpu.memory_space<vmem_shared>> -> memref<80x128xf32, #tpu.memory_space<vmem_shared>>
      tpu.wait_dma2 semaphore(%run_scoped3A : memref<!tpu.dma_semaphore, #tpu.memory_space<semaphore_mem>>) src(%dma_wait3A_120 : memref<80x128xf32, #tpu.memory_space<vmem_shared>>) dst(%dma_wait3A_118 : memref<80x128xf32, #tpu.memory_space<hbm>>)
      tpu.yield
    }) : () -> ()
    %mul3A_81 = arith.constant 640 : i32
    %mul3A_82 = arith.muli %arg1, %mul3A_81 : i32
    %add3A_83 = arith.constant 320 : i32
    %add3A_84 = arith.addi %mul3A_82, %add3A_83 : i32
    %mul3A_85 = arith.constant 640 : i32
    %mul3A_86 = arith.muli %arg1, %mul3A_85 : i32
    %add3A_87 = arith.constant 320 : i32
    %add3A_88 = arith.addi %mul3A_86, %add3A_87 : i32
    "tpu.region"() ({
      %run_scoped3A = tpu.sem_alloc : memref<!tpu.dma_semaphore, #tpu.memory_space<semaphore_mem>>
      %dma_start3A = arith.constant 0 : i32
      %dma_start3A_113 = tpu.memref_slice %arg7[%arg0, %add3A_88, %dma_start3A] : memref<2x10240x128xf32, #tpu.memory_space<hbm>> -> memref<1x80x128xf32, #tpu.memory_space<hbm>>
      %dma_start3A_114 = tpu.memref_squeeze %dma_start3A_113 : memref<1x80x128xf32, #tpu.memory_space<hbm>> -> memref<80x128xf32, #tpu.memory_space<hbm>>
      %dma_start3A_115 = arith.constant 0 : i32
      %dma_start3A_116 = tpu.memref_slice %arg13[%add3A_84, %dma_start3A_115] : memref<10240x128xf32, #tpu.memory_space<vmem_shared>> -> memref<80x128xf32, #tpu.memory_space<vmem_shared>>
      tpu.enqueue_dma source(%dma_start3A_116 : memref<80x128xf32, #tpu.memory_space<vmem_shared>>) target(%dma_start3A_114 : memref<80x128xf32, #tpu.memory_space<hbm>>) target_semaphore(%run_scoped3A : memref<!tpu.dma_semaphore, #tpu.memory_space<semaphore_mem>>)
      %dma_wait3A = arith.constant 0 : i32
      %dma_wait3A_117 = tpu.memref_slice %arg7[%arg0, %add3A_88, %dma_wait3A] : memref<2x10240x128xf32, #tpu.memory_space<hbm>> -> memref<1x80x128xf32, #tpu.memory_space<hbm>>
      %dma_wait3A_118 = tpu.memref_squeeze %dma_wait3A_117 : memref<1x80x128xf32, #tpu.memory_space<hbm>> -> memref<80x128xf32, #tpu.memory_space<hbm>>
      %dma_wait3A_119 = arith.constant 0 : i32
      %dma_wait3A_120 = tpu.memref_slice %arg13[%add3A_84, %dma_wait3A_119] : memref<10240x128xf32, #tpu.memory_space<vmem_shared>> -> memref<80x128xf32, #tpu.memory_space<vmem_shared>>
      tpu.wait_dma2 semaphore(%run_scoped3A : memref<!tpu.dma_semaphore, #tpu.memory_space<semaphore_mem>>) src(%dma_wait3A_120 : memref<80x128xf32, #tpu.memory_space<vmem_shared>>) dst(%dma_wait3A_118 : memref<80x128xf32, #tpu.memory_space<hbm>>)
      tpu.yield
    }) : () -> ()
    %mul3A_89 = arith.constant 640 : i32
    %mul3A_90 = arith.muli %arg1, %mul3A_89 : i32
    %add3A_91 = arith.constant 400 : i32
    %add3A_92 = arith.addi %mul3A_90, %add3A_91 : i32
    %mul3A_93 = arith.constant 640 : i32
    %mul3A_94 = arith.muli %arg1, %mul3A_93 : i32
    %add3A_95 = arith.constant 400 : i32
    %add3A_96 = arith.addi %mul3A_94, %add3A_95 : i32
    "tpu.region"() ({
      %run_scoped3A = tpu.sem_alloc : memref<!tpu.dma_semaphore, #tpu.memory_space<semaphore_mem>>
      %dma_start3A = arith.constant 0 : i32
      %dma_start3A_113 = tpu.memref_slice %arg7[%arg0, %add3A_96, %dma_start3A] : memref<2x10240x128xf32, #tpu.memory_space<hbm>> -> memref<1x80x128xf32, #tpu.memory_space<hbm>>
      %dma_start3A_114 = tpu.memref_squeeze %dma_start3A_113 : memref<1x80x128xf32, #tpu.memory_space<hbm>> -> memref<80x128xf32, #tpu.memory_space<hbm>>
      %dma_start3A_115 = arith.constant 0 : i32
      %dma_start3A_116 = tpu.memref_slice %arg13[%add3A_92, %dma_start3A_115] : memref<10240x128xf32, #tpu.memory_space<vmem_shared>> -> memref<80x128xf32, #tpu.memory_space<vmem_shared>>
      tpu.enqueue_dma source(%dma_start3A_116 : memref<80x128xf32, #tpu.memory_space<vmem_shared>>) target(%dma_start3A_114 : memref<80x128xf32, #tpu.memory_space<hbm>>) target_semaphore(%run_scoped3A : memref<!tpu.dma_semaphore, #tpu.memory_space<semaphore_mem>>)
      %dma_wait3A = arith.constant 0 : i32
      %dma_wait3A_117 = tpu.memref_slice %arg7[%arg0, %add3A_96, %dma_wait3A] : memref<2x10240x128xf32, #tpu.memory_space<hbm>> -> memref<1x80x128xf32, #tpu.memory_space<hbm>>
      %dma_wait3A_118 = tpu.memref_squeeze %dma_wait3A_117 : memref<1x80x128xf32, #tpu.memory_space<hbm>> -> memref<80x128xf32, #tpu.memory_space<hbm>>
      %dma_wait3A_119 = arith.constant 0 : i32
      %dma_wait3A_120 = tpu.memref_slice %arg13[%add3A_92, %dma_wait3A_119] : memref<10240x128xf32, #tpu.memory_space<vmem_shared>> -> memref<80x128xf32, #tpu.memory_space<vmem_shared>>
      tpu.wait_dma2 semaphore(%run_scoped3A : memref<!tpu.dma_semaphore, #tpu.memory_space<semaphore_mem>>) src(%dma_wait3A_120 : memref<80x128xf32, #tpu.memory_space<vmem_shared>>) dst(%dma_wait3A_118 : memref<80x128xf32, #tpu.memory_space<hbm>>)
      tpu.yield
    }) : () -> ()
    %mul3A_97 = arith.constant 640 : i32
    %mul3A_98 = arith.muli %arg1, %mul3A_97 : i32
    %add3A_99 = arith.constant 480 : i32
    %add3A_100 = arith.addi %mul3A_98, %add3A_99 : i32
    %mul3A_101 = arith.constant 640 : i32
    %mul3A_102 = arith.muli %arg1, %mul3A_101 : i32
    %add3A_103 = arith.constant 480 : i32
    %add3A_104 = arith.addi %mul3A_102, %add3A_103 : i32
    "tpu.region"() ({
      %run_scoped3A = tpu.sem_alloc : memref<!tpu.dma_semaphore, #tpu.memory_space<semaphore_mem>>
      %dma_start3A = arith.constant 0 : i32
      %dma_start3A_113 = tpu.memref_slice %arg7[%arg0, %add3A_104, %dma_start3A] : memref<2x10240x128xf32, #tpu.memory_space<hbm>> -> memref<1x80x128xf32, #tpu.memory_space<hbm>>
      %dma_start3A_114 = tpu.memref_squeeze %dma_start3A_113 : memref<1x80x128xf32, #tpu.memory_space<hbm>> -> memref<80x128xf32, #tpu.memory_space<hbm>>
      %dma_start3A_115 = arith.constant 0 : i32
      %dma_start3A_116 = tpu.memref_slice %arg13[%add3A_100, %dma_start3A_115] : memref<10240x128xf32, #tpu.memory_space<vmem_shared>> -> memref<80x128xf32, #tpu.memory_space<vmem_shared>>
      tpu.enqueue_dma source(%dma_start3A_116 : memref<80x128xf32, #tpu.memory_space<vmem_shared>>) target(%dma_start3A_114 : memref<80x128xf32, #tpu.memory_space<hbm>>) target_semaphore(%run_scoped3A : memref<!tpu.dma_semaphore, #tpu.memory_space<semaphore_mem>>)
      %dma_wait3A = arith.constant 0 : i32
      %dma_wait3A_117 = tpu.memref_slice %arg7[%arg0, %add3A_104, %dma_wait3A] : memref<2x10240x128xf32, #tpu.memory_space<hbm>> -> memref<1x80x128xf32, #tpu.memory_space<hbm>>
      %dma_wait3A_118 = tpu.memref_squeeze %dma_wait3A_117 : memref<1x80x128xf32, #tpu.memory_space<hbm>> -> memref<80x128xf32, #tpu.memory_space<hbm>>
      %dma_wait3A_119 = arith.constant 0 : i32
      %dma_wait3A_120 = tpu.memref_slice %arg13[%add3A_100, %dma_wait3A_119] : memref<10240x128xf32, #tpu.memory_space<vmem_shared>> -> memref<80x128xf32, #tpu.memory_space<vmem_shared>>
      tpu.wait_dma2 semaphore(%run_scoped3A : memref<!tpu.dma_semaphore, #tpu.memory_space<semaphore_mem>>) src(%dma_wait3A_120 : memref<80x128xf32, #tpu.memory_space<vmem_shared>>) dst(%dma_wait3A_118 : memref<80x128xf32, #tpu.memory_space<hbm>>)
      tpu.yield
    }) : () -> ()
    %mul3A_105 = arith.constant 640 : i32
    %mul3A_106 = arith.muli %arg1, %mul3A_105 : i32
    %add3A_107 = arith.constant 560 : i32
    %add3A_108 = arith.addi %mul3A_106, %add3A_107 : i32
    %mul3A_109 = arith.constant 640 : i32
    %mul3A_110 = arith.muli %arg1, %mul3A_109 : i32
    %add3A_111 = arith.constant 560 : i32
    %add3A_112 = arith.addi %mul3A_110, %add3A_111 : i32
    "tpu.region"() ({
      %run_scoped3A = tpu.sem_alloc : memref<!tpu.dma_semaphore, #tpu.memory_space<semaphore_mem>>
      %dma_start3A = arith.constant 0 : i32
      %dma_start3A_113 = tpu.memref_slice %arg7[%arg0, %add3A_112, %dma_start3A] : memref<2x10240x128xf32, #tpu.memory_space<hbm>> -> memref<1x80x128xf32, #tpu.memory_space<hbm>>
      %dma_start3A_114 = tpu.memref_squeeze %dma_start3A_113 : memref<1x80x128xf32, #tpu.memory_space<hbm>> -> memref<80x128xf32, #tpu.memory_space<hbm>>
      %dma_start3A_115 = arith.constant 0 : i32
      %dma_start3A_116 = tpu.memref_slice %arg13[%add3A_108, %dma_start3A_115] : memref<10240x128xf32, #tpu.memory_space<vmem_shared>> -> memref<80x128xf32, #tpu.memory_space<vmem_shared>>
      tpu.enqueue_dma source(%dma_start3A_116 : memref<80x128xf32, #tpu.memory_space<vmem_shared>>) target(%dma_start3A_114 : memref<80x128xf32, #tpu.memory_space<hbm>>) target_semaphore(%run_scoped3A : memref<!tpu.dma_semaphore, #tpu.memory_space<semaphore_mem>>)
      %dma_wait3A = arith.constant 0 : i32
      %dma_wait3A_117 = tpu.memref_slice %arg7[%arg0, %add3A_112, %dma_wait3A] : memref<2x10240x128xf32, #tpu.memory_space<hbm>> -> memref<1x80x128xf32, #tpu.memory_space<hbm>>
      %dma_wait3A_118 = tpu.memref_squeeze %dma_wait3A_117 : memref<1x80x128xf32, #tpu.memory_space<hbm>> -> memref<80x128xf32, #tpu.memory_space<hbm>>
      %dma_wait3A_119 = arith.constant 0 : i32
      %dma_wait3A_120 = tpu.memref_slice %arg13[%add3A_108, %dma_wait3A_119] : memref<10240x128xf32, #tpu.memory_space<vmem_shared>> -> memref<80x128xf32, #tpu.memory_space<vmem_shared>>
      tpu.wait_dma2 semaphore(%run_scoped3A : memref<!tpu.dma_semaphore, #tpu.memory_space<semaphore_mem>>) src(%dma_wait3A_120 : memref<80x128xf32, #tpu.memory_space<vmem_shared>>) dst(%dma_wait3A_118 : memref<80x128xf32, #tpu.memory_space<hbm>>)
      tpu.yield
    }) : () -> ()
    return
  }
}

module attributes {stable_mosaic.version = 14 : i64} {
  func.func @_mm_stacked_body(%arg0: i32, %arg1: i32, %arg2: memref<400x128xf32, #tpu.memory_space<vmem>>, %arg3: memref<1x128x128xf32, #tpu.memory_space<vmem>>, %arg4: memref<1x400x128xf32, #tpu.memory_space<vmem>>) attributes {dimension_semantics = [#tpu.dimension_semantics<arbitrary>, #tpu.dimension_semantics<arbitrary>], iteration_bounds = array<i64: 4, 25>, scalar_prefetch = 0 : i64, scratch_operands = 0 : i64, tpu.core_type = #tpu.core_type<tc>, window_params = [{transform_indices = @transform_0, window_bounds = array<i64: 400, 128>}, {transform_indices = @transform_1, window_bounds = array<i64: 1, 128, 128>}, {transform_indices = @transform_2, window_bounds = array<i64: 1, 400, 128>}]} {
    %get3A = arith.constant 0 : index
    %get3A_0 = arith.constant 0 : index
    %get3A_1 = vector.load %arg2[%get3A, %get3A_0] : memref<400x128xf32, #tpu.memory_space<vmem>>, vector<400x128xf32>
    %get3A_2 = arith.constant 0 : index
    %get3A_3 = arith.constant 0 : index
    %get3A_4 = arith.constant 0 : index
    %get3A_5 = vector.load %arg3[%get3A_2, %get3A_3, %get3A_4] : memref<1x128x128xf32, #tpu.memory_space<vmem>>, vector<1x128x128xf32>
    %get3A_6 = vector.shape_cast %get3A_5 : vector<1x128x128xf32> to vector<128x128xf32>
    %dot_general3A = arith.constant dense<0.000000e+00> : vector<400x128xf32>
    %dot_general3A_7 = tpu.matmul %get3A_1, %get3A_6, %dot_general3A {dimension_numbers = #tpu.dot_dimension_numbers<[1], [0], [0], [1], [0, 0, 1, 1], [], []>, transpose_lhs_hint = false} : vector<400x128xf32>, vector<128x128xf32>, vector<400x128xf32> -> vector<400x128xf32>
    %swap3A = arith.constant 0 : index
    %swap3A_8 = arith.constant 0 : index
    %swap3A_9 = arith.constant 0 : index
    %swap3A_10 = vector.load %arg4[%swap3A, %swap3A_8, %swap3A_9] : memref<1x400x128xf32, #tpu.memory_space<vmem>>, vector<1x400x128xf32>
    %swap3A_11 = vector.shape_cast %swap3A_10 : vector<1x400x128xf32> to vector<400x128xf32>
    %swap3A_12 = vector.shape_cast %dot_general3A_7 : vector<400x128xf32> to vector<1x400x128xf32>
    tpu.vector_store %arg4[%swap3A, %swap3A_8, %swap3A_9], %swap3A_12 {strides = array<i32>} : memref<1x400x128xf32, #tpu.memory_space<vmem>>, vector<1x400x128xf32>,
    return
  }
  func.func @transform_0(%arg0: i32, %arg1: i32) -> (i32, i32) {
    %c0_i32 = arith.constant 0 : i32
    %c0_i32_0 = arith.constant 0 : i32
    return %arg1, %c0_i32 : i32, i32
  }
  func.func @transform_1(%arg0: i32, %arg1: i32) -> (i32, i32, i32) {
    %c0_i32 = arith.constant 0 : i32
    %c0_i32_0 = arith.constant 0 : i32
    %c0_i32_1 = arith.constant 0 : i32
    return %arg0, %c0_i32, %c0_i32_0 : i32, i32, i32
  }
  func.func @transform_2(%arg0: i32, %arg1: i32) -> (i32, i32, i32) {
    %c0_i32 = arith.constant 0 : i32
    %c0_i32_0 = arith.constant 0 : i32
    return %arg0, %arg1, %c0_i32 : i32, i32, i32
  }
}

module attributes {stable_mosaic.version = 14 : i64} {
  func.func @_combine1_body(%arg0: i32, %arg1: memref<400x128xf32, #tpu.memory_space<vmem>>, %arg2: memref<2x400x128xf32, #tpu.memory_space<vmem>>, %arg3: memref<128x128xf32, #tpu.memory_space<vmem>>, %arg4: memref<1x128xf32, #tpu.memory_space<vmem>>, %arg5: memref<128x128xf32, #tpu.memory_space<vmem>>, %arg6: memref<400x128xf32, #tpu.memory_space<vmem>>) attributes {dimension_semantics = [#tpu.dimension_semantics<arbitrary>], iteration_bounds = array<i64: 25>, scalar_prefetch = 0 : i64, scratch_operands = 0 : i64, tpu.core_type = #tpu.core_type<tc>, window_params = [{transform_indices = @transform_0, window_bounds = array<i64: 400, 128>}, {transform_indices = @transform_1, window_bounds = array<i64: 2, 400, 128>}, {pipeline_mode = #tpu.pipeline_mode<synchronous>, transform_indices = @transform_2, window_bounds = array<i64: 128, 128>}, {pipeline_mode = #tpu.pipeline_mode<synchronous>, transform_indices = @transform_3, window_bounds = array<i64: 1, 128>}, {pipeline_mode = #tpu.pipeline_mode<synchronous>, transform_indices = @transform_4, window_bounds = array<i64: 128, 128>}, {transform_indices = @transform_5, window_bounds = array<i64: 400, 128>}]} {
    %get3A = arith.constant 0 : index
    %get3A_0 = arith.constant 0 : index
    %get3A_1 = vector.load %arg1[%get3A, %get3A_0] : memref<400x128xf32, #tpu.memory_space<vmem>>, vector<400x128xf32>
    %get3A_2 = arith.constant 0 : index
    %get3A_3 = arith.constant 0 : index
    %get3A_4 = vector.load %arg3[%get3A_2, %get3A_3] : memref<128x128xf32, #tpu.memory_space<vmem>>, vector<128x128xf32>
    %dot_general3A = arith.constant dense<0.000000e+00> : vector<400x128xf32>
    %dot_general3A_5 = tpu.matmul %get3A_1, %get3A_4, %dot_general3A {dimension_numbers = #tpu.dot_dimension_numbers<[1], [0], [0], [1], [0, 0, 1, 1], [], []>, transpose_lhs_hint = false} : vector<400x128xf32>, vector<128x128xf32>, vector<400x128xf32> -> vector<400x128xf32>
    %get3A_6 = arith.constant 0 : index
    %get3A_7 = arith.constant 0 : index
    %get3A_8 = vector.load %arg4[%get3A_6, %get3A_7] : memref<1x128xf32, #tpu.memory_space<vmem>>, vector<1x128xf32>
    %add3A = vector.broadcast %get3A_8 : vector<1x128xf32> to vector<400x128xf32>
    %add3A_9 = arith.addf %dot_general3A_5, %add3A : vector<400x128xf32>
    %get3A_10 = arith.constant 0 : index
    %get3A_11 = arith.constant 0 : index
    %get3A_12 = arith.constant 0 : index
    %get3A_13 = vector.load %arg2[%get3A_10, %get3A_11, %get3A_12] : memref<2x400x128xf32, #tpu.memory_space<vmem>>, vector<1x400x128xf32>
    %get3A_14 = vector.shape_cast %get3A_13 : vector<1x400x128xf32> to vector<400x128xf32>
    %add3A_15 = arith.addf %add3A_9, %get3A_14 : vector<400x128xf32>
    %get3A_16 = arith.constant 1 : index
    %get3A_17 = arith.constant 0 : index
    %get3A_18 = arith.constant 0 : index
    %get3A_19 = vector.load %arg2[%get3A_16, %get3A_17, %get3A_18] : memref<2x400x128xf32, #tpu.memory_space<vmem>>, vector<1x400x128xf32>
    %get3A_20 = vector.shape_cast %get3A_19 : vector<1x400x128xf32> to vector<400x128xf32>
    %add3A_21 = arith.addf %add3A_15, %get3A_20 : vector<400x128xf32>
    %max3A = arith.constant 0.000000e+00 : f32
    %max3A_22 = vector.broadcast %max3A : f32 to vector<400x128xf32>
    %max3A_23 = arith.maximumf %add3A_21, %max3A_22 : vector<400x128xf32>
    %get3A_24 = arith.constant 0 : index
    %get3A_25 = arith.constant 0 : index
    %get3A_26 = vector.load %arg5[%get3A_24, %get3A_25] : memref<128x128xf32, #tpu.memory_space<vmem>>, vector<128x128xf32>
    %dot_general3A_27 = arith.constant dense<0.000000e+00> : vector<400x128xf32>
    %dot_general3A_28 = tpu.matmul %max3A_23, %get3A_26, %dot_general3A_27 {dimension_numbers = #tpu.dot_dimension_numbers<[1], [0], [0], [1], [0, 0, 1, 1], [], []>, transpose_lhs_hint = false} : vector<400x128xf32>, vector<128x128xf32>, vector<400x128xf32> -> vector<400x128xf32>
    %swap3A = arith.constant 0 : index
    %swap3A_29 = arith.constant 0 : index
    %swap3A_30 = vector.load %arg6[%swap3A, %swap3A_29] : memref<400x128xf32, #tpu.memory_space<vmem>>, vector<400x128xf32>
    tpu.vector_store %arg6[%swap3A, %swap3A_29], %dot_general3A_28 {strides = array<i32>} : memref<400x128xf32, #tpu.memory_space<vmem>>, vector<400x128xf32>,
    return
  }
  func.func @transform_0(%arg0: i32) -> (i32, i32) {
    %c0_i32 = arith.constant 0 : i32
    %c0_i32_0 = arith.constant 0 : i32
    return %arg0, %c0_i32 : i32, i32
  }
  func.func @transform_1(%arg0: i32) -> (i32, i32, i32) {
    %c0_i32 = arith.constant 0 : i32
    %c0_i32_0 = arith.constant 0 : i32
    %c0_i32_1 = arith.constant 0 : i32
    return %c0_i32, %arg0, %c0_i32_0 : i32, i32, i32
  }
  func.func @transform_2(%arg0: i32) -> (i32, i32) {
    %c0_i32 = arith.constant 0 : i32
    %c0_i32_0 = arith.constant 0 : i32
    %c0_i32_1 = arith.constant 0 : i32
    return %c0_i32, %c0_i32_0 : i32, i32
  }
  func.func @transform_3(%arg0: i32) -> (i32, i32) {
    %c0_i32 = arith.constant 0 : i32
    %c0_i32_0 = arith.constant 0 : i32
    %c0_i32_1 = arith.constant 0 : i32
    return %c0_i32, %c0_i32_0 : i32, i32
  }
  func.func @transform_4(%arg0: i32) -> (i32, i32) {
    %c0_i32 = arith.constant 0 : i32
    %c0_i32_0 = arith.constant 0 : i32
    %c0_i32_1 = arith.constant 0 : i32
    return %c0_i32, %c0_i32_0 : i32, i32
  }
  func.func @transform_5(%arg0: i32) -> (i32, i32) {
    %c0_i32 = arith.constant 0 : i32
    %c0_i32_0 = arith.constant 0 : i32
    return %arg0, %c0_i32 : i32, i32
  }
}

</mosaic_0001>

<sc_bundles>
// kernel: kernel.10.cloned.1.call-start
scs
__scs_entry_jumppad:
0x0: {  	(pc) =	sbr.rel $0x88, $3  }
0x1: {  	(tag) =	ssettag $0x0;
	lr =	simm.s32 $0x1  }
0x2: {  	[smem:$0x3F98] =	sst lr;
	_ =	strace $0xD0000000  }
0x3: {  	_ = 	snop  }
0x4: {  	_ = 	snop  }
0x5: {  	_ = 	snop  }
0x6: {  	_ = 	snop  }
0x7: {  	_ = 	snop  }
__scs_overlays_trampoline_lowered:
0x8: {  	[smem:$0x3FA7] =	sst s0  }
0x9: {  	[smem:$0x3FA8] =	sst s1  }
0xa: {  	[smem:$0x3FA9] =	sst s2  }
0xb: {  	[smem:$0x3FAA] =	sst s3  }
0xc: {  	[smem:$0x3FAB] =	sst s4  }
0xd: {  	[smem:$0x3FAC] =	sst s5  }
0xe: {  	[smem:$0x3FAD] =	sst s6  }
0xf: {  	[smem:$0x3FAE] =	sst s7  }
0x10: {  	[smem:$0x3FAF] =	sst s8  }
0x11: {  	[smem:$0x3FB0] =	sst s9;
	s0 =	simm.s32 @!p0 $0x0  }
0x12: {  	s1 =	sld [smem:$0x3F96];
	s0 =	simm.s32 @p0 $0x1  }
0x13: {  	[smem:$0x3FB1] =	sst s0;
	s0 =	simm.s32 @!p1 $0x0  }
0x14: {  	s2 =	sld [smem:$0x3F95];
	s0 =	simm.s32 @p1 $0x1  }
0x15: {  	[smem:$0x3FB2] =	sst s0;
	s0 =	simm.s32 @!p2 $0x0  }
0x16: {  	s3 =	sld [smem:$0x3FDB];
	s0 =	simm.s32 @p2 $0x1  }
0x17: {  	s4 =	simm.s32 $0x1BF5;
	[smem:$0x3FB4] =	sst s0  }
0x18: {  	s0 =	sld [smem:$0x3F97];
	_ =	swait.ge [sflag:s4], $0x0  }
0x19: {  	s7 =	sld [smem:$0x3F98]  }
0x1a: {  	s8 =	sadd.s32 $0xFFFFE003, lr  }
0x1b: {  	s9 =	sadd.s32 $0xFFFFFEF7, lr;
	s5 =	simm.s32 $0xFFFFFFFF;
	p2 =	slt.u32 s8, $0xFFFFF086  }
0x1c: {  	p1 =	slt.u32 s9, $0xF7A;
	s5 =	simm.s32 @!p2 $0x0  }
0x1d: {  	s5 =	simm.s32 @p1 $0x1;
	p0 =	seq.s32 s7, s2  }
0x1e: {  	s7 =	smul.u32 @!p0 $0xF7A, s2;
	p2 =	seq.s32 @!p0 s5, $0x0  }
0x1f: {  	s9 =	smul.u32 $0xF7A, s1;
	s8 =	simm.s32 @!p0 $0x1BF5;
	p2 =	por !p2, p0  }
0x20: {  	[sflag:s8] =	ssyncset.s32 @!p0 $0xFFFFF086;
	s6 =	sadd.s32 @!p0 s3, s7;
	s7 =	simm.s32 @!p0 $0x108  }
0x21: {  	s3 =	sadd.s32 s3, s9;
	s6 =	sadd.s32 @!p0 $0x88, s6;
	s7 =	simm.s32 @p2 $0x1082  }
0x22: {  	[simem:s7], [sflag:s8] =	dma.local @!p0 [hbm:s6], $0xF7A  }
0x23: {  	s9 =	sor.u32 $0xD0000000, s2;
	s6 =	simm.s32 $0x108;
	_ =	swait.ge @!p0 [sflag:s8], $0x0  }
0x24: {  	s3 =	sadd.s32 $0x88, s3;
	s6 =	simm.s32 @!p1 $0x1082;
	[sflag:s4] =	ssyncset.s32 $0xFFFFF086  }
0x25: {  	[simem:s6], [sflag:s4] =	dma.local [hbm:s3], $0xF7A  }
0x26: {  	[smem:$0x3F98] =	sst s1;
	(tag) =	ssettag s2;
	_ =	strace s9  }
0x27: {  	s1 =	sld [smem:$0x3FA8]  }
0x28: {  	s2 =	sld [smem:$0x3FA9]  }
0x29: {  	s4 =	sld [smem:$0x3FAB]  }
0x2a: {  	p0 =	seq.s32 s5, $0x0;
	s5 =	sld [smem:$0x3FAC]  }
0x2b: {  	s6 =	sld [smem:$0x3FAD]  }
0x2c: {  	s7 =	sld [smem:$0x3FAE]  }
0x2d: {  	s3 =	simm.s32 $0x108;
	s8 =	sld [smem:$0x3FAF]  }
0x2e: {  	s3 =	simm.s32 @!p0 $0x1082;
	s9 =	sld [smem:$0x3FB0]  }
0x2f: {  	lr =	sadd.s32 s0, s3;
	s0 =	sld [smem:$0x3FA7]  }
0x30: {  	s3 =	sld [smem:$0x3FAA]  }
0x31: {  	[smem:$0x3FB3] =	sst s10  }
0x32: {  	s10 =	sld [smem:$0x3FB1];
	_ =	sdelay $0x3  }
0x33: {  	p0 =	seq.s32 s10, $0x1;
	s10 =	sld [smem:$0x3FB3];
	_ =	sdelay $0x3  }
0x34: {  	[smem:$0x3FB3] =	sst s10  }
0x35: {  	s10 =	sld [smem:$0x3FB2];
	_ =	sdelay $0x3  }
0x36: {  	p1 =	seq.s32 s10, $0x1;
	s10 =	sld [smem:$0x3FB3];
	_ =	sdelay $0x3  }
0x37: {  	[smem:$0x3FB3] =	sst s10  }
0x38: {  	s10 =	sld [smem:$0x3FB4]  }
0x39: {  	_ = 	snop;
	(pc) =	sbr.ind lr, $3  }
0x3a: {  	_ = 	snop  }
0x3b: {  	_ = 	snop  }
0x3c: {  	p2 =	seq.s32 s10, $0x1;
	s10 =	sld [smem:$0x3FB3]  }
0x3d: {  	_ =	shalt  }
0x3e: {  	_ =	shalt  }
0x3f: {  	_ =	shalt  }
0x40: {  	_ =	shalt  }
0x41: {  	_ =	shalt  }
0x42: {  	_ =	shalt  }
0x43: {  	_ =	shalt  }
0x44: {  	_ =	shalt  }
0x45: {  	_ =	shalt  }
0x46: {  	_ =	shalt  }
0x47: {  	_ =	shalt  }
0x48: {  	_ =	shalt  }
0x49: {  	_ =	shalt  }
0x4a: {  	_ =	shalt  }
0x4b: {  	_ =	shalt  }
0x4c: {  	_ =	shalt  }
0x4d: {  	_ =	shalt  }
0x4e: {  	_ =	shalt  }
0x4f: {  	_ =	shalt  }
0x50: {  	_ =	shalt  }
0x51: {  	_ =	shalt  }
0x52: {  	_ =	shalt  }
0x53: {  	_ =	shalt  }
0x54: {  	_ =	shalt  }
0x55: {  	_ =	shalt  }
0x56: {  	_ =	shalt  }
0x57: {  	_ =	shalt  }
0x58: {  	_ =	shalt  }
0x59: {  	_ =	shalt  }
0x5a: {  	_ =	shalt  }
0x5b: {  	_ =	shalt  }
0x5c: {  	_ =	shalt  }
0x5d: {  	_ =	shalt  }
0x5e: {  	_ =	shalt  }
0x5f: {  	_ =	shalt  }
0x60: {  	_ =	shalt  }
0x61: {  	_ =	shalt  }
0x62: {  	_ =	shalt  }
0x63: {  	_ =	shalt  }
0x64: {  	_ =	shalt  }
0x65: {  	_ =	shalt  }
0x66: {  	_ =	shalt  }
0x67: {  	_ =	shalt  }
0x68: {  	_ =	shalt  }
0x69: {  	_ =	shalt  }
0x6a: {  	_ =	shalt  }
0x6b: {  	_ =	shalt  }
0x6c: {  	_ =	shalt  }
0x6d: {  	_ =	shalt  }
0x6e: {  	_ =	shalt  }
0x6f: {  	_ =	shalt  }
0x70: {  	_ =	shalt  }
0x71: {  	_ =	shalt  }
0x72: {  	_ =	shalt  }
0x73: {  	_ =	shalt  }
0x74: {  	_ =	shalt  }
0x75: {  	_ =	shalt  }
0x76: {  	_ =	shalt  }
0x77: {  	_ =	shalt  }
0x78: {  	_ =	shalt  }
0x79: {  	_ =	shalt  }
0x7a: {  	_ =	shalt  }
0x7b: {  	_ =	shalt  }
0x7c: {  	_ =	shalt  }
0x7d: {  	_ =	shalt  }
0x7e: {  	_ =	shalt  }
0x7f: {  	_ =	shalt  }
0x80: {  	_ =	shalt  }
0x81: {  	_ =	shalt  }
0x82: {  	_ =	shalt  }
0x83: {  	_ =	shalt  }
0x84: {  	_ =	shalt  }
0x85: {  	_ =	shalt  }
0x86: {  	_ =	shalt  }
0x87: {  	_ =	shalt  }
.Lfunc_end0:
.L_simem_size_0:
called_computation.1_lowered:
.L_overlay_start_0:
0x88: {  	s2 =	sld [smem:$0x3FD9]  }
0x89: {  	s3 =	sld [smem:$0x3FFE];
	_ =	sdelay $0x1  }
0x8a: {  	s1 =	srdreg.scid  }
0x8b: {  	s0 =	sand.u32 $0x1, s1  }
0x8c: {  	s16 =	sshll.u32 s0, $0xA;
	s2 =	sadd.s32 s3, s2  }
0x8d: {  	s2 =	sadd.s32 s2, s16  }
0x8e: {  	[smem:$0x3FBF] =	sst s2  }
0x8f: {  	_ = 	snop  }
0x90: {  	(tm) =	ssettm $0x1  }
0x91: {  	s17 =	sld [smem:$0x3FFB];
	_ =	sdelay $0x3  }
0x92: {  	_ =	strace s17  }
0x93: {  	s2 =	sld [smem:$0x3FFC];
	_ =	sdelay $0x3  }
0x94: {  	_ =	strace s2  }
0x95: {  	s2 =	sld [smem:$0x3FFD];
	_ =	sdelay $0x3  }
0x96: {  	_ =	strace s2  }
0x97: {  	_ =	strace $0x8FFFFFFF  }
0x98: {  	s18 =	sld [smem:$0x3FDB];
	_ =	sdelay $0x1  }
0x99: {  	s19 =	simm.s32 $_scs_section_size  }
0x9a: {  	s4 =	simm.s32 $_size__tile_overlayer_lowered;
	s5 =	simm.s32 $_tile_overlayer_lowered  }
0x9b: {  	s22 =	simm.s32 $0x1BFF;
	s21 =	sshll.u32 s5, $0x1;
	s2 =	sadd.s32 s19, s18  }
0x9c: {  	s6 =	simm.s32 $0x0;
	s20 =	sshll.u32 s4, $0x1;
	s4 =	sadd.s32 s21, s2  }
0x9d: {  	[timem:s6], [sflag:s22] =	dma.local [hbm:s4], s20  }
0x9e: {  	_ =	swait.ge [sflag:s22], s20  }
0x9f: {  	s3 =	ssub.s32 $0x0, s20;
	[sflag:s22] =	ssyncset.done $0x0  }
0xa0: {  	[sflag:s22] =	ssyncadd.s32 s3;
	_ =	sdelay $0x1  }
0xa1: {  	s23 =	simm.s32 $0x1B8B  }
0xa2: {  	_ =	swait.ge [sflag:s23], $0x1  }
0xa3: {  	[sflag:s23] =	ssyncset.done $0x0  }
0xa4: {  	s25 =	simm.s32 $0x1B8E;
	s24 =	sld [smem:$0x3FFE];
	[sflag:s23] =	ssyncadd.s32 $0xFFFFFFFF  }
0xa5: {  	s26 =	simm.s32 $execute0_lowered;
	[smem:$0x3FD2] =	sst s25  }
0xa6: {  	s4 =	sshll.u32 s26, $0x1;
	_ =	strace $0x80000049;
	[dreg:$0x1] =	wrdreg $0xFFFFFFFF  }
0xa7: {  	s28 =	simm.s32 $_size_execute0_lowered;
	s2 =	sadd.s32 s2, s4;
	[dreg:$0x0] =	wrdreg $0x0  }
0xa8: {  	s4 =	sshll.u32 s28, $0x1;
	[dreg:$0x2] =	wrdreg s2  }
0xa9: {  	[dreg:$0x3] =	wrdreg s4  }
0xaa: {  	[dreg:$0x4] =	wrdreg $0xC0  }
0xab: {  	_ =	task [dreg:s6], $0x5FFFF  }
0xac: {  	[dreg:$0x1] =	wrdreg $0xFFFFFFFF  }
0xad: {  	[dreg:$0x0] =	wrdreg $0x60  }
0xae: {  	[dreg:$0x2] =	wrdreg s24  }
0xaf: {  	[dreg:$0x3] =	wrdreg $0x29800  }
0xb0: {  	[dreg:$0x4] =	wrdreg $0x9  }
0xb1: {  	_ =	task.clear_ibuf [dreg:s6], $0x5FFFF;
	_ =	strace $0x90000049  }
0xb2: {  	s29 =	simm.s32 $0x9;
	_ =	strace $0x8000004B  }
0xb3: {  	_ =	swait.ge [sflag:s29], $0x1  }
0xb4: {  	[sflag:s29] =	ssyncadd.s32 $0xFFFFFFFF  }
0xb5: {  	_ =	strace $0x9000004B  }
0xb6: {  	_ =	sfence  }
0xb7: {  	s30 =	sld [smem:$0x0];
	_ =	sdelay $0x2  }
0xb8: {  	s31 =	sshll.u32 s1, $0xD;
	s1 =	sshrl.u32 s1, $0x2  }
0xb9: {  	s3 =	sand.u32 $0x4000, s31;
	s1 =	sadd.s32 s1, s30  }
0xba: {  	s0 =	sor.u32 s3, s0;
	s1 =	sshll.u32 s1, $0x11  }
0xbb: {  	s0 =	sor.u32 s1, s0  }
0xbc: {  	s0 =	sadd.s32 $0x8F2B, s0  }
0xbd: {  	[sflag:s0] =	ssyncadd.remote.s32 $0x1  }
0xbe: {  	_ =	sfence.sel $0xFFFF  }
0xbf: {  	[dreg:$0x0] =	wrdreg $0xFFFFFFFF;
	(pc) =	sbr.abs _section_cstart, $3  }
0xc0: {  	[dreg:$0x1] =	wrdreg $0xFFFFFFFF  }
0xc1: {  	_ =	task.clear_ibuf [dreg:s6], $0x2FFFF;
	_ =	strace $0x9FFFFFFF  }
0xc2: {  	(tm) =	ssettm $0x7FFFFFFF  }
0xc3: {  	_ =	shalt  }
tec
execute0_lowered:
.L_overlay_start_1:
0x0: {  	(tag) =	ssettag $0x1  }
0x1: {  	s0 =	rddreg [dreg:$0x0]  }
0x2: {  	s1 =	rddreg [dreg:$0x1];
	s2 =	simm.s32 $0x0  }
0x3: {  	s3 =	srdreg.scid;
	s11 =	stileid.u32;
	s28 =	simm.s32 $0x2  }
0x4: {  	s29 =	simm.s32 $0x80;
	s30 =	simm.s32 $0x100;
	s31 =	simm.s32 $0x50  }
0x5: {  	[smem:$0x7FF] =	sst s2;
	s4 =	sadd.s32 $0x33E00, s0;
	s8 =	smul.u32 $0x50000, s11  }
0x6: {  	s3 =	sand.u32 $0x1, s3;
	s10 =	sshll.u32 s11, $0x1;
	s11 =	smul.u32 $0x14000, s11  }
0x7: {  	s5 =	sadd.s32 $0x20200, s0;
	s6 =	sadd.s32 $0xD0200, s0;
	s7 =	ssub.s32 $0x2, s3  }
0x8: {  	_ =	strace $0x8000004A;
	s9 =	sshrl.u32 s7, $0x1;
	s18 =	sadd.s32 $0x5000, s11  }
0x9: {  	s19 =	sadd.s32 $0x7800, s11;
	s20 =	sadd.s32 $0xA000, s11;
	s21 =	sadd.s32 $0xC800, s11  }
0xa: {  	s7 =	ssub.s32 s7, s9;
	s9 =	sor.u32 s3, s10;
	s3 =	smul.u32 $0x140000, s3  }
0xb: {  	s22 =	sadd.s32 $0xF000, s11;
	s23 =	sadd.s32 $0x11800, s11;
	s10 =	sor.u32 $0x2800, s11  }
0xc: {  	s12 =	sadd.s32 s11, s3;
	s13 =	sadd.s32 s3, s10;
	s14 =	sadd.s32 s3, s19  }
0xd: {  	s15 =	sadd.s32 s3, s20;
	s24 =	sadd.s32 s3, s21;
	s25 =	sadd.s32 s3, s22  }
0xe: {  	s19 =	sadd.s32 s19, s1;
	s20 =	sadd.s32 s20, s1;
	s21 =	sadd.s32 s21, s1  }
0xf: {  	s22 =	sadd.s32 s22, s1;
	s12 =	sshrl.u32 s12, $0x3;
	s17 =	sshrl.u32 s15, $0x3  }
0x10: {  	s15 =	sadd.s32 $0x2A000, s0;
	s26 =	sadd.s32 s6, s12;
	s12 =	sshrl.u32 s13, $0x3  }
0x11: {  	s13 =	sadd.s32 s3, s18;
	s3 =	sadd.s32 s3, s23;
	s18 =	sadd.s32 s18, s1  }
0x12: {  	s23 =	sadd.s32 s23, s1;
	[dreg:$0x3] =	wrdreg s26;
	s11 =	sadd.s32 s6, s12  }
0x13: {  	s12 =	sshrl.u32 s14, $0x3;
	s3 =	sshrl.u32 s3, $0x3;
	s14 =	sadd.s32 $0x2800, s0  }
0x14: {  	s26 =	sshrl.u32 s8, $0x2;
	s0 =	simm.s32 $0x1;
	[dreg:$0x4] =	wrdreg s11  }
0x15: {  	s11 =	sshrl.u32 s13, $0x3;
	s16 =	sadd.s32 s6, s12;
	s12 =	sshrl.u32 s25, $0x3  }
0x16: {  	s13 =	sadd.s32 s6, s3;
	s25 =	smax.u32 s7, $0x1;
	s3 =	simm.s32 $0x0  }
0x17: {  	s11 =	sadd.s32 s6, s11;
	[dreg:$0x6] =	wrdreg s16;
	s12 =	sadd.s32 s6, s12  }
0x18: {  	s16 =	sadd.s32 s26, s1;
	[dreg:$0x5] =	wrdreg s11;
	s11 =	sadd.s32 s6, s17  }
0x19: {  	s26 =	simm.s32 $0x180;
	[dreg:$0x7] =	wrdreg s11;
	s11 =	sshrl.u32 s24, $0x3  }
0x1a: {  	v0 =	vimm.f32 $0.0e+00;
	s17 =	sadd.s32 s10, s1;
	s24 =	smul.u32 $0x2710, s9;
	s11 =	sadd.s32 s6, s11  }
.LBB2_1:
0x1b: {  	s6 =	simm.s32 $0x0;
	s7 =	simm.s32 $0x200  }
.LBB2_2:
0x1c: {  	p0 =	sne.s32 s7, $0x9E00;
	[tilespmem:s6+$0x1F0] =	vst v0  }
0x1d: {  	[tilespmem:s6+$0x180] =	vst v0  }
0x1e: {  	[tilespmem:s6+$0x190] =	vst v0  }
.Ltmp0:
0x1f: {  	[tilespmem:s6+$0x1A0] =	vst v0;
	(pc) =	sbr.rel @p0 .LBB2_2-.Ltmp0, $4  }
0x20: {  	[tilespmem:s6+$0x1B0] =	vst v0  }
0x21: {  	[tilespmem:s6+$0x1C0] =	vst v0  }
0x22: {  	[tilespmem:s6+$0x1D0] =	vst v0  }
0x23: {  	[tilespmem:s6+$0x1E0] =	vst v0;
	s6 =	sshra.s32 s7, $0x2;
	s7 =	sadd.s32 $0x200, s7  }
0x24: {  	[tilespmem:s6+$0x1F0] =	vst v0  }
0x25: {  	[tilespmem:s6+$0x180] =	vst v0  }
0x26: {  	[tilespmem:s6+$0x190] =	vst v0  }
0x27: {  	[tilespmem:s6+$0x1A0] =	vst v0  }
0x28: {  	[tilespmem:s6+$0x1B0] =	vst v0  }
0x29: {  	[tilespmem:s6+$0x1C0] =	vst v0  }
0x2a: {  	[tilespmem:s6+$0x1D0] =	vst v0  }
0x2b: {  	[tilespmem:s6+$0x1E0] =	vst v0  }
0x2c: {  	[spmem:s16] =	stream.linear.scatter [tilespmem:s26], [sflag:$0x2], $0x2800, $0x38;
	[tilespmem:$0x16980] =	vst v63  }
0x2d: {  	_ =	swait.ge [sflag:s28], $0x2800  }
0x2e: {  	[sflag:s28] =	ssyncset.done $0x0  }
0x2f: {  	[sflag:s28] =	ssyncadd.s32 $0xFFFFD800  }
0x30: {  	[spmem:s17] =	stream.linear.scatter [tilespmem:s26], [sflag:$0x2], $0x2800, $0x38;
	[tilespmem:$0x16980] =	vst v63  }
0x31: {  	_ =	swait.ge [sflag:s28], $0x2800  }
0x32: {  	[sflag:s28] =	ssyncset.done $0x0  }
0x33: {  	[sflag:s28] =	ssyncadd.s32 $0xFFFFD800  }
0x34: {  	[spmem:s18] =	stream.linear.scatter [tilespmem:s26], [sflag:$0x2], $0x2800, $0x38;
	[tilespmem:$0x16980] =	vst v63  }
0x35: {  	_ =	swait.ge [sflag:s28], $0x2800  }
0x36: {  	[sflag:s28] =	ssyncset.done $0x0  }
0x37: {  	[sflag:s28] =	ssyncadd.s32 $0xFFFFD800  }
0x38: {  	[spmem:s19] =	stream.linear.scatter [tilespmem:s26], [sflag:$0x2], $0x2800, $0x38;
	[tilespmem:$0x16980] =	vst v63  }
0x39: {  	_ =	swait.ge [sflag:s28], $0x2800  }
0x3a: {  	[sflag:s28] =	ssyncset.done $0x0  }
0x3b: {  	[sflag:s28] =	ssyncadd.s32 $0xFFFFD800  }
0x3c: {  	[spmem:s20] =	stream.linear.scatter [tilespmem:s26], [sflag:$0x2], $0x2800, $0x38;
	[tilespmem:$0x16980] =	vst v63  }
0x3d: {  	_ =	swait.ge [sflag:s28], $0x2800  }
0x3e: {  	[sflag:s28] =	ssyncset.done $0x0  }
0x3f: {  	[sflag:s28] =	ssyncadd.s32 $0xFFFFD800  }
0x40: {  	[spmem:s21] =	stream.linear.scatter [tilespmem:s26], [sflag:$0x2], $0x2800, $0x38;
	[tilespmem:$0x16980] =	vst v63  }
0x41: {  	_ =	swait.ge [sflag:s28], $0x2800  }
0x42: {  	[sflag:s28] =	ssyncset.done $0x0  }
0x43: {  	[sflag:s28] =	ssyncadd.s32 $0xFFFFD800  }
0x44: {  	[spmem:s22] =	stream.linear.scatter [tilespmem:s26], [sflag:$0x2], $0x2800, $0x38;
	[tilespmem:$0x16980] =	vst v63  }
0x45: {  	_ =	swait.ge [sflag:s28], $0x2800  }
0x46: {  	[sflag:s28] =	ssyncset.done $0x0  }
0x47: {  	[sflag:s28] =	ssyncadd.s32 $0xFFFFD800  }
0x48: {  	[spmem:s23] =	stream.linear.scatter [tilespmem:s26], [sflag:$0x2], $0x2800, $0x38;
	[tilespmem:$0x16980] =	vst v63  }
0x49: {  	_ =	swait.ge [sflag:s28], $0x2800  }
0x4a: {  	[sflag:s28] =	ssyncset.done $0x0  }
0x4b: {  	[sflag:s28] =	ssyncadd.s32 $0xFFFFD800  }
0x4c: {  	s6 =	simm.s32 $0x0;
	[bflag:$0x0] =	sbarrier.arrive $0xFFFF  }
.LBB2_4:
0x4d: {  	s7 =	smul.u32 $0x50, s6;
	_ =	sdelay $0x1  }
0x4e: {  	s7 =	sadd.s32 s24, s7  }
0x4f: {  	s7 =	sshrl.u32 s7, $0x3  }
0x50: {  	s8 =	sadd.s32 s5, s7  }
0x51: {  	[tilespmem:s2], [sflag:$0x2] =	stream.linear.gather [hbm4b:s8+s2], $0x50, $0x38;
	[tilespmem:$0x16980] =	vst v63  }
0x52: {  	_ =	swait.ge [sflag:s28], $0x50  }
0x53: {  	[sflag:s28] =	ssyncset.done $0x0  }
0x54: {  	s9 =	sadd.s32 s14, s7;
	[sflag:s28] =	ssyncadd.s32 $0xFFFFFFB0  }
0x55: {  	[tilespmem:s29], [sflag:$0x2] =	stream.linear.gather [hbm4b:s9+s2], $0x50, $0x38;
	[tilespmem:$0x16980] =	vst v63  }
0x56: {  	_ =	swait.ge [sflag:s28], $0x50  }
0x57: {  	[sflag:s28] =	ssyncset.done $0x0  }
0x58: {  	s7 =	sadd.s32 s15, s7;
	[sflag:s28] =	ssyncadd.s32 $0xFFFFFFB0  }
0x59: {  	[tilespmem:s30], [sflag:$0x2] =	stream.linear.gather [hbm4b:s7+s2], $0x50, $0x38;
	[tilespmem:$0x16980] =	vst v63  }
0x5a: {  	_ =	swait.ge [sflag:s28], $0x50  }
0x5b: {  	[sflag:s28] =	ssyncset.done $0x0  }
0x5c: {  	[sflag:s28] =	ssyncadd.s32 $0xFFFFFFB0  }
0x5d: {  	[tilespmem:s26], [sflag:$0x1] =	stream.indirect.gather [hbm4b:s4+s31], $0x80, s2, s31, $0xb8;
	[tilespmem:$0x16980] =	vst v63  }
0x5e: {  	_ =	swait.ge [sflag:s0], $0x2800  }
0x5f: {  	[sflag:s0] =	ssyncset.done $0x0  }
0x60: {  	s10 =	simm.s32 $0x104;
	[sflag:s0] =	ssyncadd.s32 $0xFFFFD800  }
0x61: {  	s7 =	simm.s32 $0x380;
	v1 =	vld.msk [tilespmem:s10+$0x3 ss:$0x0], $0xffff  }
0x62: {  	v3 =	vld [tilespmem:s7+$0x1F0]  }
0x63: {  	v2 =	vld.msk [tilespmem:s10+$0xFFFFFFFC ss:$0x0], $0xffff  }
0x64: {  	v4 =	vld.msk [tilespmem:s10+$0xFFFFFFFD ss:$0x0], $0xffff  }
0x65: {  	v5 =	vld [tilespmem:s7+$0xFFFFFE10]  }
0x66: {  	v6 =	vld [tilespmem:s7+$0xFFFFFE20]  }
0x67: {  	v7 =	vld [tilespmem:s7+$0xFFFFFE30]  }
0x68: {  	v8 =	vld [tilespmem:s7+$0xFFFFFE40]  }
0x69: {  	v9 =	vld [tilespmem:s7+$0xFFFFFE50]  }
0x6a: {  	v10 =	vld [tilespmem:s7+$0xFFFFFE60]  }
0x6b: {  	v11 =	vld [tilespmem:s7+$0xFFFFFE70]  }
0x6c: {  	v12 =	vld [tilespmem:s7+$0xFFFFFE80]  }
0x6d: {  	v13 =	vld [tilespmem:s7+$0xFFFFFE90]  }
0x6e: {  	v15 =	vld [tilespmem:s7+$0xFFFFFEB0]  }
0x6f: {  	v16 =	vld [tilespmem:s7+$0xFFFFFEC0];
	v3 =	vmul.f32 v3, v1  }
0x70: {  	v14 =	vld [tilespmem:s7+$0xFFFFFEA0];
	v5 =	vmul.f32 v5, v2  }
0x71: {  	v52 =	vld [tilespmem:s7+$0xFFFFFED0];
	v6 =	vmul.f32 v6, v2;
	[tilespmem:s7+$0x1F0] =	vst v3  }
0x72: {  	v53 =	vld [tilespmem:s7+$0xFFFFFF30];
	v7 =	vmul.f32 v7, v2;
	[tilespmem:s7+$0xFFFFFE10] =	vst v5  }
0x73: {  	v54 =	vld [tilespmem:s7+$0xFFFFFF40];
	v15 =	vmul.f32 v15, v4;
	[tilespmem:s7+$0xFFFFFE20] =	vst v6  }
0x74: {  	v55 =	vld [tilespmem:s7+$0xFFFFFF70];
	v16 =	vmul.f32 v16, v4;
	[tilespmem:s7+$0xFFFFFE30] =	vst v7  }
0x75: {  	v56 =	vld [tilespmem:s7+$0xFFFFFF80];
	v3 =	vmul.f32 v4, v12;
	[tilespmem:s7+$0xFFFFFEB0] =	vst v15  }
0x76: {  	v57 =	vld [tilespmem:s7+$0xFFFFFFC0];
	v6 =	vmul.f32 v8, v2;
	[tilespmem:s7+$0xFFFFFEC0] =	vst v16  }
0x77: {  	v5 =	vld [tilespmem:s7+$0xFFFFFEE0];
	v7 =	vmul.f32 v9, v2;
	[tilespmem:s7+$0xFFFFFE80] =	vst v3  }
0x78: {  	v8 =	vld [tilespmem:s7+$0xFFFFFEF0];
	v12 =	vmul.f32 v52, v4;
	[tilespmem:s7+$0xFFFFFE40] =	vst v6  }
0x79: {  	v9 =	vld [tilespmem:s7+$0xFFFFFF00];
	v6 =	vmul.f32 v10, v2;
	[tilespmem:s7+$0xFFFFFE50] =	vst v7  }
0x7a: {  	v3 =	vld.msk [tilespmem:s10+$0xFFFFFFFE ss:$0x0], $0xffff;
	v7 =	vmul.f32 v11, v2;
	[tilespmem:s7+$0xFFFFFED0] =	vst v12  }
0x7b: {  	v10 =	vld [tilespmem:s7+$0xFFFFFF10];
	[tilespmem:s7+$0xFFFFFE60] =	vst v6;
	v6 =	vmul.f32 v13, v4  }
0x7c: {  	v11 =	vld [tilespmem:s7+$0xFFFFFF20];
	[tilespmem:s7+$0xFFFFFE70] =	vst v7;
	v7 =	vmul.f32 v14, v4  }
0x7d: {  	v58 =	vld [tilespmem:s7+$0xFFFFFFD0];
	v5 =	vmul.f32 v5, v4;
	[tilespmem:s7+$0xFFFFFE90] =	vst v6  }
0x7e: {  	v59 =	vld [tilespmem:s7+$0xFFFFFFF0];
	v4 =	vmul.f32 v8, v4;
	[tilespmem:s7+$0xFFFFFEA0] =	vst v7  }
0x7f: {  	v7 =	vld [tilespmem:s7+$0xFFFFFF60];
	v6 =	vmul.f32 v3, v9;
	[tilespmem:s7+$0xFFFFFEE0] =	vst v5  }
0x80: {  	v9 =	vld [tilespmem:s7+$0xFFFFFF50];
	v5 =	vmul.f32 v10, v3;
	[tilespmem:s7+$0xFFFFFEF0] =	vst v4  }
0x81: {  	v60 =	vld [tilespmem:s7+$0x40];
	v4 =	vmul.f32 v11, v3;
	[tilespmem:s7+$0xFFFFFF00] =	vst v6  }
0x82: {  	v14 =	vmul.f32 v54, v3;
	v6 =	vld.msk [tilespmem:s10+$0xFFFFFFFF ss:$0x0], $0xffff;
	[tilespmem:s7+$0xFFFFFF10] =	vst v5  }
0x83: {  	v8 =	vld [tilespmem:s7+$0xFFFFFF90];
	v5 =	vmul.f32 v53, v3;
	[tilespmem:s7+$0xFFFFFF20] =	vst v4  }
0x84: {  	v10 =	vld [tilespmem:s7+$0xFFFFFFA0];
	[tilespmem:s7+$0xFFFFFF40] =	vst v14;
	v7 =	vmul.f32 v7, v3  }
0x85: {  	v61 =	vld.msk [tilespmem:s10+$0x1 ss:$0x0], $0xffff;
	[tilespmem:s7+$0xFFFFFF30] =	vst v5;
	v9 =	vmul.f32 v9, v3  }
0x86: {  	v11 =	vld [tilespmem:s7+$0xFFFFFFB0];
	v3 =	vmul.f32 v55, v3;
	[tilespmem:s7+$0xFFFFFF60] =	vst v7  }
0x87: {  	v62 =	vld [tilespmem:s7+$0xB0];
	v4 =	vmul.f32 v6, v56;
	[tilespmem:s7+$0xFFFFFF50] =	vst v9  }
0x88: {  	v5 =	vld [tilespmem:s7+$0xFFFFFFE0];
	v7 =	vmul.f32 v8, v6;
	[tilespmem:s7+$0xFFFFFF70] =	vst v3  }
0x89: {  	v9 =	vld [tilespmem:s7+$0x0];
	v3 =	vmul.f32 v10, v6;
	[tilespmem:s7+$0xFFFFFF80] =	vst v4  }
0x8a: {  	v13 =	vmul.f32 v58, v6;
	v4 =	vld.msk [tilespmem:s10+$0x0 ss:$0x0], $0xffff;
	[tilespmem:s7+$0xFFFFFF90] =	vst v7  }
0x8b: {  	v8 =	vld [tilespmem:s7+$0x10];
	v7 =	vmul.f32 v11, v6;
	[tilespmem:s7+$0xFFFFFFA0] =	vst v3  }
0x8c: {  	v10 =	vld [tilespmem:s7+$0x20];
	v3 =	vmul.f32 v57, v6;
	[tilespmem:s7+$0xFFFFFFD0] =	vst v13  }
0x8d: {  	v11 =	vld [tilespmem:s7+$0x30];
	v5 =	vmul.f32 v5, v6;
	[tilespmem:s7+$0xFFFFFFB0] =	vst v7  }
0x8e: {  	v6 =	vmul.f32 v59, v6;
	[tilespmem:s7+$0xFFFFFFC0] =	vst v3;
	v3 =	vld [tilespmem:s7+$0x60]  }
0x8f: {  	[tilespmem:s7+$0xFFFFFFE0] =	vst v5;
	v7 =	vmul.f32 v4, v9;
	v9 =	vld [tilespmem:s7+$0x50]  }
0x90: {  	[tilespmem:s7+$0xFFFFFFF0] =	vst v6;
	v5 =	vmul.f32 v8, v4;
	v8 =	vld [tilespmem:s7+$0x80]  }
0x91: {  	v63 =	vld.msk [tilespmem:s10+$0x2 ss:$0x0], $0xffff;
	v6 =	vmul.f32 v10, v4;
	[tilespmem:s7+$0x0] =	vst v7  }
0x92: {  	v10 =	vld [tilespmem:s7+$0x90];
	[tilespmem:s7+$0x10] =	vst v5;
	v5 =	vmul.f32 v11, v4  }
0x93: {  	v7 =	vld [tilespmem:s7+$0x70];
	[tilespmem:s7+$0x20] =	vst v6;
	v6 =	vmul.f32 v60, v4  }
0x94: {  	v11 =	vld [tilespmem:s7+$0xA0];
	v3 =	vmul.f32 v3, v4;
	[tilespmem:s7+$0x30] =	vst v5  }
0x95: {  	[tilespmem:s7+$0x40] =	vst v6;
	v5 =	vmul.f32 v9, v4;
	v9 =	vld [tilespmem:s7+$0xC0];
	v6 =	vmul.f32 v61, v8  }
0x96: {  	[tilespmem:s7+$0x60] =	vst v3;
	v8 =	vld [tilespmem:s7+$0xD0]  }
0x97: {  	v3 =	vmul.f32 v10, v61;
	[tilespmem:s7+$0x80] =	vst v6;
	v6 =	vld [tilespmem:s7+$0xF0]  }
0x98: {  	[tilespmem:s7+$0x50] =	vst v5;
	v4 =	vmul.f32 v7, v4;
	v7 =	vld [tilespmem:s7+$0x100]  }
0x99: {  	v5 =	vld [tilespmem:s7+$0xE0];
	[tilespmem:s7+$0x90] =	vst v3;
	v3 =	vmul.f32 v62, v61  }
0x9a: {  	v10 =	vld [tilespmem:s7+$0x110];
	[tilespmem:s7+$0x70] =	vst v4;
	v4 =	vmul.f32 v11, v61  }
0x9b: {  	[tilespmem:s7+$0xB0] =	vst v3;
	v3 =	vmul.f32 v8, v61;
	v8 =	vld [tilespmem:s7+$0x130]  }
0x9c: {  	[tilespmem:s7+$0xA0] =	vst v4;
	v4 =	vmul.f32 v9, v61;
	v9 =	vld [tilespmem:s7+$0x120]  }
0x9d: {  	[tilespmem:s7+$0xD0] =	vst v3;
	v3 =	vmul.f32 v63, v7;
	v7 =	vld [tilespmem:s7+$0x150];
	v6 =	vmul.f32 v6, v61  }
0x9e: {  	[tilespmem:s7+$0xC0] =	vst v4;
	v4 =	vmul.f32 v5, v61;
	v5 =	vld [tilespmem:s7+$0x140]  }
0x9f: {  	[tilespmem:s7+$0xF0] =	vst v6;
	v6 =	vld [tilespmem:s7+$0x170]  }
0xa0: {  	v10 =	vmul.f32 v10, v63;
	[tilespmem:s7+$0xE0] =	vst v4;
	v4 =	vld [tilespmem:s7+$0x160]  }
0xa1: {  	[tilespmem:s7+$0x100] =	vst v3;
	v3 =	vmul.f32 v9, v63  }
0xa2: {  	[tilespmem:s7+$0x110] =	vst v10;
	v8 =	vmul.f32 v8, v63;
	v9 =	vld [tilespmem:s7+$0x180]  }
0xa3: {  	v10 =	vld [tilespmem:s7+$0x190];
	[tilespmem:s7+$0x120] =	vst v3;
	v3 =	vmul.f32 v5, v63  }
0xa4: {  	v11 =	vld [tilespmem:s7+$0x1A0];
	[tilespmem:s7+$0x130] =	vst v8;
	v5 =	vmul.f32 v7, v63  }
0xa5: {  	v6 =	vmul.f32 v6, v63;
	[tilespmem:s7+$0x140] =	vst v3;
	v7 =	vmul.f32 v4, v63;
	v4 =	vld [tilespmem:s7+$0x1B0]  }
0xa6: {  	[tilespmem:s7+$0x150] =	vst v5;
	v3 =	vld [tilespmem:s7+$0x1C0]  }
0xa7: {  	v5 =	vld [tilespmem:s7+$0x1D0];
	v9 =	vmul.f32 v1, v9;
	[tilespmem:s7+$0x170] =	vst v6  }
0xa8: {  	v8 =	vmul.f32 v10, v1;
	v6 =	vld [tilespmem:s7+$0x1E0];
	[tilespmem:s7+$0x160] =	vst v7  }
0xa9: {  	s8 =	simm.s32 $0x0;
	s9 =	simm.s32 $0x10C;
	s10 =	simm.s32 $0x380;
	v7 =	vld [tilespmem:s7+$0xFFFFFE00];
	[tilespmem:s7+$0x180] =	vst v9;
	v9 =	vmul.f32 v11, v1  }
.LBB2_5:
0xaa: {  	v10 =	vld.msk [tilespmem:s9+$0x3 ss:$0x0], $0xffff;
	s8 =	sadd.s32 $0x8, s8;
	[tilespmem:s7+$0x190] =	vst v8;
	v4 =	vmul.f32 v4, v1;
	s10 =	sadd.s32 $0x400, s10  }
0xab: {  	v8 =	vld [tilespmem:s10+$0x1F0];
	p0 =	slt.u32 s8, $0x48;
	[tilespmem:s7+$0x1A0] =	vst v9;
	v3 =	vmul.f32 v3, v1  }
0xac: {  	v9 =	vld.msk [tilespmem:s9+$0xFFFFFFFC ss:$0x0], $0xffff;
	[tilespmem:s7+$0x1B0] =	vst v4;
	v4 =	vmul.f32 v5, v1  }
0xad: {  	v11 =	vld.msk [tilespmem:s9+$0xFFFFFFFD ss:$0x0], $0xffff;
	[tilespmem:s7+$0x1C0] =	vst v3;
	v3 =	vmul.f32 v6, v1  }
0xae: {  	v12 =	vld.msk [tilespmem:s9+$0xFFFFFFFE ss:$0x0], $0xffff;
	v2 =	vmul.f32 v2, v7;
	[tilespmem:s7+$0x1D0] =	vst v4  }
0xaf: {  	v6 =	vld.msk [tilespmem:s9+$0xFFFFFFFF ss:$0x0], $0xffff;
	[tilespmem:s7+$0x1E0] =	vst v3  }
0xb0: {  	v1 =	vmov v10;
	v5 =	vld.msk [tilespmem:s9+$0x0 ss:$0x0], $0xffff;
	v7 =	vmul.f32 v8, v10;
	[tilespmem:s7+$0xFFFFFE00] =	vst v2;
	s7 =	smov.u32 s10  }
0xb1: {  	v4 =	vld.msk [tilespmem:s9+$0x1 ss:$0x0], $0xffff  }
0xb2: {  	v3 =	vld.msk [tilespmem:s9+$0x2 ss:$0x0], $0xffff;
	[tilespmem:s10+$0x1F0] =	vst v7;
	v2 =	vmov v9  }
0xb3: {  	v7 =	vld [tilespmem:s10+$0xFFFFFE10]  }
0xb4: {  	v8 =	vld [tilespmem:s10+$0xFFFFFE20]  }
0xb5: {  	v9 =	vld [tilespmem:s10+$0xFFFFFE30]  }
0xb6: {  	v10 =	vld [tilespmem:s10+$0xFFFFFE40]  }
0xb7: {  	v13 =	vld [tilespmem:s10+$0xFFFFFE50]  }
0xb8: {  	v7 =	vmul.f32 v7, v2;
	v14 =	vld [tilespmem:s10+$0xFFFFFE60]  }
0xb9: {  	v8 =	vmul.f32 v8, v2;
	v15 =	vld [tilespmem:s10+$0xFFFFFE70]  }
0xba: {  	[tilespmem:s10+$0xFFFFFE10] =	vst v7;
	v7 =	vmul.f32 v9, v2;
	v9 =	vld [tilespmem:s10+$0xFFFFFE80]  }
0xbb: {  	[tilespmem:s10+$0xFFFFFE20] =	vst v8;
	v8 =	vmul.f32 v10, v2;
	v10 =	vld [tilespmem:s10+$0xFFFFFE90]  }
0xbc: {  	[tilespmem:s10+$0xFFFFFE30] =	vst v7;
	v7 =	vmul.f32 v13, v2;
	v13 =	vld [tilespmem:s10+$0xFFFFFEA0]  }
0xbd: {  	[tilespmem:s10+$0xFFFFFE40] =	vst v8;
	v8 =	vmul.f32 v14, v2;
	v14 =	vld [tilespmem:s10+$0xFFFFFEB0]  }
0xbe: {  	[tilespmem:s10+$0xFFFFFE50] =	vst v7;
	v7 =	vmul.f32 v15, v2;
	v15 =	vld [tilespmem:s10+$0xFFFFFEC0]  }
0xbf: {  	[tilespmem:s10+$0xFFFFFE60] =	vst v8;
	v8 =	vmul.f32 v11, v9;
	v9 =	vld [tilespmem:s10+$0xFFFFFED0]  }
0xc0: {  	[tilespmem:s10+$0xFFFFFE70] =	vst v7;
	v7 =	vmul.f32 v10, v11;
	v10 =	vld [tilespmem:s10+$0xFFFFFEE0]  }
0xc1: {  	[tilespmem:s10+$0xFFFFFE80] =	vst v8;
	v8 =	vmul.f32 v13, v11;
	v13 =	vld [tilespmem:s10+$0xFFFFFEF0]  }
0xc2: {  	[tilespmem:s10+$0xFFFFFE90] =	vst v7;
	v7 =	vmul.f32 v14, v11;
	v14 =	vld [tilespmem:s10+$0xFFFFFF00]  }
0xc3: {  	[tilespmem:s10+$0xFFFFFEA0] =	vst v8;
	v8 =	vmul.f32 v15, v11;
	v15 =	vld [tilespmem:s10+$0xFFFFFF10]  }
0xc4: {  	[tilespmem:s10+$0xFFFFFEB0] =	vst v7;
	v7 =	vmul.f32 v9, v11;
	v9 =	vld [tilespmem:s10+$0xFFFFFF20]  }
0xc5: {  	[tilespmem:s10+$0xFFFFFEC0] =	vst v8;
	v8 =	vmul.f32 v10, v11;
	v10 =	vld [tilespmem:s10+$0xFFFFFF30]  }
0xc6: {  	[tilespmem:s10+$0xFFFFFED0] =	vst v7;
	v7 =	vmul.f32 v13, v11;
	v11 =	vld [tilespmem:s10+$0xFFFFFF40]  }
0xc7: {  	[tilespmem:s10+$0xFFFFFEE0] =	vst v8;
	v8 =	vmul.f32 v12, v14;
	v13 =	vld [tilespmem:s10+$0xFFFFFF50]  }
0xc8: {  	[tilespmem:s10+$0xFFFFFEF0] =	vst v7;
	v7 =	vmul.f32 v15, v12;
	v14 =	vld [tilespmem:s10+$0xFFFFFF60]  }
0xc9: {  	[tilespmem:s10+$0xFFFFFF00] =	vst v8;
	v8 =	vmul.f32 v9, v12;
	v9 =	vld [tilespmem:s10+$0xFFFFFF70]  }
0xca: {  	[tilespmem:s10+$0xFFFFFF10] =	vst v7;
	v7 =	vmul.f32 v10, v12;
	v10 =	vld [tilespmem:s10+$0xFFFFFF80]  }
0xcb: {  	[tilespmem:s10+$0xFFFFFF20] =	vst v8;
	v8 =	vmul.f32 v11, v12;
	v11 =	vld [tilespmem:s10+$0xFFFFFF90]  }
0xcc: {  	[tilespmem:s10+$0xFFFFFF30] =	vst v7;
	v7 =	vmul.f32 v13, v12;
	v13 =	vld [tilespmem:s10+$0xFFFFFFA0]  }
0xcd: {  	[tilespmem:s10+$0xFFFFFF40] =	vst v8;
	v8 =	vmul.f32 v14, v12;
	v14 =	vld [tilespmem:s10+$0xFFFFFFB0]  }
0xce: {  	[tilespmem:s10+$0xFFFFFF50] =	vst v7;
	v7 =	vmul.f32 v9, v12;
	v9 =	vld [tilespmem:s10+$0xFFFFFFC0]  }
0xcf: {  	[tilespmem:s10+$0xFFFFFF60] =	vst v8;
	v8 =	vmul.f32 v6, v10;
	v10 =	vld [tilespmem:s10+$0xFFFFFFD0]  }
0xd0: {  	[tilespmem:s10+$0xFFFFFF70] =	vst v7;
	v7 =	vmul.f32 v11, v6;
	v11 =	vld [tilespmem:s10+$0xFFFFFFE0]  }
0xd1: {  	[tilespmem:s10+$0xFFFFFF80] =	vst v8;
	v8 =	vmul.f32 v13, v6;
	v12 =	vld [tilespmem:s10+$0xFFFFFFF0]  }
0xd2: {  	[tilespmem:s10+$0xFFFFFF90] =	vst v7;
	v7 =	vmul.f32 v14, v6;
	v13 =	vld [tilespmem:s10+$0x0]  }
0xd3: {  	[tilespmem:s10+$0xFFFFFFA0] =	vst v8;
	v8 =	vmul.f32 v9, v6;
	v9 =	vld [tilespmem:s10+$0x10]  }
0xd4: {  	[tilespmem:s10+$0xFFFFFFB0] =	vst v7;
	v7 =	vmul.f32 v10, v6;
	v10 =	vld [tilespmem:s10+$0x20]  }
0xd5: {  	[tilespmem:s10+$0xFFFFFFC0] =	vst v8;
	v8 =	vmul.f32 v11, v6;
	v11 =	vld [tilespmem:s10+$0x30]  }
0xd6: {  	[tilespmem:s10+$0xFFFFFFD0] =	vst v7;
	v6 =	vmul.f32 v12, v6;
	v7 =	vld [tilespmem:s10+$0x40]  }
0xd7: {  	[tilespmem:s10+$0xFFFFFFE0] =	vst v8;
	v8 =	vmul.f32 v5, v13;
	v12 =	vld [tilespmem:s10+$0x50]  }
0xd8: {  	[tilespmem:s10+$0xFFFFFFF0] =	vst v6;
	v6 =	vmul.f32 v9, v5;
	v9 =	vld [tilespmem:s10+$0x60]  }
0xd9: {  	[tilespmem:s10+$0x0] =	vst v8;
	v8 =	vmul.f32 v10, v5;
	v10 =	vld [tilespmem:s10+$0x70]  }
0xda: {  	[tilespmem:s10+$0x10] =	vst v6;
	v6 =	vmul.f32 v11, v5;
	v11 =	vld [tilespmem:s10+$0x80]  }
0xdb: {  	[tilespmem:s10+$0x20] =	vst v8;
	v7 =	vmul.f32 v7, v5;
	v8 =	vld [tilespmem:s10+$0x90]  }
0xdc: {  	[tilespmem:s10+$0x30] =	vst v6;
	v6 =	vmul.f32 v12, v5;
	v12 =	vld [tilespmem:s10+$0xA0]  }
0xdd: {  	[tilespmem:s10+$0x40] =	vst v7;
	v7 =	vmul.f32 v9, v5;
	v9 =	vld [tilespmem:s10+$0xB0]  }
0xde: {  	[tilespmem:s10+$0x50] =	vst v6;
	v5 =	vmul.f32 v10, v5;
	v6 =	vld [tilespmem:s10+$0xC0]  }
0xdf: {  	[tilespmem:s10+$0x60] =	vst v7;
	v7 =	vmul.f32 v4, v11;
	v10 =	vld [tilespmem:s10+$0xD0]  }
0xe0: {  	[tilespmem:s10+$0x70] =	vst v5;
	v5 =	vmul.f32 v8, v4;
	v8 =	vld [tilespmem:s10+$0xE0]  }
0xe1: {  	[tilespmem:s10+$0x80] =	vst v7;
	v7 =	vmul.f32 v12, v4;
	v11 =	vld [tilespmem:s10+$0xF0]  }
0xe2: {  	[tilespmem:s10+$0x90] =	vst v5;
	v5 =	vmul.f32 v9, v4;
	v9 =	vld [tilespmem:s10+$0x100]  }
0xe3: {  	[tilespmem:s10+$0xA0] =	vst v7;
	v6 =	vmul.f32 v6, v4;
	v7 =	vld [tilespmem:s10+$0x110]  }
0xe4: {  	[tilespmem:s10+$0xB0] =	vst v5;
	v5 =	vmul.f32 v10, v4;
	v10 =	vld [tilespmem:s10+$0x120]  }
0xe5: {  	[tilespmem:s10+$0xC0] =	vst v6;
	v6 =	vmul.f32 v8, v4;
	v8 =	vld [tilespmem:s10+$0x130]  }
0xe6: {  	[tilespmem:s10+$0xD0] =	vst v5;
	v4 =	vmul.f32 v11, v4;
	v5 =	vld [tilespmem:s10+$0x140]  }
0xe7: {  	[tilespmem:s10+$0xE0] =	vst v6;
	v6 =	vmul.f32 v3, v9;
	v9 =	vld [tilespmem:s10+$0x150]  }
0xe8: {  	[tilespmem:s10+$0xF0] =	vst v4;
	v4 =	vmul.f32 v7, v3;
	v7 =	vld [tilespmem:s10+$0x160]  }
0xe9: {  	[tilespmem:s10+$0x100] =	vst v6;
	v6 =	vmul.f32 v10, v3;
	v10 =	vld [tilespmem:s10+$0x170]  }
0xea: {  	[tilespmem:s10+$0x110] =	vst v4;
	v4 =	vmul.f32 v8, v3;
	v8 =	vld [tilespmem:s10+$0x180]  }
0xeb: {  	[tilespmem:s10+$0x120] =	vst v6;
	v5 =	vmul.f32 v5, v3;
	v6 =	vld [tilespmem:s10+$0x190]  }
0xec: {  	[tilespmem:s10+$0x130] =	vst v4;
	v9 =	vmul.f32 v9, v3;
	v11 =	vld [tilespmem:s10+$0x1A0]  }
.Ltmp1:
0xed: {  	[tilespmem:s10+$0x140] =	vst v5;
	v5 =	vmul.f32 v7, v3;
	v4 =	vld [tilespmem:s10+$0x1B0];
	(pc) =	sbr.rel @p0 .LBB2_5-.Ltmp1, $4  }
0xee: {  	[tilespmem:s10+$0x150] =	vst v9;
	v7 =	vmul.f32 v10, v3;
	v3 =	vld [tilespmem:s10+$0x1C0]  }
0xef: {  	[tilespmem:s10+$0x160] =	vst v5;
	v9 =	vmul.f32 v1, v8;
	v5 =	vld [tilespmem:s10+$0x1D0]  }
0xf0: {  	[tilespmem:s10+$0x170] =	vst v7;
	v8 =	vmul.f32 v6, v1;
	v6 =	vld [tilespmem:s10+$0x1E0]  }
0xf1: {  	s9 =	sadd.s32 $0x8, s9;
	v7 =	vld [tilespmem:s10+$0xFFFFFE00];
	[tilespmem:s10+$0x180] =	vst v9;
	v9 =	vmul.f32 v11, v1  }
0xf2: {  	[tilespmem:s7+$0x190] =	vst v8;
	v4 =	vmul.f32 v4, v1  }
0xf3: {  	[tilespmem:s7+$0x1A0] =	vst v9;
	v3 =	vmul.f32 v3, v1  }
0xf4: {  	[tilespmem:s7+$0x1B0] =	vst v4;
	v63 =	vmul.f32 v5, v1  }
0xf5: {  	[tilespmem:s7+$0x1C0] =	vst v3;
	v1 =	vmul.f32 v6, v1  }
0xf6: {  	s6 =	sadd.s32 $0x1, s6;
	v2 =	vmul.f32 v2, v7;
	[tilespmem:s7+$0x1D0] =	vst v63  }
0xf7: {  	p0 =	sne.s32 s6, $0x7D;
	[tilespmem:s7+$0x1E0] =	vst v1  }
.Ltmp2:
0xf8: {  	[tilespmem:s7+$0xFFFFFE00] =	vst v2;
	(pc) =	sbr.rel @p0 .LBB2_4-.Ltmp2, $4  }
0xf9: {  	[spmem:s1] =	stream.indirect.scatter.add.f32 [tilespmem:s26], [sflag:$0x2], $0x80, s29, s31, $0xb8;
	[tilespmem:$0x16980] =	vst v63  }
0xfa: {  	_ =	swait.ge [sflag:s28], $0x2800  }
0xfb: {  	[sflag:s28] =	ssyncset.done $0x0  }
0xfc: {  	[sflag:s28] =	ssyncadd.s32 $0xFFFFD800  }
0xfd: {  	s6 =	stileid.u32  }
0xfe: {  	[bflag:$0x0] =	sbarrier.arrive $0xFFFF;
	s6 =	sshll.u32 s6, $0x6  }
0xff: {  	s7 =	sshrl.u32 s16, $0x3;
	s8 =	rddreg [dreg:$0x3];
	s6 =	sor.u32 $0x1C02, s6  }
0x100: {  	[hbm:s8], [sflag:s6] =	dma.local [spmem:s7], $0x500  }
0x101: {  	_ =	swait.ge [sflag:s28], $0x500  }
0x102: {  	[sflag:s28] =	ssyncset.done $0x0  }
0x103: {  	s9 =	sshrl.u32 s17, $0x3;
	s10 =	rddreg [dreg:$0x4];
	[sflag:s28] =	ssyncadd.s32 $0xFFFFFB00  }
0x104: {  	[hbm:s10], [sflag:s6] =	dma.local [spmem:s9], $0x500  }
0x105: {  	_ =	swait.ge [sflag:s28], $0x500  }
0x106: {  	[sflag:s28] =	ssyncset.done $0x0  }
0x107: {  	s9 =	sshrl.u32 s18, $0x3;
	s10 =	rddreg [dreg:$0x5];
	[sflag:s28] =	ssyncadd.s32 $0xFFFFFB00  }
0x108: {  	[hbm:s10], [sflag:s6] =	dma.local [spmem:s9], $0x500  }
0x109: {  	_ =	swait.ge [sflag:s28], $0x500  }
0x10a: {  	[sflag:s28] =	ssyncset.done $0x0  }
0x10b: {  	s9 =	sshrl.u32 s19, $0x3;
	s10 =	rddreg [dreg:$0x6];
	[sflag:s28] =	ssyncadd.s32 $0xFFFFFB00  }
0x10c: {  	[hbm:s10], [sflag:s6] =	dma.local [spmem:s9], $0x500  }
0x10d: {  	_ =	swait.ge [sflag:s28], $0x500  }
0x10e: {  	[sflag:s28] =	ssyncset.done $0x0  }
0x10f: {  	s9 =	sshrl.u32 s20, $0x3;
	s10 =	rddreg [dreg:$0x7];
	[sflag:s28] =	ssyncadd.s32 $0xFFFFFB00  }
0x110: {  	[hbm:s10], [sflag:s6] =	dma.local [spmem:s9], $0x500  }
0x111: {  	_ =	swait.ge [sflag:s28], $0x500  }
0x112: {  	[sflag:s28] =	ssyncset.done $0x0  }
0x113: {  	s8 =	sshrl.u32 s21, $0x3;
	[sflag:s28] =	ssyncadd.s32 $0xFFFFFB00  }
0x114: {  	[hbm:s11], [sflag:s6] =	dma.local [spmem:s8], $0x500  }
0x115: {  	_ =	swait.ge [sflag:s28], $0x500  }
0x116: {  	[sflag:s28] =	ssyncset.done $0x0  }
0x117: {  	s9 =	sshrl.u32 s22, $0x3;
	[sflag:s28] =	ssyncadd.s32 $0xFFFFFB00  }
0x118: {  	[hbm:s12], [sflag:s6] =	dma.local [spmem:s9], $0x500  }
0x119: {  	s3 =	sadd.s32 $0x1, s3;
	_ =	swait.ge [sflag:s28], $0x500  }
0x11a: {  	p0 =	sne.s32 s3, s25;
	[sflag:s28] =	ssyncset.done $0x0  }
.Ltmp3:
0x11b: {  	s10 =	sshrl.u32 s23, $0x3;
	[sflag:s28] =	ssyncadd.s32 $0xFFFFFB00;
	(pc) =	sbr.rel @p0 .LBB2_1-.Ltmp3, $4  }
0x11c: {  	[hbm:s13], [sflag:s6] =	dma.local [spmem:s10], $0x500  }
0x11d: {  	_ =	swait.ge [sflag:s28], $0x500  }
0x11e: {  	[sflag:s28] =	ssyncset.done $0x0  }
0x11f: {  	[sflag:s28] =	ssyncadd.s32 $0xFFFFFB00  }
0x120: {  	_ =	sfence.sel $0x180000  }
0x121: {  	[bflag:$0x0] =	sbarrier.arrive $0xFFFF  }
0x122: {  	_ =	strace $0x9000004A  }
0x123: {  	s0 =	stileid.u32;
	[bflag:$0x2] =	sbarrier.arrive $0xFFFF  }
0x124: {  	p0 =	sne.s32 s0, $0x0;
	s0 =	rddreg [dreg:$0x2]  }
0x125: {  	s0 =	sadd.s32 @!p0 $0x100000, s0  }
0x126: {  	[sflag:s0] =	ssyncadd.tile.s32 @!p0 $0x1;
	_ =	shalt  }
.Lfunc_end2:
_tile_overlayer_lowered:
.L_overlay_start_2:
0x127: {  	(tag) =	ssettag $0x2  }
0x128: {  	s0 =	rddreg [dreg:$0x0];
	s2 =	stileid.u32  }
0x129: {  	s1 =	rddreg [dreg:$0x1];
	p0 =	sne.s32 s2, $0x0  }
0x12a: {  	s3 =	rddreg [dreg:$0x2];
	[bflag:$0x3] =	sbarrier.arrive $0xFFFF;
	s2 =	simm.s32 @!p0 $0x1C02  }
0x12b: {  	[timem:s3], [sflag:s2] =	dma.local @!p0 [hbm:s0], s1  }
0x12c: {  	s0 =	simm.s32 @!p0 $0x2  }
0x12d: {  	_ =	swait.ge @!p0 [sflag:s0], s1  }
0x12e: {  	s1 =	ssub.s32 @!p0 $0x0, s1;
	[sflag:s0] =	ssyncset.done @!p0 $0x0  }
0x12f: {  	[sflag:s0] =	ssyncadd.s32 @!p0 s1  }
0x130: {  	[bflag:$0x3] =	sbarrier.arrive $0xFFFF  }
0x131: {  	_ =	shalt  }

// kernel: kernel.13.cloned.1.call-start
scs
__scs_entry_jumppad:
0x0: {  	(pc) =	sbr.rel $0x88, $3  }
0x1: {  	(tag) =	ssettag $0x0;
	lr =	simm.s32 $0x1  }
0x2: {  	[smem:$0x3F98] =	sst lr;
	_ =	strace $0xD0000000  }
0x3: {  	_ = 	snop  }
0x4: {  	_ = 	snop  }
0x5: {  	_ = 	snop  }
0x6: {  	_ = 	snop  }
0x7: {  	_ = 	snop  }
__scs_overlays_trampoline_lowered:
0x8: {  	[smem:$0x3FA7] =	sst s0  }
0x9: {  	[smem:$0x3FA8] =	sst s1  }
0xa: {  	[smem:$0x3FA9] =	sst s2  }
0xb: {  	[smem:$0x3FAA] =	sst s3  }
0xc: {  	[smem:$0x3FAB] =	sst s4  }
0xd: {  	[smem:$0x3FAC] =	sst s5  }
0xe: {  	[smem:$0x3FAD] =	sst s6  }
0xf: {  	[smem:$0x3FAE] =	sst s7  }
0x10: {  	[smem:$0x3FAF] =	sst s8  }
0x11: {  	[smem:$0x3FB0] =	sst s9;
	s0 =	simm.s32 @!p0 $0x0  }
0x12: {  	s1 =	sld [smem:$0x3F96];
	s0 =	simm.s32 @p0 $0x1  }
0x13: {  	[smem:$0x3FB1] =	sst s0;
	s0 =	simm.s32 @!p1 $0x0  }
0x14: {  	s2 =	sld [smem:$0x3F95];
	s0 =	simm.s32 @p1 $0x1  }
0x15: {  	[smem:$0x3FB2] =	sst s0;
	s0 =	simm.s32 @!p2 $0x0  }
0x16: {  	s3 =	sld [smem:$0x3FDB];
	s0 =	simm.s32 @p2 $0x1  }
0x17: {  	s4 =	simm.s32 $0x1BF5;
	[smem:$0x3FB4] =	sst s0  }
0x18: {  	s0 =	sld [smem:$0x3F97];
	_ =	swait.ge [sflag:s4], $0x0  }
0x19: {  	s7 =	sld [smem:$0x3F98]  }
0x1a: {  	s8 =	sadd.s32 $0xFFFFE003, lr  }
0x1b: {  	s9 =	sadd.s32 $0xFFFFFEF7, lr;
	s5 =	simm.s32 $0xFFFFFFFF;
	p2 =	slt.u32 s8, $0xFFFFF086  }
0x1c: {  	p1 =	slt.u32 s9, $0xF7A;
	s5 =	simm.s32 @!p2 $0x0  }
0x1d: {  	s5 =	simm.s32 @p1 $0x1;
	p0 =	seq.s32 s7, s2  }
0x1e: {  	s7 =	smul.u32 @!p0 $0xF7A, s2;
	p2 =	seq.s32 @!p0 s5, $0x0  }
0x1f: {  	s9 =	smul.u32 $0xF7A, s1;
	s8 =	simm.s32 @!p0 $0x1BF5;
	p2 =	por !p2, p0  }
0x20: {  	[sflag:s8] =	ssyncset.s32 @!p0 $0xFFFFF086;
	s6 =	sadd.s32 @!p0 s3, s7;
	s7 =	simm.s32 @!p0 $0x108  }
0x21: {  	s3 =	sadd.s32 s3, s9;
	s6 =	sadd.s32 @!p0 $0x88, s6;
	s7 =	simm.s32 @p2 $0x1082  }
0x22: {  	[simem:s7], [sflag:s8] =	dma.local @!p0 [hbm:s6], $0xF7A  }
0x23: {  	s9 =	sor.u32 $0xD0000000, s2;
	s6 =	simm.s32 $0x108;
	_ =	swait.ge @!p0 [sflag:s8], $0x0  }
0x24: {  	s3 =	sadd.s32 $0x88, s3;
	s6 =	simm.s32 @!p1 $0x1082;
	[sflag:s4] =	ssyncset.s32 $0xFFFFF086  }
0x25: {  	[simem:s6], [sflag:s4] =	dma.local [hbm:s3], $0xF7A  }
0x26: {  	[smem:$0x3F98] =	sst s1;
	(tag) =	ssettag s2;
	_ =	strace s9  }
0x27: {  	s1 =	sld [smem:$0x3FA8]  }
0x28: {  	s2 =	sld [smem:$0x3FA9]  }
0x29: {  	s4 =	sld [smem:$0x3FAB]  }
0x2a: {  	p0 =	seq.s32 s5, $0x0;
	s5 =	sld [smem:$0x3FAC]  }
0x2b: {  	s6 =	sld [smem:$0x3FAD]  }
0x2c: {  	s7 =	sld [smem:$0x3FAE]  }
0x2d: {  	s3 =	simm.s32 $0x108;
	s8 =	sld [smem:$0x3FAF]  }
0x2e: {  	s3 =	simm.s32 @!p0 $0x1082;
	s9 =	sld [smem:$0x3FB0]  }
0x2f: {  	lr =	sadd.s32 s0, s3;
	s0 =	sld [smem:$0x3FA7]  }
0x30: {  	s3 =	sld [smem:$0x3FAA]  }
0x31: {  	[smem:$0x3FB3] =	sst s10  }
0x32: {  	s10 =	sld [smem:$0x3FB1];
	_ =	sdelay $0x3  }
0x33: {  	p0 =	seq.s32 s10, $0x1;
	s10 =	sld [smem:$0x3FB3];
	_ =	sdelay $0x3  }
0x34: {  	[smem:$0x3FB3] =	sst s10  }
0x35: {  	s10 =	sld [smem:$0x3FB2];
	_ =	sdelay $0x3  }
0x36: {  	p1 =	seq.s32 s10, $0x1;
	s10 =	sld [smem:$0x3FB3];
	_ =	sdelay $0x3  }
0x37: {  	[smem:$0x3FB3] =	sst s10  }
0x38: {  	s10 =	sld [smem:$0x3FB4]  }
0x39: {  	_ = 	snop;
	(pc) =	sbr.ind lr, $3  }
0x3a: {  	_ = 	snop  }
0x3b: {  	_ = 	snop  }
0x3c: {  	p2 =	seq.s32 s10, $0x1;
	s10 =	sld [smem:$0x3FB3]  }
0x3d: {  	_ =	shalt  }
0x3e: {  	_ =	shalt  }
0x3f: {  	_ =	shalt  }
0x40: {  	_ =	shalt  }
0x41: {  	_ =	shalt  }
0x42: {  	_ =	shalt  }
0x43: {  	_ =	shalt  }
0x44: {  	_ =	shalt  }
0x45: {  	_ =	shalt  }
0x46: {  	_ =	shalt  }
0x47: {  	_ =	shalt  }
0x48: {  	_ =	shalt  }
0x49: {  	_ =	shalt  }
0x4a: {  	_ =	shalt  }
0x4b: {  	_ =	shalt  }
0x4c: {  	_ =	shalt  }
0x4d: {  	_ =	shalt  }
0x4e: {  	_ =	shalt  }
0x4f: {  	_ =	shalt  }
0x50: {  	_ =	shalt  }
0x51: {  	_ =	shalt  }
0x52: {  	_ =	shalt  }
0x53: {  	_ =	shalt  }
0x54: {  	_ =	shalt  }
0x55: {  	_ =	shalt  }
0x56: {  	_ =	shalt  }
0x57: {  	_ =	shalt  }
0x58: {  	_ =	shalt  }
0x59: {  	_ =	shalt  }
0x5a: {  	_ =	shalt  }
0x5b: {  	_ =	shalt  }
0x5c: {  	_ =	shalt  }
0x5d: {  	_ =	shalt  }
0x5e: {  	_ =	shalt  }
0x5f: {  	_ =	shalt  }
0x60: {  	_ =	shalt  }
0x61: {  	_ =	shalt  }
0x62: {  	_ =	shalt  }
0x63: {  	_ =	shalt  }
0x64: {  	_ =	shalt  }
0x65: {  	_ =	shalt  }
0x66: {  	_ =	shalt  }
0x67: {  	_ =	shalt  }
0x68: {  	_ =	shalt  }
0x69: {  	_ =	shalt  }
0x6a: {  	_ =	shalt  }
0x6b: {  	_ =	shalt  }
0x6c: {  	_ =	shalt  }
0x6d: {  	_ =	shalt  }
0x6e: {  	_ =	shalt  }
0x6f: {  	_ =	shalt  }
0x70: {  	_ =	shalt  }
0x71: {  	_ =	shalt  }
0x72: {  	_ =	shalt  }
0x73: {  	_ =	shalt  }
0x74: {  	_ =	shalt  }
0x75: {  	_ =	shalt  }
0x76: {  	_ =	shalt  }
0x77: {  	_ =	shalt  }
0x78: {  	_ =	shalt  }
0x79: {  	_ =	shalt  }
0x7a: {  	_ =	shalt  }
0x7b: {  	_ =	shalt  }
0x7c: {  	_ =	shalt  }
0x7d: {  	_ =	shalt  }
0x7e: {  	_ =	shalt  }
0x7f: {  	_ =	shalt  }
0x80: {  	_ =	shalt  }
0x81: {  	_ =	shalt  }
0x82: {  	_ =	shalt  }
0x83: {  	_ =	shalt  }
0x84: {  	_ =	shalt  }
0x85: {  	_ =	shalt  }
0x86: {  	_ =	shalt  }
0x87: {  	_ =	shalt  }
.Lfunc_end0:
.L_simem_size_0:
called_computation.2_lowered:
.L_overlay_start_0:
0x88: {  	s2 =	sld [smem:$0x3FD9]  }
0x89: {  	s3 =	sld [smem:$0x3FFE];
	_ =	sdelay $0x1  }
0x8a: {  	s1 =	srdreg.scid  }
0x8b: {  	s0 =	sand.u32 $0x1, s1  }
0x8c: {  	s17 =	sshll.u32 s0, $0xA;
	s2 =	sadd.s32 s3, s2  }
0x8d: {  	s2 =	sadd.s32 s2, s17  }
0x8e: {  	[smem:$0x3FBF] =	sst s2  }
0x8f: {  	_ = 	snop  }
0x90: {  	s2 =	sld [smem:$0x3FC7];
	(tm) =	ssettm $0x1  }
0x91: {  	s18 =	sld [smem:$0x3FFB];
	_ =	sdelay $0x3  }
0x92: {  	_ =	strace s18  }
0x93: {  	s3 =	sld [smem:$0x3FFC];
	_ =	sdelay $0x3  }
0x94: {  	_ =	strace s3  }
0x95: {  	s3 =	sld [smem:$0x3FFD];
	_ =	sdelay $0x3  }
0x96: {  	_ =	strace s3  }
0x97: {  	_ =	strace $0x8FFFFFFF  }
0x98: {  	s19 =	sld [smem:$0x3FDB];
	_ =	sdelay $0x1  }
0x99: {  	s4 =	simm.s32 $_scs_section_size  }
0x9a: {  	s5 =	simm.s32 $_size__tile_overlayer_lowered;
	s6 =	simm.s32 $_tile_overlayer_lowered  }
0x9b: {  	s22 =	simm.s32 $0x1BFF;
	s21 =	sshll.u32 s6, $0x1;
	s3 =	sadd.s32 s4, s19  }
0x9c: {  	s7 =	simm.s32 $0x0;
	s20 =	sshll.u32 s5, $0x1;
	s5 =	sadd.s32 s21, s3  }
0x9d: {  	[timem:s7], [sflag:s22] =	dma.local [hbm:s5], s20  }
0x9e: {  	_ =	swait.ge [sflag:s22], s20  }
0x9f: {  	s4 =	ssub.s32 $0x0, s20;
	[sflag:s22] =	ssyncset.done $0x0  }
0xa0: {  	[sflag:s22] =	ssyncadd.s32 s4;
	_ =	sdelay $0x1  }
0xa1: {  	s23 =	simm.s32 $0x1B8B  }
0xa2: {  	_ =	swait.ge [sflag:s23], $0x1  }
0xa3: {  	[sflag:s23] =	ssyncset.done $0x0  }
0xa4: {  	s25 =	simm.s32 $0x1B8E;
	s24 =	sld [smem:$0x3FFE];
	[sflag:s23] =	ssyncadd.s32 $0xFFFFFFFF  }
0xa5: {  	s26 =	simm.s32 $execute0_lowered;
	[smem:$0x3FD2] =	sst s25  }
0xa6: {  	s5 =	sshll.u32 s26, $0x1;
	_ =	strace $0x8000004C;
	[dreg:$0x1] =	wrdreg $0xFFFFFFFF  }
0xa7: {  	s28 =	simm.s32 $_size_execute0_lowered;
	s3 =	sadd.s32 s3, s5;
	[dreg:$0x0] =	wrdreg $0x0  }
0xa8: {  	s5 =	sshll.u32 s28, $0x1;
	[dreg:$0x2] =	wrdreg s3  }
0xa9: {  	[dreg:$0x3] =	wrdreg s5  }
0xaa: {  	[dreg:$0x4] =	wrdreg $0xC0  }
0xab: {  	_ =	task [dreg:s7], $0x5FFFF  }
0xac: {  	[dreg:$0x1] =	wrdreg $0xFFFFFFFF  }
0xad: {  	[dreg:$0x0] =	wrdreg $0x60  }
0xae: {  	[dreg:$0x2] =	wrdreg s24  }
0xaf: {  	[dreg:$0x3] =	wrdreg s2  }
0xb0: {  	[dreg:$0x4] =	wrdreg $0x2A000  }
0xb1: {  	[dreg:$0x5] =	wrdreg $0x9  }
0xb2: {  	_ =	task.clear_ibuf [dreg:s7], $0x6FFFF;
	_ =	strace $0x9000004C  }
0xb3: {  	s29 =	simm.s32 $0x9;
	_ =	strace $0x8000004E  }
0xb4: {  	_ =	swait.ge [sflag:s29], $0x1  }
0xb5: {  	[sflag:s29] =	ssyncadd.s32 $0xFFFFFFFF  }
0xb6: {  	_ =	strace $0x9000004E  }
0xb7: {  	_ =	sfence  }
0xb8: {  	s30 =	sld [smem:$0x0];
	_ =	sdelay $0x2  }
0xb9: {  	s31 =	sshll.u32 s1, $0xD;
	s1 =	sshrl.u32 s1, $0x2  }
0xba: {  	s3 =	sand.u32 $0x4000, s31;
	s1 =	sadd.s32 s1, s30  }
0xbb: {  	s0 =	sor.u32 s3, s0;
	s1 =	sshll.u32 s1, $0x11  }
0xbc: {  	s0 =	sor.u32 s1, s0  }
0xbd: {  	s0 =	sadd.s32 $0x8F2B, s0  }
0xbe: {  	[sflag:s0] =	ssyncadd.remote.s32 $0x1  }
0xbf: {  	_ =	sfence.sel $0xFFFF  }
0xc0: {  	[dreg:$0x0] =	wrdreg $0xFFFFFFFF;
	(pc) =	sbr.abs _section_cstart, $3  }
0xc1: {  	[dreg:$0x1] =	wrdreg $0xFFFFFFFF  }
0xc2: {  	_ =	task.clear_ibuf [dreg:s7], $0x2FFFF;
	_ =	strace $0x9FFFFFFF  }
0xc3: {  	(tm) =	ssettm $0x7FFFFFFF  }
tec
execute0_lowered:
.L_overlay_start_1:
0x0: {  	(tag) =	ssettag $0x1  }
0x1: {  	s0 =	rddreg [dreg:$0x0]  }
0x2: {  	s16 =	rddreg [dreg:$0x2]  }
0x3: {  	s1 =	simm.s32 $0x0;
	s28 =	srdreg.scid;
	s7 =	stileid.u32  }
0x4: {  	[smem:$0x7FF] =	sst s1;
	s2 =	sadd.s32 $0x33E00, s0;
	s1 =	sand.u32 $0x1, s28  }
0x5: {  	s29 =	sadd.s32 $0x5B000, s0;
	s5 =	sshll.u32 s7, $0x1;
	s6 =	smul.u32 $0x14000, s7  }
0x6: {  	s26 =	sadd.s32 $0xC600, s0;
	_ =	strace $0x8000004D;
	[dreg:$0x4] =	wrdreg s2  }
0x7: {  	s30 =	smul.u32 $0x50000, s7;
	s28 =	sadd.s32 $0x2800, s0;
	[dreg:$0xd] =	wrdreg s26  }
0x8: {  	s0 =	sadd.s32 $0x2A000, s0;
	s3 =	ssub.s32 $0x2, s1;
	[dreg:$0xe] =	wrdreg s28  }
0x9: {  	[dreg:$0xf] =	wrdreg s0;
	s4 =	sshrl.u32 s3, $0x1;
	s31 =	sor.u32 $0x2800, s6  }
0xa: {  	s8 =	sadd.s32 $0x5000, s6;
	s9 =	sadd.s32 $0x7800, s6;
	s10 =	sadd.s32 $0xA000, s6  }
0xb: {  	s3 =	ssub.s32 s3, s4;
	s4 =	sor.u32 s1, s5;
	s1 =	smul.u32 $0x140000, s1  }
0xc: {  	s11 =	sadd.s32 $0xC800, s6;
	s12 =	sadd.s32 $0xF000, s6;
	s7 =	sadd.s32 s31, s16  }
0xd: {  	[dreg:$0x11] =	wrdreg s7;
	s13 =	sadd.s32 s6, s1;
	s14 =	sadd.s32 s1, s31  }
0xe: {  	s6 =	sadd.s32 $0x11800, s6;
	s18 =	sadd.s32 s1, s8;
	s31 =	smax.u32 s3, $0x1  }
0xf: {  	s19 =	sadd.s32 s1, s9;
	s8 =	sadd.s32 s8, s16;
	[dreg:$0x19] =	wrdreg s31  }
0x10: {  	s15 =	sadd.s32 s1, s10;
	s9 =	sadd.s32 s9, s16;
	[dreg:$0x12] =	wrdreg s8  }
0x11: {  	s23 =	sadd.s32 s1, s11;
	s10 =	sadd.s32 s10, s16;
	[dreg:$0x13] =	wrdreg s9  }
0x12: {  	s24 =	sadd.s32 s1, s12;
	s11 =	sadd.s32 s11, s16;
	[dreg:$0x14] =	wrdreg s10  }
0x13: {  	s12 =	sadd.s32 s12, s16;
	s13 =	sshrl.u32 s13, $0x3;
	[dreg:$0x15] =	wrdreg s11  }
0x14: {  	s1 =	sadd.s32 s1, s6;
	s6 =	sadd.s32 s6, s16;
	[dreg:$0x16] =	wrdreg s12  }
0x15: {  	s14 =	sshrl.u32 s14, $0x3;
	s13 =	sadd.s32 s29, s13;
	[dreg:$0x17] =	wrdreg s6  }
0x16: {  	s21 =	sshrl.u32 s15, $0x3;
	s17 =	sadd.s32 s29, s14;
	[dreg:$0x5] =	wrdreg s13  }
0x17: {  	s22 =	sadd.s32 s29, s21;
	[dreg:$0x6] =	wrdreg s17;
	s13 =	sshrl.u32 s18, $0x3  }
0x18: {  	s20 =	sshrl.u32 s19, $0x3;
	[dreg:$0x9] =	wrdreg s22;
	s13 =	sadd.s32 s29, s13  }
0x19: {  	s1 =	sshrl.u32 s1, $0x3;
	[dreg:$0x7] =	wrdreg s13;
	s13 =	sadd.s32 s29, s20  }
0x1a: {  	s1 =	sadd.s32 s29, s1;
	[dreg:$0x8] =	wrdreg s13;
	s13 =	sshrl.u32 s23, $0x3  }
0x1b: {  	[dreg:$0xc] =	wrdreg s1;
	s13 =	sadd.s32 s29, s13  }
0x1c: {  	s25 =	sshrl.u32 s24, $0x3;
	[dreg:$0xa] =	wrdreg s13  }
0x1d: {  	s13 =	sadd.s32 s29, s25;
	s29 =	sshrl.u32 s30, $0x2;
	s30 =	smul.u32 $0x2710, s4  }
0x1e: {  	s3 =	simm.s32 $0x200;
	s14 =	simm.s32 $0x50;
	[dreg:$0xb] =	wrdreg s13  }
0x1f: {  	s1 =	simm.s32 $0x0;
	s5 =	sadd.s32 s29, s16;
	[dreg:$0x18] =	wrdreg s30  }
0x20: {  	v0 =	vimm.f32 $0.0e+00;
	s4 =	simm.s32 $0x2;
	s13 =	simm.s32 $0x80;
	[dreg:$0x10] =	wrdreg s5  }
.LBB2_1:
0x21: {  	[dreg:$0x1a] =	wrdreg s1;
	s0 =	simm.s32 $0x0;
	s1 =	simm.s32 $0x200  }
.LBB2_2:
0x22: {  	p0 =	sne.s32 s1, $0x9E00;
	[tilespmem:s0+$0x270] =	vst v0  }
0x23: {  	[tilespmem:s0+$0x200] =	vst v0  }
0x24: {  	[tilespmem:s0+$0x210] =	vst v0  }
.Ltmp0:
0x25: {  	[tilespmem:s0+$0x220] =	vst v0;
	(pc) =	sbr.rel @p0 .LBB2_2-.Ltmp0, $4  }
0x26: {  	[tilespmem:s0+$0x230] =	vst v0  }
0x27: {  	[tilespmem:s0+$0x240] =	vst v0  }
0x28: {  	[tilespmem:s0+$0x250] =	vst v0  }
0x29: {  	[tilespmem:s0+$0x260] =	vst v0;
	s0 =	sshra.s32 s1, $0x2;
	s1 =	sadd.s32 $0x200, s1  }
0x2a: {  	[tilespmem:s0+$0x270] =	vst v0  }
0x2b: {  	[tilespmem:s0+$0x200] =	vst v0  }
0x2c: {  	[tilespmem:s0+$0x210] =	vst v0  }
0x2d: {  	[tilespmem:s0+$0x220] =	vst v0  }
0x2e: {  	[tilespmem:s0+$0x230] =	vst v0  }
0x2f: {  	[tilespmem:s0+$0x240] =	vst v0  }
0x30: {  	[tilespmem:s0+$0x250] =	vst v0  }
0x31: {  	[tilespmem:s0+$0x260] =	vst v0  }
0x32: {  	[spmem:s5] =	stream.linear.scatter [tilespmem:s3], [sflag:$0x2], $0x2800, $0x38;
	[tilespmem:$0x16A00] =	vst v63  }
0x33: {  	_ =	swait.ge [sflag:s4], $0x2800  }
0x34: {  	[sflag:s4] =	ssyncset.done $0x0  }
0x35: {  	[sflag:s4] =	ssyncadd.s32 $0xFFFFD800  }
0x36: {  	[spmem:s7] =	stream.linear.scatter [tilespmem:s3], [sflag:$0x2], $0x2800, $0x38;
	[tilespmem:$0x16A00] =	vst v63  }
0x37: {  	_ =	swait.ge [sflag:s4], $0x2800  }
0x38: {  	[sflag:s4] =	ssyncset.done $0x0  }
0x39: {  	[sflag:s4] =	ssyncadd.s32 $0xFFFFD800  }
0x3a: {  	[spmem:s8] =	stream.linear.scatter [tilespmem:s3], [sflag:$0x2], $0x2800, $0x38;
	[tilespmem:$0x16A00] =	vst v63  }
0x3b: {  	_ =	swait.ge [sflag:s4], $0x2800  }
0x3c: {  	[sflag:s4] =	ssyncset.done $0x0  }
0x3d: {  	[sflag:s4] =	ssyncadd.s32 $0xFFFFD800  }
0x3e: {  	[spmem:s9] =	stream.linear.scatter [tilespmem:s3], [sflag:$0x2], $0x2800, $0x38;
	[tilespmem:$0x16A00] =	vst v63  }
0x3f: {  	_ =	swait.ge [sflag:s4], $0x2800  }
0x40: {  	[sflag:s4] =	ssyncset.done $0x0  }
0x41: {  	[sflag:s4] =	ssyncadd.s32 $0xFFFFD800  }
0x42: {  	[spmem:s10] =	stream.linear.scatter [tilespmem:s3], [sflag:$0x2], $0x2800, $0x38;
	[tilespmem:$0x16A00] =	vst v63  }
0x43: {  	_ =	swait.ge [sflag:s4], $0x2800  }
0x44: {  	[sflag:s4] =	ssyncset.done $0x0  }
0x45: {  	[sflag:s4] =	ssyncadd.s32 $0xFFFFD800  }
0x46: {  	[spmem:s11] =	stream.linear.scatter [tilespmem:s3], [sflag:$0x2], $0x2800, $0x38;
	[tilespmem:$0x16A00] =	vst v63  }
0x47: {  	_ =	swait.ge [sflag:s4], $0x2800  }
0x48: {  	[sflag:s4] =	ssyncset.done $0x0  }
0x49: {  	[sflag:s4] =	ssyncadd.s32 $0xFFFFD800  }
0x4a: {  	[spmem:s12] =	stream.linear.scatter [tilespmem:s3], [sflag:$0x2], $0x2800, $0x38;
	[tilespmem:$0x16A00] =	vst v63  }
0x4b: {  	_ =	swait.ge [sflag:s4], $0x2800  }
0x4c: {  	[sflag:s4] =	ssyncset.done $0x0  }
0x4d: {  	[sflag:s4] =	ssyncadd.s32 $0xFFFFD800  }
0x4e: {  	[spmem:s6] =	stream.linear.scatter [tilespmem:s3], [sflag:$0x2], $0x2800, $0x38;
	[tilespmem:$0x16A00] =	vst v63  }
0x4f: {  	_ =	swait.ge [sflag:s4], $0x2800  }
0x50: {  	[sflag:s4] =	ssyncset.done $0x0  }
0x51: {  	[sflag:s4] =	ssyncadd.s32 $0xFFFFD800  }
0x52: {  	s0 =	simm.s32 $0x0;
	[bflag:$0x0] =	sbarrier.arrive $0xFFFF  }
.LBB2_4:
0x53: {  	s19 =	smul.u32 $0x50, s0  }
0x54: {  	s1 =	rddreg [dreg:$0x18]  }
0x55: {  	[dreg:$0x1b] =	wrdreg s0;
	s0 =	sadd.s32 s1, s19  }
0x56: {  	s20 =	rddreg [dreg:$0xd];
	s0 =	sshrl.u32 s0, $0x3  }
0x57: {  	s2 =	simm.s32 $0x0;
	s1 =	sadd.s32 s20, s0  }
0x58: {  	[tilespmem:s2], [sflag:$0x2] =	stream.linear.gather [hbm4b:s1+s2], $0x50, $0x38;
	[tilespmem:$0x16A00] =	vst v63  }
0x59: {  	_ =	swait.ge [sflag:s4], $0x50  }
0x5a: {  	[sflag:s4] =	ssyncset.done $0x0;
	s21 =	rddreg [dreg:$0xe]  }
0x5b: {  	[sflag:s4] =	ssyncadd.s32 $0xFFFFFFB0;
	s1 =	sadd.s32 s21, s0  }
0x5c: {  	[tilespmem:s13], [sflag:$0x2] =	stream.linear.gather [hbm4b:s1+s2], $0x50, $0x38;
	[tilespmem:$0x16A00] =	vst v63  }
0x5d: {  	_ =	swait.ge [sflag:s4], $0x50  }
0x5e: {  	[sflag:s4] =	ssyncset.done $0x0;
	s22 =	rddreg [dreg:$0xf]  }
0x5f: {  	s5 =	simm.s32 $0x180;
	[sflag:s4] =	ssyncadd.s32 $0xFFFFFFB0;
	s1 =	sadd.s32 s22, s0  }
0x60: {  	[tilespmem:s5], [sflag:$0x2] =	stream.linear.gather [hbm4b:s1+s2], $0x50, $0x38;
	[tilespmem:$0x16A00] =	vst v63  }
0x61: {  	_ =	swait.ge [sflag:s4], $0x50  }
0x62: {  	[sflag:s4] =	ssyncset.done $0x0  }
0x63: {  	[sflag:s4] =	ssyncadd.s32 $0xFFFFFFB0  }
0x64: {  	s23 =	rddreg [dreg:$0x1]  }
0x65: {  	s24 =	simm.s32 $0x100;
	s0 =	sadd.s32 s23, s0  }
0x66: {  	[tilespmem:s24], [sflag:$0x2] =	stream.linear.gather [hbm4b:s0+s2], $0x50, $0x38;
	[tilespmem:$0x16A00] =	vst v63  }
0x67: {  	_ =	swait.ge [sflag:s4], $0x50  }
0x68: {  	[sflag:s4] =	ssyncset.done $0x0  }
0x69: {  	s26 =	simm.s32 $0x1;
	s25 =	rddreg [dreg:$0x4];
	[sflag:s4] =	ssyncadd.s32 $0xFFFFFFB0  }
0x6a: {  	[tilespmem:s3], [sflag:$0x1] =	stream.indirect.gather [hbm4b:s25+s14], $0x80, s2, s14, $0xb8;
	[tilespmem:$0x16A00] =	vst v63  }
0x6b: {  	_ =	swait.ge [sflag:s26], $0x2800  }
0x6c: {  	[sflag:s26] =	ssyncset.done $0x0  }
0x6d: {  	s28 =	simm.s32 $0x104;
	[sflag:s26] =	ssyncadd.s32 $0xFFFFD800  }
0x6e: {  	s10 =	simm.s32 $0x184;
	v1 =	vld [tilespmem:s28+$0x3]  }
0x6f: {  	v2 =	vld [tilespmem:s10+$0x3]  }
0x70: {  	v3 =	vld [tilespmem:s28+$0xFFFFFFFC]  }
0x71: {  	v4 =	vld [tilespmem:s28+$0xFFFFFFFD]  }
0x72: {  	v5 =	vld [tilespmem:s28+$0xFFFFFFFE]  }
0x73: {  	v6 =	vld [tilespmem:s28+$0xFFFFFFFF];
	(v2sf) =	vpush v1, $0x0  }
0x74: {  	v1 =	vld [tilespmem:s28+$0x0];
	(v2sf) =	vpush v2, $0x0  }
0x75: {  	v2 =	vld [tilespmem:s28+$0x1];
	(v2sf) =	vpush v3, $0x0  }
0x76: {  	v3 =	vld [tilespmem:s28+$0x2];
	(v2sf) =	vpush v4, $0x0  }
0x77: {  	v4 =	vld [tilespmem:s10+$0xFFFFFFFD];
	(v2sf) =	vpush v5, $0x0  }
0x78: {  	v5 =	vld [tilespmem:s10+$0xFFFFFFFE];
	(v2sf) =	vpush v6, $0x0  }
0x79: {  	v6 =	vld [tilespmem:s10+$0xFFFFFFFF];
	(v2sf) =	vpush v1, $0x0  }
0x7a: {  	v1 =	vld [tilespmem:s10+$0x0];
	(v2sf) =	vpush v2, $0x0  }
0x7b: {  	v2 =	vld [tilespmem:s10+$0x1];
	(v2sf) =	vpush v3, $0x0  }
0x7c: {  	v3 =	vld [tilespmem:s10+$0x2];
	(v2sf) =	vpush v4, $0x0  }
0x7d: {  	v4 =	vld [tilespmem:s10+$0xFFFFFFFC];
	(v2sf) =	vpush v5, $0x0  }
0x7e: {  	(v2sf) =	vpush v6, $0x0  }
0x7f: {  	(v2sf) =	vpush v1, $0x0  }
0x80: {  	(v2sf) =	vpush v2, $0x0  }
0x81: {  	(v2sf) =	vpush v3, $0x0  }
0x82: {  	(v2sf) =	vpush v4, $0x0;
	s11 =	spop (v2sf)  }
0x83: {  	s17 =	spop (v2sf)  }
0x84: {  	s9 =	simm.s32 $0x400;
	s29 =	spop (v2sf)  }
0x85: {  	v16 =	vld [tilespmem:s9+$0x1F0];
	s30 =	spop (v2sf)  }
0x86: {  	v20 =	vld [tilespmem:s9+$0xFFFFFE00];
	s1 =	spop (v2sf)  }
0x87: {  	v22 =	vld [tilespmem:s9+$0xFFFFFE10];
	s24 =	spop (v2sf)  }
0x88: {  	v25 =	vld [tilespmem:s9+$0xFFFFFE20];
	s22 =	spop (v2sf)  }
0x89: {  	v26 =	vld [tilespmem:s9+$0xFFFFFE30];
	s26 =	spop (v2sf)  }
0x8a: {  	v28 =	vld [tilespmem:s9+$0xFFFFFE40];
	s18 =	spop (v2sf)  }
0x8b: {  	v29 =	vld [tilespmem:s9+$0xFFFFFE50];
	s23 =	spop (v2sf)  }
0x8c: {  	v27 =	vld [tilespmem:s9+$0xFFFFFE60];
	s21 =	spop (v2sf)  }
0x8d: {  	v24 =	vld [tilespmem:s9+$0xFFFFFE70];
	p0 =	seq.s32 s11, $0x7;
	s4 =	smov.u32 s17;
	s20 =	spop (v2sf)  }
0x8e: {  	v21 =	vld [tilespmem:s9+$0xFFFFFE80];
	s4 =	simm.s32 @!p0 $0x0;
	p3 =	seq.s32 s29, $0x0;
	s19 =	spop (v2sf)  }
0x8f: {  	v23 =	vld [tilespmem:s9+$0xFFFFFE90];
	p4 =	seq.s32 s29, $0x1;
	p5 =	seq.s32 s29, $0x2;
	s13 =	spop (v2sf)  }
0x90: {  	v17 =	vld [tilespmem:s9+$0xFFFFFEA0];
	p0 =	seq.s32 s29, $0x3;
	p1 =	seq.s32 s29, $0x4;
	s12 =	spop (v2sf)  }
0x91: {  	v18 =	vld [tilespmem:s9+$0xFFFFFEB0];
	p2 =	seq.s32 s29, $0x5;
	p6 =	seq.s32 s29, $0x6;
	s7 =	spop (v2sf)  }
0x92: {  	v11 =	vld [tilespmem:s9+$0xFFFFFEC0];
	s16 =	smov.u32 s23;
	s3 =	smov.u32 s23;
	s5 =	smov.u32 s7  }
0x93: {  	v14 =	vld [tilespmem:s9+$0xFFFFFED0];
	s14 =	smov.u32 s7;
	s15 =	smov.u32 s7;
	s25 =	smov.u32 s7  }
0x94: {  	v9 =	vld [tilespmem:s9+$0xFFFFFEF0];
	s28 =	smov.u32 s7;
	s8 =	smov.u32 s7;
	s5 =	simm.s32 @!p3 $0x0  }
0x95: {  	v5 =	vld [tilespmem:s9+$0xFFFFFF30];
	p3 =	seq.s32 s29, $0x7;
	s14 =	simm.s32 @!p4 $0x0;
	p4 =	seq.s32 s30, $0x0  }
0x96: {  	v6 =	vld [tilespmem:s9+$0xFFFFFEE0];
	s15 =	simm.s32 @!p5 $0x0;
	p5 =	seq.s32 s30, $0x1;
	s29 =	smov.u32 s7  }
0x97: {  	v1 =	vld [tilespmem:s9+$0xFFFFFF00];
	s25 =	simm.s32 @!p1 $0x0;
	s28 =	simm.s32 @!p2 $0x0;
	p1 =	seq.s32 s30, $0x4  }
0x98: {  	v2 =	vld [tilespmem:s9+$0xFFFFFF40];
	s8 =	simm.s32 @!p6 $0x0;
	p6 =	seq.s32 s30, $0x7;
	s2 =	simm.s32 @!p5 $0x0  }
0x99: {  	v3 =	vld [tilespmem:s9+$0xFFFFFF20];
	s29 =	simm.s32 @!p0 $0x0;
	p0 =	seq.s32 s30, $0x3;
	s2 =	simm.s32 @p5 $0x1  }
0x9a: {  	v4 =	vld [tilespmem:s9+$0xFFFFFF10];
	s7 =	simm.s32 @!p3 $0x0;
	[smem:$0x7F4] =	sst s2;
	s2 =	simm.s32 @!p1 $0x0  }
0x9b: {  	p3 =	seq.s32 s30, $0x6;
	v7 =	vld [tilespmem:s9+$0xFFFFFF50];
	s2 =	simm.s32 @p1 $0x1;
	s31 =	sld [smem:$0x7F4]  }
0x9c: {  	s16 =	simm.s32 @!p4 $0x0;
	p5 =	seq.s32 s30, $0x2;
	v8 =	vld [tilespmem:s9+$0xFFFFFF60];
	[smem:$0x7F5] =	sst s2  }
0x9d: {  	p1 =	seq.s32 s30, $0x5;
	s30 =	smov.u32 s23;
	s6 =	sld [smem:$0x7F5]  }
0x9e: {  	p4 =	seq.s32 s1, $0x0;
	s30 =	simm.s32 @!p0 $0x0;
	p0 =	seq.s32 s1, $0x2;
	v12 =	vld [tilespmem:s9+$0xFFFFFF70]  }
0x9f: {  	s2 =	smov.u32 s23;
	v10 =	vld [tilespmem:s9+$0xFFFFFF80];
	s0 =	simm.s32 @!p0 $0x0;
	p2 =	seq.s32 s31, $0x1  }
0xa0: {  	v15 =	vld [tilespmem:s9+$0xFFFFFF90];
	s0 =	simm.s32 @p0 $0x1;
	s31 =	smov.u32 s23;
	p0 =	seq.s32 s6, $0x1  }
0xa1: {  	v13 =	vld [tilespmem:s9+$0xFFFFFFA0];
	[smem:$0x7F6] =	sst s0;
	s31 =	simm.s32 @!p0 $0x0;
	p0 =	seq.s32 s1, $0x5  }
0xa2: {  	v30 =	vmul.f32 s4, v16;
	s2 =	simm.s32 @!p5 $0x0;
	p5 =	seq.s32 s1, $0x3;
	v19 =	vld [tilespmem:s9+$0xFFFFFFB0];
	s4 =	simm.s32 @!p0 $0x0  }
0xa3: {  	s3 =	simm.s32 @!p2 $0x0;
	v16 =	vld [tilespmem:s9+$0xFFFFFFC0];
	s4 =	simm.s32 @p0 $0x1;
	p0 =	seq.s32 s1, $0x6  }
0xa4: {  	v31 =	vmul.f32 s5, v20;
	p2 =	seq.s32 s1, $0x1;
	v20 =	vld [tilespmem:s9+$0xFFFFFFD0];
	[smem:$0x7F7] =	sst s4;
	s4 =	simm.s32 @!p0 $0x0  }
0xa5: {  	s0 =	smov.u32 s23;
	s4 =	simm.s32 @p0 $0x1;
	p0 =	seq.s32 s1, $0x7  }
0xa6: {  	s0 =	simm.s32 @!p1 $0x0;
	p1 =	seq.s32 s1, $0x4;
	s1 =	simm.s32 @!p0 $0x0  }
0xa7: {  	[smem:$0x7F8] =	sst s4;
	s1 =	simm.s32 @p0 $0x1  }
0xa8: {  	[smem:$0x7F9] =	sst s1  }
0xa9: {  	v32 =	vmul.f32 s14, v22;
	s5 =	smov.u32 s21;
	[tilespmem:s9+$0x1F0] =	vst v30  }
0xaa: {  	s5 =	simm.s32 @!p4 $0x0;
	v30 =	vmul.f32 s15, v25;
	[tilespmem:s9+$0xFFFFFE00] =	vst v31  }
0xab: {  	p4 =	seq.s32 s24, $0x4;
	v24 =	vmul.f32 s7, v24;
	s7 =	smov.u32 s20;
	v31 =	vmul.f32 s29, v26;
	s29 =	sld [smem:$0x7F6];
	[tilespmem:s9+$0xFFFFFE10] =	vst v32  }
0xac: {  	s14 =	smov.u32 s21;
	v61 =	vmul.f32 s25, v28;
	s25 =	smov.u32 s21;
	s7 =	simm.s32 @!p4 $0x0;
	[tilespmem:s9+$0xFFFFFE20] =	vst v30  }
0xad: {  	v29 =	vmul.f32 s28, v29;
	p4 =	seq.s32 s22, $0x6;
	v1 =	vmul.f32 s5, v1;
	s5 =	smov.u32 s19;
	s28 =	sld [smem:$0x7F7]  }
0xae: {  	v17 =	vmul.f32 s2, v17;
	s2 =	smov.u32 s20;
	s6 =	smov.u32 s23;
	s23 =	simm.s32 @!p6 $0x0  }
0xaf: {  	s14 =	simm.s32 @!p2 $0x0;
	p2 =	seq.s32 s24, $0x0;
	s1 =	smov.u32 s21;
	[tilespmem:s9+$0xFFFFFE30] =	vst v31  }
0xb0: {  	s1 =	simm.s32 @!p1 $0x0;
	p1 =	seq.s32 s28, $0x1;
	s28 =	sld [smem:$0x7F8]  }
0xb1: {  	p6 =	seq.s32 s24, $0x1;
	s6 =	simm.s32 @!p3 $0x0;
	p3 =	seq.s32 s24, $0x3  }
0xb2: {  	v14 =	vmul.f32 s0, v14;
	s0 =	smov.u32 s20;
	p0 =	seq.s32 s29, $0x1;
	s29 =	smov.u32 s21  }
0xb3: {  	s29 =	simm.s32 @!p1 $0x0;
	p1 =	seq.s32 s28, $0x1;
	s28 =	sld [smem:$0x7F9]  }
0xb4: {  	v4 =	vmul.f32 s14, v4;
	s14 =	smov.u32 s19;
	v6 =	vmul.f32 s6, v6;
	s6 =	smov.u32 s19;
	s15 =	smov.u32 s21  }
0xb5: {  	v45 =	vmul.f32 s7, v16;
	s7 =	smov.u32 s13;
	s4 =	smov.u32 s21;
	s15 =	simm.s32 @!p5 $0x0  }
0xb6: {  	v22 =	vld [tilespmem:s9+$0xFFFFFFE0];
	p5 =	seq.s32 s24, $0x5;
	s25 =	simm.s32 @!p1 $0x0;
	p1 =	seq.s32 s28, $0x1  }
0xb7: {  	v25 =	vld [tilespmem:s9+$0xFFFFFFF0];
	s2 =	simm.s32 @!p5 $0x0;
	s21 =	simm.s32 @!p1 $0x0;
	p1 =	seq.s32 s24, $0x6  }
0xb8: {  	v27 =	vmul.f32 s8, v27;
	v26 =	vld [tilespmem:s9+$0x0];
	p5 =	seq.s32 s22, $0x5;
	v33 =	vmul.f32 s15, v5;
	s15 =	smov.u32 s19;
	s8 =	simm.s32 @!p1 $0x0  }
0xb9: {  	v28 =	vld [tilespmem:s9+$0x10];
	s4 =	simm.s32 @!p0 $0x0;
	s8 =	simm.s32 @p1 $0x1;
	p1 =	seq.s32 s24, $0x7  }
0xba: {  	v30 =	vld [tilespmem:s9+$0x20];
	p0 =	seq.s32 s24, $0x2;
	[smem:$0x7FA] =	sst s8;
	s24 =	simm.s32 @!p1 $0x0  }
0xbb: {  	v34 =	vmul.f32 s1, v2;
	s1 =	smov.u32 s19;
	s15 =	simm.s32 @!p5 $0x0;
	[tilespmem:s9+$0xFFFFFE40] =	vst v61;
	s24 =	simm.s32 @p1 $0x1  }
0xbc: {  	p5 =	seq.s32 s26, $0x4;
	v31 =	vld [tilespmem:s9+$0x30];
	[smem:$0x7FB] =	sst s24;
	s24 =	smov.u32 s20  }
0xbd: {  	s28 =	smov.u32 s20;
	s24 =	simm.s32 @!p0 $0x0;
	p0 =	seq.s32 s22, $0x1  }
0xbe: {  	v23 =	vmul.f32 s3, v23;
	s28 =	simm.s32 @!p6 $0x0;
	p6 =	seq.s32 s22, $0x2;
	s3 =	simm.s32 @!p0 $0x0  }
0xbf: {  	v46 =	vmul.f32 s2, v20;
	s2 =	smov.u32 s13;
	s5 =	simm.s32 @!p6 $0x0;
	[tilespmem:s9+$0xFFFFFE50] =	vst v29;
	s3 =	simm.s32 @p0 $0x1  }
0xc0: {  	p6 =	seq.s32 s26, $0x2;
	v38 =	vmul.f32 s21, v12;
	s21 =	smov.u32 s13;
	v29 =	vld [tilespmem:s9+$0x40];
	[smem:$0x7FC] =	sst s3  }
0xc1: {  	v21 =	vmul.f32 s16, v21;
	s7 =	simm.s32 @!p5 $0x0;
	v62 =	vmul.f32 s4, v3;
	s4 =	smov.u32 s19;
	s21 =	simm.s32 @!p6 $0x0;
	[tilespmem:s9+$0xFFFFFE60] =	vst v27  }
0xc2: {  	p6 =	seq.s32 s18, $0x0;
	s8 =	smov.u32 s20;
	p1 =	seq.s32 s22, $0x0;
	[tilespmem:s9+$0xFFFFFE70] =	vst v24  }
0xc3: {  	v5 =	vmul.f32 s5, v30;
	s5 =	smov.u32 s12;
	s8 =	simm.s32 @!p2 $0x0;
	s6 =	simm.s32 @!p1 $0x0;
	[tilespmem:s9+$0xFFFFFE80] =	vst v21  }
0xc4: {  	v40 =	vmul.f32 s8, v10;
	s8 =	smov.u32 s13;
	s3 =	smov.u32 s20;
	s16 =	sld [smem:$0x7FA]  }
0xc5: {  	p0 =	seq.s32 s22, $0x3;
	s3 =	simm.s32 @!p3 $0x0;
	p3 =	seq.s32 s22, $0x4  }
0xc6: {  	v3 =	vmul.f32 s6, v26;
	s6 =	smov.u32 s13;
	s4 =	simm.s32 @!p0 $0x0;
	v27 =	vld [tilespmem:s9+$0x50];
	[tilespmem:s9+$0xFFFFFE90] =	vst v23;
	s1 =	simm.s32 @!p3 $0x0  }
0xc7: {  	v9 =	vmul.f32 s23, v9;
	p3 =	seq.s32 s26, $0x3;
	s23 =	sld [smem:$0x7FB];
	p2 =	seq.s32 s16, $0x1  }
0xc8: {  	s2 =	simm.s32 @!p3 $0x0;
	s0 =	simm.s32 @!p2 $0x0;
	p2 =	seq.s32 s22, $0x7  }
0xc9: {  	v35 =	vmul.f32 s29, v7;
	v24 =	vld [tilespmem:s9+$0x60];
	p3 =	seq.s32 s18, $0x1;
	v7 =	vmul.f32 s1, v29;
	s1 =	smov.u32 s12;
	s16 =	simm.s32 @!p2 $0x0  }
0xca: {  	v18 =	vmul.f32 s30, v18;
	v21 =	vld [tilespmem:s9+$0x70];
	v44 =	vmul.f32 s3, v19;
	s3 =	smov.u32 s13;
	s1 =	simm.s32 @!p3 $0x0;
	s16 =	simm.s32 @p2 $0x1  }
0xcb: {  	v37 =	vmul.f32 s25, v8;
	v23 =	vld [tilespmem:s9+$0x80];
	p3 =	seq.s32 s18, $0x6;
	v8 =	vmul.f32 s15, v27;
	s15 =	smov.u32 s12;
	[smem:$0x7FD] =	sst s16  }
0xcc: {  	v11 =	vmul.f32 s31, v11;
	s22 =	smov.u32 s17;
	p2 =	seq.s32 s23, $0x1;
	s23 =	smov.u32 s17;
	[tilespmem:s9+$0xFFFFFEA0] =	vst v17;
	v17 =	vld [tilespmem:s9+$0x90]  }
0xcd: {  	s20 =	simm.s32 @!p2 $0x0;
	s16 =	smov.u32 s19;
	v36 =	vld [tilespmem:s9+$0xB0];
	s30 =	sld [smem:$0x7FC];
	[tilespmem:s9+$0xFFFFFEB0] =	vst v18  }
0xce: {  	p2 =	seq.s32 s26, $0x1;
	v39 =	vld [tilespmem:s9+$0xC0];
	s16 =	simm.s32 @!p4 $0x0;
	p4 =	seq.s32 s26, $0x5;
	[tilespmem:s9+$0xFFFFFEC0] =	vst v11  }
0xcf: {  	v42 =	vld [tilespmem:s9+$0xD0];
	s3 =	simm.s32 @!p2 $0x0;
	v2 =	vmul.f32 s20, v25;
	p2 =	seq.s32 s18, $0x2;
	s20 =	smov.u32 s17;
	[tilespmem:s9+$0xFFFFFED0] =	vst v14  }
0xd0: {  	v19 =	vld [tilespmem:s9+$0xE0];
	[tilespmem:s9+$0xFFFFFEE0] =	vst v6;
	v6 =	vmul.f32 s4, v31;
	s4 =	smov.u32 s12;
	s5 =	simm.s32 @!p2 $0x0;
	p2 =	seq.s32 s18, $0x7  }
0xd1: {  	v20 =	vld [tilespmem:s9+$0xF0];
	s31 =	sld [smem:$0x7FD];
	[tilespmem:s9+$0xFFFFFF00] =	vst v1;
	v1 =	vmul.f32 s0, v22;
	s0 =	smov.u32 s13;
	s4 =	simm.s32 @!p6 $0x0  }
0xd2: {  	v25 =	vld [tilespmem:s9+$0x110];
	[tilespmem:s9+$0xFFFFFEF0] =	vst v9;
	s0 =	simm.s32 @!p4 $0x0;
	p4 =	seq.s32 s18, $0x4;
	p1 =	seq.s32 s30, $0x1  }
0xd3: {  	v26 =	vld [tilespmem:s9+$0x120];
	[tilespmem:s9+$0xFFFFFF10] =	vst v4;
	s15 =	simm.s32 @!p4 $0x0;
	p4 =	seq.s32 s11, $0x0;
	s14 =	simm.s32 @!p1 $0x0  }
0xd4: {  	v41 =	vmul.f32 s28, v15;
	v18 =	vld [tilespmem:s9+$0xA0];
	[tilespmem:s9+$0xFFFFFF20] =	vst v62;
	p1 =	seq.s32 s26, $0x0;
	p0 =	seq.s32 s31, $0x1;
	v12 =	vmul.f32 s3, v17;
	s3 =	smov.u32 s12  }
0xd5: {  	v63 =	vld [tilespmem:s9+$0x170];
	[tilespmem:s9+$0xFFFFFF30] =	vst v33;
	v14 =	vmul.f32 s2, v36;
	s2 =	smov.u32 s12;
	v15 =	vmul.f32 s7, v39;
	s7 =	smov.u32 s17;
	s19 =	simm.s32 @!p0 $0x0  }
0xd6: {  	[tilespmem:s9+$0xFFFFFF40] =	vst v34;
	v9 =	vmul.f32 s16, v24;
	v24 =	vld [tilespmem:s9+$0x140];
	p0 =	seq.s32 s26, $0x6;
	s8 =	simm.s32 @!p1 $0x0;
	p1 =	seq.s32 s26, $0x7  }
0xd7: {  	v31 =	vld [tilespmem:s9+$0x160];
	[tilespmem:s9+$0xFFFFFF50] =	vst v35;
	v4 =	vmul.f32 s14, v28;
	s14 =	smov.u32 s12;
	s2 =	simm.s32 @!p3 $0x0;
	s12 =	simm.s32 @!p2 $0x0  }
0xd8: {  	v43 =	vmul.f32 s24, v13;
	v27 =	vld [tilespmem:s9+$0x130];
	[tilespmem:s9+$0xFFFFFF60] =	vst v37;
	p2 =	seq.s32 s11, $0x3;
	s7 =	simm.s32 @!p4 $0x0;
	p3 =	seq.s32 s11, $0x4  }
0xd9: {  	v22 =	vld [tilespmem:s9+$0x100];
	[tilespmem:s9+$0xFFFFFF70] =	vst v38;
	v16 =	vmul.f32 s0, v42;
	v13 =	vmul.f32 s21, v18;
	s21 =	smov.u32 s17;
	s26 =	simm.s32 $0x400;
	s6 =	simm.s32 @!p0 $0x0  }
0xda: {  	v30 =	vld [tilespmem:s9+$0x150];
	[tilespmem:s9+$0xFFFFFF80] =	vst v40;
	p0 =	seq.s32 s18, $0x3;
	s13 =	simm.s32 @!p1 $0x0;
	p1 =	seq.s32 s18, $0x5;
	v10 =	vmul.f32 s19, v21;
	v11 =	vmul.f32 s8, v23  }
0xdb: {  	v29 =	vld [tilespmem:s9+$0x190];
	[tilespmem:s9+$0xFFFFFF90] =	vst v41;
	v21 =	vmul.f32 s5, v26;
	s23 =	simm.s32 @!p2 $0x0;
	s22 =	simm.s32 @!p3 $0x0;
	s19 =	smov.u32 s17;
	v23 =	vmul.f32 s15, v24  }
0xdc: {  	v32 =	vld [tilespmem:s9+$0x1A0];
	[tilespmem:s9+$0xFFFFFFA0] =	vst v43;
	v26 =	vmul.f32 s2, v31;
	v24 =	vmul.f32 s12, v63;
	s12 =	simm.s32 $0x10C;
	s14 =	simm.s32 @!p0 $0x0;
	p0 =	seq.s32 s11, $0x1  }
0xdd: {  	[tilespmem:s9+$0xFFFFFFB0] =	vst v44;
	v33 =	vld [tilespmem:s9+$0x1B0];
	s3 =	simm.s32 @!p1 $0x0;
	p1 =	seq.s32 s11, $0x2;
	v17 =	vmul.f32 s6, v19;
	v18 =	vmul.f32 s13, v20;
	s21 =	simm.s32 @!p0 $0x0  }
0xde: {  	[tilespmem:s9+$0xFFFFFFC0] =	vst v45;
	v28 =	vld [tilespmem:s9+$0x180];
	v19 =	vmul.f32 s4, v22;
	v20 =	vmul.f32 s1, v25;
	p0 =	seq.s32 s11, $0x5;
	s20 =	simm.s32 @!p1 $0x0;
	p1 =	seq.s32 s11, $0x6  }
0xdf: {  	[tilespmem:s9+$0xFFFFFFD0] =	vst v46;
	v22 =	vmul.f32 s14, v27;
	v25 =	vmul.f32 s3, v30;
	s11 =	simm.s32 $0x0;
	v27 =	vld [tilespmem:s9+$0x1C0];
	s19 =	simm.s32 @!p0 $0x0;
	s17 =	simm.s32 @!p1 $0x0  }
.LBB2_5:
0xe0: {  	v34 =	vld [tilespmem:s12+$0x3];
	_ =	sdelay $0x2  }
0xe1: {  	s10 =	sadd.s32 $0x8, s10  }
0xe2: {  	[tilespmem:s9+$0xFFFFFFE0] =	vst v1;
	v1 =	vld [tilespmem:s10+$0x3]  }
0xe3: {  	[tilespmem:s9+$0xFFFFFFF0] =	vst v2;
	v2 =	vld [tilespmem:s12+$0xFFFFFFFC];
	(v2sf) =	vpush v34, $0x0;
	_ =	sdelay $0x2  }
0xe4: {  	[tilespmem:s9+$0x0] =	vst v3;
	v3 =	vld [tilespmem:s12+$0xFFFFFFFD]  }
0xe5: {  	[tilespmem:s9+$0x10] =	vst v4;
	(v2sf) =	vpush v1, $0x0  }
0xe6: {  	v4 =	vld [tilespmem:s12+$0xFFFFFFFE];
	[tilespmem:s9+$0x20] =	vst v5;
	(v2sf) =	vpush v2, $0x0  }
0xe7: {  	[tilespmem:s9+$0x30] =	vst v6;
	v5 =	vld [tilespmem:s12+$0xFFFFFFFF]  }
0xe8: {  	v6 =	vld [tilespmem:s12+$0x0];
	[tilespmem:s9+$0x40] =	vst v7  }
0xe9: {  	[tilespmem:s9+$0x50] =	vst v8;
	v1 =	vld [tilespmem:s12+$0x1];
	(v2sf) =	vpush v3, $0x0  }
0xea: {  	[tilespmem:s9+$0x60] =	vst v9;
	v2 =	vld [tilespmem:s12+$0x2]  }
0xeb: {  	[tilespmem:s9+$0x70] =	vst v10;
	v3 =	vld [tilespmem:s10+$0xFFFFFFFD];
	(v2sf) =	vpush v4, $0x0  }
0xec: {  	[tilespmem:s9+$0x80] =	vst v11;
	v4 =	vld [tilespmem:s10+$0xFFFFFFFE];
	(v2sf) =	vpush v5, $0x0  }
0xed: {  	[tilespmem:s9+$0x90] =	vst v12;
	v5 =	vld [tilespmem:s10+$0xFFFFFFFF];
	(v2sf) =	vpush v6, $0x0  }
0xee: {  	s11 =	sadd.s32 $0x8, s11;
	v7 =	vld [tilespmem:s10+$0xFFFFFFFC];
	[tilespmem:s9+$0xA0] =	vst v13;
	(v2sf) =	vpush v1, $0x0  }
0xef: {  	p0 =	slt.u32 s11, $0x48;
	v1 =	vld [tilespmem:s10+$0x1];
	[tilespmem:s9+$0xB0] =	vst v14;
	(v2sf) =	vpush v2, $0x0  }
0xf0: {  	s0 =	simm.s32 @!p0 $0x0;
	v6 =	vld [tilespmem:s10+$0x0];
	[tilespmem:s9+$0xC0] =	vst v15;
	(v2sf) =	vpush v3, $0x0;
	s29 =	spop (v2sf)  }
0xf1: {  	s0 =	simm.s32 @p0 $0x1;
	[tilespmem:s9+$0xD0] =	vst v16;
	v2 =	vld [tilespmem:s10+$0x2];
	(v2sf) =	vpush v4, $0x0;
	p0 =	seq.s32 s29, $0x0  }
0xf2: {  	[smem:$0x7F3] =	sst s0;
	[tilespmem:s9+$0xE0] =	vst v17;
	(v2sf) =	vpush v5, $0x0;
	v5 =	vld [tilespmem:s9+$0x1D0];
	s9 =	sadd.s32 $0x400, s9;
	s0 =	simm.s32 @!p0 $0x0  }
0xf3: {  	v8 =	vld [tilespmem:s9+$0x1F0];
	p1 =	seq.s32 s29, $0x1;
	s0 =	simm.s32 @p0 $0x1  }
0xf4: {  	s13 =	spop (v2sf);
	[smem:$0x7EC] =	sst s0;
	s0 =	simm.s32 @!p1 $0x0  }
0xf5: {  	(v2sf) =	vpush v6, $0x0;
	s1 =	spop (v2sf);
	s0 =	simm.s32 @p1 $0x1  }
0xf6: {  	(v2sf) =	vpush v1, $0x0;
	p0 =	seq.s32 s29, $0x7;
	[smem:$0x7ED] =	sst s0;
	s0 =	smov.u32 s13  }
0xf7: {  	(v2sf) =	vpush v2, $0x0;
	p5 =	seq.s32 s1, $0x5;
	s0 =	simm.s32 @!p0 $0x0  }
0xf8: {  	(v2sf) =	vpush v7, $0x0;
	p3 =	seq.s32 s1, $0x1;
	s3 =	spop (v2sf);
	v7 =	vmul.f32 s0, v8;
	s0 =	simm.s32 @!p5 $0x0  }
0xf9: {  	p4 =	seq.s32 s1, $0x3;
	p6 =	seq.s32 s1, $0x7;
	s0 =	simm.s32 @p5 $0x1  }
0xfa: {  	p2 =	seq.s32 s1, $0x4;
	[smem:$0x7BA] =	sst s0;
	s0 =	simm.s32 @!p6 $0x0  }
0xfb: {  	p1 =	seq.s32 s1, $0x2;
	s0 =	simm.s32 @p6 $0x1;
	p6 =	seq.s32 s3, $0x0  }
0xfc: {  	p0 =	seq.s32 s1, $0x0;
	p5 =	seq.s32 s1, $0x6;
	s1 =	simm.s32 @!p6 $0x0  }
0xfd: {  	s1 =	simm.s32 @p6 $0x1;
	p6 =	seq.s32 s3, $0x1  }
0xfe: {  	[smem:$0x7BC] =	sst s1;
	s1 =	simm.s32 @!p6 $0x0  }
0xff: {  	s1 =	simm.s32 @p6 $0x1;
	p6 =	seq.s32 s3, $0x2  }
0x100: {  	s5 =	simm.s32 @!p6 $0x0  }
0x101: {  	s5 =	simm.s32 @p6 $0x1;
	p6 =	seq.s32 s3, $0x3  }
0x102: {  	[smem:$0x7BE] =	sst s5;
	s5 =	simm.s32 @!p6 $0x0  }
0x103: {  	s5 =	simm.s32 @p6 $0x1;
	p6 =	seq.s32 s3, $0x4  }
0x104: {  	[smem:$0x7BF] =	sst s5;
	s5 =	simm.s32 @!p6 $0x0  }
0x105: {  	s5 =	simm.s32 @p6 $0x1;
	p6 =	seq.s32 s3, $0x5  }
0x106: {  	[smem:$0x7C0] =	sst s5;
	s5 =	simm.s32 @!p6 $0x0  }
0x107: {  	s5 =	simm.s32 @p6 $0x1;
	p6 =	seq.s32 s3, $0x6  }
0x108: {  	[smem:$0x7C1] =	sst s5;
	s5 =	simm.s32 @!p6 $0x0  }
0x109: {  	s5 =	simm.s32 @p6 $0x1;
	p6 =	seq.s32 s3, $0x7  }
0x10a: {  	s4 =	spop (v2sf);
	s3 =	simm.s32 @!p6 $0x0  }
0x10b: {  	s3 =	simm.s32 @p6 $0x1;
	p6 =	seq.s32 s4, $0x0  }
0x10c: {  	[smem:$0x7C3] =	sst s3;
	s3 =	simm.s32 @!p6 $0x0  }
0x10d: {  	s3 =	simm.s32 @p6 $0x1;
	p6 =	seq.s32 s4, $0x1  }
0x10e: {  	[smem:$0x7C4] =	sst s3;
	s3 =	simm.s32 @!p6 $0x0  }
0x10f: {  	s3 =	simm.s32 @p6 $0x1;
	p6 =	seq.s32 s4, $0x2  }
0x110: {  	[smem:$0x7C5] =	sst s3;
	s3 =	simm.s32 @!p6 $0x0  }
0x111: {  	s3 =	simm.s32 @p6 $0x1;
	p6 =	seq.s32 s4, $0x3  }
0x112: {  	[smem:$0x7C6] =	sst s3;
	s3 =	simm.s32 @!p6 $0x0  }
0x113: {  	s3 =	simm.s32 @p6 $0x1;
	p6 =	seq.s32 s4, $0x4  }
0x114: {  	[smem:$0x7C7] =	sst s3;
	s3 =	simm.s32 @!p6 $0x0  }
0x115: {  	s3 =	simm.s32 @p6 $0x1;
	p6 =	seq.s32 s4, $0x5  }
0x116: {  	[smem:$0x7C8] =	sst s3;
	s3 =	simm.s32 @!p6 $0x0  }
0x117: {  	s3 =	simm.s32 @p6 $0x1;
	p6 =	seq.s32 s4, $0x6  }
0x118: {  	[smem:$0x7C9] =	sst s3;
	s3 =	simm.s32 @!p6 $0x0  }
0x119: {  	s3 =	simm.s32 @p6 $0x1;
	p6 =	seq.s32 s4, $0x7  }
0x11a: {  	s2 =	spop (v2sf);
	[smem:$0x7CA] =	sst s3;
	s3 =	simm.s32 @!p6 $0x0  }
0x11b: {  	s3 =	simm.s32 @p6 $0x1;
	p6 =	seq.s32 s2, $0x0  }
0x11c: {  	[smem:$0x7CB] =	sst s3;
	s3 =	simm.s32 @!p6 $0x0  }
0x11d: {  	s3 =	simm.s32 @p6 $0x1;
	p6 =	seq.s32 s2, $0x1  }
0x11e: {  	[smem:$0x7CC] =	sst s3;
	s3 =	simm.s32 @!p6 $0x0  }
0x11f: {  	s3 =	simm.s32 @p6 $0x1;
	p6 =	seq.s32 s2, $0x2  }
0x120: {  	[smem:$0x7CD] =	sst s3;
	s3 =	simm.s32 @!p6 $0x0  }
0x121: {  	s3 =	simm.s32 @p6 $0x1;
	p6 =	seq.s32 s2, $0x3  }
0x122: {  	[smem:$0x7CE] =	sst s3;
	s3 =	simm.s32 @!p6 $0x0  }
0x123: {  	s3 =	simm.s32 @p6 $0x1;
	p6 =	seq.s32 s2, $0x4  }
0x124: {  	[smem:$0x7CF] =	sst s3;
	s3 =	simm.s32 @!p6 $0x0  }
0x125: {  	s3 =	simm.s32 @p6 $0x1;
	p6 =	seq.s32 s2, $0x5  }
0x126: {  	[smem:$0x7D0] =	sst s3;
	s3 =	simm.s32 @!p6 $0x0  }
0x127: {  	s3 =	simm.s32 @p6 $0x1;
	p6 =	seq.s32 s2, $0x6  }
0x128: {  	[smem:$0x7D1] =	sst s3;
	s3 =	simm.s32 @!p6 $0x0  }
0x129: {  	s3 =	simm.s32 @p6 $0x1;
	p6 =	seq.s32 s2, $0x7  }
0x12a: {  	s30 =	spop (v2sf);
	s2 =	simm.s32 @!p6 $0x0  }
0x12b: {  	s2 =	simm.s32 @p6 $0x1;
	p6 =	seq.s32 s30, $0x0  }
0x12c: {  	[smem:$0x7D3] =	sst s2;
	s2 =	simm.s32 @!p6 $0x0  }
0x12d: {  	s2 =	simm.s32 @p6 $0x1;
	p6 =	seq.s32 s30, $0x1  }
0x12e: {  	[smem:$0x7D4] =	sst s2;
	s2 =	simm.s32 @!p6 $0x0  }
0x12f: {  	s2 =	simm.s32 @p6 $0x1;
	p6 =	seq.s32 s30, $0x2  }
0x130: {  	[smem:$0x7D5] =	sst s2;
	s2 =	simm.s32 @!p6 $0x0  }
0x131: {  	s2 =	simm.s32 @p6 $0x1;
	p6 =	seq.s32 s30, $0x3  }
0x132: {  	[smem:$0x7D6] =	sst s2;
	s2 =	simm.s32 @!p6 $0x0  }
0x133: {  	s2 =	simm.s32 @p6 $0x1;
	p6 =	seq.s32 s30, $0x4  }
0x134: {  	[smem:$0x7D7] =	sst s2;
	s2 =	simm.s32 @!p6 $0x0  }
0x135: {  	s2 =	simm.s32 @p6 $0x1;
	p6 =	seq.s32 s30, $0x5  }
0x136: {  	[smem:$0x7D8] =	sst s2;
	s2 =	simm.s32 @!p6 $0x0  }
0x137: {  	s2 =	simm.s32 @p6 $0x1;
	p6 =	seq.s32 s30, $0x6  }
0x138: {  	[smem:$0x7D9] =	sst s2;
	s2 =	simm.s32 @!p6 $0x0  }
0x139: {  	s2 =	simm.s32 @p6 $0x1;
	p6 =	seq.s32 s30, $0x7  }
0x13a: {  	s31 =	spop (v2sf);
	[smem:$0x7BB] =	sst s0;
	s0 =	simm.s32 @!p6 $0x0  }
0x13b: {  	s0 =	simm.s32 @p6 $0x1;
	p6 =	seq.s32 s31, $0x0  }
0x13c: {  	[smem:$0x7DB] =	sst s0;
	s0 =	simm.s32 @!p6 $0x0  }
0x13d: {  	s0 =	simm.s32 @p6 $0x1;
	p6 =	seq.s32 s31, $0x1  }
0x13e: {  	[smem:$0x7DC] =	sst s0;
	s0 =	simm.s32 @!p6 $0x0  }
0x13f: {  	s0 =	simm.s32 @p6 $0x1;
	p6 =	seq.s32 s31, $0x2  }
0x140: {  	[smem:$0x7DD] =	sst s0;
	s0 =	simm.s32 @!p6 $0x0  }
0x141: {  	s0 =	simm.s32 @p6 $0x1;
	p6 =	seq.s32 s31, $0x3  }
0x142: {  	[smem:$0x7DE] =	sst s0;
	s0 =	simm.s32 @!p6 $0x0  }
0x143: {  	[smem:$0x7BD] =	sst s1;
	s0 =	simm.s32 @p6 $0x1;
	p6 =	seq.s32 s31, $0x4  }
0x144: {  	[smem:$0x7DF] =	sst s0;
	s0 =	simm.s32 @!p6 $0x0  }
0x145: {  	s6 =	sld [smem:$0x7BE];
	s0 =	simm.s32 @p6 $0x1;
	p6 =	seq.s32 s31, $0x5  }
0x146: {  	[smem:$0x7E0] =	sst s0;
	s0 =	simm.s32 @!p6 $0x0  }
0x147: {  	s8 =	sld [smem:$0x7C0];
	s0 =	simm.s32 @p6 $0x1;
	p6 =	seq.s32 s31, $0x6  }
0x148: {  	[smem:$0x7E1] =	sst s0;
	s0 =	simm.s32 @!p6 $0x0  }
0x149: {  	s14 =	sld [smem:$0x7C1];
	s0 =	simm.s32 @p6 $0x1;
	p6 =	seq.s32 s31, $0x7  }
0x14a: {  	s24 =	spop (v2sf);
	[smem:$0x7E2] =	sst s0;
	s0 =	simm.s32 @!p6 $0x0  }
0x14b: {  	[smem:$0x7C2] =	sst s5;
	s0 =	simm.s32 @p6 $0x1;
	p6 =	seq.s32 s24, $0x0  }
0x14c: {  	[smem:$0x7E3] =	sst s0;
	s0 =	simm.s32 @!p6 $0x0  }
0x14d: {  	s5 =	sld [smem:$0x7BD];
	s0 =	simm.s32 @p6 $0x1;
	p6 =	seq.s32 s24, $0x1  }
0x14e: {  	[smem:$0x7E4] =	sst s0;
	s0 =	simm.s32 @!p6 $0x0  }
0x14f: {  	s15 =	sld [smem:$0x7C2];
	s0 =	simm.s32 @p6 $0x1;
	p6 =	seq.s32 s24, $0x2  }
0x150: {  	[smem:$0x7E5] =	sst s0;
	s0 =	simm.s32 @!p6 $0x0  }
0x151: {  	s16 =	sld [smem:$0x7C3];
	s0 =	simm.s32 @p6 $0x1;
	p6 =	seq.s32 s24, $0x3  }
0x152: {  	[smem:$0x7E6] =	sst s0;
	s0 =	simm.s32 @!p6 $0x0  }
0x153: {  	v30 =	vmul.f32 s7, v28;
	v28 =	vmul.f32 s23, v33;
	s23 =	sld [smem:$0x7C4];
	s0 =	simm.s32 @p6 $0x1;
	p6 =	seq.s32 s24, $0x4  }
0x154: {  	[smem:$0x7E7] =	sst s0;
	s0 =	simm.s32 @!p6 $0x0  }
0x155: {  	s25 =	sld [smem:$0x7C6];
	s0 =	simm.s32 @p6 $0x1;
	p6 =	seq.s32 s24, $0x5  }
0x156: {  	v27 =	vmul.f32 s22, v27;
	s22 =	spop (v2sf);
	[smem:$0x7E8] =	sst s0;
	s0 =	simm.s32 @!p6 $0x0  }
0x157: {  	s28 =	sld [smem:$0x7C7];
	s0 =	simm.s32 @p6 $0x1;
	p6 =	seq.s32 s24, $0x6  }
0x158: {  	v31 =	vmul.f32 s21, v29;
	s21 =	spop (v2sf);
	[smem:$0x7E9] =	sst s0;
	s0 =	simm.s32 @!p6 $0x0  }
0x159: {  	v6 =	vld [tilespmem:s26+$0x1E0];
	s4 =	sld [smem:$0x7BC];
	s0 =	simm.s32 @p6 $0x1;
	p6 =	seq.s32 s24, $0x7  }
0x15a: {  	v29 =	vmul.f32 s20, v32;
	s20 =	spop (v2sf);
	[smem:$0x7EA] =	sst s0;
	s0 =	simm.s32 @!p6 $0x0  }
0x15b: {  	[smem:$0x7D2] =	sst s3;
	s0 =	simm.s32 @p6 $0x1;
	p6 =	seq.s32 s29, $0x2  }
0x15c: {  	v15 =	vmul.f32 s19, v5;
	s19 =	spop (v2sf);
	[smem:$0x7EB] =	sst s0;
	s0 =	simm.s32 @!p6 $0x0  }
0x15d: {  	s3 =	sld [smem:$0x7BB];
	s0 =	simm.s32 @p6 $0x1;
	p6 =	seq.s32 s29, $0x3  }
0x15e: {  	v17 =	vmul.f32 s17, v6;
	s17 =	spop (v2sf);
	[smem:$0x7EE] =	sst s0;
	s0 =	simm.s32 @!p6 $0x0  }
0x15f: {  	s30 =	sld [smem:$0x7C9];
	s0 =	simm.s32 @p6 $0x1;
	p6 =	seq.s32 s29, $0x4  }
0x160: {  	s18 =	spop (v2sf);
	[smem:$0x7EF] =	sst s0;
	s0 =	simm.s32 @!p6 $0x0  }
0x161: {  	v3 =	vld [tilespmem:s9+$0xFFFFFE00];
	s7 =	spop (v2sf);
	[smem:$0x7DA] =	sst s2;
	s0 =	simm.s32 @p6 $0x1  }
0x162: {  	[smem:$0x7F0] =	sst s0;
	s0 =	smov.u32 s7  }
0x163: {  	v1 =	vld [tilespmem:s9+$0xFFFFFE10];
	s2 =	sld [smem:$0x7BA];
	s0 =	simm.s32 @!p0 $0x0;
	p0 =	seq.s32 s29, $0x5  }
0x164: {  	v4 =	vld [tilespmem:s9+$0xFFFFFE20];
	s31 =	sld [smem:$0x7CA];
	s1 =	simm.s32 @!p0 $0x0  }
0x165: {  	v2 =	vld [tilespmem:s9+$0xFFFFFE30];
	s24 =	sld [smem:$0x7C5];
	s1 =	simm.s32 @p0 $0x1;
	p0 =	seq.s32 s29, $0x6  }
0x166: {  	v5 =	vld [tilespmem:s9+$0xFFFFFE50];
	v3 =	vmul.f32 s0, v3;
	s0 =	smov.u32 s7;
	[smem:$0x7F1] =	sst s1;
	s1 =	simm.s32 @!p0 $0x0  }
0x167: {  	v6 =	vld [tilespmem:s9+$0xFFFFFE40];
	s0 =	simm.s32 @!p3 $0x0;
	s29 =	sld [smem:$0x7C8];
	s1 =	simm.s32 @p0 $0x1  }
0x168: {  	v1 =	vmul.f32 s0, v1;
	s0 =	smov.u32 s7;
	[smem:$0x7F2] =	sst s1;
	s1 =	smov.u32 s7  }
0x169: {  	[tilespmem:s9+$0x1F0] =	vst v7;
	v7 =	vld [tilespmem:s9+$0xFFFFFE70];
	s0 =	simm.s32 @!p4 $0x0;
	p0 =	seq.s32 s2, $0x1;
	s1 =	simm.s32 @!p1 $0x0  }
0x16a: {  	v10 =	vld [tilespmem:s9+$0xFFFFFE80];
	s2 =	sld [smem:$0x7CB];
	v2 =	vmul.f32 s0, v2;
	s0 =	smov.u32 s7;
	v4 =	vmul.f32 s1, v4;
	s1 =	smov.u32 s7  }
0x16b: {  	v8 =	vld [tilespmem:s9+$0xFFFFFE60];
	[tilespmem:s9+$0xFFFFFE00] =	vst v3;
	s0 =	simm.s32 @!p0 $0x0;
	p0 =	seq.s32 s3, $0x1;
	s1 =	simm.s32 @!p2 $0x0  }
0x16c: {  	[tilespmem:s9+$0xFFFFFE10] =	vst v1;
	s3 =	sld [smem:$0x7CC];
	v1 =	vmul.f32 s0, v5;
	s0 =	smov.u32 s22;
	v3 =	vmul.f32 s1, v6;
	s1 =	smov.u32 s7  }
0x16d: {  	v9 =	vld [tilespmem:s9+$0xFFFFFE90];
	s7 =	simm.s32 @!p0 $0x0;
	p0 =	seq.s32 s4, $0x1;
	s4 =	sld [smem:$0x7CD]  }
0x16e: {  	v12 =	vld [tilespmem:s9+$0xFFFFFEA0];
	[tilespmem:s9+$0xFFFFFE20] =	vst v4;
	s1 =	simm.s32 @!p5 $0x0;
	s0 =	simm.s32 @!p0 $0x0;
	v4 =	vmul.f32 s7, v7;
	s7 =	sld [smem:$0x7BF]  }
0x16f: {  	p0 =	seq.s32 s5, $0x1;
	s5 =	sld [smem:$0x7CE];
	v7 =	vmul.f32 s0, v10;
	s0 =	smov.u32 s22  }
0x170: {  	v11 =	vld [tilespmem:s9+$0xFFFFFEB0];
	v5 =	vmul.f32 s1, v8;
	s1 =	smov.u32 s22;
	s0 =	simm.s32 @!p0 $0x0;
	p0 =	seq.s32 s6, $0x1  }
0x171: {  	v14 =	vld [tilespmem:s9+$0xFFFFFEC0];
	s6 =	sld [smem:$0x7CF];
	s1 =	simm.s32 @!p0 $0x0  }
0x172: {  	[tilespmem:s9+$0xFFFFFE30] =	vst v2;
	v2 =	vmul.f32 s0, v9;
	s0 =	smov.u32 s22;
	p0 =	seq.s32 s7, $0x1;
	s7 =	sld [smem:$0x7D0]  }
0x173: {  	v13 =	vld [tilespmem:s9+$0xFFFFFED0];
	v9 =	vmul.f32 s1, v12;
	s0 =	simm.s32 @!p0 $0x0;
	s1 =	smov.u32 s22;
	p0 =	seq.s32 s8, $0x1  }
0x174: {  	v16 =	vld [tilespmem:s9+$0xFFFFFEE0];
	[tilespmem:s26+$0x1D0] =	vst v15;
	s8 =	sld [smem:$0x7D1];
	s1 =	simm.s32 @!p0 $0x0  }
0x175: {  	v15 =	vld [tilespmem:s9+$0xFFFFFEF0];
	[tilespmem:s9+$0xFFFFFE40] =	vst v3;
	v3 =	vmul.f32 s0, v11;
	s0 =	smov.u32 s22;
	p0 =	seq.s32 s14, $0x1;
	s14 =	sld [smem:$0x7D2]  }
0x176: {  	[tilespmem:s26+$0x110] =	vst v20;
	v20 =	vld [tilespmem:s9+$0xFFFFFF00];
	v11 =	vmul.f32 s1, v14;
	s0 =	simm.s32 @!p0 $0x0;
	s1 =	smov.u32 s22;
	p0 =	seq.s32 s15, $0x1  }
0x177: {  	[tilespmem:s26+$0x1E0] =	vst v17;
	s15 =	sld [smem:$0x7D3];
	s1 =	simm.s32 @!p0 $0x0  }
0x178: {  	v17 =	vld [tilespmem:s9+$0xFFFFFF10];
	[tilespmem:s9+$0xFFFFFE50] =	vst v1;
	v1 =	vmul.f32 s0, v13;
	p0 =	seq.s32 s16, $0x1;
	s0 =	smov.u32 s21;
	s16 =	sld [smem:$0x7D4]  }
0x179: {  	[tilespmem:s26+$0x120] =	vst v21;
	s22 =	simm.s32 @!p0 $0x0;
	p0 =	seq.s32 s23, $0x1;
	s23 =	sld [smem:$0x7D8]  }
0x17a: {  	v21 =	vld [tilespmem:s9+$0xFFFFFF20];
	[tilespmem:s9+$0xFFFFFE60] =	vst v5;
	v13 =	vmul.f32 s1, v16;
	s1 =	smov.u32 s21;
	s0 =	simm.s32 @!p0 $0x0;
	v5 =	vmul.f32 s22, v15;
	s22 =	sld [smem:$0x7D7]  }
0x17b: {  	[tilespmem:s26+$0xF0] =	vst v18;
	v18 =	vld [tilespmem:s9+$0xFFFFFF30];
	p0 =	seq.s32 s24, $0x1;
	s24 =	sld [smem:$0x7D9];
	v15 =	vmul.f32 s0, v20;
	s0 =	smov.u32 s21  }
0x17c: {  	s0 =	simm.s32 @!p0 $0x0;
	p0 =	seq.s32 s25, $0x1;
	s25 =	sld [smem:$0x7DA]  }
0x17d: {  	[tilespmem:s26+$0x140] =	vst v23;
	v23 =	vld [tilespmem:s9+$0xFFFFFF40];
	s1 =	simm.s32 @!p0 $0x0;
	v17 =	vmul.f32 s0, v17;
	s0 =	smov.u32 s21;
	p0 =	seq.s32 s28, $0x1  }
0x17e: {  	[tilespmem:s26+$0x100] =	vst v19;
	v19 =	vld [tilespmem:s9+$0xFFFFFF50];
	s28 =	sld [smem:$0x7DB];
	s0 =	simm.s32 @!p0 $0x0  }
0x17f: {  	[tilespmem:s26+$0x150] =	vst v25;
	v25 =	vld [tilespmem:s9+$0xFFFFFF60];
	v21 =	vmul.f32 s1, v21;
	s1 =	smov.u32 s21;
	p0 =	seq.s32 s29, $0x1;
	s29 =	sld [smem:$0x7DC]  }
0x180: {  	[tilespmem:s26+$0x130] =	vst v22;
	v22 =	vld [tilespmem:s9+$0xFFFFFF70];
	s1 =	simm.s32 @!p0 $0x0;
	v18 =	vmul.f32 s0, v18;
	s0 =	smov.u32 s21;
	p0 =	seq.s32 s30, $0x1  }
0x181: {  	[tilespmem:s26+$0x1C0] =	vst v27;
	v27 =	vld [tilespmem:s9+$0xFFFFFF80];
	s30 =	sld [smem:$0x7DD];
	s0 =	simm.s32 @!p0 $0x0  }
0x182: {  	v23 =	vmul.f32 s1, v23;
	s1 =	smov.u32 s21;
	p0 =	seq.s32 s31, $0x1;
	s31 =	sld [smem:$0x7DE]  }
0x183: {  	[tilespmem:s26+$0x170] =	vst v24;
	v24 =	vld [tilespmem:s9+$0xFFFFFF90];
	s1 =	simm.s32 @!p0 $0x0;
	v19 =	vmul.f32 s0, v19;
	p0 =	seq.s32 s2, $0x1;
	s0 =	smov.u32 s20  }
0x184: {  	s21 =	simm.s32 @!p0 $0x0;
	p0 =	seq.s32 s3, $0x1;
	s3 =	sld [smem:$0x7DF]  }
0x185: {  	[tilespmem:s26+$0x1B0] =	vst v28;
	v28 =	vld [tilespmem:s9+$0xFFFFFFA0];
	v25 =	vmul.f32 s1, v25;
	s1 =	smov.u32 s20;
	s0 =	simm.s32 @!p0 $0x0;
	v22 =	vmul.f32 s21, v22;
	s21 =	sld [smem:$0x7D6]  }
0x186: {  	[tilespmem:s26+$0x160] =	vst v26;
	v26 =	vld [tilespmem:s9+$0xFFFFFFB0];
	p0 =	seq.s32 s4, $0x1;
	s4 =	sld [smem:$0x7E0];
	v35 =	vmul.f32 s0, v27;
	s0 =	smov.u32 s20  }
0x187: {  	[tilespmem:s26+$0x1A0] =	vst v29;
	v29 =	vld [tilespmem:s9+$0xFFFFFFC0];
	s0 =	simm.s32 @!p0 $0x0;
	p0 =	seq.s32 s5, $0x1;
	s5 =	sld [smem:$0x7E1]  }
0x188: {  	s1 =	simm.s32 @!p0 $0x0;
	v37 =	vmul.f32 s0, v24;
	s0 =	smov.u32 s20;
	p0 =	seq.s32 s6, $0x1  }
0x189: {  	s6 =	sld [smem:$0x7E2];
	s0 =	simm.s32 @!p0 $0x0  }
0x18a: {  	v6 =	vld [tilespmem:s9+$0xFFFFFFF0];
	v38 =	vmul.f32 s1, v28;
	s1 =	smov.u32 s20;
	p0 =	seq.s32 s7, $0x1;
	s7 =	sld [smem:$0x7E3]  }
0x18b: {  	[tilespmem:s26+$0x180] =	vst v30;
	v30 =	vld [tilespmem:s9+$0xFFFFFFD0];
	s1 =	simm.s32 @!p0 $0x0;
	v26 =	vmul.f32 s0, v26;
	s0 =	smov.u32 s20;
	p0 =	seq.s32 s8, $0x1  }
0x18c: {  	[tilespmem:s26+$0x190] =	vst v31;
	v31 =	vld [tilespmem:s9+$0xFFFFFFE0];
	v24 =	vmul.f32 s1, v29;
	s0 =	simm.s32 @!p0 $0x0;
	s1 =	smov.u32 s20;
	p0 =	seq.s32 s14, $0x1  }
0x18d: {  	v8 =	vld [tilespmem:s9+$0x0];
	s8 =	sld [smem:$0x7E4];
	s1 =	simm.s32 @!p0 $0x0;
	p0 =	seq.s32 s15, $0x1  }
0x18e: {  	s14 =	sld [smem:$0x7E5];
	s20 =	simm.s32 @!p0 $0x0  }
0x18f: {  	v10 =	vld [tilespmem:s9+$0x10];
	[tilespmem:s9+$0xFFFFFE90] =	vst v2;
	v2 =	vmul.f32 s20, v6;
	s20 =	sld [smem:$0x7D5]  }
0x190: {  	v27 =	vmul.f32 s0, v30;
	s0 =	smov.u32 s19;
	s15 =	sld [smem:$0x7E6];
	p0 =	seq.s32 s16, $0x1  }
0x191: {  	v12 =	vld [tilespmem:s9+$0x20];
	[tilespmem:s9+$0xFFFFFED0] =	vst v1;
	v1 =	vmul.f32 s1, v31;
	s1 =	smov.u32 s19;
	s16 =	sld [smem:$0x7E7];
	s0 =	simm.s32 @!p0 $0x0  }
0x192: {  	v14 =	vld [tilespmem:s9+$0x30];
	[tilespmem:s9+$0xFFFFFEB0] =	vst v3;
	v3 =	vmul.f32 s0, v8;
	s0 =	smov.u32 s19;
	p0 =	seq.s32 s20, $0x1;
	s20 =	sld [smem:$0x7EA]  }
0x193: {  	v16 =	vld [tilespmem:s9+$0x40];
	s0 =	simm.s32 @!p0 $0x0;
	p0 =	seq.s32 s21, $0x1;
	s21 =	sld [smem:$0x7EB]  }
0x194: {  	[tilespmem:s9+$0xFFFFFE70] =	vst v4;
	s1 =	simm.s32 @!p0 $0x0;
	v4 =	vmul.f32 s0, v10;
	s0 =	smov.u32 s19;
	p0 =	seq.s32 s22, $0x1  }
0x195: {  	v20 =	vld [tilespmem:s9+$0x50];
	s22 =	sld [smem:$0x7EC];
	s0 =	simm.s32 @!p0 $0x0  }
0x196: {  	[tilespmem:s9+$0xFFFFFEF0] =	vst v5;
	v5 =	vmul.f32 s1, v12;
	s1 =	smov.u32 s19;
	p0 =	seq.s32 s23, $0x1;
	s23 =	sld [smem:$0x7ED]  }
0x197: {  	v63 =	vld [tilespmem:s9+$0x80];
	s1 =	simm.s32 @!p0 $0x0;
	v6 =	vmul.f32 s0, v14;
	s0 =	smov.u32 s19;
	p0 =	seq.s32 s24, $0x1  }
0x198: {  	v61 =	vld [tilespmem:s9+$0x60];
	[tilespmem:s9+$0xFFFFFE80] =	vst v7;
	v7 =	vmul.f32 s1, v16;
	s0 =	simm.s32 @!p0 $0x0;
	s1 =	smov.u32 s19;
	p0 =	seq.s32 s25, $0x1  }
0x199: {  	v36 =	vld [tilespmem:s9+$0x90];
	s24 =	sld [smem:$0x7EE];
	s1 =	simm.s32 @!p0 $0x0;
	p0 =	seq.s32 s28, $0x1  }
0x19a: {  	v28 =	vld [tilespmem:s9+$0xA0];
	v8 =	vmul.f32 s0, v20;
	s0 =	smov.u32 s17;
	s19 =	simm.s32 @!p0 $0x0;
	p0 =	seq.s32 s29, $0x1  }
0x19b: {  	v29 =	vld [tilespmem:s9+$0xB0];
	s25 =	sld [smem:$0x7EF];
	s0 =	simm.s32 @!p0 $0x0  }
0x19c: {  	[tilespmem:s9+$0xFFFFFEC0] =	vst v11;
	v30 =	vld [tilespmem:s9+$0xC0];
	s28 =	sld [smem:$0x7F0];
	p0 =	seq.s32 s30, $0x1;
	v11 =	vmul.f32 s0, v63;
	s0 =	smov.u32 s17  }
0x19d: {  	v62 =	vld [tilespmem:s9+$0x70];
	[tilespmem:s9+$0xFFFFFEA0] =	vst v9;
	v9 =	vmul.f32 s1, v61;
	s1 =	smov.u32 s17;
	s0 =	simm.s32 @!p0 $0x0;
	p0 =	seq.s32 s31, $0x1  }
0x19e: {  	v31 =	vld [tilespmem:s9+$0xD0];
	s1 =	simm.s32 @!p0 $0x0;
	v12 =	vmul.f32 s0, v36;
	s0 =	smov.u32 s17;
	p0 =	seq.s32 s3, $0x1  }
0x19f: {  	v40 =	vld [tilespmem:s9+$0xF0];
	[tilespmem:s9+$0xFFFFFEE0] =	vst v13;
	v13 =	vmul.f32 s1, v28;
	s0 =	simm.s32 @!p0 $0x0;
	s1 =	smov.u32 s17;
	p0 =	seq.s32 s4, $0x1  }
0x1a0: {  	v20 =	vld [tilespmem:s9+$0x100];
	s1 =	simm.s32 @!p0 $0x0;
	v14 =	vmul.f32 s0, v29;
	s0 =	smov.u32 s17;
	p0 =	seq.s32 s5, $0x1  }
0x1a1: {  	v39 =	vld [tilespmem:s9+$0xE0];
	[tilespmem:s9+$0xFFFFFF00] =	vst v15;
	v15 =	vmul.f32 s1, v30;
	s0 =	simm.s32 @!p0 $0x0;
	s1 =	smov.u32 s17;
	p0 =	seq.s32 s6, $0x1  }
0x1a2: {  	[tilespmem:s9+$0xFFFFFF20] =	vst v21;
	v21 =	vld [tilespmem:s9+$0x110];
	s29 =	sld [smem:$0x7F1];
	s1 =	simm.s32 @!p0 $0x0;
	p0 =	seq.s32 s7, $0x1  }
0x1a3: {  	v16 =	vmul.f32 s0, v31;
	s0 =	smov.u32 s18;
	s17 =	simm.s32 @!p0 $0x0;
	p0 =	seq.s32 s8, $0x1  }
0x1a4: {  	[tilespmem:s9+$0xFFFFFF30] =	vst v18;
	s2 =	smov.u32 s18;
	v10 =	vmul.f32 s19, v62;
	s19 =	sld [smem:$0x7E9];
	v28 =	vld [tilespmem:s9+$0x120];
	s0 =	simm.s32 @!p0 $0x0  }
0x1a5: {  	[tilespmem:s9+$0xFFFFFF50] =	vst v19;
	v18 =	vmul.f32 s17, v40;
	p0 =	seq.s32 s14, $0x1;
	s17 =	sld [smem:$0x7E8];
	v19 =	vmul.f32 s0, v20;
	s0 =	smov.u32 s18  }
0x1a6: {  	[tilespmem:s9+$0xFFFFFF10] =	vst v17;
	v17 =	vmul.f32 s1, v39;
	s1 =	smov.u32 s18;
	s0 =	simm.s32 @!p0 $0x0;
	p0 =	seq.s32 s15, $0x1  }
0x1a7: {  	s1 =	simm.s32 @!p0 $0x0;
	v20 =	vmul.f32 s0, v21;
	s0 =	smov.u32 s18;
	p0 =	seq.s32 s16, $0x1  }
0x1a8: {  	s30 =	sld [smem:$0x7F2];
	s0 =	simm.s32 @!p0 $0x0;
	p0 =	seq.s32 s17, $0x1  }
0x1a9: {  	v21 =	vmul.f32 s1, v28;
	s1 =	smov.u32 s18;
	s2 =	simm.s32 @!p0 $0x0;
	p0 =	seq.s32 s19, $0x1  }
0x1aa: {  	s3 =	smov.u32 s18;
	s1 =	simm.s32 @!p0 $0x0;
	p0 =	seq.s32 s20, $0x1  }
0x1ab: {  	s31 =	sld [smem:$0x7F3];
	s3 =	simm.s32 @!p0 $0x0;
	p0 =	seq.s32 s21, $0x1  }
0x1ac: {  	s7 =	smov.u32 s13;
	s18 =	simm.s32 @!p0 $0x0;
	p0 =	seq.s32 s22, $0x1  }
0x1ad: {  	s21 =	smov.u32 s13;
	s7 =	simm.s32 @!p0 $0x0;
	p0 =	seq.s32 s23, $0x1  }
0x1ae: {  	s20 =	smov.u32 s13;
	s21 =	simm.s32 @!p0 $0x0;
	p0 =	seq.s32 s24, $0x1  }
0x1af: {  	[tilespmem:s9+$0xFFFFFF40] =	vst v23;
	v23 =	vld [tilespmem:s9+$0x130];
	s23 =	smov.u32 s13;
	s20 =	simm.s32 @!p0 $0x0;
	p0 =	seq.s32 s25, $0x1  }
0x1b0: {  	[tilespmem:s9+$0xFFFFFF60] =	vst v25;
	v25 =	vld [tilespmem:s9+$0x150];
	s22 =	smov.u32 s13;
	s23 =	simm.s32 @!p0 $0x0;
	p0 =	seq.s32 s28, $0x1  }
0x1b1: {  	v29 =	vld [tilespmem:s9+$0x140];
	s19 =	smov.u32 s13;
	s22 =	simm.s32 @!p0 $0x0;
	p0 =	seq.s32 s29, $0x1  }
0x1b2: {  	[tilespmem:s9+$0xFFFFFF70] =	vst v22;
	v30 =	vld [tilespmem:s9+$0x160];
	s17 =	smov.u32 s13;
	s19 =	simm.s32 @!p0 $0x0;
	p0 =	seq.s32 s30, $0x1  }
0x1b3: {  	[tilespmem:s9+$0xFFFFFF80] =	vst v35;
	v31 =	vld [tilespmem:s9+$0x170];
	s17 =	simm.s32 @!p0 $0x0;
	p0 =	seq.s32 s31, $0x1  }
.Ltmp1:
0x1b4: {  	v32 =	vld [tilespmem:s9+$0x1A0];
	[tilespmem:s9+$0xFFFFFF90] =	vst v37;
	(pc) =	sbr.rel @p0 .LBB2_5-.Ltmp1, $4  }
0x1b5: {  	v33 =	vld [tilespmem:s9+$0x1B0];
	[tilespmem:s9+$0xFFFFFFA0] =	vst v38  }
0x1b6: {  	[tilespmem:s9+$0xFFFFFFD0] =	vst v27;
	v27 =	vld [tilespmem:s9+$0x1C0];
	v22 =	vmul.f32 s0, v23  }
0x1b7: {  	[tilespmem:s9+$0xFFFFFFB0] =	vst v26;
	v28 =	vld [tilespmem:s9+$0x180];
	v23 =	vmul.f32 s2, v29;
	v25 =	vmul.f32 s1, v25  }
0x1b8: {  	s12 =	sadd.s32 $0x8, s12;
	s26 =	smov.u32 s9;
	[tilespmem:s9+$0xFFFFFFC0] =	vst v24;
	v29 =	vld [tilespmem:s9+$0x190];
	v26 =	vmul.f32 s3, v30;
	v24 =	vmul.f32 s18, v31  }
0x1b9: {  	[tilespmem:s9+$0xFFFFFFE0] =	vst v1  }
0x1ba: {  	[tilespmem:s9+$0xFFFFFFF0] =	vst v2  }
0x1bb: {  	[tilespmem:s9+$0x0] =	vst v3  }
0x1bc: {  	[tilespmem:s9+$0x10] =	vst v4  }
0x1bd: {  	[tilespmem:s9+$0x20] =	vst v5  }
0x1be: {  	[tilespmem:s9+$0x30] =	vst v6  }
0x1bf: {  	[tilespmem:s9+$0x40] =	vst v7  }
0x1c0: {  	[tilespmem:s9+$0x50] =	vst v8  }
0x1c1: {  	[tilespmem:s9+$0x60] =	vst v9  }
0x1c2: {  	[tilespmem:s9+$0x70] =	vst v10  }
0x1c3: {  	[tilespmem:s9+$0x80] =	vst v11  }
0x1c4: {  	[tilespmem:s9+$0x90] =	vst v12  }
0x1c5: {  	[tilespmem:s9+$0xA0] =	vst v13  }
0x1c6: {  	[tilespmem:s9+$0xB0] =	vst v14  }
0x1c7: {  	[tilespmem:s9+$0xC0] =	vst v15  }
0x1c8: {  	[tilespmem:s9+$0xD0] =	vst v16  }
0x1c9: {  	[tilespmem:s9+$0xE0] =	vst v17  }
0x1ca: {  	[tilespmem:s26+$0x100] =	vst v19  }
0x1cb: {  	[tilespmem:s26+$0x110] =	vst v20  }
0x1cc: {  	[tilespmem:s26+$0x120] =	vst v21  }
0x1cd: {  	[tilespmem:s26+$0x130] =	vst v22  }
0x1ce: {  	[tilespmem:s26+$0x140] =	vst v23  }
0x1cf: {  	[tilespmem:s26+$0x150] =	vst v25  }
0x1d0: {  	v2 =	vld [tilespmem:s9+$0x1D0];
	[tilespmem:s26+$0xF0] =	vst v18  }
0x1d1: {  	v63 =	vmul.f32 s20, v32;
	[tilespmem:s26+$0x160] =	vst v26  }
0x1d2: {  	v62 =	vld [tilespmem:s26+$0x1E0];
	[tilespmem:s26+$0x170] =	vst v24;
	v1 =	vmul.f32 s7, v28  }
0x1d3: {  	[tilespmem:s26+$0x1A0] =	vst v63;
	v3 =	vmul.f32 s21, v29  }
0x1d4: {  	[tilespmem:s26+$0x180] =	vst v1;
	v1 =	vmul.f32 s23, v33  }
0x1d5: {  	v2 =	vmul.f32 s19, v2;
	[tilespmem:s26+$0x190] =	vst v3  }
0x1d6: {  	v3 =	vmul.f32 s22, v27;
	[tilespmem:s26+$0x1B0] =	vst v1  }
0x1d7: {  	v1 =	vmul.f32 s17, v62;
	[tilespmem:s26+$0x1D0] =	vst v2  }
0x1d8: {  	s0 =	rddreg [dreg:$0x2];
	s3 =	simm.s32 $0x200;
	[tilespmem:s26+$0x1C0] =	vst v3  }
0x1d9: {  	s13 =	simm.s32 $0x80;
	s14 =	simm.s32 $0x50;
	s4 =	simm.s32 $0x2;
	[tilespmem:s26+$0x1E0] =	vst v1  }
0x1da: {  	[spmem:s0] =	stream.indirect.scatter.add.f32 [tilespmem:s3], [sflag:$0x2], $0x80, s13, s14, $0xb8;
	[tilespmem:$0x16A00] =	vst v63  }
0x1db: {  	_ =	swait.ge [sflag:s4], $0x2800  }
0x1dc: {  	s31 =	rddreg [dreg:$0x1b]  }
0x1dd: {  	s0 =	sadd.s32 $0x1, s31  }
0x1de: {  	p0 =	sne.s32 s0, $0x7D  }
.Ltmp2:
0x1df: {  	_ = 	snop;
	(pc) =	sbr.rel @p0 .LBB2_4-.Ltmp2, $3  }
0x1e0: {  	_ =	sdelay $0x1  }
0x1e1: {  	[sflag:s4] =	ssyncset.done $0x0  }
0x1e2: {  	[sflag:s4] =	ssyncadd.s32 $0xFFFFD800  }
0x1e3: {  	s0 =	stileid.u32;
	[bflag:$0x0] =	sbarrier.arrive $0xFFFF  }
0x1e4: {  	s0 =	sshll.u32 s0, $0x6;
	s5 =	rddreg [dreg:$0x10]  }
0x1e5: {  	s2 =	rddreg [dreg:$0x5];
	s0 =	sor.u32 $0x1C02, s0;
	s1 =	sshrl.u32 s5, $0x3  }
0x1e6: {  	[hbm:s2], [sflag:s0] =	dma.local [spmem:s1], $0x500  }
0x1e7: {  	_ =	swait.ge [sflag:s4], $0x500  }
0x1e8: {  	[sflag:s4] =	ssyncset.done $0x0;
	s7 =	rddreg [dreg:$0x11]  }
0x1e9: {  	s16 =	rddreg [dreg:$0x6];
	[sflag:s4] =	ssyncadd.s32 $0xFFFFFB00;
	s15 =	sshrl.u32 s7, $0x3  }
0x1ea: {  	[hbm:s16], [sflag:s0] =	dma.local [spmem:s15], $0x500  }
0x1eb: {  	_ =	swait.ge [sflag:s4], $0x500  }
0x1ec: {  	[sflag:s4] =	ssyncset.done $0x0;
	s8 =	rddreg [dreg:$0x12]  }
0x1ed: {  	s18 =	rddreg [dreg:$0x7];
	[sflag:s4] =	ssyncadd.s32 $0xFFFFFB00;
	s17 =	sshrl.u32 s8, $0x3  }
0x1ee: {  	[hbm:s18], [sflag:s0] =	dma.local [spmem:s17], $0x500  }
0x1ef: {  	_ =	swait.ge [sflag:s4], $0x500  }
0x1f0: {  	[sflag:s4] =	ssyncset.done $0x0;
	s9 =	rddreg [dreg:$0x13]  }
0x1f1: {  	s20 =	rddreg [dreg:$0x8];
	[sflag:s4] =	ssyncadd.s32 $0xFFFFFB00;
	s19 =	sshrl.u32 s9, $0x3  }
0x1f2: {  	[hbm:s20], [sflag:s0] =	dma.local [spmem:s19], $0x500  }
0x1f3: {  	_ =	swait.ge [sflag:s4], $0x500  }
0x1f4: {  	[sflag:s4] =	ssyncset.done $0x0;
	s10 =	rddreg [dreg:$0x14]  }
0x1f5: {  	s22 =	rddreg [dreg:$0x9];
	[sflag:s4] =	ssyncadd.s32 $0xFFFFFB00;
	s21 =	sshrl.u32 s10, $0x3  }
0x1f6: {  	[hbm:s22], [sflag:s0] =	dma.local [spmem:s21], $0x500  }
0x1f7: {  	_ =	swait.ge [sflag:s4], $0x500  }
0x1f8: {  	[sflag:s4] =	ssyncset.done $0x0;
	s11 =	rddreg [dreg:$0x15]  }
0x1f9: {  	s24 =	rddreg [dreg:$0xa];
	[sflag:s4] =	ssyncadd.s32 $0xFFFFFB00;
	s23 =	sshrl.u32 s11, $0x3  }
0x1fa: {  	[hbm:s24], [sflag:s0] =	dma.local [spmem:s23], $0x500  }
0x1fb: {  	_ =	swait.ge [sflag:s4], $0x500  }
0x1fc: {  	[sflag:s4] =	ssyncset.done $0x0;
	s12 =	rddreg [dreg:$0x16]  }
0x1fd: {  	s26 =	rddreg [dreg:$0xb];
	[sflag:s4] =	ssyncadd.s32 $0xFFFFFB00;
	s25 =	sshrl.u32 s12, $0x3  }
0x1fe: {  	[hbm:s26], [sflag:s0] =	dma.local [spmem:s25], $0x500  }
0x1ff: {  	_ =	swait.ge [sflag:s4], $0x500  }
0x200: {  	[sflag:s4] =	ssyncset.done $0x0;
	s6 =	rddreg [dreg:$0x17]  }
0x201: {  	s29 =	rddreg [dreg:$0xc];
	[sflag:s4] =	ssyncadd.s32 $0xFFFFFB00;
	s28 =	sshrl.u32 s6, $0x3  }
0x202: {  	[hbm:s29], [sflag:s0] =	dma.local [spmem:s28], $0x500  }
0x203: {  	_ =	swait.ge [sflag:s4], $0x500  }
0x204: {  	s30 =	rddreg [dreg:$0x1a]  }
0x205: {  	s31 =	rddreg [dreg:$0x19];
	s1 =	sadd.s32 $0x1, s30  }
0x206: {  	p0 =	sne.s32 s1, s31  }
.Ltmp3:
0x207: {  	_ = 	snop;
	(pc) =	sbr.rel @p0 .LBB2_1-.Ltmp3, $3  }
0x208: {  	_ =	sdelay $0x1  }
0x209: {  	[sflag:s4] =	ssyncset.done $0x0  }
0x20a: {  	[sflag:s4] =	ssyncadd.s32 $0xFFFFFB00  }
0x20b: {  	_ =	sfence.sel $0x180000  }
0x20c: {  	[bflag:$0x0] =	sbarrier.arrive $0xFFFF  }
0x20d: {  	_ =	strace $0x9000004D  }
0x20e: {  	s0 =	stileid.u32;
	[bflag:$0x2] =	sbarrier.arrive $0xFFFF  }
0x20f: {  	p0 =	sne.s32 s0, $0x0;
	s0 =	rddreg [dreg:$0x3]  }
0x210: {  	s0 =	sadd.s32 @!p0 $0x100000, s0  }
0x211: {  	[sflag:s0] =	ssyncadd.tile.s32 @!p0 $0x1;
	_ =	shalt  }
.Lfunc_end2:
_tile_overlayer_lowered:
.L_overlay_start_2:
0x212: {  	(tag) =	ssettag $0x2  }
0x213: {  	s0 =	rddreg [dreg:$0x0];
	s2 =	stileid.u32  }
0x214: {  	s1 =	rddreg [dreg:$0x1];
	p0 =	sne.s32 s2, $0x0  }
0x215: {  	s3 =	rddreg [dreg:$0x2];
	[bflag:$0x3] =	sbarrier.arrive $0xFFFF;
	s2 =	simm.s32 @!p0 $0x1C02  }
0x216: {  	[timem:s3], [sflag:s2] =	dma.local @!p0 [hbm:s0], s1  }
0x217: {  	s0 =	simm.s32 @!p0 $0x2  }
0x218: {  	_ =	swait.ge @!p0 [sflag:s0], s1  }
0x219: {  	s1 =	ssub.s32 @!p0 $0x0, s1;
	[sflag:s0] =	ssyncset.done @!p0 $0x0  }
0x21a: {  	[sflag:s0] =	ssyncadd.s32 @!p0 s1  }
0x21b: {  	[bflag:$0x3] =	sbarrier.arrive $0xFFFF  }
0x21c: {  	_ =	shalt  }

// kernel: kernel.7.cloned.1.call-start
scs
__scs_entry_jumppad:
0x0: {  	(pc) =	sbr.rel $0x88, $3  }
0x1: {  	(tag) =	ssettag $0x0;
	lr =	simm.s32 $0x1  }
0x2: {  	[smem:$0x3F98] =	sst lr;
	_ =	strace $0xD0000000  }
0x3: {  	_ = 	snop  }
0x4: {  	_ = 	snop  }
0x5: {  	_ = 	snop  }
0x6: {  	_ = 	snop  }
0x7: {  	_ = 	snop  }
__scs_overlays_trampoline_lowered:
0x8: {  	[smem:$0x3FA7] =	sst s0  }
0x9: {  	[smem:$0x3FA8] =	sst s1  }
0xa: {  	[smem:$0x3FA9] =	sst s2  }
0xb: {  	[smem:$0x3FAA] =	sst s3  }
0xc: {  	[smem:$0x3FAB] =	sst s4  }
0xd: {  	[smem:$0x3FAC] =	sst s5  }
0xe: {  	[smem:$0x3FAD] =	sst s6  }
0xf: {  	[smem:$0x3FAE] =	sst s7  }
0x10: {  	[smem:$0x3FAF] =	sst s8  }
0x11: {  	[smem:$0x3FB0] =	sst s9;
	s0 =	simm.s32 @!p0 $0x0  }
0x12: {  	s1 =	sld [smem:$0x3F96];
	s0 =	simm.s32 @p0 $0x1  }
0x13: {  	[smem:$0x3FB1] =	sst s0;
	s0 =	simm.s32 @!p1 $0x0  }
0x14: {  	s2 =	sld [smem:$0x3F95];
	s0 =	simm.s32 @p1 $0x1  }
0x15: {  	[smem:$0x3FB2] =	sst s0;
	s0 =	simm.s32 @!p2 $0x0  }
0x16: {  	s3 =	sld [smem:$0x3FDB];
	s0 =	simm.s32 @p2 $0x1  }
0x17: {  	s4 =	simm.s32 $0x1BF5;
	[smem:$0x3FB4] =	sst s0  }
0x18: {  	s0 =	sld [smem:$0x3F97];
	_ =	swait.ge [sflag:s4], $0x0  }
0x19: {  	s7 =	sld [smem:$0x3F98]  }
0x1a: {  	s8 =	sadd.s32 $0xFFFFE003, lr  }
0x1b: {  	s9 =	sadd.s32 $0xFFFFFEF7, lr;
	s5 =	simm.s32 $0xFFFFFFFF;
	p2 =	slt.u32 s8, $0xFFFFF086  }
0x1c: {  	p1 =	slt.u32 s9, $0xF7A;
	s5 =	simm.s32 @!p2 $0x0  }
0x1d: {  	s5 =	simm.s32 @p1 $0x1;
	p0 =	seq.s32 s7, s2  }
0x1e: {  	s7 =	smul.u32 @!p0 $0xF7A, s2;
	p2 =	seq.s32 @!p0 s5, $0x0  }
0x1f: {  	s9 =	smul.u32 $0xF7A, s1;
	s8 =	simm.s32 @!p0 $0x1BF5;
	p2 =	por !p2, p0  }
0x20: {  	[sflag:s8] =	ssyncset.s32 @!p0 $0xFFFFF086;
	s6 =	sadd.s32 @!p0 s3, s7;
	s7 =	simm.s32 @!p0 $0x108  }
0x21: {  	s3 =	sadd.s32 s3, s9;
	s6 =	sadd.s32 @!p0 $0x88, s6;
	s7 =	simm.s32 @p2 $0x1082  }
0x22: {  	[simem:s7], [sflag:s8] =	dma.local @!p0 [hbm:s6], $0xF7A  }
0x23: {  	s9 =	sor.u32 $0xD0000000, s2;
	s6 =	simm.s32 $0x108;
	_ =	swait.ge @!p0 [sflag:s8], $0x0  }
0x24: {  	s3 =	sadd.s32 $0x88, s3;
	s6 =	simm.s32 @!p1 $0x1082;
	[sflag:s4] =	ssyncset.s32 $0xFFFFF086  }
0x25: {  	[simem:s6], [sflag:s4] =	dma.local [hbm:s3], $0xF7A  }
0x26: {  	[smem:$0x3F98] =	sst s1;
	(tag) =	ssettag s2;
	_ =	strace s9  }
0x27: {  	s1 =	sld [smem:$0x3FA8]  }
0x28: {  	s2 =	sld [smem:$0x3FA9]  }
0x29: {  	s4 =	sld [smem:$0x3FAB]  }
0x2a: {  	p0 =	seq.s32 s5, $0x0;
	s5 =	sld [smem:$0x3FAC]  }
0x2b: {  	s6 =	sld [smem:$0x3FAD]  }
0x2c: {  	s7 =	sld [smem:$0x3FAE]  }
0x2d: {  	s3 =	simm.s32 $0x108;
	s8 =	sld [smem:$0x3FAF]  }
0x2e: {  	s3 =	simm.s32 @!p0 $0x1082;
	s9 =	sld [smem:$0x3FB0]  }
0x2f: {  	lr =	sadd.s32 s0, s3;
	s0 =	sld [smem:$0x3FA7]  }
0x30: {  	s3 =	sld [smem:$0x3FAA]  }
0x31: {  	[smem:$0x3FB3] =	sst s10  }
0x32: {  	s10 =	sld [smem:$0x3FB1];
	_ =	sdelay $0x3  }
0x33: {  	p0 =	seq.s32 s10, $0x1;
	s10 =	sld [smem:$0x3FB3];
	_ =	sdelay $0x3  }
0x34: {  	[smem:$0x3FB3] =	sst s10  }
0x35: {  	s10 =	sld [smem:$0x3FB2];
	_ =	sdelay $0x3  }
0x36: {  	p1 =	seq.s32 s10, $0x1;
	s10 =	sld [smem:$0x3FB3];
	_ =	sdelay $0x3  }
0x37: {  	[smem:$0x3FB3] =	sst s10  }
0x38: {  	s10 =	sld [smem:$0x3FB4]  }
0x39: {  	_ = 	snop;
	(pc) =	sbr.ind lr, $3  }
0x3a: {  	_ = 	snop  }
0x3b: {  	_ = 	snop  }
0x3c: {  	p2 =	seq.s32 s10, $0x1;
	s10 =	sld [smem:$0x3FB3]  }
0x3d: {  	_ =	shalt  }
0x3e: {  	_ =	shalt  }
0x3f: {  	_ =	shalt  }
0x40: {  	_ =	shalt  }
0x41: {  	_ =	shalt  }
0x42: {  	_ =	shalt  }
0x43: {  	_ =	shalt  }
0x44: {  	_ =	shalt  }
0x45: {  	_ =	shalt  }
0x46: {  	_ =	shalt  }
0x47: {  	_ =	shalt  }
0x48: {  	_ =	shalt  }
0x49: {  	_ =	shalt  }
0x4a: {  	_ =	shalt  }
0x4b: {  	_ =	shalt  }
0x4c: {  	_ =	shalt  }
0x4d: {  	_ =	shalt  }
0x4e: {  	_ =	shalt  }
0x4f: {  	_ =	shalt  }
0x50: {  	_ =	shalt  }
0x51: {  	_ =	shalt  }
0x52: {  	_ =	shalt  }
0x53: {  	_ =	shalt  }
0x54: {  	_ =	shalt  }
0x55: {  	_ =	shalt  }
0x56: {  	_ =	shalt  }
0x57: {  	_ =	shalt  }
0x58: {  	_ =	shalt  }
0x59: {  	_ =	shalt  }
0x5a: {  	_ =	shalt  }
0x5b: {  	_ =	shalt  }
0x5c: {  	_ =	shalt  }
0x5d: {  	_ =	shalt  }
0x5e: {  	_ =	shalt  }
0x5f: {  	_ =	shalt  }
0x60: {  	_ =	shalt  }
0x61: {  	_ =	shalt  }
0x62: {  	_ =	shalt  }
0x63: {  	_ =	shalt  }
0x64: {  	_ =	shalt  }
0x65: {  	_ =	shalt  }
0x66: {  	_ =	shalt  }
0x67: {  	_ =	shalt  }
0x68: {  	_ =	shalt  }
0x69: {  	_ =	shalt  }
0x6a: {  	_ =	shalt  }
0x6b: {  	_ =	shalt  }
0x6c: {  	_ =	shalt  }
0x6d: {  	_ =	shalt  }
0x6e: {  	_ =	shalt  }
0x6f: {  	_ =	shalt  }
0x70: {  	_ =	shalt  }
0x71: {  	_ =	shalt  }
0x72: {  	_ =	shalt  }
0x73: {  	_ =	shalt  }
0x74: {  	_ =	shalt  }
0x75: {  	_ =	shalt  }
0x76: {  	_ =	shalt  }
0x77: {  	_ =	shalt  }
0x78: {  	_ =	shalt  }
0x79: {  	_ =	shalt  }
0x7a: {  	_ =	shalt  }
0x7b: {  	_ =	shalt  }
0x7c: {  	_ =	shalt  }
0x7d: {  	_ =	shalt  }
0x7e: {  	_ =	shalt  }
0x7f: {  	_ =	shalt  }
0x80: {  	_ =	shalt  }
0x81: {  	_ =	shalt  }
0x82: {  	_ =	shalt  }
0x83: {  	_ =	shalt  }
0x84: {  	_ =	shalt  }
0x85: {  	_ =	shalt  }
0x86: {  	_ =	shalt  }
0x87: {  	_ =	shalt  }
.Lfunc_end0:
.L_simem_size_0:
called_computation_lowered:
.L_overlay_start_0:
0x88: {  	s2 =	sld [smem:$0x3FD9]  }
0x89: {  	s3 =	sld [smem:$0x3FFE];
	_ =	sdelay $0x1  }
0x8a: {  	s1 =	srdreg.scid  }
0x8b: {  	s0 =	sand.u32 $0x1, s1  }
0x8c: {  	s16 =	sshll.u32 s0, $0xA;
	s2 =	sadd.s32 s3, s2  }
0x8d: {  	s2 =	sadd.s32 s2, s16  }
0x8e: {  	[smem:$0x3FBF] =	sst s2  }
0x8f: {  	_ = 	snop  }
0x90: {  	(tm) =	ssettm $0x1  }
0x91: {  	s17 =	sld [smem:$0x3FFB];
	_ =	sdelay $0x3  }
0x92: {  	_ =	strace s17  }
0x93: {  	s2 =	sld [smem:$0x3FFC];
	_ =	sdelay $0x3  }
0x94: {  	_ =	strace s2  }
0x95: {  	s2 =	sld [smem:$0x3FFD];
	_ =	sdelay $0x3  }
0x96: {  	_ =	strace s2  }
0x97: {  	_ =	strace $0x8FFFFFFF  }
0x98: {  	s18 =	sld [smem:$0x3FDB];
	_ =	sdelay $0x1  }
0x99: {  	s19 =	simm.s32 $_scs_section_size  }
0x9a: {  	s4 =	simm.s32 $_size__tile_overlayer_lowered;
	s5 =	simm.s32 $_tile_overlayer_lowered  }
0x9b: {  	s22 =	simm.s32 $0x1BFF;
	s21 =	sshll.u32 s5, $0x1;
	s2 =	sadd.s32 s19, s18  }
0x9c: {  	s6 =	simm.s32 $0x0;
	s20 =	sshll.u32 s4, $0x1;
	s4 =	sadd.s32 s21, s2  }
0x9d: {  	[timem:s6], [sflag:s22] =	dma.local [hbm:s4], s20  }
0x9e: {  	_ =	swait.ge [sflag:s22], s20  }
0x9f: {  	s3 =	ssub.s32 $0x0, s20;
	[sflag:s22] =	ssyncset.done $0x0  }
0xa0: {  	[sflag:s22] =	ssyncadd.s32 s3;
	_ =	sdelay $0x1  }
0xa1: {  	s23 =	simm.s32 $0x1B8B  }
0xa2: {  	_ =	swait.ge [sflag:s23], $0x1  }
0xa3: {  	[sflag:s23] =	ssyncset.done $0x0  }
0xa4: {  	s25 =	simm.s32 $0x1B8E;
	s24 =	sld [smem:$0x3FFE];
	[sflag:s23] =	ssyncadd.s32 $0xFFFFFFFF  }
0xa5: {  	s26 =	simm.s32 $execute0_lowered;
	[smem:$0x3FD2] =	sst s25  }
0xa6: {  	s4 =	sshll.u32 s26, $0x1;
	_ =	strace $0x80000046;
	[dreg:$0x1] =	wrdreg $0xFFFFFFFF  }
0xa7: {  	s28 =	simm.s32 $_size_execute0_lowered;
	s2 =	sadd.s32 s2, s4;
	[dreg:$0x0] =	wrdreg $0x0  }
0xa8: {  	s4 =	sshll.u32 s28, $0x1;
	[dreg:$0x2] =	wrdreg s2  }
0xa9: {  	[dreg:$0x3] =	wrdreg s4  }
0xaa: {  	[dreg:$0x4] =	wrdreg $0xC0  }
0xab: {  	_ =	task [dreg:s6], $0x5FFFF  }
0xac: {  	[dreg:$0x1] =	wrdreg $0xFFFFFFFF  }
0xad: {  	[dreg:$0x0] =	wrdreg $0x60  }
0xae: {  	[dreg:$0x2] =	wrdreg s24  }
0xaf: {  	[dreg:$0x3] =	wrdreg $0xAC000  }
0xb0: {  	[dreg:$0x4] =	wrdreg $0x9  }
0xb1: {  	_ =	task.clear_ibuf [dreg:s6], $0x5FFFF;
	_ =	strace $0x90000046  }
0xb2: {  	s29 =	simm.s32 $0x9;
	_ =	strace $0x80000048  }
0xb3: {  	_ =	swait.ge [sflag:s29], $0x1  }
0xb4: {  	[sflag:s29] =	ssyncadd.s32 $0xFFFFFFFF  }
0xb5: {  	_ =	strace $0x90000048  }
0xb6: {  	_ =	sfence  }
0xb7: {  	s30 =	sld [smem:$0x0];
	_ =	sdelay $0x2  }
0xb8: {  	s31 =	sshll.u32 s1, $0xD;
	s1 =	sshrl.u32 s1, $0x2  }
0xb9: {  	s3 =	sand.u32 $0x4000, s31;
	s1 =	sadd.s32 s1, s30  }
0xba: {  	s0 =	sor.u32 s3, s0;
	s1 =	sshll.u32 s1, $0x11  }
0xbb: {  	s0 =	sor.u32 s1, s0  }
0xbc: {  	s0 =	sadd.s32 $0x8F2B, s0  }
0xbd: {  	[sflag:s0] =	ssyncadd.remote.s32 $0x1  }
0xbe: {  	_ =	sfence.sel $0xFFFF  }
0xbf: {  	[dreg:$0x0] =	wrdreg $0xFFFFFFFF;
	(pc) =	sbr.abs _section_cstart, $3  }
0xc0: {  	[dreg:$0x1] =	wrdreg $0xFFFFFFFF  }
0xc1: {  	_ =	task.clear_ibuf [dreg:s6], $0x2FFFF;
	_ =	strace $0x9FFFFFFF  }
0xc2: {  	(tm) =	ssettm $0x7FFFFFFF  }
0xc3: {  	_ =	shalt  }
tec
execute0_lowered:
.L_overlay_start_1:
0x0: {  	(tag) =	ssettag $0x1  }
0x1: {  	s5 =	rddreg [dreg:$0x0]  }
0x2: {  	s1 =	rddreg [dreg:$0x1]  }
0x3: {  	s0 =	rddreg [dreg:$0x2]  }
0x4: {  	s3 =	simm.s32 $0x0;
	s4 =	srdreg.scid;
	s2 =	stileid.u32  }
0x5: {  	s12 =	simm.s32 $0x50;
	s13 =	simm.s32 $0x80;
	s14 =	simm.s32 $0xB80  }
0x6: {  	s15 =	simm.s32 $0x100;
	s16 =	simm.s32 $0x0;
	[smem:$0x7FF] =	sst s3  }
0x7: {  	s6 =	sand.u32 $0x1, s4;
	s4 =	sadd.s32 $0x16400, s5;
	s8 =	smul.u32 $0x2800, s2  }
0x8: {  	s5 =	sadd.s32 $0x2A000, s5;
	s10 =	sshll.u32 s2, $0x1;
	s7 =	ssub.s32 $0x2, s6  }
0x9: {  	s11 =	smul.u32 $0x9C4, s2;
	_ =	strace $0x80000047;
	s9 =	sshrl.u32 s7, $0x1  }
0xa: {  	s10 =	sor.u32 s6, s10;
	s30 =	sshrl.u32 s8, $0x2;
	s31 =	ssub.s32 s7, s9  }
0xb: {  	s6 =	sadd.s32 s30, s1;
	s7 =	smul.u32 $0x2710, s10;
	s9 =	sadd.s32 s11, s4  }
0xc: {  	v0 =	vimm.f32 $1.000000000e+00;
	v1 =	vimm.f32 $0.0e+00;
	v2 =	vlaneseq.u32;
	s10 =	simm.s32 $0x180;
	s11 =	simm.s32 $0x1;
	s8 =	smax.u32 s31, $0x1  }
.LBB2_1:
0xd: {  	[tilespmem:$0x80] =	vst v0  }
0xe: {  	[tilespmem:$0x90] =	vst v0  }
0xf: {  	[tilespmem:$0xA0] =	vst v0  }
0x10: {  	[tilespmem:$0xB0] =	vst v0  }
0x11: {  	[tilespmem:$0xC0] =	vst v0;
	s17 =	simm.s32 $0x40;
	s18 =	simm.s32 $0x0  }
.LBB2_2:
0x12: {  	p0 =	sne.s32 s17, $0x27C0;
	[tilespmem:s18+$0x180] =	vst v1;
	s18 =	smov.u32 s17;
	s17 =	sadd.s32 $0x40, s17  }
.Ltmp0:
0x13: {  	(pc) =	sbr.rel @p0 .LBB2_2-.Ltmp0, $2  }
0x14: {  	_ =	sdelay $0x2  }
0x15: {  	s18 =	sshra.s32 s18, $0x2  }
0x16: {  	[tilespmem:s18+$0x180] =	vst v1  }
0x17: {  	[spmem:s6] =	stream.linear.scatter [tilespmem:s10], [sflag:$0x1], $0xA00, $0x38;
	[tilespmem:$0xB600] =	vst v63  }
0x18: {  	_ =	swait.ge [sflag:s11], $0xA00  }
0x19: {  	[sflag:s11] =	ssyncset.done $0x0  }
0x1a: {  	[sflag:s11] =	ssyncadd.s32 $0xFFFFF600  }
0x1b: {  	s17 =	sadd.s32 $0x0, s9;
	[bflag:$0x0] =	sbarrier.arrive $0xFFFF  }
0x1c: {  	[tilespmem:s3], [sflag:$0x1] =	stream.linear.gather [hbm4b:s17+s3], $0x50, $0x38;
	[tilespmem:$0xB600] =	vst v63  }
0x1d: {  	_ =	swait.ge [sflag:s11], $0x50  }
0x1e: {  	[sflag:s11] =	ssyncset.done $0x0  }
0x1f: {  	[sflag:s11] =	ssyncadd.s32 $0xFFFFFFB0  }
0x20: {  	[spmem:s1] =	stream.indirect.scatter.add.f32 [tilespmem:s13], [sflag:$0x1], $0x1, s3, s12, $0xb8;
	[tilespmem:$0xB600] =	vst v63  }
0x21: {  	_ =	swait.ge [sflag:s11], $0x50  }
0x22: {  	s18 =	simm.s32 $0x14;
	s17 =	simm.s32 $0xA;
	[sflag:s11] =	ssyncset.done $0x0  }
.LBB2_4:
0x23: {  	s19 =	sadd.s32 s17, s9  }
0x24: {  	[sflag:s11] =	ssyncadd.s32 $0xFFFFFFB0;
	s17 =	smov.u32 s18;
	s20 =	sadd.s32 $0xA, s18  }
0x25: {  	[tilespmem:s3], [sflag:$0x1] =	stream.linear.gather [hbm4b:s19+s3], $0x50, $0x38;
	[tilespmem:$0xB600] =	vst v63  }
0x26: {  	p0 =	sne.s32 s18, $0x9BA;
	_ =	swait.ge [sflag:s11], $0x50  }
.Ltmp1:
0x27: {  	[sflag:s11] =	ssyncset.done $0x0;
	(pc) =	sbr.rel @p0 .LBB2_4-.Ltmp1, $4  }
0x28: {  	[sflag:s11] =	ssyncadd.s32 $0xFFFFFFB0  }
0x29: {  	[spmem:s1] =	stream.indirect.scatter.add.f32 [tilespmem:s13], [sflag:$0x1], $0x1, s3, s12, $0xb8;
	[tilespmem:$0xB600] =	vst v63  }
0x2a: {  	_ =	swait.ge [sflag:s11], $0x50  }
0x2b: {  	s18 =	smov.u32 s20;
	[sflag:s11] =	ssyncset.done $0x0  }
0x2c: {  	s17 =	sadd.s32 s17, s9;
	[sflag:s11] =	ssyncadd.s32 $0xFFFFFFB0  }
0x2d: {  	[tilespmem:s3], [sflag:$0x1] =	stream.linear.gather [hbm4b:s17+s3], $0x50, $0x38;
	[tilespmem:$0xB600] =	vst v63  }
0x2e: {  	_ =	swait.ge [sflag:s11], $0x50  }
0x2f: {  	[sflag:s11] =	ssyncset.done $0x0  }
0x30: {  	[sflag:s11] =	ssyncadd.s32 $0xFFFFFFB0  }
0x31: {  	[spmem:s1] =	stream.indirect.scatter.add.f32 [tilespmem:s13], [sflag:$0x1], $0x1, s3, s12, $0xb8;
	[tilespmem:$0xB600] =	vst v63  }
0x32: {  	_ =	swait.ge [sflag:s11], $0x50  }
0x33: {  	[sflag:s11] =	ssyncset.done $0x0  }
0x34: {  	[sflag:s11] =	ssyncadd.s32 $0xFFFFFFB0  }
0x35: {  	[bflag:$0x0] =	sbarrier.arrive $0xFFFF  }
0x36: {  	[tilespmem:s10], [sflag:$0x1] =	stream.linear.gather [spmem:s6], $0xA00, $0x38;
	[tilespmem:$0xB600] =	vst v63  }
0x37: {  	_ =	swait.ge [sflag:s11], $0xA00  }
0x38: {  	[sflag:s11] =	ssyncset.done $0x0  }
0x39: {  	s18 =	simm.s32 $0x40;
	s17 =	simm.s32 $0x0;
	[sflag:s11] =	ssyncadd.s32 $0xFFFFF600  }
.LBB2_6:
0x3a: {  	p0 =	sne.s32 s18, $0x27C0;
	v3 =	vld [tilespmem:s17+$0x180];
	_ =	sdelay $0x4  }
0x3b: {  	v3 =	vmax.f32 v3, $1.000000000e+00  }
0x3c: {  	(erf) = vrcp.f32 v3;
	_ =	sdelay $0x5  }
.Ltmp2:
0x3d: {  	(pc) =	sbr.rel @p0 .LBB2_6-.Ltmp2, $3  }
0x3e: {  	_ =	sdelay $0x1  }
0x3f: {  	v3 =	vpop (erf)  }
0x40: {  	[tilespmem:s17+$0x180] =	vst v3;
	s17 =	sshra.s32 s18, $0x2;
	s18 =	sadd.s32 $0x40, s18  }
0x41: {  	v3 =	vld [tilespmem:s17+$0x180];
	_ =	sdelay $0x4  }
0x42: {  	v3 =	vmax.f32 v3, $1.000000000e+00  }
0x43: {  	(erf) = vrcp.f32 v3;
	_ =	sdelay $0x8  }
0x44: {  	v3 =	vpop (erf)  }
0x45: {  	[tilespmem:s17+$0x180] =	vst v3  }
0x46: {  	[spmem:s6] =	stream.linear.scatter [tilespmem:s10], [sflag:$0x1], $0xA00, $0x38;
	[tilespmem:$0xB600] =	vst v63  }
0x47: {  	_ =	swait.ge [sflag:s11], $0xA00  }
0x48: {  	[sflag:s11] =	ssyncset.done $0x0  }
0x49: {  	[sflag:s11] =	ssyncadd.s32 $0xFFFFF600  }
0x4a: {  	[bflag:$0x0] =	sbarrier.arrive $0xFFFF  }
0x4b: {  	[tilespmem:s14], [sflag:$0x1] =	stream.linear.gather [spmem:s1], $0xA000, $0x38;
	[tilespmem:$0xB600] =	vst v63  }
0x4c: {  	_ =	swait.ge [sflag:s11], $0xA000  }
0x4d: {  	[sflag:s11] =	ssyncset.done $0x0  }
0x4e: {  	s18 =	simm.s32 $0x0;
	s17 =	simm.s32 $0x0;
	[sflag:s11] =	ssyncadd.s32 $0xFFFF6000  }
.LBB2_8:
0x4f: {  	s19 =	smul.u32 $0x50, s18;
	_ =	sdelay $0x1  }
0x50: {  	s19 =	sadd.s32 s7, s19  }
0x51: {  	s19 =	sshrl.u32 s19, $0x3  }
0x52: {  	s20 =	sadd.s32 s4, s19  }
0x53: {  	[tilespmem:s17], [sflag:$0x1] =	stream.linear.gather [hbm4b:s20+s17], $0x50, $0x38;
	[tilespmem:$0xB600] =	vst v63  }
0x54: {  	_ =	swait.ge [sflag:s11], $0x50  }
0x55: {  	[sflag:s11] =	ssyncset.done $0x0  }
0x56: {  	[sflag:s11] =	ssyncadd.s32 $0xFFFFFFB0  }
0x57: {  	v3 =	vld [tilespmem:s17+$0x0];
	_ =	sdelay $0x4  }
0x58: {  	(v2sf) =	vpush v3, $0x0;
	_ =	sdelay $0x5  }
0x59: {  	s21 =	simm.s32 $0x1  }
0x5a: {  	v3 =	vld [tilespmem:s21+$0x0]  }
0x5b: {  	s22 =	simm.s32 $0x2  }
0x5c: {  	s20 =	simm.s32 $0x3;
	v4 =	vld [tilespmem:s22+$0x0]  }
0x5d: {  	v5 =	vld [tilespmem:s20+$0x0];
	_ =	sdelay $0x1  }
0x5e: {  	(v2sf) =	vpush v3, $0x0;
	_ =	sdelay $0x1  }
0x5f: {  	(v2sf) =	vpush v4, $0x0  }
0x60: {  	s23 =	spop (v2sf);
	(v2sf) =	vpush v5, $0x0;
	_ =	sdelay $0x7  }
0x61: {  	v4 =	vld.msk [tilespmem:s23+$0xB80 ss:$0x0], $0xffff  }
0x62: {  	s24 =	simm.s32 $0x4;
	s25 =	simm.s32 $0x4;
	v3 =	vimm.f32 $0.0e+00;
	s23 =	simm.s32 $0x0  }
.LBB2_9:
0x63: {  	v5 =	vld [tilespmem:s25+$0x0];
	p0 =	sne.s32 s24, $0xF;
	s26 =	smov.u32 s24;
	s24 =	sadd.s32 $0x1, s24  }
.Ltmp3:
0x64: {  	v6 =	vmov s23;
	s23 =	smov.u32 s21;
	s21 =	smov.u32 s22;
	(pc) =	sbr.rel @p0 .LBB2_9-.Ltmp3, $3  }
0x65: {  	s22 =	smov.u32 s20;
	vm0 =	veq.s32 v6, v2;
	s20 =	smov.u32 s26;
	s28 =	spop (v2sf)  }
0x66: {  	v3 =	vsel vm0, v4, v3;
	v4 =	vld.msk [tilespmem:s28+$0xB80 ss:$0x0], $0xffff;
	_ =	sdelay $0x1  }
0x67: {  	s25 =	sadd.s32 $0x1, s25;
	(v2sf) =	vpush v5, $0x0  }
0x68: {  	_ =	sdelay $0xb  }
0x69: {  	s24 =	spop (v2sf)  }
0x6a: {  	v5 =	vld.msk [tilespmem:s24+$0xB80 ss:$0x0], $0xffff;
	s25 =	spop (v2sf)  }
0x6b: {  	v6 =	vld.msk [tilespmem:s25+$0xB80 ss:$0x0], $0xffff;
	s26 =	spop (v2sf)  }
0x6c: {  	v7 =	vmov s23;
	v8 =	vld.msk [tilespmem:s26+$0xB80 ss:$0x0], $0xffff  }
0x6d: {  	vm0 =	veq.s32 v7, v2;
	v7 =	vmov s21  }
0x6e: {  	v3 =	vsel vm0, v4, v3;
	vm13 =	veq.s32 v7, v2;
	v4 =	vmov s22  }
0x6f: {  	vm14 =	veq.s32 v4, v2;
	v4 =	vmov s20;
	v3 =	vsel vm13, v5, v3  }
0x70: {  	vm15 =	veq.s32 v4, v2;
	v3 =	vsel vm14, v6, v3  }
0x71: {  	v3 =	vsel vm15, v8, v3  }
0x72: {  	s28 =	simm.s32 $0x10;
	[tilespmem:$0x100] =	vst v3  }
0x73: {  	v3 =	vld [tilespmem:s28+$0x0];
	_ =	sdelay $0x4  }
0x74: {  	(v2sf) =	vpush v3, $0x0;
	_ =	sdelay $0x5  }
0x75: {  	s29 =	simm.s32 $0x11  }
0x76: {  	v3 =	vld [tilespmem:s29+$0x0]  }
0x77: {  	s30 =	simm.s32 $0x12  }
0x78: {  	s31 =	simm.s32 $0x13;
	v4 =	vld [tilespmem:s30+$0x0]  }
0x79: {  	v5 =	vld [tilespmem:s31+$0x0];
	_ =	sdelay $0x1  }
0x7a: {  	(v2sf) =	vpush v3, $0x0;
	_ =	sdelay $0x1  }
0x7b: {  	(v2sf) =	vpush v4, $0x0  }
0x7c: {  	s25 =	spop (v2sf);
	(v2sf) =	vpush v5, $0x0;
	_ =	sdelay $0x7  }
0x7d: {  	s23 =	simm.s32 $0x2;
	s21 =	simm.s32 $0x1;
	s24 =	simm.s32 $0x4;
	v4 =	vld.msk [tilespmem:s25+$0xB80 ss:$0x0], $0xffff  }
0x7e: {  	s22 =	simm.s32 $0x0;
	s20 =	simm.s32 $0x3;
	v3 =	vimm.f32 $0.0e+00;
	s25 =	simm.s32 $0x14  }
.LBB2_11:
0x7f: {  	v5 =	vld [tilespmem:s25+$0x0];
	p0 =	sne.s32 s24, $0xF;
	s26 =	smov.u32 s24;
	s24 =	sadd.s32 $0x1, s24  }
.Ltmp4:
0x80: {  	v6 =	vmov s22;
	s22 =	smov.u32 s21;
	s21 =	smov.u32 s23;
	(pc) =	sbr.rel @p0 .LBB2_11-.Ltmp4, $3  }
0x81: {  	s23 =	smov.u32 s20;
	vm0 =	veq.s32 v6, v2;
	s20 =	smov.u32 s26;
	s28 =	spop (v2sf)  }
0x82: {  	v3 =	vsel vm0, v4, v3;
	v4 =	vld.msk [tilespmem:s28+$0xB80 ss:$0x0], $0xffff;
	_ =	sdelay $0x1  }
0x83: {  	s25 =	sadd.s32 $0x1, s25;
	(v2sf) =	vpush v5, $0x0  }
0x84: {  	_ =	sdelay $0xb  }
0x85: {  	s24 =	spop (v2sf)  }
0x86: {  	v5 =	vld.msk [tilespmem:s24+$0xB80 ss:$0x0], $0xffff;
	s25 =	spop (v2sf)  }
0x87: {  	v6 =	vld.msk [tilespmem:s25+$0xB80 ss:$0x0], $0xffff;
	s26 =	spop (v2sf)  }
0x88: {  	v7 =	vmov s22;
	v8 =	vld.msk [tilespmem:s26+$0xB80 ss:$0x0], $0xffff  }
0x89: {  	vm0 =	veq.s32 v7, v2;
	v7 =	vmov s21  }
0x8a: {  	v3 =	vsel vm0, v4, v3;
	vm13 =	veq.s32 v7, v2;
	v4 =	vmov s23  }
0x8b: {  	vm14 =	veq.s32 v4, v2;
	v4 =	vmov s20;
	v3 =	vsel vm13, v5, v3  }
0x8c: {  	vm15 =	veq.s32 v4, v2;
	v3 =	vsel vm14, v6, v3  }
0x8d: {  	v3 =	vsel vm15, v8, v3  }
0x8e: {  	s28 =	simm.s32 $0x20;
	[tilespmem:$0x110] =	vst v3  }
0x8f: {  	v3 =	vld [tilespmem:s28+$0x0];
	_ =	sdelay $0x4  }
0x90: {  	(v2sf) =	vpush v3, $0x0;
	_ =	sdelay $0x5  }
0x91: {  	s29 =	simm.s32 $0x21  }
0x92: {  	v3 =	vld [tilespmem:s29+$0x0]  }
0x93: {  	s30 =	simm.s32 $0x22  }
0x94: {  	s31 =	simm.s32 $0x23;
	v4 =	vld [tilespmem:s30+$0x0]  }
0x95: {  	v5 =	vld [tilespmem:s31+$0x0];
	_ =	sdelay $0x1  }
0x96: {  	(v2sf) =	vpush v3, $0x0;
	_ =	sdelay $0x1  }
0x97: {  	(v2sf) =	vpush v4, $0x0  }
0x98: {  	s25 =	spop (v2sf);
	(v2sf) =	vpush v5, $0x0;
	_ =	sdelay $0x7  }
0x99: {  	s22 =	simm.s32 $0x0;
	s21 =	simm.s32 $0x1;
	s24 =	simm.s32 $0x4;
	v4 =	vld.msk [tilespmem:s25+$0xB80 ss:$0x0], $0xffff  }
0x9a: {  	s23 =	simm.s32 $0x2;
	s20 =	simm.s32 $0x3;
	v3 =	vimm.f32 $0.0e+00;
	s25 =	simm.s32 $0x24  }
.LBB2_13:
0x9b: {  	v5 =	vld [tilespmem:s25+$0x0];
	p0 =	sne.s32 s24, $0xF;
	s26 =	smov.u32 s24;
	s24 =	sadd.s32 $0x1, s24  }
.Ltmp5:
0x9c: {  	v6 =	vmov s22;
	s22 =	smov.u32 s21;
	s21 =	smov.u32 s23;
	(pc) =	sbr.rel @p0 .LBB2_13-.Ltmp5, $3  }
0x9d: {  	s23 =	smov.u32 s20;
	vm0 =	veq.s32 v6, v2;
	s20 =	smov.u32 s26;
	s28 =	spop (v2sf)  }
0x9e: {  	v3 =	vsel vm0, v4, v3;
	v4 =	vld.msk [tilespmem:s28+$0xB80 ss:$0x0], $0xffff;
	_ =	sdelay $0x1  }
0x9f: {  	s25 =	sadd.s32 $0x1, s25;
	(v2sf) =	vpush v5, $0x0  }
0xa0: {  	_ =	sdelay $0xb  }
0xa1: {  	s24 =	spop (v2sf)  }
0xa2: {  	v5 =	vld.msk [tilespmem:s24+$0xB80 ss:$0x0], $0xffff;
	s25 =	spop (v2sf)  }
0xa3: {  	v6 =	vld.msk [tilespmem:s25+$0xB80 ss:$0x0], $0xffff;
	s26 =	spop (v2sf)  }
0xa4: {  	v7 =	vmov s22;
	v8 =	vld.msk [tilespmem:s26+$0xB80 ss:$0x0], $0xffff  }
0xa5: {  	vm0 =	veq.s32 v7, v2;
	v7 =	vmov s21  }
0xa6: {  	v3 =	vsel vm0, v4, v3;
	vm13 =	veq.s32 v7, v2;
	v4 =	vmov s23  }
0xa7: {  	vm14 =	veq.s32 v4, v2;
	v4 =	vmov s20;
	v3 =	vsel vm13, v5, v3  }
0xa8: {  	vm15 =	veq.s32 v4, v2;
	v3 =	vsel vm14, v6, v3  }
0xa9: {  	v3 =	vsel vm15, v8, v3  }
0xaa: {  	s28 =	simm.s32 $0x30;
	[tilespmem:$0x120] =	vst v3  }
0xab: {  	v3 =	vld [tilespmem:s28+$0x0];
	_ =	sdelay $0x4  }
0xac: {  	(v2sf) =	vpush v3, $0x0;
	_ =	sdelay $0x5  }
0xad: {  	s29 =	simm.s32 $0x31  }
0xae: {  	v3 =	vld [tilespmem:s29+$0x0]  }
0xaf: {  	s30 =	simm.s32 $0x32  }
0xb0: {  	s31 =	simm.s32 $0x33;
	v4 =	vld [tilespmem:s30+$0x0]  }
0xb1: {  	v5 =	vld [tilespmem:s31+$0x0];
	_ =	sdelay $0x1  }
0xb2: {  	(v2sf) =	vpush v3, $0x0;
	_ =	sdelay $0x1  }
0xb3: {  	(v2sf) =	vpush v4, $0x0  }
0xb4: {  	s25 =	spop (v2sf);
	(v2sf) =	vpush v5, $0x0;
	_ =	sdelay $0x7  }
0xb5: {  	s22 =	simm.s32 $0x0;
	s21 =	simm.s32 $0x1;
	s24 =	simm.s32 $0x4;
	v4 =	vld.msk [tilespmem:s25+$0xB80 ss:$0x0], $0xffff  }
0xb6: {  	s23 =	simm.s32 $0x2;
	s20 =	simm.s32 $0x3;
	v3 =	vimm.f32 $0.0e+00;
	s25 =	simm.s32 $0x34  }
.LBB2_15:
0xb7: {  	v5 =	vld [tilespmem:s25+$0x0];
	p0 =	sne.s32 s24, $0xF;
	s26 =	smov.u32 s24;
	s24 =	sadd.s32 $0x1, s24  }
.Ltmp6:
0xb8: {  	v6 =	vmov s22;
	s22 =	smov.u32 s21;
	s21 =	smov.u32 s23;
	(pc) =	sbr.rel @p0 .LBB2_15-.Ltmp6, $3  }
0xb9: {  	s23 =	smov.u32 s20;
	vm0 =	veq.s32 v6, v2;
	s20 =	smov.u32 s26;
	s28 =	spop (v2sf)  }
0xba: {  	v3 =	vsel vm0, v4, v3;
	v4 =	vld.msk [tilespmem:s28+$0xB80 ss:$0x0], $0xffff;
	_ =	sdelay $0x1  }
0xbb: {  	s25 =	sadd.s32 $0x1, s25;
	(v2sf) =	vpush v5, $0x0  }
0xbc: {  	_ =	sdelay $0xb  }
0xbd: {  	s24 =	spop (v2sf)  }
0xbe: {  	v5 =	vld.msk [tilespmem:s24+$0xB80 ss:$0x0], $0xffff;
	s25 =	spop (v2sf)  }
0xbf: {  	v6 =	vld.msk [tilespmem:s25+$0xB80 ss:$0x0], $0xffff;
	s26 =	spop (v2sf)  }
0xc0: {  	v7 =	vmov s22;
	v8 =	vld.msk [tilespmem:s26+$0xB80 ss:$0x0], $0xffff  }
0xc1: {  	vm0 =	veq.s32 v7, v2;
	v7 =	vmov s21  }
0xc2: {  	v3 =	vsel vm0, v4, v3;
	vm13 =	veq.s32 v7, v2;
	v4 =	vmov s23  }
0xc3: {  	vm14 =	veq.s32 v4, v2;
	v4 =	vmov s20;
	v3 =	vsel vm13, v5, v3  }
0xc4: {  	vm15 =	veq.s32 v4, v2;
	v3 =	vsel vm14, v6, v3  }
0xc5: {  	v3 =	vsel vm15, v8, v3  }
0xc6: {  	s28 =	simm.s32 $0x40;
	[tilespmem:$0x130] =	vst v3  }
0xc7: {  	v3 =	vld [tilespmem:s28+$0x0];
	_ =	sdelay $0x4  }
0xc8: {  	(v2sf) =	vpush v3, $0x0;
	_ =	sdelay $0x5  }
0xc9: {  	s29 =	simm.s32 $0x41  }
0xca: {  	v3 =	vld [tilespmem:s29+$0x0]  }
0xcb: {  	s30 =	simm.s32 $0x42  }
0xcc: {  	s31 =	simm.s32 $0x43;
	v4 =	vld [tilespmem:s30+$0x0]  }
0xcd: {  	v5 =	vld [tilespmem:s31+$0x0];
	_ =	sdelay $0x1  }
0xce: {  	(v2sf) =	vpush v3, $0x0;
	_ =	sdelay $0x1  }
0xcf: {  	(v2sf) =	vpush v4, $0x0  }
0xd0: {  	s25 =	spop (v2sf);
	(v2sf) =	vpush v5, $0x0;
	_ =	sdelay $0x7  }
0xd1: {  	s22 =	simm.s32 $0x0;
	s21 =	simm.s32 $0x1;
	s24 =	simm.s32 $0x4;
	v4 =	vld.msk [tilespmem:s25+$0xB80 ss:$0x0], $0xffff  }
0xd2: {  	s23 =	simm.s32 $0x2;
	s20 =	simm.s32 $0x3;
	v3 =	vimm.f32 $0.0e+00;
	s25 =	simm.s32 $0x44  }
.LBB2_17:
0xd3: {  	v5 =	vld [tilespmem:s25+$0x0];
	p0 =	sne.s32 s24, $0xF;
	s26 =	smov.u32 s24;
	s24 =	sadd.s32 $0x1, s24  }
.Ltmp7:
0xd4: {  	v6 =	vmov s22;
	s22 =	smov.u32 s21;
	s21 =	smov.u32 s23;
	(pc) =	sbr.rel @p0 .LBB2_17-.Ltmp7, $3  }
0xd5: {  	s23 =	smov.u32 s20;
	vm0 =	veq.s32 v6, v2;
	s20 =	smov.u32 s26;
	s28 =	spop (v2sf)  }
0xd6: {  	v3 =	vsel vm0, v4, v3;
	v4 =	vld.msk [tilespmem:s28+$0xB80 ss:$0x0], $0xffff;
	_ =	sdelay $0x1  }
0xd7: {  	s25 =	sadd.s32 $0x1, s25;
	(v2sf) =	vpush v5, $0x0  }
0xd8: {  	_ =	sdelay $0xb  }
0xd9: {  	s24 =	spop (v2sf)  }
0xda: {  	v5 =	vld.msk [tilespmem:s24+$0xB80 ss:$0x0], $0xffff;
	s30 =	spop (v2sf)  }
0xdb: {  	v6 =	vld.msk [tilespmem:s30+$0xB80 ss:$0x0], $0xffff;
	s31 =	spop (v2sf)  }
0xdc: {  	v7 =	vmov s22;
	v8 =	vld.msk [tilespmem:s31+$0xB80 ss:$0x0], $0xffff  }
0xdd: {  	v61 =	vmov s21;
	vm0 =	veq.s32 v7, v2  }
0xde: {  	v62 =	vmov s23;
	vm13 =	veq.s32 v61, v2;
	v3 =	vsel vm0, v4, v3  }
0xdf: {  	v63 =	vmov s20;
	vm14 =	veq.s32 v62, v2;
	v3 =	vsel vm13, v5, v3  }
0xe0: {  	s18 =	sadd.s32 $0x1, s18;
	vm15 =	veq.s32 v63, v2;
	v3 =	vsel vm14, v6, v3  }
0xe1: {  	p0 =	sne.s32 s18, $0x7D;
	v3 =	vsel vm15, v8, v3  }
.Ltmp8:
0xe2: {  	s19 =	sadd.s32 s5, s19;
	[tilespmem:$0x140] =	vst v3;
	(pc) =	sbr.rel @p0 .LBB2_8-.Ltmp8, $4  }
0xe3: {  	[hbm4b:s19+s3] =	stream.linear.scatter [tilespmem:s15], [sflag:$0x1], $0x50, $0x38;
	[tilespmem:$0xB600] =	vst v63  }
0xe4: {  	_ =	swait.ge [sflag:s11], $0x50  }
0xe5: {  	[sflag:s11] =	ssyncset.done $0x0  }
0xe6: {  	[sflag:s11] =	ssyncadd.s32 $0xFFFFFFB0  }
0xe7: {  	s16 =	sadd.s32 $0x1, s16  }
0xe8: {  	p0 =	sne.s32 s16, s8  }
.Ltmp9:
0xe9: {  	_ = 	snop;
	(pc) =	sbr.rel @p0 .LBB2_1-.Ltmp9, $1  }
0xea: {  	_ =	sdelay $0x3  }
0xeb: {  	_ =	sfence.sel $0x180000  }
0xec: {  	[bflag:$0x0] =	sbarrier.arrive $0xFFFF  }
0xed: {  	p0 =	sne.s32 s2, $0x0;
	_ =	strace $0x90000047  }
0xee: {  	s0 =	sadd.s32 @!p0 $0x100000, s0;
	[bflag:$0x2] =	sbarrier.arrive $0xFFFF  }
0xef: {  	[sflag:s0] =	ssyncadd.tile.s32 @!p0 $0x1;
	_ =	shalt  }
.Lfunc_end2:
_tile_overlayer_lowered:
.L_overlay_start_2:
0xf0: {  	(tag) =	ssettag $0x2  }
0xf1: {  	s0 =	rddreg [dreg:$0x0];
	s2 =	stileid.u32  }
0xf2: {  	s1 =	rddreg [dreg:$0x1];
	p0 =	sne.s32 s2, $0x0  }
0xf3: {  	s3 =	rddreg [dreg:$0x2];
	[bflag:$0x3] =	sbarrier.arrive $0xFFFF;
	s2 =	simm.s32 @!p0 $0x1C01  }
0xf4: {  	[timem:s3], [sflag:s2] =	dma.local @!p0 [hbm:s0], s1  }
0xf5: {  	s0 =	simm.s32 @!p0 $0x1  }
0xf6: {  	_ =	swait.ge @!p0 [sflag:s0], s1  }
0xf7: {  	s1 =	ssub.s32 @!p0 $0x0, s1;
	[sflag:s0] =	ssyncset.done @!p0 $0x0  }
0xf8: {  	[sflag:s0] =	ssyncadd.s32 @!p0 s1  }
0xf9: {  	[bflag:$0x3] =	sbarrier.arrive $0xFFFF  }
0xfa: {  	_ =	shalt  }

</sc_bundles>
